<compile_context>
chip_gen: v7x
topology: tpu7x:2x2x1
jax: 0.10.2.dev20260603
libtpu: 0.0.44.dev20260713+nightly
codegen_flags: <defaults>
</compile_context>

<pallas_src>
import functools

import jax
import jax.numpy as jnp
from jax import lax
from jax.experimental import pallas as pl
from jax.experimental.pallas import tpu as pltpu
from jax.experimental.pallas import tpu_sc as plsc

N = 10000
NP = 10240
DUMP = 10200
E1 = 320000
E2 = 640000
DI, DH, DO = 128, 128, 64

NC, NS, L = 2, 16, 16
NW = NC * NS
CH1 = 128
CHUNK = 128
C1 = (E1 + NW * CH1 - 1) // (NW * CH1)
C2 = (E2 + NW * CHUNK - 1) // (NW * CHUNK)
TOT_CH2 = NW * C2
E1P = NW * CH1 * C1
E2P = TOT_CH2 * CHUNK
ROWS_PER_TILE = NP // NS

_mesh = plsc.VectorSubcoreMesh(core_axis_name="c", subcore_axis_name="s")


def _worker_id():
    return lax.axis_index("c") * NS + lax.axis_index("s")



def _deg_body(dst_hbm, out_hbm, idx_v, ones_v, accum_sh):
    cid = lax.axis_index("c")
    sid = lax.axis_index("s")
    wid = _worker_id()
    pltpu.sync_copy(dst_hbm.at[wid], idx_v)

    def _zero(i, _):
        ones_v[i] = jnp.zeros((L,), jnp.float32)
        return 0
    lax.fori_loop(0, CH1, _zero, 0)
    base = sid * ROWS_PER_TILE
    for k in range(ROWS_PER_TILE // CH1):
        pltpu.sync_copy(ones_v, accum_sh.at[pl.ds(base + k * CH1, CH1)])
    plsc.subcore_barrier()

    def _one(i, _):
        ones_v[i] = jnp.ones((L,), jnp.float32)
        return 0
    lax.fori_loop(0, CH1, _one, 0)

    def _chunk(j, _):
        pltpu.sync_copy(ones_v, accum_sh.at[idx_v.at[j]], add=True)
        return 0
    lax.fori_loop(0, C1, _chunk, 0)
    plsc.subcore_barrier()
    pltpu.sync_copy(accum_sh.at[pl.ds(base, ROWS_PER_TILE)],
                    out_hbm.at[cid, pl.ds(base, ROWS_PER_TILE)])


_deg_kernel = pl.kernel(
    _deg_body,
    out_type=jax.ShapeDtypeStruct((NC, NP, L), jnp.float32),
    mesh=_mesh,
    scratch_types=[
        pltpu.VMEM((C1, CH1), jnp.int32),
        pltpu.VMEM((CH1, L), jnp.float32),
        pltpu.VMEM_SHARED((NP, L), jnp.float32),
    ],
)



def _agg_body(src_hbm, dst_hbm, feat_hbm, out_hbm,
              sidx_v, didx_v, rows_a, accum_sh, sem_a, *, d):
    rows_b = rows_a
    cid = lax.axis_index("c")
    sid = lax.axis_index("s")
    wid = _worker_id()
    pltpu.sync_copy(src_hbm.at[wid], sidx_v)
    pltpu.sync_copy(dst_hbm.at[wid], didx_v)

    def _zero(i, _):
        for j in range(d // L):
            rows_a[i, pl.ds(j * L, L)] = jnp.zeros((L,), jnp.float32)
        return 0
    lax.fori_loop(0, CH1, _zero, 0)
    base = sid * ROWS_PER_TILE
    for k in range(ROWS_PER_TILE // CH1):
        pltpu.sync_copy(rows_a, accum_sh.at[pl.ds(base + k * CH1, CH1)])
    plsc.subcore_barrier()

    def _chunk(j, _):
        pltpu.async_copy(feat_hbm.at[sidx_v.at[j]], rows_b, sem_a).wait()
        pltpu.sync_copy(rows_b, accum_sh.at[didx_v.at[j]], add=True)
        return 0
    lax.fori_loop(0, C1, _chunk, 0)
    plsc.subcore_barrier()
    pltpu.sync_copy(accum_sh.at[pl.ds(base, ROWS_PER_TILE)],
                    out_hbm.at[cid, pl.ds(base, ROWS_PER_TILE)])


def _make_agg_kernel(d):
    return pl.kernel(
        functools.partial(_agg_body, d=d),
        out_type=jax.ShapeDtypeStruct((NC, NP, d), jnp.float32),
        mesh=_mesh,
        scratch_types=[
            pltpu.VMEM((C1, CH1), jnp.int32),
            pltpu.VMEM((C1, CH1), jnp.int32),
            pltpu.VMEM((CH1, d), jnp.float32),
            pltpu.VMEM_SHARED((NP, d), jnp.float32),
            pltpu.SemaphoreType.DMA,
        ],
    )


_agg128 = _make_agg_kernel(DH)



def _decode_body(src_hbm, dst_hbm, z_hbm, out_hbm,
                 sidx_v, didx_v, s_a, d_a, s_b, d_b, pt_a, pt_b,
                 ss_a, sd_a, ss_b, sd_b, so_a, so_b):
    wid = _worker_id()
    pltpu.sync_copy(src_hbm.at[wid], sidx_v)
    pltpu.sync_copy(dst_hbm.at[wid], didx_v)

    def _issue(t, srows, drows, ss, sd):
        pltpu.async_copy(z_hbm.at[sidx_v.at[t]], srows, ss)
        pltpu.async_copy(z_hbm.at[didx_v.at[t]], drows, sd)

    def _wait(srows, drows, ss, sd):
        pltpu.make_async_copy(z_hbm.at[sidx_v.at[0]], srows, ss).wait()
        pltpu.make_async_copy(z_hbm.at[sidx_v.at[0]], drows, sd).wait()

    def _wait_out(pt, so):
        pltpu.make_async_copy(pt, out_hbm.at[pl.ds(0, L)], so).wait()

    def _compute(c, srows, drows, pt, so):
        def _group(g, _):
            for l in range(L):
                e = g * L + l
                acc = srows[e, pl.ds(0, L)] * drows[e, pl.ds(0, L)]
                for j in range(1, DO // L):
                    acc = acc + (srows[e, pl.ds(j * L, L)] *
                                 drows[e, pl.ds(j * L, L)])
                pt[2 * g + l // 8, pl.ds((l % 8) * L, L)] = acc
            return 0
        lax.fori_loop(0, CHUNK // L, _group, 0)
        pltpu.async_copy(pt, out_hbm.at[pl.ds((wid * C2 + c) * L, L)], so)

    _issue(0, s_a, d_a, ss_a, sd_a)

    def _pair(p, _):
        t = 2 * p
        _wait(s_a, d_a, ss_a, sd_a)
        _issue(t + 1, s_b, d_b, ss_b, sd_b)

        @pl.when(p > 0)
        def _():
            _wait_out(pt_a, so_a)
        _compute(t, s_a, d_a, pt_a, so_a)
        _wait(s_b, d_b, ss_b, sd_b)
        _issue(t + 2, s_a, d_a, ss_a, sd_a)

        @pl.when(p > 0)
        def _():
            _wait_out(pt_b, so_b)
        _compute(t + 1, s_b, d_b, pt_b, so_b)
        return 0
    lax.fori_loop(0, (C2 - 1) // 2, _pair, 0)
    _wait(s_a, d_a, ss_a, sd_a)
    _wait_out(pt_a, so_a)
    _compute(C2 - 1, s_a, d_a, pt_a, so_a)
    _wait_out(pt_b, so_b)
    _wait_out(pt_a, so_a)


_decode_kernel = pl.kernel(
    _decode_body,
    out_type=jax.ShapeDtypeStruct((TOT_CH2 * L, CHUNK), jnp.float32),
    mesh=_mesh,
    scratch_types=[
        pltpu.VMEM((C2, CHUNK), jnp.int32),
        pltpu.VMEM((C2, CHUNK), jnp.int32),
        pltpu.VMEM((CHUNK, DH), jnp.float32),
        pltpu.VMEM((CHUNK, DH), jnp.float32),
        pltpu.VMEM((CHUNK, DH), jnp.float32),
        pltpu.VMEM((CHUNK, DH), jnp.float32),
        pltpu.VMEM((L, CHUNK), jnp.float32),
        pltpu.VMEM((L, CHUNK), jnp.float32),
        pltpu.SemaphoreType.DMA,
        pltpu.SemaphoreType.DMA,
        pltpu.SemaphoreType.DMA,
        pltpu.SemaphoreType.DMA,
        pltpu.SemaphoreType.DMA,
        pltpu.SemaphoreType.DMA,
    ],
)



def _dinv_block(dp_ref):
    deg = dp_ref[0, :, 0:1] + dp_ref[1, :, 0:1] + 1.0
    return lax.rsqrt(deg)


def _stage1_body(x_ref, w1_ref, dp_ref, h1p_ref):
    dinv = _dinv_block(dp_ref)
    h1p_ref[...] = jnp.dot(x_ref[...], w1_ref[...],
                           preferred_element_type=jnp.float32) * dinv


def _stage2_body(a_ref, h1p_ref, dp_ref, w2_ref, b1_ref, h2p_ref):
    dinv = _dinv_block(dp_ref)
    z1 = jnp.maximum(
        dinv * (a_ref[0] + a_ref[1] + h1p_ref[...]) + b1_ref[...], 0.0)
    h2p_ref[...] = jnp.dot(z1, w2_ref[...],
                           preferred_element_type=jnp.float32) * dinv


def _stage3_body(a_ref, h2p_ref, dp_ref, b2_ref, z2_ref):
    dinv = _dinv_block(dp_ref)
    z2_ref[...] = dinv * (a_ref[0] + a_ref[1] + h2p_ref[...]) + b2_ref[...]


_BLK = 256
_GRID = NP // _BLK


def _rows(i):
    return (i, 0)


def _rep(i):
    return (0, 0)


def _3d_map(i):
    return (0, i, 0)


_stage1 = pl.pallas_call(
    _stage1_body,
    grid=(_GRID,),
    in_specs=[
        pl.BlockSpec((_BLK, DI), _rows),
        pl.BlockSpec((DI, DH), _rep),
        pl.BlockSpec((NC, _BLK, L), _3d_map),
    ],
    out_specs=pl.BlockSpec((_BLK, DH), _rows),
    out_shape=jax.ShapeDtypeStruct((NP, DH), jnp.float32),
)

_stage2 = pl.pallas_call(
    _stage2_body,
    grid=(_GRID,),
    in_specs=[
        pl.BlockSpec((NC, _BLK, DH), _3d_map),
        pl.BlockSpec((_BLK, DH), _rows),
        pl.BlockSpec((NC, _BLK, L), _3d_map),
        pl.BlockSpec((DH, DH), _rep),
        pl.BlockSpec((1, DH), _rep),
    ],
    out_specs=pl.BlockSpec((_BLK, DH), _rows),
    out_shape=jax.ShapeDtypeStruct((NP, DH), jnp.float32),
)

_stage3 = pl.pallas_call(
    _stage3_body,
    grid=(_GRID,),
    in_specs=[
        pl.BlockSpec((NC, _BLK, DH), _3d_map),
        pl.BlockSpec((_BLK, DH), _rows),
        pl.BlockSpec((NC, _BLK, L), _3d_map),
        pl.BlockSpec((1, DH), _rep),
    ],
    out_specs=pl.BlockSpec((_BLK, DH), _rows),
    out_shape=jax.ShapeDtypeStruct((NP, DH), jnp.float32),
)



def _reduce_body(x_ref, a_ref, y_ref):
    y_ref[...] = jnp.dot(x_ref[...], a_ref[...],
                         preferred_element_type=jnp.float32)


_RBLK = 512
_reduce = pl.pallas_call(
    _reduce_body,
    grid=(TOT_CH2 * L // _RBLK,),
    in_specs=[
        pl.BlockSpec((_RBLK, CHUNK), _rows),
        pl.BlockSpec((CHUNK, 8), _rep),
    ],
    out_specs=pl.BlockSpec((_RBLK, 8), _rows),
    out_shape=jax.ShapeDtypeStruct((TOT_CH2 * L, 8), jnp.float32),
)



def _pad_edges(idx, epad):
    pad = jnp.full((2, epad - idx.shape[1]), DUMP, jnp.int32)
    return jnp.concatenate([idx.astype(jnp.int32), pad], axis=1)


@jax.jit
def kernel(x, pos_edge_index, neg_edge_index, W1, b1, W2, b2):
    e1 = _pad_edges(pos_edge_index, E1P)
    src1 = e1[0].reshape(NW, C1, CH1)
    dst1 = e1[1].reshape(NW, C1, CH1)
    e2 = _pad_edges(
        jnp.concatenate([pos_edge_index, neg_edge_index], axis=1), E2P)
    src2 = e2[0].reshape(NW, C2, CHUNK)
    dst2 = e2[1].reshape(NW, C2, CHUNK)

    xp = jnp.pad(x, ((0, NP - N), (0, 0)))

    w2p = jnp.pad(W2, ((0, 0), (0, DH - DO)))
    b2p = jnp.pad(b2, (0, DH - DO)).reshape(1, DH)

    dp = _deg_kernel(dst1)
    h1p = _stage1(xp, W1, dp)
    a1 = _agg128(src1, dst1, h1p)
    h2p = _stage2(a1, h1p, dp, w2p, b1.reshape(1, DH))
    a2 = _agg128(src1, dst1, h2p)
    z2 = _stage3(a2, h2p, dp, b2p)
    parts = _decode_kernel(src2, dst2, z2)
    sel = jnp.repeat(jnp.eye(8, dtype=jnp.float32), L, axis=0)
    logits = _reduce(parts, sel)
    return logits.reshape(-1)[:E2]

# --- scband reference (transcript-rebuilt; emitter-appended) ---
"""Pipeline reference for scband-net-21792664059946 (READ-ONLY COPY).

The authoritative reference and input builder live on the scoring server;
editing this copy changes nothing except your own understanding.
"""

import jax, jax.numpy as jnp
import numpy as np

N_NODES = 10000
N_EDGES = 320000
D_IN = 128
D_HID = 128
D_OUT = 64


def gcn_conv(x, edge_index, W, b):
    # Faithful PyG GCNConv: linear transform, add self-loops, symmetric
    # normalization deg^-1/2 A_hat deg^-1/2, scatter-add aggregation, bias.
    n = x.shape[0]
    src = edge_index[0]
    dst = edge_index[1]
    loop = jnp.arange(n, dtype=src.dtype)
    src = jnp.concatenate([src, loop])
    dst = jnp.concatenate([dst, loop])
    ones = jnp.ones(src.shape[0], dtype=x.dtype)
    deg = jnp.zeros(n, dtype=x.dtype).at[dst].add(ones)
    deg_inv_sqrt = jnp.where(deg > 0, jax.lax.rsqrt(jnp.maximum(deg, 1e-12)), 0.0)
    norm = deg_inv_sqrt[src] * deg_inv_sqrt[dst]
    h = x @ W
    msg = h[src] * norm[:, None]
    out = jnp.zeros((n, W.shape[1]), dtype=x.dtype).at[dst].add(msg)
    return out + b


def setup_inputs(seed: int = 0) -> dict:
    key = jax.random.key(seed)
    k_x, k_pe, k_ne, k_w1, k_b1, k_w2, k_b2 = jax.random.split(key, 7)
    x = jax.random.normal(k_x, (N_NODES, D_IN), dtype=jnp.float32)
    pos_edge_index = jax.random.randint(k_pe, (2, N_EDGES), 0, N_NODES, dtype=jnp.int64)
    neg_edge_index = jax.random.randint(k_ne, (2, N_EDGES), 0, N_NODES, dtype=jnp.int64)
    # Glorot-style init for GCNConv weights, zero bias (PyG default).
    W1 = jax.random.normal(k_w1, (D_IN, D_HID), dtype=jnp.float32) * (1.0 / np.sqrt(D_IN))
    b1 = jnp.zeros((D_HID,), dtype=jnp.float32)
    W2 = jax.random.normal(k_w2, (D_HID, D_OUT), dtype=jnp.float32) * (1.0 / np.sqrt(D_HID))
    b2 = jnp.zeros((D_OUT,), dtype=jnp.float32)
    return {"x": x, "pos_edge_index": pos_edge_index, "neg_edge_index": neg_edge_index,
            "W1": W1, "b1": b1, "W2": W2, "b2": b2}


def reference(x, pos_edge_index, neg_edge_index, W1, b1, W2, b2):
    # encode: conv1 -> relu -> conv2 (message passing over pos edges)
    z = gcn_conv(x, pos_edge_index, W1, b1)
    z = jax.nn.relu(z)
    z = gcn_conv(z, pos_edge_index, W2, b2)
    # decode: dot-product link scores over pos + neg edges
    edge_index = jnp.concatenate([pos_edge_index, neg_edge_index], axis=-1)
    logits = (z[edge_index[0]] * z[edge_index[1]]).sum(axis=-1)
    return logits

if __name__ == "__main__":
    import jax
    _d = setup_inputs()
    print(jax.jit(kernel)(*tuple(_d.values())))

</pallas_src>

<mosaic_0001>
#map = affine_map<(d0, d1) -> (0, 0, 0)>
module attributes {stable_mosaic.version = 14 : i64} {
  func.func @_deg_body(%arg0: i32, %arg1: i32, %arg2: memref<32x79x128xi32, #tpu.memory_space<hbm>>, %arg3: memref<2x10240x16xf32, #tpu.memory_space<hbm>>, %arg4: memref<79x128xi32, #tpu.memory_space<vmem>>, %arg5: memref<128x16xf32, #tpu.memory_space<vmem>>, %arg6: memref<10240x16xf32, #tpu.memory_space<vmem_shared>>) attributes {dimension_semantics = [#tpu.dimension_semantics<core_parallel>, #tpu.dimension_semantics<subcore_parallel>], iteration_bounds = array<i64: 2, 16>, scalar_prefetch = 0 : i64, scratch_operands = 3 : i64, tpu.core_type = #tpu.core_type<sc_vector_subcore>, window_params = [{transform_indices = #map}, {transform_indices = #map}]} {
    %mul3A = arith.constant 16 : i32
    %mul3A_0 = arith.muli %arg0, %mul3A : i32
    %add3A = arith.addi %mul3A_0, %arg1 : i32
    "tpu.region"() ({
      %run_scoped3A = tpu.sem_alloc : memref<!tpu.dma_semaphore, #tpu.memory_space<semaphore_mem>>
      %dma_start3A = arith.constant 0 : i32
      %dma_start3A_34 = arith.constant 0 : i32
      %dma_start3A_35 = tpu.memref_slice %arg2[%add3A, %dma_start3A, %dma_start3A_34] : memref<32x79x128xi32, #tpu.memory_space<hbm>> -> memref<1x79x128xi32, #tpu.memory_space<hbm>>
      %dma_start3A_36 = tpu.memref_squeeze %dma_start3A_35 : memref<1x79x128xi32, #tpu.memory_space<hbm>> -> memref<79x128xi32, #tpu.memory_space<hbm>>
      %dma_start3A_37 = arith.constant 0 : i32
      %dma_start3A_38 = arith.constant 0 : i32
      %dma_start3A_39 = tpu.memref_slice %arg2[%add3A, %dma_start3A_37, %dma_start3A_38] : memref<32x79x128xi32, #tpu.memory_space<hbm>> -> memref<1x79x128xi32, #tpu.memory_space<hbm>>
      %dma_start3A_40 = tpu.memref_squeeze %dma_start3A_39 : memref<1x79x128xi32, #tpu.memory_space<hbm>> -> memref<79x128xi32, #tpu.memory_space<hbm>>
      tpu.enqueue_dma source(%dma_start3A_40 : memref<79x128xi32, #tpu.memory_space<hbm>>) target(%arg4 : memref<79x128xi32, #tpu.memory_space<vmem>>) target_semaphore(%run_scoped3A : memref<!tpu.dma_semaphore, #tpu.memory_space<semaphore_mem>>)
      %dma_wait3A = arith.constant 0 : i32
      %dma_wait3A_41 = arith.constant 0 : i32
      %dma_wait3A_42 = tpu.memref_slice %arg2[%add3A, %dma_wait3A, %dma_wait3A_41] : memref<32x79x128xi32, #tpu.memory_space<hbm>> -> memref<1x79x128xi32, #tpu.memory_space<hbm>>
      %dma_wait3A_43 = tpu.memref_squeeze %dma_wait3A_42 : memref<1x79x128xi32, #tpu.memory_space<hbm>> -> memref<79x128xi32, #tpu.memory_space<hbm>>
      %dma_wait3A_44 = arith.constant 0 : i32
      %dma_wait3A_45 = arith.constant 0 : i32
      %dma_wait3A_46 = tpu.memref_slice %arg2[%add3A, %dma_wait3A_44, %dma_wait3A_45] : memref<32x79x128xi32, #tpu.memory_space<hbm>> -> memref<1x79x128xi32, #tpu.memory_space<hbm>>
      %dma_wait3A_47 = tpu.memref_squeeze %dma_wait3A_46 : memref<1x79x128xi32, #tpu.memory_space<hbm>> -> memref<79x128xi32, #tpu.memory_space<hbm>>
      tpu.wait_dma2 semaphore(%run_scoped3A : memref<!tpu.dma_semaphore, #tpu.memory_space<semaphore_mem>>) src(%dma_wait3A_47 : memref<79x128xi32, #tpu.memory_space<hbm>>) dst(%arg4 : memref<79x128xi32, #tpu.memory_space<vmem>>)
      tpu.yield
    }) : () -> ()
    %scan3A = arith.constant 0 : i32
    %scan3A_1 = arith.constant 0 : i32
    %scan3A_2 = arith.constant 128 : i32
    %scan3A_3 = arith.addi %scan3A_1, %scan3A_2 : i32
    %scan3A_4 = arith.constant 1 : i32
    %scan3A_5 = scf.for %scan3A_34 = %scan3A_1 to %scan3A_3 step %scan3A_4 iter_args(%scan3A_35 = %scan3A) -> (i32)  : i32 {
      %broadcast_in_dim3A = arith.constant 0.000000e+00 : f32
      %broadcast_in_dim3A_36 = vector.broadcast %broadcast_in_dim3A : f32 to vector<16xf32>
      %swap3A = arith.index_cast %scan3A_34 : i32 to index
      %swap3A_37 = arith.constant 0 : index
      %swap3A_38 = tpu.vector_load %arg5[%swap3A, %swap3A_37] {strides = array<i32>} : memref<128x16xf32, #tpu.memory_space<vmem>>, vector<1x16xf32>,
      %swap3A_39 = vector.shape_cast %swap3A_38 : vector<1x16xf32> to vector<16xf32>
      %swap3A_40 = vector.shape_cast %broadcast_in_dim3A_36 : vector<16xf32> to vector<1x16xf32>
      tpu.vector_store %arg5[%swap3A, %swap3A_37], %swap3A_40 {strides = array<i32>} : memref<128x16xf32, #tpu.memory_space<vmem>>, vector<1x16xf32>,
      %scan3A_41 = arith.constant 0 : i32
      scf.yield %scan3A_41 : i32
    }
    %scan3A_6 = arith.constant 128 : i32
    %mul3A_7 = arith.constant 640 : i32
    %mul3A_8 = arith.muli %arg1, %mul3A_7 : i32
    %add3A_9 = arith.constant 0 : i32
    %add3A_10 = arith.addi %mul3A_8, %add3A_9 : i32
    "tpu.region"() ({
      %run_scoped3A = tpu.sem_alloc : memref<!tpu.dma_semaphore, #tpu.memory_space<semaphore_mem>>
      %dma_start3A = arith.constant 0 : i32
      %dma_start3A_34 = tpu.memref_slice %arg6[%add3A_10, %dma_start3A] : memref<10240x16xf32, #tpu.memory_space<vmem_shared>> -> memref<128x16xf32, #tpu.memory_space<vmem_shared>>
      %dma_start3A_35 = arith.constant 0 : i32
      %dma_start3A_36 = tpu.memref_slice %arg6[%add3A_10, %dma_start3A_35] : memref<10240x16xf32, #tpu.memory_space<vmem_shared>> -> memref<128x16xf32, #tpu.memory_space<vmem_shared>>
      tpu.enqueue_dma source(%arg5 : memref<128x16xf32, #tpu.memory_space<vmem>>) target(%dma_start3A_36 : memref<128x16xf32, #tpu.memory_space<vmem_shared>>) target_semaphore(%run_scoped3A : memref<!tpu.dma_semaphore, #tpu.memory_space<semaphore_mem>>)
      %dma_wait3A = arith.constant 0 : i32
      %dma_wait3A_37 = tpu.memref_slice %arg6[%add3A_10, %dma_wait3A] : memref<10240x16xf32, #tpu.memory_space<vmem_shared>> -> memref<128x16xf32, #tpu.memory_space<vmem_shared>>
      %dma_wait3A_38 = arith.constant 0 : i32
      %dma_wait3A_39 = tpu.memref_slice %arg6[%add3A_10, %dma_wait3A_38] : memref<10240x16xf32, #tpu.memory_space<vmem_shared>> -> memref<128x16xf32, #tpu.memory_space<vmem_shared>>
      tpu.wait_dma2 semaphore(%run_scoped3A : memref<!tpu.dma_semaphore, #tpu.memory_space<semaphore_mem>>) src(%arg5 : memref<128x16xf32, #tpu.memory_space<vmem>>) dst(%dma_wait3A_39 : memref<128x16xf32, #tpu.memory_space<vmem_shared>>)
      tpu.yield
    }) : () -> ()
    %add3A_11 = arith.constant 128 : i32
    %add3A_12 = arith.addi %mul3A_8, %add3A_11 : i32
    "tpu.region"() ({
      %run_scoped3A = tpu.sem_alloc : memref<!tpu.dma_semaphore, #tpu.memory_space<semaphore_mem>>
      %dma_start3A = arith.constant 0 : i32
      %dma_start3A_34 = tpu.memref_slice %arg6[%add3A_12, %dma_start3A] : memref<10240x16xf32, #tpu.memory_space<vmem_shared>> -> memref<128x16xf32, #tpu.memory_space<vmem_shared>>
      %dma_start3A_35 = arith.constant 0 : i32
      %dma_start3A_36 = tpu.memref_slice %arg6[%add3A_12, %dma_start3A_35] : memref<10240x16xf32, #tpu.memory_space<vmem_shared>> -> memref<128x16xf32, #tpu.memory_space<vmem_shared>>
      tpu.enqueue_dma source(%arg5 : memref<128x16xf32, #tpu.memory_space<vmem>>) target(%dma_start3A_36 : memref<128x16xf32, #tpu.memory_space<vmem_shared>>) target_semaphore(%run_scoped3A : memref<!tpu.dma_semaphore, #tpu.memory_space<semaphore_mem>>)
      %dma_wait3A = arith.constant 0 : i32
      %dma_wait3A_37 = tpu.memref_slice %arg6[%add3A_12, %dma_wait3A] : memref<10240x16xf32, #tpu.memory_space<vmem_shared>> -> memref<128x16xf32, #tpu.memory_space<vmem_shared>>
      %dma_wait3A_38 = arith.constant 0 : i32
      %dma_wait3A_39 = tpu.memref_slice %arg6[%add3A_12, %dma_wait3A_38] : memref<10240x16xf32, #tpu.memory_space<vmem_shared>> -> memref<128x16xf32, #tpu.memory_space<vmem_shared>>
      tpu.wait_dma2 semaphore(%run_scoped3A : memref<!tpu.dma_semaphore, #tpu.memory_space<semaphore_mem>>) src(%arg5 : memref<128x16xf32, #tpu.memory_space<vmem>>) dst(%dma_wait3A_39 : memref<128x16xf32, #tpu.memory_space<vmem_shared>>)
      tpu.yield
    }) : () -> ()
    %add3A_13 = arith.constant 256 : i32
    %add3A_14 = arith.addi %mul3A_8, %add3A_13 : i32
    "tpu.region"() ({
      %run_scoped3A = tpu.sem_alloc : memref<!tpu.dma_semaphore, #tpu.memory_space<semaphore_mem>>
      %dma_start3A = arith.constant 0 : i32
      %dma_start3A_34 = tpu.memref_slice %arg6[%add3A_14, %dma_start3A] : memref<10240x16xf32, #tpu.memory_space<vmem_shared>> -> memref<128x16xf32, #tpu.memory_space<vmem_shared>>
      %dma_start3A_35 = arith.constant 0 : i32
      %dma_start3A_36 = tpu.memref_slice %arg6[%add3A_14, %dma_start3A_35] : memref<10240x16xf32, #tpu.memory_space<vmem_shared>> -> memref<128x16xf32, #tpu.memory_space<vmem_shared>>
      tpu.enqueue_dma source(%arg5 : memref<128x16xf32, #tpu.memory_space<vmem>>) target(%dma_start3A_36 : memref<128x16xf32, #tpu.memory_space<vmem_shared>>) target_semaphore(%run_scoped3A : memref<!tpu.dma_semaphore, #tpu.memory_space<semaphore_mem>>)
      %dma_wait3A = arith.constant 0 : i32
      %dma_wait3A_37 = tpu.memref_slice %arg6[%add3A_14, %dma_wait3A] : memref<10240x16xf32, #tpu.memory_space<vmem_shared>> -> memref<128x16xf32, #tpu.memory_space<vmem_shared>>
      %dma_wait3A_38 = arith.constant 0 : i32
      %dma_wait3A_39 = tpu.memref_slice %arg6[%add3A_14, %dma_wait3A_38] : memref<10240x16xf32, #tpu.memory_space<vmem_shared>> -> memref<128x16xf32, #tpu.memory_space<vmem_shared>>
      tpu.wait_dma2 semaphore(%run_scoped3A : memref<!tpu.dma_semaphore, #tpu.memory_space<semaphore_mem>>) src(%arg5 : memref<128x16xf32, #tpu.memory_space<vmem>>) dst(%dma_wait3A_39 : memref<128x16xf32, #tpu.memory_space<vmem_shared>>)
      tpu.yield
    }) : () -> ()
    %add3A_15 = arith.constant 384 : i32
    %add3A_16 = arith.addi %mul3A_8, %add3A_15 : i32
    "tpu.region"() ({
      %run_scoped3A = tpu.sem_alloc : memref<!tpu.dma_semaphore, #tpu.memory_space<semaphore_mem>>
      %dma_start3A = arith.constant 0 : i32
      %dma_start3A_34 = tpu.memref_slice %arg6[%add3A_16, %dma_start3A] : memref<10240x16xf32, #tpu.memory_space<vmem_shared>> -> memref<128x16xf32, #tpu.memory_space<vmem_shared>>
      %dma_start3A_35 = arith.constant 0 : i32
      %dma_start3A_36 = tpu.memref_slice %arg6[%add3A_16, %dma_start3A_35] : memref<10240x16xf32, #tpu.memory_space<vmem_shared>> -> memref<128x16xf32, #tpu.memory_space<vmem_shared>>
      tpu.enqueue_dma source(%arg5 : memref<128x16xf32, #tpu.memory_space<vmem>>) target(%dma_start3A_36 : memref<128x16xf32, #tpu.memory_space<vmem_shared>>) target_semaphore(%run_scoped3A : memref<!tpu.dma_semaphore, #tpu.memory_space<semaphore_mem>>)
      %dma_wait3A = arith.constant 0 : i32
      %dma_wait3A_37 = tpu.memref_slice %arg6[%add3A_16, %dma_wait3A] : memref<10240x16xf32, #tpu.memory_space<vmem_shared>> -> memref<128x16xf32, #tpu.memory_space<vmem_shared>>
      %dma_wait3A_38 = arith.constant 0 : i32
      %dma_wait3A_39 = tpu.memref_slice %arg6[%add3A_16, %dma_wait3A_38] : memref<10240x16xf32, #tpu.memory_space<vmem_shared>> -> memref<128x16xf32, #tpu.memory_space<vmem_shared>>
      tpu.wait_dma2 semaphore(%run_scoped3A : memref<!tpu.dma_semaphore, #tpu.memory_space<semaphore_mem>>) src(%arg5 : memref<128x16xf32, #tpu.memory_space<vmem>>) dst(%dma_wait3A_39 : memref<128x16xf32, #tpu.memory_space<vmem_shared>>)
      tpu.yield
    }) : () -> ()
    %add3A_17 = arith.constant 512 : i32
    %add3A_18 = arith.addi %mul3A_8, %add3A_17 : i32
    "tpu.region"() ({
      %run_scoped3A = tpu.sem_alloc : memref<!tpu.dma_semaphore, #tpu.memory_space<semaphore_mem>>
      %dma_start3A = arith.constant 0 : i32
      %dma_start3A_34 = tpu.memref_slice %arg6[%add3A_18, %dma_start3A] : memref<10240x16xf32, #tpu.memory_space<vmem_shared>> -> memref<128x16xf32, #tpu.memory_space<vmem_shared>>
      %dma_start3A_35 = arith.constant 0 : i32
      %dma_start3A_36 = tpu.memref_slice %arg6[%add3A_18, %dma_start3A_35] : memref<10240x16xf32, #tpu.memory_space<vmem_shared>> -> memref<128x16xf32, #tpu.memory_space<vmem_shared>>
      tpu.enqueue_dma source(%arg5 : memref<128x16xf32, #tpu.memory_space<vmem>>) target(%dma_start3A_36 : memref<128x16xf32, #tpu.memory_space<vmem_shared>>) target_semaphore(%run_scoped3A : memref<!tpu.dma_semaphore, #tpu.memory_space<semaphore_mem>>)
      %dma_wait3A = arith.constant 0 : i32
      %dma_wait3A_37 = tpu.memref_slice %arg6[%add3A_18, %dma_wait3A] : memref<10240x16xf32, #tpu.memory_space<vmem_shared>> -> memref<128x16xf32, #tpu.memory_space<vmem_shared>>
      %dma_wait3A_38 = arith.constant 0 : i32
      %dma_wait3A_39 = tpu.memref_slice %arg6[%add3A_18, %dma_wait3A_38] : memref<10240x16xf32, #tpu.memory_space<vmem_shared>> -> memref<128x16xf32, #tpu.memory_space<vmem_shared>>
      tpu.wait_dma2 semaphore(%run_scoped3A : memref<!tpu.dma_semaphore, #tpu.memory_space<semaphore_mem>>) src(%arg5 : memref<128x16xf32, #tpu.memory_space<vmem>>) dst(%dma_wait3A_39 : memref<128x16xf32, #tpu.memory_space<vmem_shared>>)
      tpu.yield
    }) : () -> ()
    %barrier3A = arith.constant 0 : index
    tpu.barrier barrier_id(%barrier3A)
    %scan3A_19 = arith.constant 0 : i32
    %scan3A_20 = arith.constant 0 : i32
    %scan3A_21 = arith.constant 128 : i32
    %scan3A_22 = arith.addi %scan3A_20, %scan3A_21 : i32
    %scan3A_23 = arith.constant 1 : i32
    %scan3A_24 = scf.for %scan3A_34 = %scan3A_20 to %scan3A_22 step %scan3A_23 iter_args(%scan3A_35 = %scan3A_19) -> (i32)  : i32 {
      %broadcast_in_dim3A = arith.constant 1.000000e+00 : f32
      %broadcast_in_dim3A_36 = vector.broadcast %broadcast_in_dim3A : f32 to vector<16xf32>
      %swap3A = arith.index_cast %scan3A_34 : i32 to index
      %swap3A_37 = arith.constant 0 : index
      %swap3A_38 = tpu.vector_load %arg5[%swap3A, %swap3A_37] {strides = array<i32>} : memref<128x16xf32, #tpu.memory_space<vmem>>, vector<1x16xf32>,
      %swap3A_39 = vector.shape_cast %swap3A_38 : vector<1x16xf32> to vector<16xf32>
      %swap3A_40 = vector.shape_cast %broadcast_in_dim3A_36 : vector<16xf32> to vector<1x16xf32>
      tpu.vector_store %arg5[%swap3A, %swap3A_37], %swap3A_40 {strides = array<i32>} : memref<128x16xf32, #tpu.memory_space<vmem>>, vector<1x16xf32>,
      %scan3A_41 = arith.constant 0 : i32
      scf.yield %scan3A_41 : i32
    }
    %scan3A_25 = arith.constant 128 : i32
    %scan3A_26 = arith.constant 0 : i32
    %scan3A_27 = arith.constant 0 : i32
    %scan3A_28 = arith.constant 79 : i32
    %scan3A_29 = arith.addi %scan3A_27, %scan3A_28 : i32
    %scan3A_30 = arith.constant 1 : i32
    %scan3A_31 = scf.for %scan3A_34 = %scan3A_27 to %scan3A_29 step %scan3A_30 iter_args(%scan3A_35 = %scan3A_26) -> (i32)  : i32 {
      "tpu.region"() ({
        %run_scoped3A = tpu.sem_alloc : memref<!tpu.dma_semaphore, #tpu.memory_space<semaphore_mem>>
        %dma_start3A = arith.constant 0 : i32
        %dma_start3A_37 = tpu.memref_slice %arg4[%scan3A_34, %dma_start3A] : memref<79x128xi32, #tpu.memory_space<vmem>> -> memref<1x128xi32, #tpu.memory_space<vmem>>
        %dma_start3A_38 = tpu.memref_squeeze %dma_start3A_37 : memref<1x128xi32, #tpu.memory_space<vmem>> -> memref<128xi32, #tpu.memory_space<vmem>>
        %dma_start3A_39 = arith.constant 0 : i32
        %dma_start3A_40 = arith.constant 0 : i32
        %dma_start3A_41 = tpu.memref_slice %arg6[%dma_start3A_39, %dma_start3A_40] : memref<10240x16xf32, #tpu.memory_space<vmem_shared>> -> memref<10240x16xf32, #tpu.memory_space<vmem_shared>>
        tpu.enqueue_indirect_dma source(%arg5 : memref<128x16xf32, #tpu.memory_space<vmem>>) target(%dma_start3A_41 : memref<10240x16xf32, #tpu.memory_space<vmem_shared>>) offsets(%dma_start3A_38 : memref<128xi32, #tpu.memory_space<vmem>>) semaphore(%run_scoped3A : memref<!tpu.dma_semaphore, #tpu.memory_space<semaphore_mem>>) {add = true}
        %dma_wait3A = arith.constant 0 : i32
        %dma_wait3A_42 = tpu.memref_slice %arg4[%scan3A_34, %dma_wait3A] : memref<79x128xi32, #tpu.memory_space<vmem>> -> memref<1x128xi32, #tpu.memory_space<vmem>>
        %dma_wait3A_43 = tpu.memref_squeeze %dma_wait3A_42 : memref<1x128xi32, #tpu.memory_space<vmem>> -> memref<128xi32, #tpu.memory_space<vmem>>
        %dma_wait3A_44 = arith.constant 0 : i32
        %dma_wait3A_45 = arith.constant 0 : i32
        %dma_wait3A_46 = tpu.memref_slice %arg6[%dma_wait3A_44, %dma_wait3A_45] : memref<10240x16xf32, #tpu.memory_space<vmem_shared>> -> memref<10240x16xf32, #tpu.memory_space<vmem_shared>>
        tpu.wait_indirect_dma semaphore(%run_scoped3A : memref<!tpu.dma_semaphore, #tpu.memory_space<semaphore_mem>>) src(%arg5 : memref<128x16xf32, #tpu.memory_space<vmem>>) dst(%dma_wait3A_46 : memref<10240x16xf32, #tpu.memory_space<vmem_shared>>)
        tpu.yield
      }) : () -> ()
      %scan3A_36 = arith.constant 0 : i32
      scf.yield %scan3A_36 : i32
    }
    %scan3A_32 = arith.constant 79 : i32
    %barrier3A_33 = arith.constant 0 : index
    tpu.barrier barrier_id(%barrier3A_33)
    "tpu.region"() ({
      %run_scoped3A = tpu.sem_alloc : memref<!tpu.dma_semaphore, #tpu.memory_space<semaphore_mem>>
      %dma_start3A = arith.constant 0 : i32
      %dma_start3A_34 = tpu.memref_slice %arg3[%arg0, %mul3A_8, %dma_start3A] : memref<2x10240x16xf32, #tpu.memory_space<hbm>> -> memref<1x640x16xf32, #tpu.memory_space<hbm>>
      %dma_start3A_35 = tpu.memref_squeeze %dma_start3A_34 : memref<1x640x16xf32, #tpu.memory_space<hbm>> -> memref<640x16xf32, #tpu.memory_space<hbm>>
      %dma_start3A_36 = arith.constant 0 : i32
      %dma_start3A_37 = tpu.memref_slice %arg6[%mul3A_8, %dma_start3A_36] : memref<10240x16xf32, #tpu.memory_space<vmem_shared>> -> memref<640x16xf32, #tpu.memory_space<vmem_shared>>
      tpu.enqueue_dma source(%dma_start3A_37 : memref<640x16xf32, #tpu.memory_space<vmem_shared>>) target(%dma_start3A_35 : memref<640x16xf32, #tpu.memory_space<hbm>>) target_semaphore(%run_scoped3A : memref<!tpu.dma_semaphore, #tpu.memory_space<semaphore_mem>>)
      %dma_wait3A = arith.constant 0 : i32
      %dma_wait3A_38 = tpu.memref_slice %arg3[%arg0, %mul3A_8, %dma_wait3A] : memref<2x10240x16xf32, #tpu.memory_space<hbm>> -> memref<1x640x16xf32, #tpu.memory_space<hbm>>
      %dma_wait3A_39 = tpu.memref_squeeze %dma_wait3A_38 : memref<1x640x16xf32, #tpu.memory_space<hbm>> -> memref<640x16xf32, #tpu.memory_space<hbm>>
      %dma_wait3A_40 = arith.constant 0 : i32
      %dma_wait3A_41 = tpu.memref_slice %arg6[%mul3A_8, %dma_wait3A_40] : memref<10240x16xf32, #tpu.memory_space<vmem_shared>> -> memref<640x16xf32, #tpu.memory_space<vmem_shared>>
      tpu.wait_dma2 semaphore(%run_scoped3A : memref<!tpu.dma_semaphore, #tpu.memory_space<semaphore_mem>>) src(%dma_wait3A_41 : memref<640x16xf32, #tpu.memory_space<vmem_shared>>) dst(%dma_wait3A_39 : memref<640x16xf32, #tpu.memory_space<hbm>>)
      tpu.yield
    }) : () -> ()
    return
  }
}

#map = affine_map<(d0, d1) -> (0, 0, 0)>
#map1 = affine_map<(d0, d1) -> (0, 0)>
module attributes {stable_mosaic.version = 14 : i64} {
  func.func @_decode_body(%arg0: i32, %arg1: i32, %arg2: memref<32x157x128xi32, #tpu.memory_space<hbm>>, %arg3: memref<32x157x128xi32, #tpu.memory_space<hbm>>, %arg4: memref<10240x128xf32, #tpu.memory_space<hbm>>, %arg5: memref<80384x128xf32, #tpu.memory_space<hbm>>, %arg6: memref<157x128xi32, #tpu.memory_space<vmem>>, %arg7: memref<157x128xi32, #tpu.memory_space<vmem>>, %arg8: memref<128x128xf32, #tpu.memory_space<vmem>>, %arg9: memref<128x128xf32, #tpu.memory_space<vmem>>, %arg10: memref<128x128xf32, #tpu.memory_space<vmem>>, %arg11: memref<128x128xf32, #tpu.memory_space<vmem>>, %arg12: memref<16x128xf32, #tpu.memory_space<vmem>>, %arg13: memref<16x128xf32, #tpu.memory_space<vmem>>, %arg14: memref<!tpu.dma_semaphore, #tpu.memory_space<semaphore_mem>>, %arg15: memref<!tpu.dma_semaphore, #tpu.memory_space<semaphore_mem>>, %arg16: memref<!tpu.dma_semaphore, #tpu.memory_space<semaphore_mem>>, %arg17: memref<!tpu.dma_semaphore, #tpu.memory_space<semaphore_mem>>, %arg18: memref<!tpu.dma_semaphore, #tpu.memory_space<semaphore_mem>>, %arg19: memref<!tpu.dma_semaphore, #tpu.memory_space<semaphore_mem>>) attributes {dimension_semantics = [#tpu.dimension_semantics<core_parallel>, #tpu.dimension_semantics<subcore_parallel>], iteration_bounds = array<i64: 2, 16>, scalar_prefetch = 0 : i64, scratch_operands = 14 : i64, tpu.core_type = #tpu.core_type<sc_vector_subcore>, window_params = [{transform_indices = #map}, {transform_indices = #map}, {transform_indices = #map1}, {transform_indices = #map1}]} {
    %mul3A = arith.constant 16 : i32
    %mul3A_0 = arith.muli %arg0, %mul3A : i32
    %add3A = arith.addi %mul3A_0, %arg1 : i32
    "tpu.region"() ({
      %run_scoped3A = tpu.sem_alloc : memref<!tpu.dma_semaphore, #tpu.memory_space<semaphore_mem>>
      %dma_start3A_68 = arith.constant 0 : i32
      %dma_start3A_69 = arith.constant 0 : i32
      %dma_start3A_70 = tpu.memref_slice %arg2[%add3A, %dma_start3A_68, %dma_start3A_69] : memref<32x157x128xi32, #tpu.memory_space<hbm>> -> memref<1x157x128xi32, #tpu.memory_space<hbm>>
      %dma_start3A_71 = tpu.memref_squeeze %dma_start3A_70 : memref<1x157x128xi32, #tpu.memory_space<hbm>> -> memref<157x128xi32, #tpu.memory_space<hbm>>
      %dma_start3A_72 = arith.constant 0 : i32
      %dma_start3A_73 = arith.constant 0 : i32
      %dma_start3A_74 = tpu.memref_slice %arg2[%add3A, %dma_start3A_72, %dma_start3A_73] : memref<32x157x128xi32, #tpu.memory_space<hbm>> -> memref<1x157x128xi32, #tpu.memory_space<hbm>>
      %dma_start3A_75 = tpu.memref_squeeze %dma_start3A_74 : memref<1x157x128xi32, #tpu.memory_space<hbm>> -> memref<157x128xi32, #tpu.memory_space<hbm>>
      tpu.enqueue_dma source(%dma_start3A_75 : memref<157x128xi32, #tpu.memory_space<hbm>>) target(%arg6 : memref<157x128xi32, #tpu.memory_space<vmem>>) target_semaphore(%run_scoped3A : memref<!tpu.dma_semaphore, #tpu.memory_space<semaphore_mem>>)
      %dma_wait3A_76 = arith.constant 0 : i32
      %dma_wait3A_77 = arith.constant 0 : i32
      %dma_wait3A_78 = tpu.memref_slice %arg2[%add3A, %dma_wait3A_76, %dma_wait3A_77] : memref<32x157x128xi32, #tpu.memory_space<hbm>> -> memref<1x157x128xi32, #tpu.memory_space<hbm>>
      %dma_wait3A_79 = tpu.memref_squeeze %dma_wait3A_78 : memref<1x157x128xi32, #tpu.memory_space<hbm>> -> memref<157x128xi32, #tpu.memory_space<hbm>>
      %dma_wait3A_80 = arith.constant 0 : i32
      %dma_wait3A_81 = arith.constant 0 : i32
      %dma_wait3A_82 = tpu.memref_slice %arg2[%add3A, %dma_wait3A_80, %dma_wait3A_81] : memref<32x157x128xi32, #tpu.memory_space<hbm>> -> memref<1x157x128xi32, #tpu.memory_space<hbm>>
      %dma_wait3A_83 = tpu.memref_squeeze %dma_wait3A_82 : memref<1x157x128xi32, #tpu.memory_space<hbm>> -> memref<157x128xi32, #tpu.memory_space<hbm>>
      tpu.wait_dma2 semaphore(%run_scoped3A : memref<!tpu.dma_semaphore, #tpu.memory_space<semaphore_mem>>) src(%dma_wait3A_83 : memref<157x128xi32, #tpu.memory_space<hbm>>) dst(%arg6 : memref<157x128xi32, #tpu.memory_space<vmem>>)
      tpu.yield
    }) : () -> ()
    "tpu.region"() ({
      %run_scoped3A = tpu.sem_alloc : memref<!tpu.dma_semaphore, #tpu.memory_space<semaphore_mem>>
      %dma_start3A_68 = arith.constant 0 : i32
      %dma_start3A_69 = arith.constant 0 : i32
      %dma_start3A_70 = tpu.memref_slice %arg3[%add3A, %dma_start3A_68, %dma_start3A_69] : memref<32x157x128xi32, #tpu.memory_space<hbm>> -> memref<1x157x128xi32, #tpu.memory_space<hbm>>
      %dma_start3A_71 = tpu.memref_squeeze %dma_start3A_70 : memref<1x157x128xi32, #tpu.memory_space<hbm>> -> memref<157x128xi32, #tpu.memory_space<hbm>>
      %dma_start3A_72 = arith.constant 0 : i32
      %dma_start3A_73 = arith.constant 0 : i32
      %dma_start3A_74 = tpu.memref_slice %arg3[%add3A, %dma_start3A_72, %dma_start3A_73] : memref<32x157x128xi32, #tpu.memory_space<hbm>> -> memref<1x157x128xi32, #tpu.memory_space<hbm>>
      %dma_start3A_75 = tpu.memref_squeeze %dma_start3A_74 : memref<1x157x128xi32, #tpu.memory_space<hbm>> -> memref<157x128xi32, #tpu.memory_space<hbm>>
      tpu.enqueue_dma source(%dma_start3A_75 : memref<157x128xi32, #tpu.memory_space<hbm>>) target(%arg7 : memref<157x128xi32, #tpu.memory_space<vmem>>) target_semaphore(%run_scoped3A : memref<!tpu.dma_semaphore, #tpu.memory_space<semaphore_mem>>)
      %dma_wait3A_76 = arith.constant 0 : i32
      %dma_wait3A_77 = arith.constant 0 : i32
      %dma_wait3A_78 = tpu.memref_slice %arg3[%add3A, %dma_wait3A_76, %dma_wait3A_77] : memref<32x157x128xi32, #tpu.memory_space<hbm>> -> memref<1x157x128xi32, #tpu.memory_space<hbm>>
      %dma_wait3A_79 = tpu.memref_squeeze %dma_wait3A_78 : memref<1x157x128xi32, #tpu.memory_space<hbm>> -> memref<157x128xi32, #tpu.memory_space<hbm>>
      %dma_wait3A_80 = arith.constant 0 : i32
      %dma_wait3A_81 = arith.constant 0 : i32
      %dma_wait3A_82 = tpu.memref_slice %arg3[%add3A, %dma_wait3A_80, %dma_wait3A_81] : memref<32x157x128xi32, #tpu.memory_space<hbm>> -> memref<1x157x128xi32, #tpu.memory_space<hbm>>
      %dma_wait3A_83 = tpu.memref_squeeze %dma_wait3A_82 : memref<1x157x128xi32, #tpu.memory_space<hbm>> -> memref<157x128xi32, #tpu.memory_space<hbm>>
      tpu.wait_dma2 semaphore(%run_scoped3A : memref<!tpu.dma_semaphore, #tpu.memory_space<semaphore_mem>>) src(%dma_wait3A_83 : memref<157x128xi32, #tpu.memory_space<hbm>>) dst(%arg7 : memref<157x128xi32, #tpu.memory_space<vmem>>)
      tpu.yield
    }) : () -> ()
    %dma_start3A = arith.constant 0 : i32
    %dma_start3A_1 = arith.constant 0 : i32
    %dma_start3A_2 = tpu.memref_slice %arg6[%dma_start3A, %dma_start3A_1] : memref<157x128xi32, #tpu.memory_space<vmem>> -> memref<1x128xi32, #tpu.memory_space<vmem>>
    %dma_start3A_3 = tpu.memref_squeeze %dma_start3A_2 : memref<1x128xi32, #tpu.memory_space<vmem>> -> memref<128xi32, #tpu.memory_space<vmem>>
    %dma_start3A_4 = arith.constant 0 : i32
    %dma_start3A_5 = arith.constant 0 : i32
    %dma_start3A_6 = tpu.memref_slice %arg4[%dma_start3A_4, %dma_start3A_5] : memref<10240x128xf32, #tpu.memory_space<hbm>> -> memref<10240x128xf32, #tpu.memory_space<hbm>>
    tpu.enqueue_indirect_dma source(%dma_start3A_6 : memref<10240x128xf32, #tpu.memory_space<hbm>>) target(%arg8 : memref<128x128xf32, #tpu.memory_space<vmem>>) offsets(%dma_start3A_3 : memref<128xi32, #tpu.memory_space<vmem>>) semaphore(%arg14 : memref<!tpu.dma_semaphore, #tpu.memory_space<semaphore_mem>>)
    %dma_start3A_7 = arith.constant 0 : i32
    %dma_start3A_8 = arith.constant 0 : i32
    %dma_start3A_9 = tpu.memref_slice %arg7[%dma_start3A_7, %dma_start3A_8] : memref<157x128xi32, #tpu.memory_space<vmem>> -> memref<1x128xi32, #tpu.memory_space<vmem>>
    %dma_start3A_10 = tpu.memref_squeeze %dma_start3A_9 : memref<1x128xi32, #tpu.memory_space<vmem>> -> memref<128xi32, #tpu.memory_space<vmem>>
    %dma_start3A_11 = arith.constant 0 : i32
    %dma_start3A_12 = arith.constant 0 : i32
    %dma_start3A_13 = tpu.memref_slice %arg4[%dma_start3A_11, %dma_start3A_12] : memref<10240x128xf32, #tpu.memory_space<hbm>> -> memref<10240x128xf32, #tpu.memory_space<hbm>>
    tpu.enqueue_indirect_dma source(%dma_start3A_13 : memref<10240x128xf32, #tpu.memory_space<hbm>>) target(%arg9 : memref<128x128xf32, #tpu.memory_space<vmem>>) offsets(%dma_start3A_10 : memref<128xi32, #tpu.memory_space<vmem>>) semaphore(%arg15 : memref<!tpu.dma_semaphore, #tpu.memory_space<semaphore_mem>>)
    %scan3A = arith.constant 0 : i32
    %scan3A_14 = arith.constant 0 : i32
    %scan3A_15 = arith.constant 78 : i32
    %scan3A_16 = arith.addi %scan3A_14, %scan3A_15 : i32
    %scan3A_17 = arith.constant 1 : i32
    %scan3A_18 = scf.for %scan3A_68 = %scan3A_14 to %scan3A_16 step %scan3A_17 iter_args(%scan3A_69 = %scan3A) -> (i32)  : i32 {
      %mul3A_70 = arith.constant 2 : i32
      %mul3A_71 = arith.muli %mul3A_70, %scan3A_68 : i32
      %dma_wait3A_72 = arith.constant 0 : i32
      %dma_wait3A_73 = arith.constant 0 : i32
      %dma_wait3A_74 = tpu.memref_slice %arg6[%dma_wait3A_72, %dma_wait3A_73] : memref<157x128xi32, #tpu.memory_space<vmem>> -> memref<1x128xi32, #tpu.memory_space<vmem>>
      %dma_wait3A_75 = tpu.memref_squeeze %dma_wait3A_74 : memref<1x128xi32, #tpu.memory_space<vmem>> -> memref<128xi32, #tpu.memory_space<vmem>>
      %dma_wait3A_76 = arith.constant 0 : i32
      %dma_wait3A_77 = arith.constant 0 : i32
      %dma_wait3A_78 = tpu.memref_slice %arg4[%dma_wait3A_76, %dma_wait3A_77] : memref<10240x128xf32, #tpu.memory_space<hbm>> -> memref<10240x128xf32, #tpu.memory_space<hbm>>
      tpu.wait_indirect_dma semaphore(%arg14 : memref<!tpu.dma_semaphore, #tpu.memory_space<semaphore_mem>>) src(%dma_wait3A_78 : memref<10240x128xf32, #tpu.memory_space<hbm>>) dst(%arg8 : memref<128x128xf32, #tpu.memory_space<vmem>>)
      %dma_wait3A_79 = arith.constant 0 : i32
      %dma_wait3A_80 = arith.constant 0 : i32
      %dma_wait3A_81 = tpu.memref_slice %arg6[%dma_wait3A_79, %dma_wait3A_80] : memref<157x128xi32, #tpu.memory_space<vmem>> -> memref<1x128xi32, #tpu.memory_space<vmem>>
      %dma_wait3A_82 = tpu.memref_squeeze %dma_wait3A_81 : memref<1x128xi32, #tpu.memory_space<vmem>> -> memref<128xi32, #tpu.memory_space<vmem>>
      %dma_wait3A_83 = arith.constant 0 : i32
      %dma_wait3A_84 = arith.constant 0 : i32
      %dma_wait3A_85 = tpu.memref_slice %arg4[%dma_wait3A_83, %dma_wait3A_84] : memref<10240x128xf32, #tpu.memory_space<hbm>> -> memref<10240x128xf32, #tpu.memory_space<hbm>>
      tpu.wait_indirect_dma semaphore(%arg15 : memref<!tpu.dma_semaphore, #tpu.memory_space<semaphore_mem>>) src(%dma_wait3A_85 : memref<10240x128xf32, #tpu.memory_space<hbm>>) dst(%arg9 : memref<128x128xf32, #tpu.memory_space<vmem>>)
      %add3A_86 = arith.constant 1 : i32
      %add3A_87 = arith.addi %mul3A_71, %add3A_86 : i32
      %dma_start3A_88 = arith.constant 0 : i32
      %dma_start3A_89 = tpu.memref_slice %arg6[%add3A_87, %dma_start3A_88] : memref<157x128xi32, #tpu.memory_space<vmem>> -> memref<1x128xi32, #tpu.memory_space<vmem>>
      %dma_start3A_90 = tpu.memref_squeeze %dma_start3A_89 : memref<1x128xi32, #tpu.memory_space<vmem>> -> memref<128xi32, #tpu.memory_space<vmem>>
      %dma_start3A_91 = arith.constant 0 : i32
      %dma_start3A_92 = arith.constant 0 : i32
      %dma_start3A_93 = tpu.memref_slice %arg4[%dma_start3A_91, %dma_start3A_92] : memref<10240x128xf32, #tpu.memory_space<hbm>> -> memref<10240x128xf32, #tpu.memory_space<hbm>>
      tpu.enqueue_indirect_dma source(%dma_start3A_93 : memref<10240x128xf32, #tpu.memory_space<hbm>>) target(%arg10 : memref<128x128xf32, #tpu.memory_space<vmem>>) offsets(%dma_start3A_90 : memref<128xi32, #tpu.memory_space<vmem>>) semaphore(%arg16 : memref<!tpu.dma_semaphore, #tpu.memory_space<semaphore_mem>>)
      %dma_start3A_94 = arith.constant 0 : i32
      %dma_start3A_95 = tpu.memref_slice %arg7[%add3A_87, %dma_start3A_94] : memref<157x128xi32, #tpu.memory_space<vmem>> -> memref<1x128xi32, #tpu.memory_space<vmem>>
      %dma_start3A_96 = tpu.memref_squeeze %dma_start3A_95 : memref<1x128xi32, #tpu.memory_space<vmem>> -> memref<128xi32, #tpu.memory_space<vmem>>
      %dma_start3A_97 = arith.constant 0 : i32
      %dma_start3A_98 = arith.constant 0 : i32
      %dma_start3A_99 = tpu.memref_slice %arg4[%dma_start3A_97, %dma_start3A_98] : memref<10240x128xf32, #tpu.memory_space<hbm>> -> memref<10240x128xf32, #tpu.memory_space<hbm>>
      tpu.enqueue_indirect_dma source(%dma_start3A_99 : memref<10240x128xf32, #tpu.memory_space<hbm>>) target(%arg11 : memref<128x128xf32, #tpu.memory_space<vmem>>) offsets(%dma_start3A_96 : memref<128xi32, #tpu.memory_space<vmem>>) semaphore(%arg17 : memref<!tpu.dma_semaphore, #tpu.memory_space<semaphore_mem>>)
      %gt3A = arith.constant 0 : i32
      %gt3A_100 = arith.cmpi sgt, %scan3A_68, %gt3A : i32
      %convert_element_type3A = arith.extui %gt3A_100 : i1 to i32
      %cond3A = arith.constant 0 : i32
      %cond3A_101 = arith.cmpi ne, %convert_element_type3A, %cond3A : i32
      scf.if %cond3A_101 {
        %dma_wait3A_170 = arith.constant 0 : i32
        %dma_wait3A_171 = arith.constant 0 : i32
        %dma_wait3A_172 = tpu.memref_slice %arg5[%dma_wait3A_170, %dma_wait3A_171] : memref<80384x128xf32, #tpu.memory_space<hbm>> -> memref<16x128xf32, #tpu.memory_space<hbm>>
        %dma_wait3A_173 = arith.constant 0 : i32
        %dma_wait3A_174 = arith.constant 0 : i32
        %dma_wait3A_175 = tpu.memref_slice %arg5[%dma_wait3A_173, %dma_wait3A_174] : memref<80384x128xf32, #tpu.memory_space<hbm>> -> memref<16x128xf32, #tpu.memory_space<hbm>>
        tpu.wait_dma2 semaphore(%arg18 : memref<!tpu.dma_semaphore, #tpu.memory_space<semaphore_mem>>) src(%arg12 : memref<16x128xf32, #tpu.memory_space<vmem>>) dst(%dma_wait3A_175 : memref<16x128xf32, #tpu.memory_space<hbm>>)
      } else {
      }
      %scan3A_102 = arith.constant 0 : i32
      %scan3A_103 = arith.constant 0 : i32
      %scan3A_104 = arith.constant 8 : i32
      %scan3A_105 = arith.addi %scan3A_103, %scan3A_104 : i32
      %scan3A_106 = arith.constant 1 : i32
      %scan3A_107 = scf.for %scan3A_170 = %scan3A_103 to %scan3A_105 step %scan3A_106 iter_args(%scan3A_171 = %scan3A_102) -> (i32)  : i32 {
        %mul3A_172 = arith.constant 16 : i32
        %mul3A_173 = arith.muli %scan3A_170, %mul3A_172 : i32
        %add3A_174 = arith.constant 0 : i32
        %add3A_175 = arith.addi %mul3A_173, %add3A_174 : i32
        %get3A = arith.index_cast %add3A_175 : i32 to index
        %get3A_176 = arith.constant 0 : index
        %get3A_177 = tpu.vector_load %arg8[%get3A, %get3A_176] {strides = array<i32>} : memref<128x128xf32, #tpu.memory_space<vmem>>, vector<1x16xf32>,
        %get3A_178 = vector.shape_cast %get3A_177 : vector<1x16xf32> to vector<16xf32>
        %get3A_179 = arith.index_cast %add3A_175 : i32 to index
        %get3A_180 = arith.constant 0 : index
        %get3A_181 = tpu.vector_load %arg9[%get3A_179, %get3A_180] {strides = array<i32>} : memref<128x128xf32, #tpu.memory_space<vmem>>, vector<1x16xf32>,
        %get3A_182 = vector.shape_cast %get3A_181 : vector<1x16xf32> to vector<16xf32>
        %mul3A_183 = arith.mulf %get3A_178, %get3A_182 : vector<16xf32>
        %get3A_184 = arith.index_cast %add3A_175 : i32 to index
        %get3A_185 = arith.constant 16 : index
        %get3A_186 = tpu.vector_load %arg8[%get3A_184, %get3A_185] {strides = array<i32>} : memref<128x128xf32, #tpu.memory_space<vmem>>, vector<1x16xf32>,
        %get3A_187 = vector.shape_cast %get3A_186 : vector<1x16xf32> to vector<16xf32>
        %get3A_188 = arith.index_cast %add3A_175 : i32 to index
        %get3A_189 = arith.constant 16 : index
        %get3A_190 = tpu.vector_load %arg9[%get3A_188, %get3A_189] {strides = array<i32>} : memref<128x128xf32, #tpu.memory_space<vmem>>, vector<1x16xf32>,
        %get3A_191 = vector.shape_cast %get3A_190 : vector<1x16xf32> to vector<16xf32>
        %mul3A_192 = arith.mulf %get3A_187, %get3A_191 : vector<16xf32>
        %add3A_193 = arith.addf %mul3A_183, %mul3A_192 : vector<16xf32>
        %get3A_194 = arith.index_cast %add3A_175 : i32 to index
        %get3A_195 = arith.constant 32 : index
        %get3A_196 = tpu.vector_load %arg8[%get3A_194, %get3A_195] {strides = array<i32>} : memref<128x128xf32, #tpu.memory_space<vmem>>, vector<1x16xf32>,
        %get3A_197 = vector.shape_cast %get3A_196 : vector<1x16xf32> to vector<16xf32>
        %get3A_198 = arith.index_cast %add3A_175 : i32 to index
        %get3A_199 = arith.constant 32 : index
        %get3A_200 = tpu.vector_load %arg9[%get3A_198, %get3A_199] {strides = array<i32>} : memref<128x128xf32, #tpu.memory_space<vmem>>, vector<1x16xf32>,
        %get3A_201 = vector.shape_cast %get3A_200 : vector<1x16xf32> to vector<16xf32>
        %mul3A_202 = arith.mulf %get3A_197, %get3A_201 : vector<16xf32>
        %add3A_203 = arith.addf %add3A_193, %mul3A_202 : vector<16xf32>
        %get3A_204 = arith.index_cast %add3A_175 : i32 to index
        %get3A_205 = arith.constant 48 : index
        %get3A_206 = tpu.vector_load %arg8[%get3A_204, %get3A_205] {strides = array<i32>} : memref<128x128xf32, #tpu.memory_space<vmem>>, vector<1x16xf32>,
        %get3A_207 = vector.shape_cast %get3A_206 : vector<1x16xf32> to vector<16xf32>
        %get3A_208 = arith.index_cast %add3A_175 : i32 to index
        %get3A_209 = arith.constant 48 : index
        %get3A_210 = tpu.vector_load %arg9[%get3A_208, %get3A_209] {strides = array<i32>} : memref<128x128xf32, #tpu.memory_space<vmem>>, vector<1x16xf32>,
        %get3A_211 = vector.shape_cast %get3A_210 : vector<1x16xf32> to vector<16xf32>
        %mul3A_212 = arith.mulf %get3A_207, %get3A_211 : vector<16xf32>
        %add3A_213 = arith.addf %add3A_203, %mul3A_212 : vector<16xf32>
        %mul3A_214 = arith.constant 2 : i32
        %mul3A_215 = arith.muli %mul3A_214, %scan3A_170 : i32
        %add3A_216 = arith.constant 0 : i32
        %add3A_217 = arith.addi %mul3A_215, %add3A_216 : i32
        %swap3A = arith.index_cast %add3A_217 : i32 to index
        %swap3A_218 = arith.constant 0 : index
        %swap3A_219 = tpu.vector_load %arg12[%swap3A, %swap3A_218] {strides = array<i32>} : memref<16x128xf32, #tpu.memory_space<vmem>>, vector<1x16xf32>,
        %swap3A_220 = vector.shape_cast %swap3A_219 : vector<1x16xf32> to vector<16xf32>
        %swap3A_221 = vector.shape_cast %add3A_213 : vector<16xf32> to vector<1x16xf32>
        tpu.vector_store %arg12[%swap3A, %swap3A_218], %swap3A_221 {strides = array<i32>} : memref<16x128xf32, #tpu.memory_space<vmem>>, vector<1x16xf32>,
        %mul3A_222 = arith.constant 16 : i32
        %mul3A_223 = arith.muli %scan3A_170, %mul3A_222 : i32
        %add3A_224 = arith.constant 1 : i32
        %add3A_225 = arith.addi %mul3A_223, %add3A_224 : i32
        %get3A_226 = arith.index_cast %add3A_225 : i32 to index
        %get3A_227 = arith.constant 0 : index
        %get3A_228 = tpu.vector_load %arg8[%get3A_226, %get3A_227] {strides = array<i32>} : memref<128x128xf32, #tpu.memory_space<vmem>>, vector<1x16xf32>,
        %get3A_229 = vector.shape_cast %get3A_228 : vector<1x16xf32> to vector<16xf32>
        %get3A_230 = arith.index_cast %add3A_225 : i32 to index
        %get3A_231 = arith.constant 0 : index
        %get3A_232 = tpu.vector_load %arg9[%get3A_230, %get3A_231] {strides = array<i32>} : memref<128x128xf32, #tpu.memory_space<vmem>>, vector<1x16xf32>,
        %get3A_233 = vector.shape_cast %get3A_232 : vector<1x16xf32> to vector<16xf32>
        %mul3A_234 = arith.mulf %get3A_229, %get3A_233 : vector<16xf32>
        %get3A_235 = arith.index_cast %add3A_225 : i32 to index
        %get3A_236 = arith.constant 16 : index
        %get3A_237 = tpu.vector_load %arg8[%get3A_235, %get3A_236] {strides = array<i32>} : memref<128x128xf32, #tpu.memory_space<vmem>>, vector<1x16xf32>,
        %get3A_238 = vector.shape_cast %get3A_237 : vector<1x16xf32> to vector<16xf32>
        %get3A_239 = arith.index_cast %add3A_225 : i32 to index
        %get3A_240 = arith.constant 16 : index
        %get3A_241 = tpu.vector_load %arg9[%get3A_239, %get3A_240] {strides = array<i32>} : memref<128x128xf32, #tpu.memory_space<vmem>>, vector<1x16xf32>,
        %get3A_242 = vector.shape_cast %get3A_241 : vector<1x16xf32> to vector<16xf32>
        %mul3A_243 = arith.mulf %get3A_238, %get3A_242 : vector<16xf32>
        %add3A_244 = arith.addf %mul3A_234, %mul3A_243 : vector<16xf32>
        %get3A_245 = arith.index_cast %add3A_225 : i32 to index
        %get3A_246 = arith.constant 32 : index
        %get3A_247 = tpu.vector_load %arg8[%get3A_245, %get3A_246] {strides = array<i32>} : memref<128x128xf32, #tpu.memory_space<vmem>>, vector<1x16xf32>,
        %get3A_248 = vector.shape_cast %get3A_247 : vector<1x16xf32> to vector<16xf32>
        %get3A_249 = arith.index_cast %add3A_225 : i32 to index
        %get3A_250 = arith.constant 32 : index
        %get3A_251 = tpu.vector_load %arg9[%get3A_249, %get3A_250] {strides = array<i32>} : memref<128x128xf32, #tpu.memory_space<vmem>>, vector<1x16xf32>,
        %get3A_252 = vector.shape_cast %get3A_251 : vector<1x16xf32> to vector<16xf32>
        %mul3A_253 = arith.mulf %get3A_248, %get3A_252 : vector<16xf32>
        %add3A_254 = arith.addf %add3A_244, %mul3A_253 : vector<16xf32>
        %get3A_255 = arith.index_cast %add3A_225 : i32 to index
        %get3A_256 = arith.constant 48 : index
        %get3A_257 = tpu.vector_load %arg8[%get3A_255, %get3A_256] {strides = array<i32>} : memref<128x128xf32, #tpu.memory_space<vmem>>, vector<1x16xf32>,
        %get3A_258 = vector.shape_cast %get3A_257 : vector<1x16xf32> to vector<16xf32>
        %get3A_259 = arith.index_cast %add3A_225 : i32 to index
        %get3A_260 = arith.constant 48 : index
        %get3A_261 = tpu.vector_load %arg9[%get3A_259, %get3A_260] {strides = array<i32>} : memref<128x128xf32, #tpu.memory_space<vmem>>, vector<1x16xf32>,
        %get3A_262 = vector.shape_cast %get3A_261 : vector<1x16xf32> to vector<16xf32>
        %mul3A_263 = arith.mulf %get3A_258, %get3A_262 : vector<16xf32>
        %add3A_264 = arith.addf %add3A_254, %mul3A_263 : vector<16xf32>
        %mul3A_265 = arith.constant 2 : i32
        %mul3A_266 = arith.muli %mul3A_265, %scan3A_170 : i32
        %add3A_267 = arith.constant 0 : i32
        %add3A_268 = arith.addi %mul3A_266, %add3A_267 : i32
        %swap3A_269 = arith.index_cast %add3A_268 : i32 to index
        %swap3A_270 = arith.constant 16 : index
        %swap3A_271 = tpu.vector_load %arg12[%swap3A_269, %swap3A_270] {strides = array<i32>} : memref<16x128xf32, #tpu.memory_space<vmem>>, vector<1x16xf32>,
        %swap3A_272 = vector.shape_cast %swap3A_271 : vector<1x16xf32> to vector<16xf32>
        %swap3A_273 = vector.shape_cast %add3A_264 : vector<16xf32> to vector<1x16xf32>
        tpu.vector_store %arg12[%swap3A_269, %swap3A_270], %swap3A_273 {strides = array<i32>} : memref<16x128xf32, #tpu.memory_space<vmem>>, vector<1x16xf32>,
        %mul3A_274 = arith.constant 16 : i32
        %mul3A_275 = arith.muli %scan3A_170, %mul3A_274 : i32
        %add3A_276 = arith.constant 2 : i32
        %add3A_277 = arith.addi %mul3A_275, %add3A_276 : i32
        %get3A_278 = arith.index_cast %add3A_277 : i32 to index
        %get3A_279 = arith.constant 0 : index
        %get3A_280 = tpu.vector_load %arg8[%get3A_278, %get3A_279] {strides = array<i32>} : memref<128x128xf32, #tpu.memory_space<vmem>>, vector<1x16xf32>,
        %get3A_281 = vector.shape_cast %get3A_280 : vector<1x16xf32> to vector<16xf32>
        %get3A_282 = arith.index_cast %add3A_277 : i32 to index
        %get3A_283 = arith.constant 0 : index
        %get3A_284 = tpu.vector_load %arg9[%get3A_282, %get3A_283] {strides = array<i32>} : memref<128x128xf32, #tpu.memory_space<vmem>>, vector<1x16xf32>,
        %get3A_285 = vector.shape_cast %get3A_284 : vector<1x16xf32> to vector<16xf32>
        %mul3A_286 = arith.mulf %get3A_281, %get3A_285 : vector<16xf32>
        %get3A_287 = arith.index_cast %add3A_277 : i32 to index
        %get3A_288 = arith.constant 16 : index
        %get3A_289 = tpu.vector_load %arg8[%get3A_287, %get3A_288] {strides = array<i32>} : memref<128x128xf32, #tpu.memory_space<vmem>>, vector<1x16xf32>,
        %get3A_290 = vector.shape_cast %get3A_289 : vector<1x16xf32> to vector<16xf32>
        %get3A_291 = arith.index_cast %add3A_277 : i32 to index
        %get3A_292 = arith.constant 16 : index
        %get3A_293 = tpu.vector_load %arg9[%get3A_291, %get3A_292] {strides = array<i32>} : memref<128x128xf32, #tpu.memory_space<vmem>>, vector<1x16xf32>,
        %get3A_294 = vector.shape_cast %get3A_293 : vector<1x16xf32> to vector<16xf32>
        %mul3A_295 = arith.mulf %get3A_290, %get3A_294 : vector<16xf32>
        %add3A_296 = arith.addf %mul3A_286, %mul3A_295 : vector<16xf32>
        %get3A_297 = arith.index_cast %add3A_277 : i32 to index
        %get3A_298 = arith.constant 32 : index
        %get3A_299 = tpu.vector_load %arg8[%get3A_297, %get3A_298] {strides = array<i32>} : memref<128x128xf32, #tpu.memory_space<vmem>>, vector<1x16xf32>,
        %get3A_300 = vector.shape_cast %get3A_299 : vector<1x16xf32> to vector<16xf32>
        %get3A_301 = arith.index_cast %add3A_277 : i32 to index
        %get3A_302 = arith.constant 32 : index
        %get3A_303 = tpu.vector_load %arg9[%get3A_301, %get3A_302] {strides = array<i32>} : memref<128x128xf32, #tpu.memory_space<vmem>>, vector<1x16xf32>,
        %get3A_304 = vector.shape_cast %get3A_303 : vector<1x16xf32> to vector<16xf32>
        %mul3A_305 = arith.mulf %get3A_300, %get3A_304 : vector<16xf32>
        %add3A_306 = arith.addf %add3A_296, %mul3A_305 : vector<16xf32>
        %get3A_307 = arith.index_cast %add3A_277 : i32 to index
        %get3A_308 = arith.constant 48 : index
        %get3A_309 = tpu.vector_load %arg8[%get3A_307, %get3A_308] {strides = array<i32>} : memref<128x128xf32, #tpu.memory_space<vmem>>, vector<1x16xf32>,
        %get3A_310 = vector.shape_cast %get3A_309 : vector<1x16xf32> to vector<16xf32>
        %get3A_311 = arith.index_cast %add3A_277 : i32 to index
        %get3A_312 = arith.constant 48 : index
        %get3A_313 = tpu.vector_load %arg9[%get3A_311, %get3A_312] {strides = array<i32>} : memref<128x128xf32, #tpu.memory_space<vmem>>, vector<1x16xf32>,
        %get3A_314 = vector.shape_cast %get3A_313 : vector<1x16xf32> to vector<16xf32>
        %mul3A_315 = arith.mulf %get3A_310, %get3A_314 : vector<16xf32>
        %add3A_316 = arith.addf %add3A_306, %mul3A_315 : vector<16xf32>
        %mul3A_317 = arith.constant 2 : i32
        %mul3A_318 = arith.muli %mul3A_317, %scan3A_170 : i32
        %add3A_319 = arith.constant 0 : i32
        %add3A_320 = arith.addi %mul3A_318, %add3A_319 : i32
        %swap3A_321 = arith.index_cast %add3A_320 : i32 to index
        %swap3A_322 = arith.constant 32 : index
        %swap3A_323 = tpu.vector_load %arg12[%swap3A_321, %swap3A_322] {strides = array<i32>} : memref<16x128xf32, #tpu.memory_space<vmem>>, vector<1x16xf32>,
        %swap3A_324 = vector.shape_cast %swap3A_323 : vector<1x16xf32> to vector<16xf32>
        %swap3A_325 = vector.shape_cast %add3A_316 : vector<16xf32> to vector<1x16xf32>
        tpu.vector_store %arg12[%swap3A_321, %swap3A_322], %swap3A_325 {strides = array<i32>} : memref<16x128xf32, #tpu.memory_space<vmem>>, vector<1x16xf32>,
        %mul3A_326 = arith.constant 16 : i32
        %mul3A_327 = arith.muli %scan3A_170, %mul3A_326 : i32
        %add3A_328 = arith.constant 3 : i32
        %add3A_329 = arith.addi %mul3A_327, %add3A_328 : i32
        %get3A_330 = arith.index_cast %add3A_329 : i32 to index
        %get3A_331 = arith.constant 0 : index
        %get3A_332 = tpu.vector_load %arg8[%get3A_330, %get3A_331] {strides = array<i32>} : memref<128x128xf32, #tpu.memory_space<vmem>>, vector<1x16xf32>,
        %get3A_333 = vector.shape_cast %get3A_332 : vector<1x16xf32> to vector<16xf32>
        %get3A_334 = arith.index_cast %add3A_329 : i32 to index
        %get3A_335 = arith.constant 0 : index
        %get3A_336 = tpu.vector_load %arg9[%get3A_334, %get3A_335] {strides = array<i32>} : memref<128x128xf32, #tpu.memory_space<vmem>>, vector<1x16xf32>,
        %get3A_337 = vector.shape_cast %get3A_336 : vector<1x16xf32> to vector<16xf32>
        %mul3A_338 = arith.mulf %get3A_333, %get3A_337 : vector<16xf32>
        %get3A_339 = arith.index_cast %add3A_329 : i32 to index
        %get3A_340 = arith.constant 16 : index
        %get3A_341 = tpu.vector_load %arg8[%get3A_339, %get3A_340] {strides = array<i32>} : memref<128x128xf32, #tpu.memory_space<vmem>>, vector<1x16xf32>,
        %get3A_342 = vector.shape_cast %get3A_341 : vector<1x16xf32> to vector<16xf32>
        %get3A_343 = arith.index_cast %add3A_329 : i32 to index
        %get3A_344 = arith.constant 16 : index
        %get3A_345 = tpu.vector_load %arg9[%get3A_343, %get3A_344] {strides = array<i32>} : memref<128x128xf32, #tpu.memory_space<vmem>>, vector<1x16xf32>,
        %get3A_346 = vector.shape_cast %get3A_345 : vector<1x16xf32> to vector<16xf32>
        %mul3A_347 = arith.mulf %get3A_342, %get3A_346 : vector<16xf32>
        %add3A_348 = arith.addf %mul3A_338, %mul3A_347 : vector<16xf32>
        %get3A_349 = arith.index_cast %add3A_329 : i32 to index
        %get3A_350 = arith.constant 32 : index
        %get3A_351 = tpu.vector_load %arg8[%get3A_349, %get3A_350] {strides = array<i32>} : memref<128x128xf32, #tpu.memory_space<vmem>>, vector<1x16xf32>,
        %get3A_352 = vector.shape_cast %get3A_351 : vector<1x16xf32> to vector<16xf32>
        %get3A_353 = arith.index_cast %add3A_329 : i32 to index
        %get3A_354 = arith.constant 32 : index
        %get3A_355 = tpu.vector_load %arg9[%get3A_353, %get3A_354] {strides = array<i32>} : memref<128x128xf32, #tpu.memory_space<vmem>>, vector<1x16xf32>,
        %get3A_356 = vector.shape_cast %get3A_355 : vector<1x16xf32> to vector<16xf32>
        %mul3A_357 = arith.mulf %get3A_352, %get3A_356 : vector<16xf32>
        %add3A_358 = arith.addf %add3A_348, %mul3A_357 : vector<16xf32>
        %get3A_359 = arith.index_cast %add3A_329 : i32 to index
        %get3A_360 = arith.constant 48 : index
        %get3A_361 = tpu.vector_load %arg8[%get3A_359, %get3A_360] {strides = array<i32>} : memref<128x128xf32, #tpu.memory_space<vmem>>, vector<1x16xf32>,
        %get3A_362 = vector.shape_cast %get3A_361 : vector<1x16xf32> to vector<16xf32>
        %get3A_363 = arith.index_cast %add3A_329 : i32 to index
        %get3A_364 = arith.constant 48 : index
        %get3A_365 = tpu.vector_load %arg9[%get3A_363, %get3A_364] {strides = array<i32>} : memref<128x128xf32, #tpu.memory_space<vmem>>, vector<1x16xf32>,
        %get3A_366 = vector.shape_cast %get3A_365 : vector<1x16xf32> to vector<16xf32>
        %mul3A_367 = arith.mulf %get3A_362, %get3A_366 : vector<16xf32>
        %add3A_368 = arith.addf %add3A_358, %mul3A_367 : vector<16xf32>
        %mul3A_369 = arith.constant 2 : i32
        %mul3A_370 = arith.muli %mul3A_369, %scan3A_170 : i32
        %add3A_371 = arith.constant 0 : i32
        %add3A_372 = arith.addi %mul3A_370, %add3A_371 : i32
        %swap3A_373 = arith.index_cast %add3A_372 : i32 to index
        %swap3A_374 = arith.constant 48 : index
        %swap3A_375 = tpu.vector_load %arg12[%swap3A_373, %swap3A_374] {strides = array<i32>} : memref<16x128xf32, #tpu.memory_space<vmem>>, vector<1x16xf32>,
        %swap3A_376 = vector.shape_cast %swap3A_375 : vector<1x16xf32> to vector<16xf32>
        %swap3A_377 = vector.shape_cast %add3A_368 : vector<16xf32> to vector<1x16xf32>
        tpu.vector_store %arg12[%swap3A_373, %swap3A_374], %swap3A_377 {strides = array<i32>} : memref<16x128xf32, #tpu.memory_space<vmem>>, vector<1x16xf32>,
        %mul3A_378 = arith.constant 16 : i32
        %mul3A_379 = arith.muli %scan3A_170, %mul3A_378 : i32
        %add3A_380 = arith.constant 4 : i32
        %add3A_381 = arith.addi %mul3A_379, %add3A_380 : i32
        %get3A_382 = arith.index_cast %add3A_381 : i32 to index
        %get3A_383 = arith.constant 0 : index
        %get3A_384 = tpu.vector_load %arg8[%get3A_382, %get3A_383] {strides = array<i32>} : memref<128x128xf32, #tpu.memory_space<vmem>>, vector<1x16xf32>,
        %get3A_385 = vector.shape_cast %get3A_384 : vector<1x16xf32> to vector<16xf32>
        %get3A_386 = arith.index_cast %add3A_381 : i32 to index
        %get3A_387 = arith.constant 0 : index
        %get3A_388 = tpu.vector_load %arg9[%get3A_386, %get3A_387] {strides = array<i32>} : memref<128x128xf32, #tpu.memory_space<vmem>>, vector<1x16xf32>,
        %get3A_389 = vector.shape_cast %get3A_388 : vector<1x16xf32> to vector<16xf32>
        %mul3A_390 = arith.mulf %get3A_385, %get3A_389 : vector<16xf32>
        %get3A_391 = arith.index_cast %add3A_381 : i32 to index
        %get3A_392 = arith.constant 16 : index
        %get3A_393 = tpu.vector_load %arg8[%get3A_391, %get3A_392] {strides = array<i32>} : memref<128x128xf32, #tpu.memory_space<vmem>>, vector<1x16xf32>,
        %get3A_394 = vector.shape_cast %get3A_393 : vector<1x16xf32> to vector<16xf32>
        %get3A_395 = arith.index_cast %add3A_381 : i32 to index
        %get3A_396 = arith.constant 16 : index
        %get3A_397 = tpu.vector_load %arg9[%get3A_395, %get3A_396] {strides = array<i32>} : memref<128x128xf32, #tpu.memory_space<vmem>>, vector<1x16xf32>,
        %get3A_398 = vector.shape_cast %get3A_397 : vector<1x16xf32> to vector<16xf32>
        %mul3A_399 = arith.mulf %get3A_394, %get3A_398 : vector<16xf32>
        %add3A_400 = arith.addf %mul3A_390, %mul3A_399 : vector<16xf32>
        %get3A_401 = arith.index_cast %add3A_381 : i32 to index
        %get3A_402 = arith.constant 32 : index
        %get3A_403 = tpu.vector_load %arg8[%get3A_401, %get3A_402] {strides = array<i32>} : memref<128x128xf32, #tpu.memory_space<vmem>>, vector<1x16xf32>,
        %get3A_404 = vector.shape_cast %get3A_403 : vector<1x16xf32> to vector<16xf32>
        %get3A_405 = arith.index_cast %add3A_381 : i32 to index
        %get3A_406 = arith.constant 32 : index
        %get3A_407 = tpu.vector_load %arg9[%get3A_405, %get3A_406] {strides = array<i32>} : memref<128x128xf32, #tpu.memory_space<vmem>>, vector<1x16xf32>,
        %get3A_408 = vector.shape_cast %get3A_407 : vector<1x16xf32> to vector<16xf32>
        %mul3A_409 = arith.mulf %get3A_404, %get3A_408 : vector<16xf32>
        %add3A_410 = arith.addf %add3A_400, %mul3A_409 : vector<16xf32>
        %get3A_411 = arith.index_cast %add3A_381 : i32 to index
        %get3A_412 = arith.constant 48 : index
        %get3A_413 = tpu.vector_load %arg8[%get3A_411, %get3A_412] {strides = array<i32>} : memref<128x128xf32, #tpu.memory_space<vmem>>, vector<1x16xf32>,
        %get3A_414 = vector.shape_cast %get3A_413 : vector<1x16xf32> to vector<16xf32>
        %get3A_415 = arith.index_cast %add3A_381 : i32 to index
        %get3A_416 = arith.constant 48 : index
        %get3A_417 = tpu.vector_load %arg9[%get3A_415, %get3A_416] {strides = array<i32>} : memref<128x128xf32, #tpu.memory_space<vmem>>, vector<1x16xf32>,
        %get3A_418 = vector.shape_cast %get3A_417 : vector<1x16xf32> to vector<16xf32>
        %mul3A_419 = arith.mulf %get3A_414, %get3A_418 : vector<16xf32>
        %add3A_420 = arith.addf %add3A_410, %mul3A_419 : vector<16xf32>
        %mul3A_421 = arith.constant 2 : i32
        %mul3A_422 = arith.muli %mul3A_421, %scan3A_170 : i32
        %add3A_423 = arith.constant 0 : i32
        %add3A_424 = arith.addi %mul3A_422, %add3A_423 : i32
        %swap3A_425 = arith.index_cast %add3A_424 : i32 to index
        %swap3A_426 = arith.constant 64 : index
        %swap3A_427 = tpu.vector_load %arg12[%swap3A_425, %swap3A_426] {strides = array<i32>} : memref<16x128xf32, #tpu.memory_space<vmem>>, vector<1x16xf32>,
        %swap3A_428 = vector.shape_cast %swap3A_427 : vector<1x16xf32> to vector<16xf32>
        %swap3A_429 = vector.shape_cast %add3A_420 : vector<16xf32> to vector<1x16xf32>
        tpu.vector_store %arg12[%swap3A_425, %swap3A_426], %swap3A_429 {strides = array<i32>} : memref<16x128xf32, #tpu.memory_space<vmem>>, vector<1x16xf32>,
        %mul3A_430 = arith.constant 16 : i32
        %mul3A_431 = arith.muli %scan3A_170, %mul3A_430 : i32
        %add3A_432 = arith.constant 5 : i32
        %add3A_433 = arith.addi %mul3A_431, %add3A_432 : i32
        %get3A_434 = arith.index_cast %add3A_433 : i32 to index
        %get3A_435 = arith.constant 0 : index
        %get3A_436 = tpu.vector_load %arg8[%get3A_434, %get3A_435] {strides = array<i32>} : memref<128x128xf32, #tpu.memory_space<vmem>>, vector<1x16xf32>,
        %get3A_437 = vector.shape_cast %get3A_436 : vector<1x16xf32> to vector<16xf32>
        %get3A_438 = arith.index_cast %add3A_433 : i32 to index
        %get3A_439 = arith.constant 0 : index
        %get3A_440 = tpu.vector_load %arg9[%get3A_438, %get3A_439] {strides = array<i32>} : memref<128x128xf32, #tpu.memory_space<vmem>>, vector<1x16xf32>,
        %get3A_441 = vector.shape_cast %get3A_440 : vector<1x16xf32> to vector<16xf32>
        %mul3A_442 = arith.mulf %get3A_437, %get3A_441 : vector<16xf32>
        %get3A_443 = arith.index_cast %add3A_433 : i32 to index
        %get3A_444 = arith.constant 16 : index
        %get3A_445 = tpu.vector_load %arg8[%get3A_443, %get3A_444] {strides = array<i32>} : memref<128x128xf32, #tpu.memory_space<vmem>>, vector<1x16xf32>,
        %get3A_446 = vector.shape_cast %get3A_445 : vector<1x16xf32> to vector<16xf32>
        %get3A_447 = arith.index_cast %add3A_433 : i32 to index
        %get3A_448 = arith.constant 16 : index
        %get3A_449 = tpu.vector_load %arg9[%get3A_447, %get3A_448] {strides = array<i32>} : memref<128x128xf32, #tpu.memory_space<vmem>>, vector<1x16xf32>,
        %get3A_450 = vector.shape_cast %get3A_449 : vector<1x16xf32> to vector<16xf32>
        %mul3A_451 = arith.mulf %get3A_446, %get3A_450 : vector<16xf32>
        %add3A_452 = arith.addf %mul3A_442, %mul3A_451 : vector<16xf32>
        %get3A_453 = arith.index_cast %add3A_433 : i32 to index
        %get3A_454 = arith.constant 32 : index
        %get3A_455 = tpu.vector_load %arg8[%get3A_453, %get3A_454] {strides = array<i32>} : memref<128x128xf32, #tpu.memory_space<vmem>>, vector<1x16xf32>,
        %get3A_456 = vector.shape_cast %get3A_455 : vector<1x16xf32> to vector<16xf32>
        %get3A_457 = arith.index_cast %add3A_433 : i32 to index
        %get3A_458 = arith.constant 32 : index
        %get3A_459 = tpu.vector_load %arg9[%get3A_457, %get3A_458] {strides = array<i32>} : memref<128x128xf32, #tpu.memory_space<vmem>>, vector<1x16xf32>,
        %get3A_460 = vector.shape_cast %get3A_459 : vector<1x16xf32> to vector<16xf32>
        %mul3A_461 = arith.mulf %get3A_456, %get3A_460 : vector<16xf32>
        %add3A_462 = arith.addf %add3A_452, %mul3A_461 : vector<16xf32>
        %get3A_463 = arith.index_cast %add3A_433 : i32 to index
        %get3A_464 = arith.constant 48 : index
        %get3A_465 = tpu.vector_load %arg8[%get3A_463, %get3A_464] {strides = array<i32>} : memref<128x128xf32, #tpu.memory_space<vmem>>, vector<1x16xf32>,
        %get3A_466 = vector.shape_cast %get3A_465 : vector<1x16xf32> to vector<16xf32>
        %get3A_467 = arith.index_cast %add3A_433 : i32 to index
        %get3A_468 = arith.constant 48 : index
        %get3A_469 = tpu.vector_load %arg9[%get3A_467, %get3A_468] {strides = array<i32>} : memref<128x128xf32, #tpu.memory_space<vmem>>, vector<1x16xf32>,
        %get3A_470 = vector.shape_cast %get3A_469 : vector<1x16xf32> to vector<16xf32>
        %mul3A_471 = arith.mulf %get3A_466, %get3A_470 : vector<16xf32>
        %add3A_472 = arith.addf %add3A_462, %mul3A_471 : vector<16xf32>
        %mul3A_473 = arith.constant 2 : i32
        %mul3A_474 = arith.muli %mul3A_473, %scan3A_170 : i32
        %add3A_475 = arith.constant 0 : i32
        %add3A_476 = arith.addi %mul3A_474, %add3A_475 : i32
        %swap3A_477 = arith.index_cast %add3A_476 : i32 to index
        %swap3A_478 = arith.constant 80 : index
        %swap3A_479 = tpu.vector_load %arg12[%swap3A_477, %swap3A_478] {strides = array<i32>} : memref<16x128xf32, #tpu.memory_space<vmem>>, vector<1x16xf32>,
        %swap3A_480 = vector.shape_cast %swap3A_479 : vector<1x16xf32> to vector<16xf32>
        %swap3A_481 = vector.shape_cast %add3A_472 : vector<16xf32> to vector<1x16xf32>
        tpu.vector_store %arg12[%swap3A_477, %swap3A_478], %swap3A_481 {strides = array<i32>} : memref<16x128xf32, #tpu.memory_space<vmem>>, vector<1x16xf32>,
        %mul3A_482 = arith.constant 16 : i32
        %mul3A_483 = arith.muli %scan3A_170, %mul3A_482 : i32
        %add3A_484 = arith.constant 6 : i32
        %add3A_485 = arith.addi %mul3A_483, %add3A_484 : i32
        %get3A_486 = arith.index_cast %add3A_485 : i32 to index
        %get3A_487 = arith.constant 0 : index
        %get3A_488 = tpu.vector_load %arg8[%get3A_486, %get3A_487] {strides = array<i32>} : memref<128x128xf32, #tpu.memory_space<vmem>>, vector<1x16xf32>,
        %get3A_489 = vector.shape_cast %get3A_488 : vector<1x16xf32> to vector<16xf32>
        %get3A_490 = arith.index_cast %add3A_485 : i32 to index
        %get3A_491 = arith.constant 0 : index
        %get3A_492 = tpu.vector_load %arg9[%get3A_490, %get3A_491] {strides = array<i32>} : memref<128x128xf32, #tpu.memory_space<vmem>>, vector<1x16xf32>,
        %get3A_493 = vector.shape_cast %get3A_492 : vector<1x16xf32> to vector<16xf32>
        %mul3A_494 = arith.mulf %get3A_489, %get3A_493 : vector<16xf32>
        %get3A_495 = arith.index_cast %add3A_485 : i32 to index
        %get3A_496 = arith.constant 16 : index
        %get3A_497 = tpu.vector_load %arg8[%get3A_495, %get3A_496] {strides = array<i32>} : memref<128x128xf32, #tpu.memory_space<vmem>>, vector<1x16xf32>,
        %get3A_498 = vector.shape_cast %get3A_497 : vector<1x16xf32> to vector<16xf32>
        %get3A_499 = arith.index_cast %add3A_485 : i32 to index
        %get3A_500 = arith.constant 16 : index
        %get3A_501 = tpu.vector_load %arg9[%get3A_499, %get3A_500] {strides = array<i32>} : memref<128x128xf32, #tpu.memory_space<vmem>>, vector<1x16xf32>,
        %get3A_502 = vector.shape_cast %get3A_501 : vector<1x16xf32> to vector<16xf32>
        %mul3A_503 = arith.mulf %get3A_498, %get3A_502 : vector<16xf32>
        %add3A_504 = arith.addf %mul3A_494, %mul3A_503 : vector<16xf32>
        %get3A_505 = arith.index_cast %add3A_485 : i32 to index
        %get3A_506 = arith.constant 32 : index
        %get3A_507 = tpu.vector_load %arg8[%get3A_505, %get3A_506] {strides = array<i32>} : memref<128x128xf32, #tpu.memory_space<vmem>>, vector<1x16xf32>,
        %get3A_508 = vector.shape_cast %get3A_507 : vector<1x16xf32> to vector<16xf32>
        %get3A_509 = arith.index_cast %add3A_485 : i32 to index
        %get3A_510 = arith.constant 32 : index
        %get3A_511 = tpu.vector_load %arg9[%get3A_509, %get3A_510] {strides = array<i32>} : memref<128x128xf32, #tpu.memory_space<vmem>>, vector<1x16xf32>,
        %get3A_512 = vector.shape_cast %get3A_511 : vector<1x16xf32> to vector<16xf32>
        %mul3A_513 = arith.mulf %get3A_508, %get3A_512 : vector<16xf32>
        %add3A_514 = arith.addf %add3A_504, %mul3A_513 : vector<16xf32>
        %get3A_515 = arith.index_cast %add3A_485 : i32 to index
        %get3A_516 = arith.constant 48 : index
        %get3A_517 = tpu.vector_load %arg8[%get3A_515, %get3A_516] {strides = array<i32>} : memref<128x128xf32, #tpu.memory_space<vmem>>, vector<1x16xf32>,
        %get3A_518 = vector.shape_cast %get3A_517 : vector<1x16xf32> to vector<16xf32>
        %get3A_519 = arith.index_cast %add3A_485 : i32 to index
        %get3A_520 = arith.constant 48 : index
        %get3A_521 = tpu.vector_load %arg9[%get3A_519, %get3A_520] {strides = array<i32>} : memref<128x128xf32, #tpu.memory_space<vmem>>, vector<1x16xf32>,
        %get3A_522 = vector.shape_cast %get3A_521 : vector<1x16xf32> to vector<16xf32>
        %mul3A_523 = arith.mulf %get3A_518, %get3A_522 : vector<16xf32>
        %add3A_524 = arith.addf %add3A_514, %mul3A_523 : vector<16xf32>
        %mul3A_525 = arith.constant 2 : i32
        %mul3A_526 = arith.muli %mul3A_525, %scan3A_170 : i32
        %add3A_527 = arith.constant 0 : i32
        %add3A_528 = arith.addi %mul3A_526, %add3A_527 : i32
        %swap3A_529 = arith.index_cast %add3A_528 : i32 to index
        %swap3A_530 = arith.constant 96 : index
        %swap3A_531 = tpu.vector_load %arg12[%swap3A_529, %swap3A_530] {strides = array<i32>} : memref<16x128xf32, #tpu.memory_space<vmem>>, vector<1x16xf32>,
        %swap3A_532 = vector.shape_cast %swap3A_531 : vector<1x16xf32> to vector<16xf32>
        %swap3A_533 = vector.shape_cast %add3A_524 : vector<16xf32> to vector<1x16xf32>
        tpu.vector_store %arg12[%swap3A_529, %swap3A_530], %swap3A_533 {strides = array<i32>} : memref<16x128xf32, #tpu.memory_space<vmem>>, vector<1x16xf32>,
        %mul3A_534 = arith.constant 16 : i32
        %mul3A_535 = arith.muli %scan3A_170, %mul3A_534 : i32
        %add3A_536 = arith.constant 7 : i32
        %add3A_537 = arith.addi %mul3A_535, %add3A_536 : i32
        %get3A_538 = arith.index_cast %add3A_537 : i32 to index
        %get3A_539 = arith.constant 0 : index
        %get3A_540 = tpu.vector_load %arg8[%get3A_538, %get3A_539] {strides = array<i32>} : memref<128x128xf32, #tpu.memory_space<vmem>>, vector<1x16xf32>,
        %get3A_541 = vector.shape_cast %get3A_540 : vector<1x16xf32> to vector<16xf32>
        %get3A_542 = arith.index_cast %add3A_537 : i32 to index
        %get3A_543 = arith.constant 0 : index
        %get3A_544 = tpu.vector_load %arg9[%get3A_542, %get3A_543] {strides = array<i32>} : memref<128x128xf32, #tpu.memory_space<vmem>>, vector<1x16xf32>,
        %get3A_545 = vector.shape_cast %get3A_544 : vector<1x16xf32> to vector<16xf32>
        %mul3A_546 = arith.mulf %get3A_541, %get3A_545 : vector<16xf32>
        %get3A_547 = arith.index_cast %add3A_537 : i32 to index
        %get3A_548 = arith.constant 16 : index
        %get3A_549 = tpu.vector_load %arg8[%get3A_547, %get3A_548] {strides = array<i32>} : memref<128x128xf32, #tpu.memory_space<vmem>>, vector<1x16xf32>,
        %get3A_550 = vector.shape_cast %get3A_549 : vector<1x16xf32> to vector<16xf32>
        %get3A_551 = arith.index_cast %add3A_537 : i32 to index
        %get3A_552 = arith.constant 16 : index
        %get3A_553 = tpu.vector_load %arg9[%get3A_551, %get3A_552] {strides = array<i32>} : memref<128x128xf32, #tpu.memory_space<vmem>>, vector<1x16xf32>,
        %get3A_554 = vector.shape_cast %get3A_553 : vector<1x16xf32> to vector<16xf32>
        %mul3A_555 = arith.mulf %get3A_550, %get3A_554 : vector<16xf32>
        %add3A_556 = arith.addf %mul3A_546, %mul3A_555 : vector<16xf32>
        %get3A_557 = arith.index_cast %add3A_537 : i32 to index
        %get3A_558 = arith.constant 32 : index
        %get3A_559 = tpu.vector_load %arg8[%get3A_557, %get3A_558] {strides = array<i32>} : memref<128x128xf32, #tpu.memory_space<vmem>>, vector<1x16xf32>,
        %get3A_560 = vector.shape_cast %get3A_559 : vector<1x16xf32> to vector<16xf32>
        %get3A_561 = arith.index_cast %add3A_537 : i32 to index
        %get3A_562 = arith.constant 32 : index
        %get3A_563 = tpu.vector_load %arg9[%get3A_561, %get3A_562] {strides = array<i32>} : memref<128x128xf32, #tpu.memory_space<vmem>>, vector<1x16xf32>,
        %get3A_564 = vector.shape_cast %get3A_563 : vector<1x16xf32> to vector<16xf32>
        %mul3A_565 = arith.mulf %get3A_560, %get3A_564 : vector<16xf32>
        %add3A_566 = arith.addf %add3A_556, %mul3A_565 : vector<16xf32>
        %get3A_567 = arith.index_cast %add3A_537 : i32 to index
        %get3A_568 = arith.constant 48 : index
        %get3A_569 = tpu.vector_load %arg8[%get3A_567, %get3A_568] {strides = array<i32>} : memref<128x128xf32, #tpu.memory_space<vmem>>, vector<1x16xf32>,
        %get3A_570 = vector.shape_cast %get3A_569 : vector<1x16xf32> to vector<16xf32>
        %get3A_571 = arith.index_cast %add3A_537 : i32 to index
        %get3A_572 = arith.constant 48 : index
        %get3A_573 = tpu.vector_load %arg9[%get3A_571, %get3A_572] {strides = array<i32>} : memref<128x128xf32, #tpu.memory_space<vmem>>, vector<1x16xf32>,
        %get3A_574 = vector.shape_cast %get3A_573 : vector<1x16xf32> to vector<16xf32>
        %mul3A_575 = arith.mulf %get3A_570, %get3A_574 : vector<16xf32>
        %add3A_576 = arith.addf %add3A_566, %mul3A_575 : vector<16xf32>
        %mul3A_577 = arith.constant 2 : i32
        %mul3A_578 = arith.muli %mul3A_577, %scan3A_170 : i32
        %add3A_579 = arith.constant 0 : i32
        %add3A_580 = arith.addi %mul3A_578, %add3A_579 : i32
        %swap3A_581 = arith.index_cast %add3A_580 : i32 to index
        %swap3A_582 = arith.constant 112 : index
        %swap3A_583 = tpu.vector_load %arg12[%swap3A_581, %swap3A_582] {strides = array<i32>} : memref<16x128xf32, #tpu.memory_space<vmem>>, vector<1x16xf32>,
        %swap3A_584 = vector.shape_cast %swap3A_583 : vector<1x16xf32> to vector<16xf32>
        %swap3A_585 = vector.shape_cast %add3A_576 : vector<16xf32> to vector<1x16xf32>
        tpu.vector_store %arg12[%swap3A_581, %swap3A_582], %swap3A_585 {strides = array<i32>} : memref<16x128xf32, #tpu.memory_space<vmem>>, vector<1x16xf32>,
        %mul3A_586 = arith.constant 16 : i32
        %mul3A_587 = arith.muli %scan3A_170, %mul3A_586 : i32
        %add3A_588 = arith.constant 8 : i32
        %add3A_589 = arith.addi %mul3A_587, %add3A_588 : i32
        %get3A_590 = arith.index_cast %add3A_589 : i32 to index
        %get3A_591 = arith.constant 0 : index
        %get3A_592 = tpu.vector_load %arg8[%get3A_590, %get3A_591] {strides = array<i32>} : memref<128x128xf32, #tpu.memory_space<vmem>>, vector<1x16xf32>,
        %get3A_593 = vector.shape_cast %get3A_592 : vector<1x16xf32> to vector<16xf32>
        %get3A_594 = arith.index_cast %add3A_589 : i32 to index
        %get3A_595 = arith.constant 0 : index
        %get3A_596 = tpu.vector_load %arg9[%get3A_594, %get3A_595] {strides = array<i32>} : memref<128x128xf32, #tpu.memory_space<vmem>>, vector<1x16xf32>,
        %get3A_597 = vector.shape_cast %get3A_596 : vector<1x16xf32> to vector<16xf32>
        %mul3A_598 = arith.mulf %get3A_593, %get3A_597 : vector<16xf32>
        %get3A_599 = arith.index_cast %add3A_589 : i32 to index
        %get3A_600 = arith.constant 16 : index
        %get3A_601 = tpu.vector_load %arg8[%get3A_599, %get3A_600] {strides = array<i32>} : memref<128x128xf32, #tpu.memory_space<vmem>>, vector<1x16xf32>,
        %get3A_602 = vector.shape_cast %get3A_601 : vector<1x16xf32> to vector<16xf32>
        %get3A_603 = arith.index_cast %add3A_589 : i32 to index
        %get3A_604 = arith.constant 16 : index
        %get3A_605 = tpu.vector_load %arg9[%get3A_603, %get3A_604] {strides = array<i32>} : memref<128x128xf32, #tpu.memory_space<vmem>>, vector<1x16xf32>,
        %get3A_606 = vector.shape_cast %get3A_605 : vector<1x16xf32> to vector<16xf32>
        %mul3A_607 = arith.mulf %get3A_602, %get3A_606 : vector<16xf32>
        %add3A_608 = arith.addf %mul3A_598, %mul3A_607 : vector<16xf32>
        %get3A_609 = arith.index_cast %add3A_589 : i32 to index
        %get3A_610 = arith.constant 32 : index
        %get3A_611 = tpu.vector_load %arg8[%get3A_609, %get3A_610] {strides = array<i32>} : memref<128x128xf32, #tpu.memory_space<vmem>>, vector<1x16xf32>,
        %get3A_612 = vector.shape_cast %get3A_611 : vector<1x16xf32> to vector<16xf32>
        %get3A_613 = arith.index_cast %add3A_589 : i32 to index
        %get3A_614 = arith.constant 32 : index
        %get3A_615 = tpu.vector_load %arg9[%get3A_613, %get3A_614] {strides = array<i32>} : memref<128x128xf32, #tpu.memory_space<vmem>>, vector<1x16xf32>,
        %get3A_616 = vector.shape_cast %get3A_615 : vector<1x16xf32> to vector<16xf32>
        %mul3A_617 = arith.mulf %get3A_612, %get3A_616 : vector<16xf32>
        %add3A_618 = arith.addf %add3A_608, %mul3A_617 : vector<16xf32>
        %get3A_619 = arith.index_cast %add3A_589 : i32 to index
        %get3A_620 = arith.constant 48 : index
        %get3A_621 = tpu.vector_load %arg8[%get3A_619, %get3A_620] {strides = array<i32>} : memref<128x128xf32, #tpu.memory_space<vmem>>, vector<1x16xf32>,
        %get3A_622 = vector.shape_cast %get3A_621 : vector<1x16xf32> to vector<16xf32>
        %get3A_623 = arith.index_cast %add3A_589 : i32 to index
        %get3A_624 = arith.constant 48 : index
        %get3A_625 = tpu.vector_load %arg9[%get3A_623, %get3A_624] {strides = array<i32>} : memref<128x128xf32, #tpu.memory_space<vmem>>, vector<1x16xf32>,
        %get3A_626 = vector.shape_cast %get3A_625 : vector<1x16xf32> to vector<16xf32>
        %mul3A_627 = arith.mulf %get3A_622, %get3A_626 : vector<16xf32>
        %add3A_628 = arith.addf %add3A_618, %mul3A_627 : vector<16xf32>
        %mul3A_629 = arith.constant 2 : i32
        %mul3A_630 = arith.muli %mul3A_629, %scan3A_170 : i32
        %add3A_631 = arith.constant 1 : i32
        %add3A_632 = arith.addi %mul3A_630, %add3A_631 : i32
        %swap3A_633 = arith.index_cast %add3A_632 : i32 to index
        %swap3A_634 = arith.constant 0 : index
        %swap3A_635 = tpu.vector_load %arg12[%swap3A_633, %swap3A_634] {strides = array<i32>} : memref<16x128xf32, #tpu.memory_space<vmem>>, vector<1x16xf32>,
        %swap3A_636 = vector.shape_cast %swap3A_635 : vector<1x16xf32> to vector<16xf32>
        %swap3A_637 = vector.shape_cast %add3A_628 : vector<16xf32> to vector<1x16xf32>
        tpu.vector_store %arg12[%swap3A_633, %swap3A_634], %swap3A_637 {strides = array<i32>} : memref<16x128xf32, #tpu.memory_space<vmem>>, vector<1x16xf32>,
        %mul3A_638 = arith.constant 16 : i32
        %mul3A_639 = arith.muli %scan3A_170, %mul3A_638 : i32
        %add3A_640 = arith.constant 9 : i32
        %add3A_641 = arith.addi %mul3A_639, %add3A_640 : i32
        %get3A_642 = arith.index_cast %add3A_641 : i32 to index
        %get3A_643 = arith.constant 0 : index
        %get3A_644 = tpu.vector_load %arg8[%get3A_642, %get3A_643] {strides = array<i32>} : memref<128x128xf32, #tpu.memory_space<vmem>>, vector<1x16xf32>,
        %get3A_645 = vector.shape_cast %get3A_644 : vector<1x16xf32> to vector<16xf32>
        %get3A_646 = arith.index_cast %add3A_641 : i32 to index
        %get3A_647 = arith.constant 0 : index
        %get3A_648 = tpu.vector_load %arg9[%get3A_646, %get3A_647] {strides = array<i32>} : memref<128x128xf32, #tpu.memory_space<vmem>>, vector<1x16xf32>,
        %get3A_649 = vector.shape_cast %get3A_648 : vector<1x16xf32> to vector<16xf32>
        %mul3A_650 = arith.mulf %get3A_645, %get3A_649 : vector<16xf32>
        %get3A_651 = arith.index_cast %add3A_641 : i32 to index
        %get3A_652 = arith.constant 16 : index
        %get3A_653 = tpu.vector_load %arg8[%get3A_651, %get3A_652] {strides = array<i32>} : memref<128x128xf32, #tpu.memory_space<vmem>>, vector<1x16xf32>,
        %get3A_654 = vector.shape_cast %get3A_653 : vector<1x16xf32> to vector<16xf32>
        %get3A_655 = arith.index_cast %add3A_641 : i32 to index
        %get3A_656 = arith.constant 16 : index
        %get3A_657 = tpu.vector_load %arg9[%get3A_655, %get3A_656] {strides = array<i32>} : memref<128x128xf32, #tpu.memory_space<vmem>>, vector<1x16xf32>,
        %get3A_658 = vector.shape_cast %get3A_657 : vector<1x16xf32> to vector<16xf32>
        %mul3A_659 = arith.mulf %get3A_654, %get3A_658 : vector<16xf32>
        %add3A_660 = arith.addf %mul3A_650, %mul3A_659 : vector<16xf32>
        %get3A_661 = arith.index_cast %add3A_641 : i32 to index
        %get3A_662 = arith.constant 32 : index
        %get3A_663 = tpu.vector_load %arg8[%get3A_661, %get3A_662] {strides = array<i32>} : memref<128x128xf32, #tpu.memory_space<vmem>>, vector<1x16xf32>,
        %get3A_664 = vector.shape_cast %get3A_663 : vector<1x16xf32> to vector<16xf32>
        %get3A_665 = arith.index_cast %add3A_641 : i32 to index
        %get3A_666 = arith.constant 32 : index
        %get3A_667 = tpu.vector_load %arg9[%get3A_665, %get3A_666] {strides = array<i32>} : memref<128x128xf32, #tpu.memory_space<vmem>>, vector<1x16xf32>,
        %get3A_668 = vector.shape_cast %get3A_667 : vector<1x16xf32> to vector<16xf32>
        %mul3A_669 = arith.mulf %get3A_664, %get3A_668 : vector<16xf32>
        %add3A_670 = arith.addf %add3A_660, %mul3A_669 : vector<16xf32>
        %get3A_671 = arith.index_cast %add3A_641 : i32 to index
        %get3A_672 = arith.constant 48 : index
        %get3A_673 = tpu.vector_load %arg8[%get3A_671, %get3A_672] {strides = array<i32>} : memref<128x128xf32, #tpu.memory_space<vmem>>, vector<1x16xf32>,
        %get3A_674 = vector.shape_cast %get3A_673 : vector<1x16xf32> to vector<16xf32>
        %get3A_675 = arith.index_cast %add3A_641 : i32 to index
        %get3A_676 = arith.constant 48 : index
        %get3A_677 = tpu.vector_load %arg9[%get3A_675, %get3A_676] {strides = array<i32>} : memref<128x128xf32, #tpu.memory_space<vmem>>, vector<1x16xf32>,
        %get3A_678 = vector.shape_cast %get3A_677 : vector<1x16xf32> to vector<16xf32>
        %mul3A_679 = arith.mulf %get3A_674, %get3A_678 : vector<16xf32>
        %add3A_680 = arith.addf %add3A_670, %mul3A_679 : vector<16xf32>
        %mul3A_681 = arith.constant 2 : i32
        %mul3A_682 = arith.muli %mul3A_681, %scan3A_170 : i32
        %add3A_683 = arith.constant 1 : i32
        %add3A_684 = arith.addi %mul3A_682, %add3A_683 : i32
        %swap3A_685 = arith.index_cast %add3A_684 : i32 to index
        %swap3A_686 = arith.constant 16 : index
        %swap3A_687 = tpu.vector_load %arg12[%swap3A_685, %swap3A_686] {strides = array<i32>} : memref<16x128xf32, #tpu.memory_space<vmem>>, vector<1x16xf32>,
        %swap3A_688 = vector.shape_cast %swap3A_687 : vector<1x16xf32> to vector<16xf32>
        %swap3A_689 = vector.shape_cast %add3A_680 : vector<16xf32> to vector<1x16xf32>
        tpu.vector_store %arg12[%swap3A_685, %swap3A_686], %swap3A_689 {strides = array<i32>} : memref<16x128xf32, #tpu.memory_space<vmem>>, vector<1x16xf32>,
        %mul3A_690 = arith.constant 16 : i32
        %mul3A_691 = arith.muli %scan3A_170, %mul3A_690 : i32
        %add3A_692 = arith.constant 10 : i32
        %add3A_693 = arith.addi %mul3A_691, %add3A_692 : i32
        %get3A_694 = arith.index_cast %add3A_693 : i32 to index
        %get3A_695 = arith.constant 0 : index
        %get3A_696 = tpu.vector_load %arg8[%get3A_694, %get3A_695] {strides = array<i32>} : memref<128x128xf32, #tpu.memory_space<vmem>>, vector<1x16xf32>,
        %get3A_697 = vector.shape_cast %get3A_696 : vector<1x16xf32> to vector<16xf32>
        %get3A_698 = arith.index_cast %add3A_693 : i32 to index
        %get3A_699 = arith.constant 0 : index
        %get3A_700 = tpu.vector_load %arg9[%get3A_698, %get3A_699] {strides = array<i32>} : memref<128x128xf32, #tpu.memory_space<vmem>>, vector<1x16xf32>,
        %get3A_701 = vector.shape_cast %get3A_700 : vector<1x16xf32> to vector<16xf32>
        %mul3A_702 = arith.mulf %get3A_697, %get3A_701 : vector<16xf32>
        %get3A_703 = arith.index_cast %add3A_693 : i32 to index
        %get3A_704 = arith.constant 16 : index
        %get3A_705 = tpu.vector_load %arg8[%get3A_703, %get3A_704] {strides = array<i32>} : memref<128x128xf32, #tpu.memory_space<vmem>>, vector<1x16xf32>,
        %get3A_706 = vector.shape_cast %get3A_705 : vector<1x16xf32> to vector<16xf32>
        %get3A_707 = arith.index_cast %add3A_693 : i32 to index
        %get3A_708 = arith.constant 16 : index
        %get3A_709 = tpu.vector_load %arg9[%get3A_707, %get3A_708] {strides = array<i32>} : memref<128x128xf32, #tpu.memory_space<vmem>>, vector<1x16xf32>,
        %get3A_710 = vector.shape_cast %get3A_709 : vector<1x16xf32> to vector<16xf32>
        %mul3A_711 = arith.mulf %get3A_706, %get3A_710 : vector<16xf32>
        %add3A_712 = arith.addf %mul3A_702, %mul3A_711 : vector<16xf32>
        %get3A_713 = arith.index_cast %add3A_693 : i32 to index
        %get3A_714 = arith.constant 32 : index
        %get3A_715 = tpu.vector_load %arg8[%get3A_713, %get3A_714] {strides = array<i32>} : memref<128x128xf32, #tpu.memory_space<vmem>>, vector<1x16xf32>,
        %get3A_716 = vector.shape_cast %get3A_715 : vector<1x16xf32> to vector<16xf32>
        %get3A_717 = arith.index_cast %add3A_693 : i32 to index
        %get3A_718 = arith.constant 32 : index
        %get3A_719 = tpu.vector_load %arg9[%get3A_717, %get3A_718] {strides = array<i32>} : memref<128x128xf32, #tpu.memory_space<vmem>>, vector<1x16xf32>,
        %get3A_720 = vector.shape_cast %get3A_719 : vector<1x16xf32> to vector<16xf32>
        %mul3A_721 = arith.mulf %get3A_716, %get3A_720 : vector<16xf32>
        %add3A_722 = arith.addf %add3A_712, %mul3A_721 : vector<16xf32>
        %get3A_723 = arith.index_cast %add3A_693 : i32 to index
        %get3A_724 = arith.constant 48 : index
        %get3A_725 = tpu.vector_load %arg8[%get3A_723, %get3A_724] {strides = array<i32>} : memref<128x128xf32, #tpu.memory_space<vmem>>, vector<1x16xf32>,
        %get3A_726 = vector.shape_cast %get3A_725 : vector<1x16xf32> to vector<16xf32>
        %get3A_727 = arith.index_cast %add3A_693 : i32 to index
        %get3A_728 = arith.constant 48 : index
        %get3A_729 = tpu.vector_load %arg9[%get3A_727, %get3A_728] {strides = array<i32>} : memref<128x128xf32, #tpu.memory_space<vmem>>, vector<1x16xf32>,
        %get3A_730 = vector.shape_cast %get3A_729 : vector<1x16xf32> to vector<16xf32>
        %mul3A_731 = arith.mulf %get3A_726, %get3A_730 : vector<16xf32>
        %add3A_732 = arith.addf %add3A_722, %mul3A_731 : vector<16xf32>
        %mul3A_733 = arith.constant 2 : i32
        %mul3A_734 = arith.muli %mul3A_733, %scan3A_170 : i32
        %add3A_735 = arith.constant 1 : i32
        %add3A_736 = arith.addi %mul3A_734, %add3A_735 : i32
        %swap3A_737 = arith.index_cast %add3A_736 : i32 to index
        %swap3A_738 = arith.constant 32 : index
        %swap3A_739 = tpu.vector_load %arg12[%swap3A_737, %swap3A_738] {strides = array<i32>} : memref<16x128xf32, #tpu.memory_space<vmem>>, vector<1x16xf32>,
        %swap3A_740 = vector.shape_cast %swap3A_739 : vector<1x16xf32> to vector<16xf32>
        %swap3A_741 = vector.shape_cast %add3A_732 : vector<16xf32> to vector<1x16xf32>
        tpu.vector_store %arg12[%swap3A_737, %swap3A_738], %swap3A_741 {strides = array<i32>} : memref<16x128xf32, #tpu.memory_space<vmem>>, vector<1x16xf32>,
        %mul3A_742 = arith.constant 16 : i32
        %mul3A_743 = arith.muli %scan3A_170, %mul3A_742 : i32
        %add3A_744 = arith.constant 11 : i32
        %add3A_745 = arith.addi %mul3A_743, %add3A_744 : i32
        %get3A_746 = arith.index_cast %add3A_745 : i32 to index
        %get3A_747 = arith.constant 0 : index
        %get3A_748 = tpu.vector_load %arg8[%get3A_746, %get3A_747] {strides = array<i32>} : memref<128x128xf32, #tpu.memory_space<vmem>>, vector<1x16xf32>,
        %get3A_749 = vector.shape_cast %get3A_748 : vector<1x16xf32> to vector<16xf32>
        %get3A_750 = arith.index_cast %add3A_745 : i32 to index
        %get3A_751 = arith.constant 0 : index
        %get3A_752 = tpu.vector_load %arg9[%get3A_750, %get3A_751] {strides = array<i32>} : memref<128x128xf32, #tpu.memory_space<vmem>>, vector<1x16xf32>,
        %get3A_753 = vector.shape_cast %get3A_752 : vector<1x16xf32> to vector<16xf32>
        %mul3A_754 = arith.mulf %get3A_749, %get3A_753 : vector<16xf32>
        %get3A_755 = arith.index_cast %add3A_745 : i32 to index
        %get3A_756 = arith.constant 16 : index
        %get3A_757 = tpu.vector_load %arg8[%get3A_755, %get3A_756] {strides = array<i32>} : memref<128x128xf32, #tpu.memory_space<vmem>>, vector<1x16xf32>,
        %get3A_758 = vector.shape_cast %get3A_757 : vector<1x16xf32> to vector<16xf32>
        %get3A_759 = arith.index_cast %add3A_745 : i32 to index
        %get3A_760 = arith.constant 16 : index
        %get3A_761 = tpu.vector_load %arg9[%get3A_759, %get3A_760] {strides = array<i32>} : memref<128x128xf32, #tpu.memory_space<vmem>>, vector<1x16xf32>,
        %get3A_762 = vector.shape_cast %get3A_761 : vector<1x16xf32> to vector<16xf32>
        %mul3A_763 = arith.mulf %get3A_758, %get3A_762 : vector<16xf32>
        %add3A_764 = arith.addf %mul3A_754, %mul3A_763 : vector<16xf32>
        %get3A_765 = arith.index_cast %add3A_745 : i32 to index
        %get3A_766 = arith.constant 32 : index
        %get3A_767 = tpu.vector_load %arg8[%get3A_765, %get3A_766] {strides = array<i32>} : memref<128x128xf32, #tpu.memory_space<vmem>>, vector<1x16xf32>,
        %get3A_768 = vector.shape_cast %get3A_767 : vector<1x16xf32> to vector<16xf32>
        %get3A_769 = arith.index_cast %add3A_745 : i32 to index
        %get3A_770 = arith.constant 32 : index
        %get3A_771 = tpu.vector_load %arg9[%get3A_769, %get3A_770] {strides = array<i32>} : memref<128x128xf32, #tpu.memory_space<vmem>>, vector<1x16xf32>,
        %get3A_772 = vector.shape_cast %get3A_771 : vector<1x16xf32> to vector<16xf32>
        %mul3A_773 = arith.mulf %get3A_768, %get3A_772 : vector<16xf32>
        %add3A_774 = arith.addf %add3A_764, %mul3A_773 : vector<16xf32>
        %get3A_775 = arith.index_cast %add3A_745 : i32 to index
        %get3A_776 = arith.constant 48 : index
        %get3A_777 = tpu.vector_load %arg8[%get3A_775, %get3A_776] {strides = array<i32>} : memref<128x128xf32, #tpu.memory_space<vmem>>, vector<1x16xf32>,
        %get3A_778 = vector.shape_cast %get3A_777 : vector<1x16xf32> to vector<16xf32>
        %get3A_779 = arith.index_cast %add3A_745 : i32 to index
        %get3A_780 = arith.constant 48 : index
        %get3A_781 = tpu.vector_load %arg9[%get3A_779, %get3A_780] {strides = array<i32>} : memref<128x128xf32, #tpu.memory_space<vmem>>, vector<1x16xf32>,
        %get3A_782 = vector.shape_cast %get3A_781 : vector<1x16xf32> to vector<16xf32>
        %mul3A_783 = arith.mulf %get3A_778, %get3A_782 : vector<16xf32>
        %add3A_784 = arith.addf %add3A_774, %mul3A_783 : vector<16xf32>
        %mul3A_785 = arith.constant 2 : i32
        %mul3A_786 = arith.muli %mul3A_785, %scan3A_170 : i32
        %add3A_787 = arith.constant 1 : i32
        %add3A_788 = arith.addi %mul3A_786, %add3A_787 : i32
        %swap3A_789 = arith.index_cast %add3A_788 : i32 to index
        %swap3A_790 = arith.constant 48 : index
        %swap3A_791 = tpu.vector_load %arg12[%swap3A_789, %swap3A_790] {strides = array<i32>} : memref<16x128xf32, #tpu.memory_space<vmem>>, vector<1x16xf32>,
        %swap3A_792 = vector.shape_cast %swap3A_791 : vector<1x16xf32> to vector<16xf32>
        %swap3A_793 = vector.shape_cast %add3A_784 : vector<16xf32> to vector<1x16xf32>
        tpu.vector_store %arg12[%swap3A_789, %swap3A_790], %swap3A_793 {strides = array<i32>} : memref<16x128xf32, #tpu.memory_space<vmem>>, vector<1x16xf32>,
        %mul3A_794 = arith.constant 16 : i32
        %mul3A_795 = arith.muli %scan3A_170, %mul3A_794 : i32
        %add3A_796 = arith.constant 12 : i32
        %add3A_797 = arith.addi %mul3A_795, %add3A_796 : i32
        %get3A_798 = arith.index_cast %add3A_797 : i32 to index
        %get3A_799 = arith.constant 0 : index
        %get3A_800 = tpu.vector_load %arg8[%get3A_798, %get3A_799] {strides = array<i32>} : memref<128x128xf32, #tpu.memory_space<vmem>>, vector<1x16xf32>,
        %get3A_801 = vector.shape_cast %get3A_800 : vector<1x16xf32> to vector<16xf32>
        %get3A_802 = arith.index_cast %add3A_797 : i32 to index
        %get3A_803 = arith.constant 0 : index
        %get3A_804 = tpu.vector_load %arg9[%get3A_802, %get3A_803] {strides = array<i32>} : memref<128x128xf32, #tpu.memory_space<vmem>>, vector<1x16xf32>,
        %get3A_805 = vector.shape_cast %get3A_804 : vector<1x16xf32> to vector<16xf32>
        %mul3A_806 = arith.mulf %get3A_801, %get3A_805 : vector<16xf32>
        %get3A_807 = arith.index_cast %add3A_797 : i32 to index
        %get3A_808 = arith.constant 16 : index
        %get3A_809 = tpu.vector_load %arg8[%get3A_807, %get3A_808] {strides = array<i32>} : memref<128x128xf32, #tpu.memory_space<vmem>>, vector<1x16xf32>,
        %get3A_810 = vector.shape_cast %get3A_809 : vector<1x16xf32> to vector<16xf32>
        %get3A_811 = arith.index_cast %add3A_797 : i32 to index
        %get3A_812 = arith.constant 16 : index
        %get3A_813 = tpu.vector_load %arg9[%get3A_811, %get3A_812] {strides = array<i32>} : memref<128x128xf32, #tpu.memory_space<vmem>>, vector<1x16xf32>,
        %get3A_814 = vector.shape_cast %get3A_813 : vector<1x16xf32> to vector<16xf32>
        %mul3A_815 = arith.mulf %get3A_810, %get3A_814 : vector<16xf32>
        %add3A_816 = arith.addf %mul3A_806, %mul3A_815 : vector<16xf32>
        %get3A_817 = arith.index_cast %add3A_797 : i32 to index
        %get3A_818 = arith.constant 32 : index
        %get3A_819 = tpu.vector_load %arg8[%get3A_817, %get3A_818] {strides = array<i32>} : memref<128x128xf32, #tpu.memory_space<vmem>>, vector<1x16xf32>,
        %get3A_820 = vector.shape_cast %get3A_819 : vector<1x16xf32> to vector<16xf32>
        %get3A_821 = arith.index_cast %add3A_797 : i32 to index
        %get3A_822 = arith.constant 32 : index
        %get3A_823 = tpu.vector_load %arg9[%get3A_821, %get3A_822] {strides = array<i32>} : memref<128x128xf32, #tpu.memory_space<vmem>>, vector<1x16xf32>,
        %get3A_824 = vector.shape_cast %get3A_823 : vector<1x16xf32> to vector<16xf32>
        %mul3A_825 = arith.mulf %get3A_820, %get3A_824 : vector<16xf32>
        %add3A_826 = arith.addf %add3A_816, %mul3A_825 : vector<16xf32>
        %get3A_827 = arith.index_cast %add3A_797 : i32 to index
        %get3A_828 = arith.constant 48 : index
        %get3A_829 = tpu.vector_load %arg8[%get3A_827, %get3A_828] {strides = array<i32>} : memref<128x128xf32, #tpu.memory_space<vmem>>, vector<1x16xf32>,
        %get3A_830 = vector.shape_cast %get3A_829 : vector<1x16xf32> to vector<16xf32>
        %get3A_831 = arith.index_cast %add3A_797 : i32 to index
        %get3A_832 = arith.constant 48 : index
        %get3A_833 = tpu.vector_load %arg9[%get3A_831, %get3A_832] {strides = array<i32>} : memref<128x128xf32, #tpu.memory_space<vmem>>, vector<1x16xf32>,
        %get3A_834 = vector.shape_cast %get3A_833 : vector<1x16xf32> to vector<16xf32>
        %mul3A_835 = arith.mulf %get3A_830, %get3A_834 : vector<16xf32>
        %add3A_836 = arith.addf %add3A_826, %mul3A_835 : vector<16xf32>
        %mul3A_837 = arith.constant 2 : i32
        %mul3A_838 = arith.muli %mul3A_837, %scan3A_170 : i32
        %add3A_839 = arith.constant 1 : i32
        %add3A_840 = arith.addi %mul3A_838, %add3A_839 : i32
        %swap3A_841 = arith.index_cast %add3A_840 : i32 to index
        %swap3A_842 = arith.constant 64 : index
        %swap3A_843 = tpu.vector_load %arg12[%swap3A_841, %swap3A_842] {strides = array<i32>} : memref<16x128xf32, #tpu.memory_space<vmem>>, vector<1x16xf32>,
        %swap3A_844 = vector.shape_cast %swap3A_843 : vector<1x16xf32> to vector<16xf32>
        %swap3A_845 = vector.shape_cast %add3A_836 : vector<16xf32> to vector<1x16xf32>
        tpu.vector_store %arg12[%swap3A_841, %swap3A_842], %swap3A_845 {strides = array<i32>} : memref<16x128xf32, #tpu.memory_space<vmem>>, vector<1x16xf32>,
        %mul3A_846 = arith.constant 16 : i32
        %mul3A_847 = arith.muli %scan3A_170, %mul3A_846 : i32
        %add3A_848 = arith.constant 13 : i32
        %add3A_849 = arith.addi %mul3A_847, %add3A_848 : i32
        %get3A_850 = arith.index_cast %add3A_849 : i32 to index
        %get3A_851 = arith.constant 0 : index
        %get3A_852 = tpu.vector_load %arg8[%get3A_850, %get3A_851] {strides = array<i32>} : memref<128x128xf32, #tpu.memory_space<vmem>>, vector<1x16xf32>,
        %get3A_853 = vector.shape_cast %get3A_852 : vector<1x16xf32> to vector<16xf32>
        %get3A_854 = arith.index_cast %add3A_849 : i32 to index
        %get3A_855 = arith.constant 0 : index
        %get3A_856 = tpu.vector_load %arg9[%get3A_854, %get3A_855] {strides = array<i32>} : memref<128x128xf32, #tpu.memory_space<vmem>>, vector<1x16xf32>,
        %get3A_857 = vector.shape_cast %get3A_856 : vector<1x16xf32> to vector<16xf32>
        %mul3A_858 = arith.mulf %get3A_853, %get3A_857 : vector<16xf32>
        %get3A_859 = arith.index_cast %add3A_849 : i32 to index
        %get3A_860 = arith.constant 16 : index
        %get3A_861 = tpu.vector_load %arg8[%get3A_859, %get3A_860] {strides = array<i32>} : memref<128x128xf32, #tpu.memory_space<vmem>>, vector<1x16xf32>,
        %get3A_862 = vector.shape_cast %get3A_861 : vector<1x16xf32> to vector<16xf32>
        %get3A_863 = arith.index_cast %add3A_849 : i32 to index
        %get3A_864 = arith.constant 16 : index
        %get3A_865 = tpu.vector_load %arg9[%get3A_863, %get3A_864] {strides = array<i32>} : memref<128x128xf32, #tpu.memory_space<vmem>>, vector<1x16xf32>,
        %get3A_866 = vector.shape_cast %get3A_865 : vector<1x16xf32> to vector<16xf32>
        %mul3A_867 = arith.mulf %get3A_862, %get3A_866 : vector<16xf32>
        %add3A_868 = arith.addf %mul3A_858, %mul3A_867 : vector<16xf32>
        %get3A_869 = arith.index_cast %add3A_849 : i32 to index
        %get3A_870 = arith.constant 32 : index
        %get3A_871 = tpu.vector_load %arg8[%get3A_869, %get3A_870] {strides = array<i32>} : memref<128x128xf32, #tpu.memory_space<vmem>>, vector<1x16xf32>,
        %get3A_872 = vector.shape_cast %get3A_871 : vector<1x16xf32> to vector<16xf32>
        %get3A_873 = arith.index_cast %add3A_849 : i32 to index
        %get3A_874 = arith.constant 32 : index
        %get3A_875 = tpu.vector_load %arg9[%get3A_873, %get3A_874] {strides = array<i32>} : memref<128x128xf32, #tpu.memory_space<vmem>>, vector<1x16xf32>,
        %get3A_876 = vector.shape_cast %get3A_875 : vector<1x16xf32> to vector<16xf32>
        %mul3A_877 = arith.mulf %get3A_872, %get3A_876 : vector<16xf32>
        %add3A_878 = arith.addf %add3A_868, %mul3A_877 : vector<16xf32>
        %get3A_879 = arith.index_cast %add3A_849 : i32 to index
        %get3A_880 = arith.constant 48 : index
        %get3A_881 = tpu.vector_load %arg8[%get3A_879, %get3A_880] {strides = array<i32>} : memref<128x128xf32, #tpu.memory_space<vmem>>, vector<1x16xf32>,
        %get3A_882 = vector.shape_cast %get3A_881 : vector<1x16xf32> to vector<16xf32>
        %get3A_883 = arith.index_cast %add3A_849 : i32 to index
        %get3A_884 = arith.constant 48 : index
        %get3A_885 = tpu.vector_load %arg9[%get3A_883, %get3A_884] {strides = array<i32>} : memref<128x128xf32, #tpu.memory_space<vmem>>, vector<1x16xf32>,
        %get3A_886 = vector.shape_cast %get3A_885 : vector<1x16xf32> to vector<16xf32>
        %mul3A_887 = arith.mulf %get3A_882, %get3A_886 : vector<16xf32>
        %add3A_888 = arith.addf %add3A_878, %mul3A_887 : vector<16xf32>
        %mul3A_889 = arith.constant 2 : i32
        %mul3A_890 = arith.muli %mul3A_889, %scan3A_170 : i32
        %add3A_891 = arith.constant 1 : i32
        %add3A_892 = arith.addi %mul3A_890, %add3A_891 : i32
        %swap3A_893 = arith.index_cast %add3A_892 : i32 to index
        %swap3A_894 = arith.constant 80 : index
        %swap3A_895 = tpu.vector_load %arg12[%swap3A_893, %swap3A_894] {strides = array<i32>} : memref<16x128xf32, #tpu.memory_space<vmem>>, vector<1x16xf32>,
        %swap3A_896 = vector.shape_cast %swap3A_895 : vector<1x16xf32> to vector<16xf32>
        %swap3A_897 = vector.shape_cast %add3A_888 : vector<16xf32> to vector<1x16xf32>
        tpu.vector_store %arg12[%swap3A_893, %swap3A_894], %swap3A_897 {strides = array<i32>} : memref<16x128xf32, #tpu.memory_space<vmem>>, vector<1x16xf32>,
        %mul3A_898 = arith.constant 16 : i32
        %mul3A_899 = arith.muli %scan3A_170, %mul3A_898 : i32
        %add3A_900 = arith.constant 14 : i32
        %add3A_901 = arith.addi %mul3A_899, %add3A_900 : i32
        %get3A_902 = arith.index_cast %add3A_901 : i32 to index
        %get3A_903 = arith.constant 0 : index
        %get3A_904 = tpu.vector_load %arg8[%get3A_902, %get3A_903] {strides = array<i32>} : memref<128x128xf32, #tpu.memory_space<vmem>>, vector<1x16xf32>,
        %get3A_905 = vector.shape_cast %get3A_904 : vector<1x16xf32> to vector<16xf32>
        %get3A_906 = arith.index_cast %add3A_901 : i32 to index
        %get3A_907 = arith.constant 0 : index
        %get3A_908 = tpu.vector_load %arg9[%get3A_906, %get3A_907] {strides = array<i32>} : memref<128x128xf32, #tpu.memory_space<vmem>>, vector<1x16xf32>,
        %get3A_909 = vector.shape_cast %get3A_908 : vector<1x16xf32> to vector<16xf32>
        %mul3A_910 = arith.mulf %get3A_905, %get3A_909 : vector<16xf32>
        %get3A_911 = arith.index_cast %add3A_901 : i32 to index
        %get3A_912 = arith.constant 16 : index
        %get3A_913 = tpu.vector_load %arg8[%get3A_911, %get3A_912] {strides = array<i32>} : memref<128x128xf32, #tpu.memory_space<vmem>>, vector<1x16xf32>,
        %get3A_914 = vector.shape_cast %get3A_913 : vector<1x16xf32> to vector<16xf32>
        %get3A_915 = arith.index_cast %add3A_901 : i32 to index
        %get3A_916 = arith.constant 16 : index
        %get3A_917 = tpu.vector_load %arg9[%get3A_915, %get3A_916] {strides = array<i32>} : memref<128x128xf32, #tpu.memory_space<vmem>>, vector<1x16xf32>,
        %get3A_918 = vector.shape_cast %get3A_917 : vector<1x16xf32> to vector<16xf32>
        %mul3A_919 = arith.mulf %get3A_914, %get3A_918 : vector<16xf32>
        %add3A_920 = arith.addf %mul3A_910, %mul3A_919 : vector<16xf32>
        %get3A_921 = arith.index_cast %add3A_901 : i32 to index
        %get3A_922 = arith.constant 32 : index
        %get3A_923 = tpu.vector_load %arg8[%get3A_921, %get3A_922] {strides = array<i32>} : memref<128x128xf32, #tpu.memory_space<vmem>>, vector<1x16xf32>,
        %get3A_924 = vector.shape_cast %get3A_923 : vector<1x16xf32> to vector<16xf32>
        %get3A_925 = arith.index_cast %add3A_901 : i32 to index
        %get3A_926 = arith.constant 32 : index
        %get3A_927 = tpu.vector_load %arg9[%get3A_925, %get3A_926] {strides = array<i32>} : memref<128x128xf32, #tpu.memory_space<vmem>>, vector<1x16xf32>,
        %get3A_928 = vector.shape_cast %get3A_927 : vector<1x16xf32> to vector<16xf32>
        %mul3A_929 = arith.mulf %get3A_924, %get3A_928 : vector<16xf32>
        %add3A_930 = arith.addf %add3A_920, %mul3A_929 : vector<16xf32>
        %get3A_931 = arith.index_cast %add3A_901 : i32 to index
        %get3A_932 = arith.constant 48 : index
        %get3A_933 = tpu.vector_load %arg8[%get3A_931, %get3A_932] {strides = array<i32>} : memref<128x128xf32, #tpu.memory_space<vmem>>, vector<1x16xf32>,
        %get3A_934 = vector.shape_cast %get3A_933 : vector<1x16xf32> to vector<16xf32>
        %get3A_935 = arith.index_cast %add3A_901 : i32 to index
        %get3A_936 = arith.constant 48 : index
        %get3A_937 = tpu.vector_load %arg9[%get3A_935, %get3A_936] {strides = array<i32>} : memref<128x128xf32, #tpu.memory_space<vmem>>, vector<1x16xf32>,
        %get3A_938 = vector.shape_cast %get3A_937 : vector<1x16xf32> to vector<16xf32>
        %mul3A_939 = arith.mulf %get3A_934, %get3A_938 : vector<16xf32>
        %add3A_940 = arith.addf %add3A_930, %mul3A_939 : vector<16xf32>
        %mul3A_941 = arith.constant 2 : i32
        %mul3A_942 = arith.muli %mul3A_941, %scan3A_170 : i32
        %add3A_943 = arith.constant 1 : i32
        %add3A_944 = arith.addi %mul3A_942, %add3A_943 : i32
        %swap3A_945 = arith.index_cast %add3A_944 : i32 to index
        %swap3A_946 = arith.constant 96 : index
        %swap3A_947 = tpu.vector_load %arg12[%swap3A_945, %swap3A_946] {strides = array<i32>} : memref<16x128xf32, #tpu.memory_space<vmem>>, vector<1x16xf32>,
        %swap3A_948 = vector.shape_cast %swap3A_947 : vector<1x16xf32> to vector<16xf32>
        %swap3A_949 = vector.shape_cast %add3A_940 : vector<16xf32> to vector<1x16xf32>
        tpu.vector_store %arg12[%swap3A_945, %swap3A_946], %swap3A_949 {strides = array<i32>} : memref<16x128xf32, #tpu.memory_space<vmem>>, vector<1x16xf32>,
        %mul3A_950 = arith.constant 16 : i32
        %mul3A_951 = arith.muli %scan3A_170, %mul3A_950 : i32
        %add3A_952 = arith.constant 15 : i32
        %add3A_953 = arith.addi %mul3A_951, %add3A_952 : i32
        %get3A_954 = arith.index_cast %add3A_953 : i32 to index
        %get3A_955 = arith.constant 0 : index
        %get3A_956 = tpu.vector_load %arg8[%get3A_954, %get3A_955] {strides = array<i32>} : memref<128x128xf32, #tpu.memory_space<vmem>>, vector<1x16xf32>,
        %get3A_957 = vector.shape_cast %get3A_956 : vector<1x16xf32> to vector<16xf32>
        %get3A_958 = arith.index_cast %add3A_953 : i32 to index
        %get3A_959 = arith.constant 0 : index
        %get3A_960 = tpu.vector_load %arg9[%get3A_958, %get3A_959] {strides = array<i32>} : memref<128x128xf32, #tpu.memory_space<vmem>>, vector<1x16xf32>,
        %get3A_961 = vector.shape_cast %get3A_960 : vector<1x16xf32> to vector<16xf32>
        %mul3A_962 = arith.mulf %get3A_957, %get3A_961 : vector<16xf32>
        %get3A_963 = arith.index_cast %add3A_953 : i32 to index
        %get3A_964 = arith.constant 16 : index
        %get3A_965 = tpu.vector_load %arg8[%get3A_963, %get3A_964] {strides = array<i32>} : memref<128x128xf32, #tpu.memory_space<vmem>>, vector<1x16xf32>,
        %get3A_966 = vector.shape_cast %get3A_965 : vector<1x16xf32> to vector<16xf32>
        %get3A_967 = arith.index_cast %add3A_953 : i32 to index
        %get3A_968 = arith.constant 16 : index
        %get3A_969 = tpu.vector_load %arg9[%get3A_967, %get3A_968] {strides = array<i32>} : memref<128x128xf32, #tpu.memory_space<vmem>>, vector<1x16xf32>,
        %get3A_970 = vector.shape_cast %get3A_969 : vector<1x16xf32> to vector<16xf32>
        %mul3A_971 = arith.mulf %get3A_966, %get3A_970 : vector<16xf32>
        %add3A_972 = arith.addf %mul3A_962, %mul3A_971 : vector<16xf32>
        %get3A_973 = arith.index_cast %add3A_953 : i32 to index
        %get3A_974 = arith.constant 32 : index
        %get3A_975 = tpu.vector_load %arg8[%get3A_973, %get3A_974] {strides = array<i32>} : memref<128x128xf32, #tpu.memory_space<vmem>>, vector<1x16xf32>,
        %get3A_976 = vector.shape_cast %get3A_975 : vector<1x16xf32> to vector<16xf32>
        %get3A_977 = arith.index_cast %add3A_953 : i32 to index
        %get3A_978 = arith.constant 32 : index
        %get3A_979 = tpu.vector_load %arg9[%get3A_977, %get3A_978] {strides = array<i32>} : memref<128x128xf32, #tpu.memory_space<vmem>>, vector<1x16xf32>,
        %get3A_980 = vector.shape_cast %get3A_979 : vector<1x16xf32> to vector<16xf32>
        %mul3A_981 = arith.mulf %get3A_976, %get3A_980 : vector<16xf32>
        %add3A_982 = arith.addf %add3A_972, %mul3A_981 : vector<16xf32>
        %get3A_983 = arith.index_cast %add3A_953 : i32 to index
        %get3A_984 = arith.constant 48 : index
        %get3A_985 = tpu.vector_load %arg8[%get3A_983, %get3A_984] {strides = array<i32>} : memref<128x128xf32, #tpu.memory_space<vmem>>, vector<1x16xf32>,
        %get3A_986 = vector.shape_cast %get3A_985 : vector<1x16xf32> to vector<16xf32>
        %get3A_987 = arith.index_cast %add3A_953 : i32 to index
        %get3A_988 = arith.constant 48 : index
        %get3A_989 = tpu.vector_load %arg9[%get3A_987, %get3A_988] {strides = array<i32>} : memref<128x128xf32, #tpu.memory_space<vmem>>, vector<1x16xf32>,
        %get3A_990 = vector.shape_cast %get3A_989 : vector<1x16xf32> to vector<16xf32>
        %mul3A_991 = arith.mulf %get3A_986, %get3A_990 : vector<16xf32>
        %add3A_992 = arith.addf %add3A_982, %mul3A_991 : vector<16xf32>
        %mul3A_993 = arith.constant 2 : i32
        %mul3A_994 = arith.muli %mul3A_993, %scan3A_170 : i32
        %add3A_995 = arith.constant 1 : i32
        %add3A_996 = arith.addi %mul3A_994, %add3A_995 : i32
        %swap3A_997 = arith.index_cast %add3A_996 : i32 to index
        %swap3A_998 = arith.constant 112 : index
        %swap3A_999 = tpu.vector_load %arg12[%swap3A_997, %swap3A_998] {strides = array<i32>} : memref<16x128xf32, #tpu.memory_space<vmem>>, vector<1x16xf32>,
        %swap3A_1000 = vector.shape_cast %swap3A_999 : vector<1x16xf32> to vector<16xf32>
        %swap3A_1001 = vector.shape_cast %add3A_992 : vector<16xf32> to vector<1x16xf32>
        tpu.vector_store %arg12[%swap3A_997, %swap3A_998], %swap3A_1001 {strides = array<i32>} : memref<16x128xf32, #tpu.memory_space<vmem>>, vector<1x16xf32>,
        %scan3A_1002 = arith.constant 0 : i32
        scf.yield %scan3A_1002 : i32
      }
      %scan3A_108 = arith.constant 8 : i32
      %mul3A_109 = arith.constant 157 : i32
      %mul3A_110 = arith.muli %add3A, %mul3A_109 : i32
      %add3A_111 = arith.addi %mul3A_110, %mul3A_71 : i32
      %mul3A_112 = arith.constant 16 : i32
      %mul3A_113 = arith.muli %add3A_111, %mul3A_112 : i32
      %dma_start3A_114 = arith.constant 0 : i32
      %dma_start3A_115 = tpu.memref_slice %arg5[%mul3A_113, %dma_start3A_114] : memref<80384x128xf32, #tpu.memory_space<hbm>> -> memref<16x128xf32, #tpu.memory_space<hbm>>
      %dma_start3A_116 = arith.constant 0 : i32
      %dma_start3A_117 = tpu.memref_slice %arg5[%mul3A_113, %dma_start3A_116] : memref<80384x128xf32, #tpu.memory_space<hbm>> -> memref<16x128xf32, #tpu.memory_space<hbm>>
      tpu.enqueue_dma source(%arg12 : memref<16x128xf32, #tpu.memory_space<vmem>>) target(%dma_start3A_117 : memref<16x128xf32, #tpu.memory_space<hbm>>) target_semaphore(%arg18 : memref<!tpu.dma_semaphore, #tpu.memory_space<semaphore_mem>>)
      %dma_wait3A_118 = arith.constant 0 : i32
      %dma_wait3A_119 = arith.constant 0 : i32
      %dma_wait3A_120 = tpu.memref_slice %arg6[%dma_wait3A_118, %dma_wait3A_119] : memref<157x128xi32, #tpu.memory_space<vmem>> -> memref<1x128xi32, #tpu.memory_space<vmem>>
      %dma_wait3A_121 = tpu.memref_squeeze %dma_wait3A_120 : memref<1x128xi32, #tpu.memory_space<vmem>> -> memref<128xi32, #tpu.memory_space<vmem>>
      %dma_wait3A_122 = arith.constant 0 : i32
      %dma_wait3A_123 = arith.constant 0 : i32
      %dma_wait3A_124 = tpu.memref_slice %arg4[%dma_wait3A_122, %dma_wait3A_123] : memref<10240x128xf32, #tpu.memory_space<hbm>> -> memref<10240x128xf32, #tpu.memory_space<hbm>>
      tpu.wait_indirect_dma semaphore(%arg16 : memref<!tpu.dma_semaphore, #tpu.memory_space<semaphore_mem>>) src(%dma_wait3A_124 : memref<10240x128xf32, #tpu.memory_space<hbm>>) dst(%arg10 : memref<128x128xf32, #tpu.memory_space<vmem>>)
      %dma_wait3A_125 = arith.constant 0 : i32
      %dma_wait3A_126 = arith.constant 0 : i32
      %dma_wait3A_127 = tpu.memref_slice %arg6[%dma_wait3A_125, %dma_wait3A_126] : memref<157x128xi32, #tpu.memory_space<vmem>> -> memref<1x128xi32, #tpu.memory_space<vmem>>
      %dma_wait3A_128 = tpu.memref_squeeze %dma_wait3A_127 : memref<1x128xi32, #tpu.memory_space<vmem>> -> memref<128xi32, #tpu.memory_space<vmem>>
      %dma_wait3A_129 = arith.constant 0 : i32
      %dma_wait3A_130 = arith.constant 0 : i32
      %dma_wait3A_131 = tpu.memref_slice %arg4[%dma_wait3A_129, %dma_wait3A_130] : memref<10240x128xf32, #tpu.memory_space<hbm>> -> memref<10240x128xf32, #tpu.memory_space<hbm>>
      tpu.wait_indirect_dma semaphore(%arg17 : memref<!tpu.dma_semaphore, #tpu.memory_space<semaphore_mem>>) src(%dma_wait3A_131 : memref<10240x128xf32, #tpu.memory_space<hbm>>) dst(%arg11 : memref<128x128xf32, #tpu.memory_space<vmem>>)
      %add3A_132 = arith.constant 2 : i32
      %add3A_133 = arith.addi %mul3A_71, %add3A_132 : i32
      %dma_start3A_134 = arith.constant 0 : i32
      %dma_start3A_135 = tpu.memref_slice %arg6[%add3A_133, %dma_start3A_134] : memref<157x128xi32, #tpu.memory_space<vmem>> -> memref<1x128xi32, #tpu.memory_space<vmem>>
      %dma_start3A_136 = tpu.memref_squeeze %dma_start3A_135 : memref<1x128xi32, #tpu.memory_space<vmem>> -> memref<128xi32, #tpu.memory_space<vmem>>
      %dma_start3A_137 = arith.constant 0 : i32
      %dma_start3A_138 = arith.constant 0 : i32
      %dma_start3A_139 = tpu.memref_slice %arg4[%dma_start3A_137, %dma_start3A_138] : memref<10240x128xf32, #tpu.memory_space<hbm>> -> memref<10240x128xf32, #tpu.memory_space<hbm>>
      tpu.enqueue_indirect_dma source(%dma_start3A_139 : memref<10240x128xf32, #tpu.memory_space<hbm>>) target(%arg8 : memref<128x128xf32, #tpu.memory_space<vmem>>) offsets(%dma_start3A_136 : memref<128xi32, #tpu.memory_space<vmem>>) semaphore(%arg14 : memref<!tpu.dma_semaphore, #tpu.memory_space<semaphore_mem>>)
      %dma_start3A_140 = arith.constant 0 : i32
      %dma_start3A_141 = tpu.memref_slice %arg7[%add3A_133, %dma_start3A_140] : memref<157x128xi32, #tpu.memory_space<vmem>> -> memref<1x128xi32, #tpu.memory_space<vmem>>
      %dma_start3A_142 = tpu.memref_squeeze %dma_start3A_141 : memref<1x128xi32, #tpu.memory_space<vmem>> -> memref<128xi32, #tpu.memory_space<vmem>>
      %dma_start3A_143 = arith.constant 0 : i32
      %dma_start3A_144 = arith.constant 0 : i32
      %dma_start3A_145 = tpu.memref_slice %arg4[%dma_start3A_143, %dma_start3A_144] : memref<10240x128xf32, #tpu.memory_space<hbm>> -> memref<10240x128xf32, #tpu.memory_space<hbm>>
      tpu.enqueue_indirect_dma source(%dma_start3A_145 : memref<10240x128xf32, #tpu.memory_space<hbm>>) target(%arg9 : memref<128x128xf32, #tpu.memory_space<vmem>>) offsets(%dma_start3A_142 : memref<128xi32, #tpu.memory_space<vmem>>) semaphore(%arg15 : memref<!tpu.dma_semaphore, #tpu.memory_space<semaphore_mem>>)
      %gt3A_146 = arith.constant 0 : i32
      %gt3A_147 = arith.cmpi sgt, %scan3A_68, %gt3A_146 : i32
      %convert_element_type3A_148 = arith.extui %gt3A_147 : i1 to i32
      %cond3A_149 = arith.constant 0 : i32
      %cond3A_150 = arith.cmpi ne, %convert_element_type3A_148, %cond3A_149 : i32
      scf.if %cond3A_150 {
        %dma_wait3A_170 = arith.constant 0 : i32
        %dma_wait3A_171 = arith.constant 0 : i32
        %dma_wait3A_172 = tpu.memref_slice %arg5[%dma_wait3A_170, %dma_wait3A_171] : memref<80384x128xf32, #tpu.memory_space<hbm>> -> memref<16x128xf32, #tpu.memory_space<hbm>>
        %dma_wait3A_173 = arith.constant 0 : i32
        %dma_wait3A_174 = arith.constant 0 : i32
        %dma_wait3A_175 = tpu.memref_slice %arg5[%dma_wait3A_173, %dma_wait3A_174] : memref<80384x128xf32, #tpu.memory_space<hbm>> -> memref<16x128xf32, #tpu.memory_space<hbm>>
        tpu.wait_dma2 semaphore(%arg19 : memref<!tpu.dma_semaphore, #tpu.memory_space<semaphore_mem>>) src(%arg13 : memref<16x128xf32, #tpu.memory_space<vmem>>) dst(%dma_wait3A_175 : memref<16x128xf32, #tpu.memory_space<hbm>>)
      } else {
      }
      %add3A_151 = arith.constant 1 : i32
      %add3A_152 = arith.addi %mul3A_71, %add3A_151 : i32
      %scan3A_153 = arith.constant 0 : i32
      %scan3A_154 = arith.constant 0 : i32
      %scan3A_155 = arith.constant 8 : i32
      %scan3A_156 = arith.addi %scan3A_154, %scan3A_155 : i32
      %scan3A_157 = arith.constant 1 : i32
      %scan3A_158 = scf.for %scan3A_170 = %scan3A_154 to %scan3A_156 step %scan3A_157 iter_args(%scan3A_171 = %scan3A_153) -> (i32)  : i32 {
        %mul3A_172 = arith.constant 16 : i32
        %mul3A_173 = arith.muli %scan3A_170, %mul3A_172 : i32
        %add3A_174 = arith.constant 0 : i32
        %add3A_175 = arith.addi %mul3A_173, %add3A_174 : i32
        %get3A = arith.index_cast %add3A_175 : i32 to index
        %get3A_176 = arith.constant 0 : index
        %get3A_177 = tpu.vector_load %arg10[%get3A, %get3A_176] {strides = array<i32>} : memref<128x128xf32, #tpu.memory_space<vmem>>, vector<1x16xf32>,
        %get3A_178 = vector.shape_cast %get3A_177 : vector<1x16xf32> to vector<16xf32>
        %get3A_179 = arith.index_cast %add3A_175 : i32 to index
        %get3A_180 = arith.constant 0 : index
        %get3A_181 = tpu.vector_load %arg11[%get3A_179, %get3A_180] {strides = array<i32>} : memref<128x128xf32, #tpu.memory_space<vmem>>, vector<1x16xf32>,
        %get3A_182 = vector.shape_cast %get3A_181 : vector<1x16xf32> to vector<16xf32>
        %mul3A_183 = arith.mulf %get3A_178, %get3A_182 : vector<16xf32>
        %get3A_184 = arith.index_cast %add3A_175 : i32 to index
        %get3A_185 = arith.constant 16 : index
        %get3A_186 = tpu.vector_load %arg10[%get3A_184, %get3A_185] {strides = array<i32>} : memref<128x128xf32, #tpu.memory_space<vmem>>, vector<1x16xf32>,
        %get3A_187 = vector.shape_cast %get3A_186 : vector<1x16xf32> to vector<16xf32>
        %get3A_188 = arith.index_cast %add3A_175 : i32 to index
        %get3A_189 = arith.constant 16 : index
        %get3A_190 = tpu.vector_load %arg11[%get3A_188, %get3A_189] {strides = array<i32>} : memref<128x128xf32, #tpu.memory_space<vmem>>, vector<1x16xf32>,
        %get3A_191 = vector.shape_cast %get3A_190 : vector<1x16xf32> to vector<16xf32>
        %mul3A_192 = arith.mulf %get3A_187, %get3A_191 : vector<16xf32>
        %add3A_193 = arith.addf %mul3A_183, %mul3A_192 : vector<16xf32>
        %get3A_194 = arith.index_cast %add3A_175 : i32 to index
        %get3A_195 = arith.constant 32 : index
        %get3A_196 = tpu.vector_load %arg10[%get3A_194, %get3A_195] {strides = array<i32>} : memref<128x128xf32, #tpu.memory_space<vmem>>, vector<1x16xf32>,
        %get3A_197 = vector.shape_cast %get3A_196 : vector<1x16xf32> to vector<16xf32>
        %get3A_198 = arith.index_cast %add3A_175 : i32 to index
        %get3A_199 = arith.constant 32 : index
        %get3A_200 = tpu.vector_load %arg11[%get3A_198, %get3A_199] {strides = array<i32>} : memref<128x128xf32, #tpu.memory_space<vmem>>, vector<1x16xf32>,
        %get3A_201 = vector.shape_cast %get3A_200 : vector<1x16xf32> to vector<16xf32>
        %mul3A_202 = arith.mulf %get3A_197, %get3A_201 : vector<16xf32>
        %add3A_203 = arith.addf %add3A_193, %mul3A_202 : vector<16xf32>
        %get3A_204 = arith.index_cast %add3A_175 : i32 to index
        %get3A_205 = arith.constant 48 : index
        %get3A_206 = tpu.vector_load %arg10[%get3A_204, %get3A_205] {strides = array<i32>} : memref<128x128xf32, #tpu.memory_space<vmem>>, vector<1x16xf32>,
        %get3A_207 = vector.shape_cast %get3A_206 : vector<1x16xf32> to vector<16xf32>
        %get3A_208 = arith.index_cast %add3A_175 : i32 to index
        %get3A_209 = arith.constant 48 : index
        %get3A_210 = tpu.vector_load %arg11[%get3A_208, %get3A_209] {strides = array<i32>} : memref<128x128xf32, #tpu.memory_space<vmem>>, vector<1x16xf32>,
        %get3A_211 = vector.shape_cast %get3A_210 : vector<1x16xf32> to vector<16xf32>
        %mul3A_212 = arith.mulf %get3A_207, %get3A_211 : vector<16xf32>
        %add3A_213 = arith.addf %add3A_203, %mul3A_212 : vector<16xf32>
        %mul3A_214 = arith.constant 2 : i32
        %mul3A_215 = arith.muli %mul3A_214, %scan3A_170 : i32
        %add3A_216 = arith.constant 0 : i32
        %add3A_217 = arith.addi %mul3A_215, %add3A_216 : i32
        %swap3A = arith.index_cast %add3A_217 : i32 to index
        %swap3A_218 = arith.constant 0 : index
        %swap3A_219 = tpu.vector_load %arg13[%swap3A, %swap3A_218] {strides = array<i32>} : memref<16x128xf32, #tpu.memory_space<vmem>>, vector<1x16xf32>,
        %swap3A_220 = vector.shape_cast %swap3A_219 : vector<1x16xf32> to vector<16xf32>
        %swap3A_221 = vector.shape_cast %add3A_213 : vector<16xf32> to vector<1x16xf32>
        tpu.vector_store %arg13[%swap3A, %swap3A_218], %swap3A_221 {strides = array<i32>} : memref<16x128xf32, #tpu.memory_space<vmem>>, vector<1x16xf32>,
        %mul3A_222 = arith.constant 16 : i32
        %mul3A_223 = arith.muli %scan3A_170, %mul3A_222 : i32
        %add3A_224 = arith.constant 1 : i32
        %add3A_225 = arith.addi %mul3A_223, %add3A_224 : i32
        %get3A_226 = arith.index_cast %add3A_225 : i32 to index
        %get3A_227 = arith.constant 0 : index
        %get3A_228 = tpu.vector_load %arg10[%get3A_226, %get3A_227] {strides = array<i32>} : memref<128x128xf32, #tpu.memory_space<vmem>>, vector<1x16xf32>,
        %get3A_229 = vector.shape_cast %get3A_228 : vector<1x16xf32> to vector<16xf32>
        %get3A_230 = arith.index_cast %add3A_225 : i32 to index
        %get3A_231 = arith.constant 0 : index
        %get3A_232 = tpu.vector_load %arg11[%get3A_230, %get3A_231] {strides = array<i32>} : memref<128x128xf32, #tpu.memory_space<vmem>>, vector<1x16xf32>,
        %get3A_233 = vector.shape_cast %get3A_232 : vector<1x16xf32> to vector<16xf32>
        %mul3A_234 = arith.mulf %get3A_229, %get3A_233 : vector<16xf32>
        %get3A_235 = arith.index_cast %add3A_225 : i32 to index
        %get3A_236 = arith.constant 16 : index
        %get3A_237 = tpu.vector_load %arg10[%get3A_235, %get3A_236] {strides = array<i32>} : memref<128x128xf32, #tpu.memory_space<vmem>>, vector<1x16xf32>,
        %get3A_238 = vector.shape_cast %get3A_237 : vector<1x16xf32> to vector<16xf32>
        %get3A_239 = arith.index_cast %add3A_225 : i32 to index
        %get3A_240 = arith.constant 16 : index
        %get3A_241 = tpu.vector_load %arg11[%get3A_239, %get3A_240] {strides = array<i32>} : memref<128x128xf32, #tpu.memory_space<vmem>>, vector<1x16xf32>,
        %get3A_242 = vector.shape_cast %get3A_241 : vector<1x16xf32> to vector<16xf32>
        %mul3A_243 = arith.mulf %get3A_238, %get3A_242 : vector<16xf32>
        %add3A_244 = arith.addf %mul3A_234, %mul3A_243 : vector<16xf32>
        %get3A_245 = arith.index_cast %add3A_225 : i32 to index
        %get3A_246 = arith.constant 32 : index
        %get3A_247 = tpu.vector_load %arg10[%get3A_245, %get3A_246] {strides = array<i32>} : memref<128x128xf32, #tpu.memory_space<vmem>>, vector<1x16xf32>,
        %get3A_248 = vector.shape_cast %get3A_247 : vector<1x16xf32> to vector<16xf32>
        %get3A_249 = arith.index_cast %add3A_225 : i32 to index
        %get3A_250 = arith.constant 32 : index
        %get3A_251 = tpu.vector_load %arg11[%get3A_249, %get3A_250] {strides = array<i32>} : memref<128x128xf32, #tpu.memory_space<vmem>>, vector<1x16xf32>,
        %get3A_252 = vector.shape_cast %get3A_251 : vector<1x16xf32> to vector<16xf32>
        %mul3A_253 = arith.mulf %get3A_248, %get3A_252 : vector<16xf32>
        %add3A_254 = arith.addf %add3A_244, %mul3A_253 : vector<16xf32>
        %get3A_255 = arith.index_cast %add3A_225 : i32 to index
        %get3A_256 = arith.constant 48 : index
        %get3A_257 = tpu.vector_load %arg10[%get3A_255, %get3A_256] {strides = array<i32>} : memref<128x128xf32, #tpu.memory_space<vmem>>, vector<1x16xf32>,
        %get3A_258 = vector.shape_cast %get3A_257 : vector<1x16xf32> to vector<16xf32>
        %get3A_259 = arith.index_cast %add3A_225 : i32 to index
        %get3A_260 = arith.constant 48 : index
        %get3A_261 = tpu.vector_load %arg11[%get3A_259, %get3A_260] {strides = array<i32>} : memref<128x128xf32, #tpu.memory_space<vmem>>, vector<1x16xf32>,
        %get3A_262 = vector.shape_cast %get3A_261 : vector<1x16xf32> to vector<16xf32>
        %mul3A_263 = arith.mulf %get3A_258, %get3A_262 : vector<16xf32>
        %add3A_264 = arith.addf %add3A_254, %mul3A_263 : vector<16xf32>
        %mul3A_265 = arith.constant 2 : i32
        %mul3A_266 = arith.muli %mul3A_265, %scan3A_170 : i32
        %add3A_267 = arith.constant 0 : i32
        %add3A_268 = arith.addi %mul3A_266, %add3A_267 : i32
        %swap3A_269 = arith.index_cast %add3A_268 : i32 to index
        %swap3A_270 = arith.constant 16 : index
        %swap3A_271 = tpu.vector_load %arg13[%swap3A_269, %swap3A_270] {strides = array<i32>} : memref<16x128xf32, #tpu.memory_space<vmem>>, vector<1x16xf32>,
        %swap3A_272 = vector.shape_cast %swap3A_271 : vector<1x16xf32> to vector<16xf32>
        %swap3A_273 = vector.shape_cast %add3A_264 : vector<16xf32> to vector<1x16xf32>
        tpu.vector_store %arg13[%swap3A_269, %swap3A_270], %swap3A_273 {strides = array<i32>} : memref<16x128xf32, #tpu.memory_space<vmem>>, vector<1x16xf32>,
        %mul3A_274 = arith.constant 16 : i32
        %mul3A_275 = arith.muli %scan3A_170, %mul3A_274 : i32
        %add3A_276 = arith.constant 2 : i32
        %add3A_277 = arith.addi %mul3A_275, %add3A_276 : i32
        %get3A_278 = arith.index_cast %add3A_277 : i32 to index
        %get3A_279 = arith.constant 0 : index
        %get3A_280 = tpu.vector_load %arg10[%get3A_278, %get3A_279] {strides = array<i32>} : memref<128x128xf32, #tpu.memory_space<vmem>>, vector<1x16xf32>,
        %get3A_281 = vector.shape_cast %get3A_280 : vector<1x16xf32> to vector<16xf32>
        %get3A_282 = arith.index_cast %add3A_277 : i32 to index
        %get3A_283 = arith.constant 0 : index
        %get3A_284 = tpu.vector_load %arg11[%get3A_282, %get3A_283] {strides = array<i32>} : memref<128x128xf32, #tpu.memory_space<vmem>>, vector<1x16xf32>,
        %get3A_285 = vector.shape_cast %get3A_284 : vector<1x16xf32> to vector<16xf32>
        %mul3A_286 = arith.mulf %get3A_281, %get3A_285 : vector<16xf32>
        %get3A_287 = arith.index_cast %add3A_277 : i32 to index
        %get3A_288 = arith.constant 16 : index
        %get3A_289 = tpu.vector_load %arg10[%get3A_287, %get3A_288] {strides = array<i32>} : memref<128x128xf32, #tpu.memory_space<vmem>>, vector<1x16xf32>,
        %get3A_290 = vector.shape_cast %get3A_289 : vector<1x16xf32> to vector<16xf32>
        %get3A_291 = arith.index_cast %add3A_277 : i32 to index
        %get3A_292 = arith.constant 16 : index
        %get3A_293 = tpu.vector_load %arg11[%get3A_291, %get3A_292] {strides = array<i32>} : memref<128x128xf32, #tpu.memory_space<vmem>>, vector<1x16xf32>,
        %get3A_294 = vector.shape_cast %get3A_293 : vector<1x16xf32> to vector<16xf32>
        %mul3A_295 = arith.mulf %get3A_290, %get3A_294 : vector<16xf32>
        %add3A_296 = arith.addf %mul3A_286, %mul3A_295 : vector<16xf32>
        %get3A_297 = arith.index_cast %add3A_277 : i32 to index
        %get3A_298 = arith.constant 32 : index
        %get3A_299 = tpu.vector_load %arg10[%get3A_297, %get3A_298] {strides = array<i32>} : memref<128x128xf32, #tpu.memory_space<vmem>>, vector<1x16xf32>,
        %get3A_300 = vector.shape_cast %get3A_299 : vector<1x16xf32> to vector<16xf32>
        %get3A_301 = arith.index_cast %add3A_277 : i32 to index
        %get3A_302 = arith.constant 32 : index
        %get3A_303 = tpu.vector_load %arg11[%get3A_301, %get3A_302] {strides = array<i32>} : memref<128x128xf32, #tpu.memory_space<vmem>>, vector<1x16xf32>,
        %get3A_304 = vector.shape_cast %get3A_303 : vector<1x16xf32> to vector<16xf32>
        %mul3A_305 = arith.mulf %get3A_300, %get3A_304 : vector<16xf32>
        %add3A_306 = arith.addf %add3A_296, %mul3A_305 : vector<16xf32>
        %get3A_307 = arith.index_cast %add3A_277 : i32 to index
        %get3A_308 = arith.constant 48 : index
        %get3A_309 = tpu.vector_load %arg10[%get3A_307, %get3A_308] {strides = array<i32>} : memref<128x128xf32, #tpu.memory_space<vmem>>, vector<1x16xf32>,
        %get3A_310 = vector.shape_cast %get3A_309 : vector<1x16xf32> to vector<16xf32>
        %get3A_311 = arith.index_cast %add3A_277 : i32 to index
        %get3A_312 = arith.constant 48 : index
        %get3A_313 = tpu.vector_load %arg11[%get3A_311, %get3A_312] {strides = array<i32>} : memref<128x128xf32, #tpu.memory_space<vmem>>, vector<1x16xf32>,
        %get3A_314 = vector.shape_cast %get3A_313 : vector<1x16xf32> to vector<16xf32>
        %mul3A_315 = arith.mulf %get3A_310, %get3A_314 : vector<16xf32>
        %add3A_316 = arith.addf %add3A_306, %mul3A_315 : vector<16xf32>
        %mul3A_317 = arith.constant 2 : i32
        %mul3A_318 = arith.muli %mul3A_317, %scan3A_170 : i32
        %add3A_319 = arith.constant 0 : i32
        %add3A_320 = arith.addi %mul3A_318, %add3A_319 : i32
        %swap3A_321 = arith.index_cast %add3A_320 : i32 to index
        %swap3A_322 = arith.constant 32 : index
        %swap3A_323 = tpu.vector_load %arg13[%swap3A_321, %swap3A_322] {strides = array<i32>} : memref<16x128xf32, #tpu.memory_space<vmem>>, vector<1x16xf32>,
        %swap3A_324 = vector.shape_cast %swap3A_323 : vector<1x16xf32> to vector<16xf32>
        %swap3A_325 = vector.shape_cast %add3A_316 : vector<16xf32> to vector<1x16xf32>
        tpu.vector_store %arg13[%swap3A_321, %swap3A_322], %swap3A_325 {strides = array<i32>} : memref<16x128xf32, #tpu.memory_space<vmem>>, vector<1x16xf32>,
        %mul3A_326 = arith.constant 16 : i32
        %mul3A_327 = arith.muli %scan3A_170, %mul3A_326 : i32
        %add3A_328 = arith.constant 3 : i32
        %add3A_329 = arith.addi %mul3A_327, %add3A_328 : i32
        %get3A_330 = arith.index_cast %add3A_329 : i32 to index
        %get3A_331 = arith.constant 0 : index
        %get3A_332 = tpu.vector_load %arg10[%get3A_330, %get3A_331] {strides = array<i32>} : memref<128x128xf32, #tpu.memory_space<vmem>>, vector<1x16xf32>,
        %get3A_333 = vector.shape_cast %get3A_332 : vector<1x16xf32> to vector<16xf32>
        %get3A_334 = arith.index_cast %add3A_329 : i32 to index
        %get3A_335 = arith.constant 0 : index
        %get3A_336 = tpu.vector_load %arg11[%get3A_334, %get3A_335] {strides = array<i32>} : memref<128x128xf32, #tpu.memory_space<vmem>>, vector<1x16xf32>,
        %get3A_337 = vector.shape_cast %get3A_336 : vector<1x16xf32> to vector<16xf32>
        %mul3A_338 = arith.mulf %get3A_333, %get3A_337 : vector<16xf32>
        %get3A_339 = arith.index_cast %add3A_329 : i32 to index
        %get3A_340 = arith.constant 16 : index
        %get3A_341 = tpu.vector_load %arg10[%get3A_339, %get3A_340] {strides = array<i32>} : memref<128x128xf32, #tpu.memory_space<vmem>>, vector<1x16xf32>,
        %get3A_342 = vector.shape_cast %get3A_341 : vector<1x16xf32> to vector<16xf32>
        %get3A_343 = arith.index_cast %add3A_329 : i32 to index
        %get3A_344 = arith.constant 16 : index
        %get3A_345 = tpu.vector_load %arg11[%get3A_343, %get3A_344] {strides = array<i32>} : memref<128x128xf32, #tpu.memory_space<vmem>>, vector<1x16xf32>,
        %get3A_346 = vector.shape_cast %get3A_345 : vector<1x16xf32> to vector<16xf32>
        %mul3A_347 = arith.mulf %get3A_342, %get3A_346 : vector<16xf32>
        %add3A_348 = arith.addf %mul3A_338, %mul3A_347 : vector<16xf32>
        %get3A_349 = arith.index_cast %add3A_329 : i32 to index
        %get3A_350 = arith.constant 32 : index
        %get3A_351 = tpu.vector_load %arg10[%get3A_349, %get3A_350] {strides = array<i32>} : memref<128x128xf32, #tpu.memory_space<vmem>>, vector<1x16xf32>,
        %get3A_352 = vector.shape_cast %get3A_351 : vector<1x16xf32> to vector<16xf32>
        %get3A_353 = arith.index_cast %add3A_329 : i32 to index
        %get3A_354 = arith.constant 32 : index
        %get3A_355 = tpu.vector_load %arg11[%get3A_353, %get3A_354] {strides = array<i32>} : memref<128x128xf32, #tpu.memory_space<vmem>>, vector<1x16xf32>,
        %get3A_356 = vector.shape_cast %get3A_355 : vector<1x16xf32> to vector<16xf32>
        %mul3A_357 = arith.mulf %get3A_352, %get3A_356 : vector<16xf32>
        %add3A_358 = arith.addf %add3A_348, %mul3A_357 : vector<16xf32>
        %get3A_359 = arith.index_cast %add3A_329 : i32 to index
        %get3A_360 = arith.constant 48 : index
        %get3A_361 = tpu.vector_load %arg10[%get3A_359, %get3A_360] {strides = array<i32>} : memref<128x128xf32, #tpu.memory_space<vmem>>, vector<1x16xf32>,
        %get3A_362 = vector.shape_cast %get3A_361 : vector<1x16xf32> to vector<16xf32>
        %get3A_363 = arith.index_cast %add3A_329 : i32 to index
        %get3A_364 = arith.constant 48 : index
        %get3A_365 = tpu.vector_load %arg11[%get3A_363, %get3A_364] {strides = array<i32>} : memref<128x128xf32, #tpu.memory_space<vmem>>, vector<1x16xf32>,
        %get3A_366 = vector.shape_cast %get3A_365 : vector<1x16xf32> to vector<16xf32>
        %mul3A_367 = arith.mulf %get3A_362, %get3A_366 : vector<16xf32>
        %add3A_368 = arith.addf %add3A_358, %mul3A_367 : vector<16xf32>
        %mul3A_369 = arith.constant 2 : i32
        %mul3A_370 = arith.muli %mul3A_369, %scan3A_170 : i32
        %add3A_371 = arith.constant 0 : i32
        %add3A_372 = arith.addi %mul3A_370, %add3A_371 : i32
        %swap3A_373 = arith.index_cast %add3A_372 : i32 to index
        %swap3A_374 = arith.constant 48 : index
        %swap3A_375 = tpu.vector_load %arg13[%swap3A_373, %swap3A_374] {strides = array<i32>} : memref<16x128xf32, #tpu.memory_space<vmem>>, vector<1x16xf32>,
        %swap3A_376 = vector.shape_cast %swap3A_375 : vector<1x16xf32> to vector<16xf32>
        %swap3A_377 = vector.shape_cast %add3A_368 : vector<16xf32> to vector<1x16xf32>
        tpu.vector_store %arg13[%swap3A_373, %swap3A_374], %swap3A_377 {strides = array<i32>} : memref<16x128xf32, #tpu.memory_space<vmem>>, vector<1x16xf32>,
        %mul3A_378 = arith.constant 16 : i32
        %mul3A_379 = arith.muli %scan3A_170, %mul3A_378 : i32
        %add3A_380 = arith.constant 4 : i32
        %add3A_381 = arith.addi %mul3A_379, %add3A_380 : i32
        %get3A_382 = arith.index_cast %add3A_381 : i32 to index
        %get3A_383 = arith.constant 0 : index
        %get3A_384 = tpu.vector_load %arg10[%get3A_382, %get3A_383] {strides = array<i32>} : memref<128x128xf32, #tpu.memory_space<vmem>>, vector<1x16xf32>,
        %get3A_385 = vector.shape_cast %get3A_384 : vector<1x16xf32> to vector<16xf32>
        %get3A_386 = arith.index_cast %add3A_381 : i32 to index
        %get3A_387 = arith.constant 0 : index
        %get3A_388 = tpu.vector_load %arg11[%get3A_386, %get3A_387] {strides = array<i32>} : memref<128x128xf32, #tpu.memory_space<vmem>>, vector<1x16xf32>,
        %get3A_389 = vector.shape_cast %get3A_388 : vector<1x16xf32> to vector<16xf32>
        %mul3A_390 = arith.mulf %get3A_385, %get3A_389 : vector<16xf32>
        %get3A_391 = arith.index_cast %add3A_381 : i32 to index
        %get3A_392 = arith.constant 16 : index
        %get3A_393 = tpu.vector_load %arg10[%get3A_391, %get3A_392] {strides = array<i32>} : memref<128x128xf32, #tpu.memory_space<vmem>>, vector<1x16xf32>,
        %get3A_394 = vector.shape_cast %get3A_393 : vector<1x16xf32> to vector<16xf32>
        %get3A_395 = arith.index_cast %add3A_381 : i32 to index
        %get3A_396 = arith.constant 16 : index
        %get3A_397 = tpu.vector_load %arg11[%get3A_395, %get3A_396] {strides = array<i32>} : memref<128x128xf32, #tpu.memory_space<vmem>>, vector<1x16xf32>,
        %get3A_398 = vector.shape_cast %get3A_397 : vector<1x16xf32> to vector<16xf32>
        %mul3A_399 = arith.mulf %get3A_394, %get3A_398 : vector<16xf32>
        %add3A_400 = arith.addf %mul3A_390, %mul3A_399 : vector<16xf32>
        %get3A_401 = arith.index_cast %add3A_381 : i32 to index
        %get3A_402 = arith.constant 32 : index
        %get3A_403 = tpu.vector_load %arg10[%get3A_401, %get3A_402] {strides = array<i32>} : memref<128x128xf32, #tpu.memory_space<vmem>>, vector<1x16xf32>,
        %get3A_404 = vector.shape_cast %get3A_403 : vector<1x16xf32> to vector<16xf32>
        %get3A_405 = arith.index_cast %add3A_381 : i32 to index
        %get3A_406 = arith.constant 32 : index
        %get3A_407 = tpu.vector_load %arg11[%get3A_405, %get3A_406] {strides = array<i32>} : memref<128x128xf32, #tpu.memory_space<vmem>>, vector<1x16xf32>,
        %get3A_408 = vector.shape_cast %get3A_407 : vector<1x16xf32> to vector<16xf32>
        %mul3A_409 = arith.mulf %get3A_404, %get3A_408 : vector<16xf32>
        %add3A_410 = arith.addf %add3A_400, %mul3A_409 : vector<16xf32>
        %get3A_411 = arith.index_cast %add3A_381 : i32 to index
        %get3A_412 = arith.constant 48 : index
        %get3A_413 = tpu.vector_load %arg10[%get3A_411, %get3A_412] {strides = array<i32>} : memref<128x128xf32, #tpu.memory_space<vmem>>, vector<1x16xf32>,
        %get3A_414 = vector.shape_cast %get3A_413 : vector<1x16xf32> to vector<16xf32>
        %get3A_415 = arith.index_cast %add3A_381 : i32 to index
        %get3A_416 = arith.constant 48 : index
        %get3A_417 = tpu.vector_load %arg11[%get3A_415, %get3A_416] {strides = array<i32>} : memref<128x128xf32, #tpu.memory_space<vmem>>, vector<1x16xf32>,
        %get3A_418 = vector.shape_cast %get3A_417 : vector<1x16xf32> to vector<16xf32>
        %mul3A_419 = arith.mulf %get3A_414, %get3A_418 : vector<16xf32>
        %add3A_420 = arith.addf %add3A_410, %mul3A_419 : vector<16xf32>
        %mul3A_421 = arith.constant 2 : i32
        %mul3A_422 = arith.muli %mul3A_421, %scan3A_170 : i32
        %add3A_423 = arith.constant 0 : i32
        %add3A_424 = arith.addi %mul3A_422, %add3A_423 : i32
        %swap3A_425 = arith.index_cast %add3A_424 : i32 to index
        %swap3A_426 = arith.constant 64 : index
        %swap3A_427 = tpu.vector_load %arg13[%swap3A_425, %swap3A_426] {strides = array<i32>} : memref<16x128xf32, #tpu.memory_space<vmem>>, vector<1x16xf32>,
        %swap3A_428 = vector.shape_cast %swap3A_427 : vector<1x16xf32> to vector<16xf32>
        %swap3A_429 = vector.shape_cast %add3A_420 : vector<16xf32> to vector<1x16xf32>
        tpu.vector_store %arg13[%swap3A_425, %swap3A_426], %swap3A_429 {strides = array<i32>} : memref<16x128xf32, #tpu.memory_space<vmem>>, vector<1x16xf32>,
        %mul3A_430 = arith.constant 16 : i32
        %mul3A_431 = arith.muli %scan3A_170, %mul3A_430 : i32
        %add3A_432 = arith.constant 5 : i32
        %add3A_433 = arith.addi %mul3A_431, %add3A_432 : i32
        %get3A_434 = arith.index_cast %add3A_433 : i32 to index
        %get3A_435 = arith.constant 0 : index
        %get3A_436 = tpu.vector_load %arg10[%get3A_434, %get3A_435] {strides = array<i32>} : memref<128x128xf32, #tpu.memory_space<vmem>>, vector<1x16xf32>,
        %get3A_437 = vector.shape_cast %get3A_436 : vector<1x16xf32> to vector<16xf32>
        %get3A_438 = arith.index_cast %add3A_433 : i32 to index
        %get3A_439 = arith.constant 0 : index
        %get3A_440 = tpu.vector_load %arg11[%get3A_438, %get3A_439] {strides = array<i32>} : memref<128x128xf32, #tpu.memory_space<vmem>>, vector<1x16xf32>,
        %get3A_441 = vector.shape_cast %get3A_440 : vector<1x16xf32> to vector<16xf32>
        %mul3A_442 = arith.mulf %get3A_437, %get3A_441 : vector<16xf32>
        %get3A_443 = arith.index_cast %add3A_433 : i32 to index
        %get3A_444 = arith.constant 16 : index
        %get3A_445 = tpu.vector_load %arg10[%get3A_443, %get3A_444] {strides = array<i32>} : memref<128x128xf32, #tpu.memory_space<vmem>>, vector<1x16xf32>,
        %get3A_446 = vector.shape_cast %get3A_445 : vector<1x16xf32> to vector<16xf32>
        %get3A_447 = arith.index_cast %add3A_433 : i32 to index
        %get3A_448 = arith.constant 16 : index
        %get3A_449 = tpu.vector_load %arg11[%get3A_447, %get3A_448] {strides = array<i32>} : memref<128x128xf32, #tpu.memory_space<vmem>>, vector<1x16xf32>,
        %get3A_450 = vector.shape_cast %get3A_449 : vector<1x16xf32> to vector<16xf32>
        %mul3A_451 = arith.mulf %get3A_446, %get3A_450 : vector<16xf32>
        %add3A_452 = arith.addf %mul3A_442, %mul3A_451 : vector<16xf32>
        %get3A_453 = arith.index_cast %add3A_433 : i32 to index
        %get3A_454 = arith.constant 32 : index
        %get3A_455 = tpu.vector_load %arg10[%get3A_453, %get3A_454] {strides = array<i32>} : memref<128x128xf32, #tpu.memory_space<vmem>>, vector<1x16xf32>,
        %get3A_456 = vector.shape_cast %get3A_455 : vector<1x16xf32> to vector<16xf32>
        %get3A_457 = arith.index_cast %add3A_433 : i32 to index
        %get3A_458 = arith.constant 32 : index
        %get3A_459 = tpu.vector_load %arg11[%get3A_457, %get3A_458] {strides = array<i32>} : memref<128x128xf32, #tpu.memory_space<vmem>>, vector<1x16xf32>,
        %get3A_460 = vector.shape_cast %get3A_459 : vector<1x16xf32> to vector<16xf32>
        %mul3A_461 = arith.mulf %get3A_456, %get3A_460 : vector<16xf32>
        %add3A_462 = arith.addf %add3A_452, %mul3A_461 : vector<16xf32>
        %get3A_463 = arith.index_cast %add3A_433 : i32 to index
        %get3A_464 = arith.constant 48 : index
        %get3A_465 = tpu.vector_load %arg10[%get3A_463, %get3A_464] {strides = array<i32>} : memref<128x128xf32, #tpu.memory_space<vmem>>, vector<1x16xf32>,
        %get3A_466 = vector.shape_cast %get3A_465 : vector<1x16xf32> to vector<16xf32>
        %get3A_467 = arith.index_cast %add3A_433 : i32 to index
        %get3A_468 = arith.constant 48 : index
        %get3A_469 = tpu.vector_load %arg11[%get3A_467, %get3A_468] {strides = array<i32>} : memref<128x128xf32, #tpu.memory_space<vmem>>, vector<1x16xf32>,
        %get3A_470 = vector.shape_cast %get3A_469 : vector<1x16xf32> to vector<16xf32>
        %mul3A_471 = arith.mulf %get3A_466, %get3A_470 : vector<16xf32>
        %add3A_472 = arith.addf %add3A_462, %mul3A_471 : vector<16xf32>
        %mul3A_473 = arith.constant 2 : i32
        %mul3A_474 = arith.muli %mul3A_473, %scan3A_170 : i32
        %add3A_475 = arith.constant 0 : i32
        %add3A_476 = arith.addi %mul3A_474, %add3A_475 : i32
        %swap3A_477 = arith.index_cast %add3A_476 : i32 to index
        %swap3A_478 = arith.constant 80 : index
        %swap3A_479 = tpu.vector_load %arg13[%swap3A_477, %swap3A_478] {strides = array<i32>} : memref<16x128xf32, #tpu.memory_space<vmem>>, vector<1x16xf32>,
        %swap3A_480 = vector.shape_cast %swap3A_479 : vector<1x16xf32> to vector<16xf32>
        %swap3A_481 = vector.shape_cast %add3A_472 : vector<16xf32> to vector<1x16xf32>
        tpu.vector_store %arg13[%swap3A_477, %swap3A_478], %swap3A_481 {strides = array<i32>} : memref<16x128xf32, #tpu.memory_space<vmem>>, vector<1x16xf32>,
        %mul3A_482 = arith.constant 16 : i32
        %mul3A_483 = arith.muli %scan3A_170, %mul3A_482 : i32
        %add3A_484 = arith.constant 6 : i32
        %add3A_485 = arith.addi %mul3A_483, %add3A_484 : i32
        %get3A_486 = arith.index_cast %add3A_485 : i32 to index
        %get3A_487 = arith.constant 0 : index
        %get3A_488 = tpu.vector_load %arg10[%get3A_486, %get3A_487] {strides = array<i32>} : memref<128x128xf32, #tpu.memory_space<vmem>>, vector<1x16xf32>,
        %get3A_489 = vector.shape_cast %get3A_488 : vector<1x16xf32> to vector<16xf32>
        %get3A_490 = arith.index_cast %add3A_485 : i32 to index
        %get3A_491 = arith.constant 0 : index
        %get3A_492 = tpu.vector_load %arg11[%get3A_490, %get3A_491] {strides = array<i32>} : memref<128x128xf32, #tpu.memory_space<vmem>>, vector<1x16xf32>,
        %get3A_493 = vector.shape_cast %get3A_492 : vector<1x16xf32> to vector<16xf32>
        %mul3A_494 = arith.mulf %get3A_489, %get3A_493 : vector<16xf32>
        %get3A_495 = arith.index_cast %add3A_485 : i32 to index
        %get3A_496 = arith.constant 16 : index
        %get3A_497 = tpu.vector_load %arg10[%get3A_495, %get3A_496] {strides = array<i32>} : memref<128x128xf32, #tpu.memory_space<vmem>>, vector<1x16xf32>,
        %get3A_498 = vector.shape_cast %get3A_497 : vector<1x16xf32> to vector<16xf32>
        %get3A_499 = arith.index_cast %add3A_485 : i32 to index
        %get3A_500 = arith.constant 16 : index
        %get3A_501 = tpu.vector_load %arg11[%get3A_499, %get3A_500] {strides = array<i32>} : memref<128x128xf32, #tpu.memory_space<vmem>>, vector<1x16xf32>,
        %get3A_502 = vector.shape_cast %get3A_501 : vector<1x16xf32> to vector<16xf32>
        %mul3A_503 = arith.mulf %get3A_498, %get3A_502 : vector<16xf32>
        %add3A_504 = arith.addf %mul3A_494, %mul3A_503 : vector<16xf32>
        %get3A_505 = arith.index_cast %add3A_485 : i32 to index
        %get3A_506 = arith.constant 32 : index
        %get3A_507 = tpu.vector_load %arg10[%get3A_505, %get3A_506] {strides = array<i32>} : memref<128x128xf32, #tpu.memory_space<vmem>>, vector<1x16xf32>,
        %get3A_508 = vector.shape_cast %get3A_507 : vector<1x16xf32> to vector<16xf32>
        %get3A_509 = arith.index_cast %add3A_485 : i32 to index
        %get3A_510 = arith.constant 32 : index
        %get3A_511 = tpu.vector_load %arg11[%get3A_509, %get3A_510] {strides = array<i32>} : memref<128x128xf32, #tpu.memory_space<vmem>>, vector<1x16xf32>,
        %get3A_512 = vector.shape_cast %get3A_511 : vector<1x16xf32> to vector<16xf32>
        %mul3A_513 = arith.mulf %get3A_508, %get3A_512 : vector<16xf32>
        %add3A_514 = arith.addf %add3A_504, %mul3A_513 : vector<16xf32>
        %get3A_515 = arith.index_cast %add3A_485 : i32 to index
        %get3A_516 = arith.constant 48 : index
        %get3A_517 = tpu.vector_load %arg10[%get3A_515, %get3A_516] {strides = array<i32>} : memref<128x128xf32, #tpu.memory_space<vmem>>, vector<1x16xf32>,
        %get3A_518 = vector.shape_cast %get3A_517 : vector<1x16xf32> to vector<16xf32>
        %get3A_519 = arith.index_cast %add3A_485 : i32 to index
        %get3A_520 = arith.constant 48 : index
        %get3A_521 = tpu.vector_load %arg11[%get3A_519, %get3A_520] {strides = array<i32>} : memref<128x128xf32, #tpu.memory_space<vmem>>, vector<1x16xf32>,
        %get3A_522 = vector.shape_cast %get3A_521 : vector<1x16xf32> to vector<16xf32>
        %mul3A_523 = arith.mulf %get3A_518, %get3A_522 : vector<16xf32>
        %add3A_524 = arith.addf %add3A_514, %mul3A_523 : vector<16xf32>
        %mul3A_525 = arith.constant 2 : i32
        %mul3A_526 = arith.muli %mul3A_525, %scan3A_170 : i32
        %add3A_527 = arith.constant 0 : i32
        %add3A_528 = arith.addi %mul3A_526, %add3A_527 : i32
        %swap3A_529 = arith.index_cast %add3A_528 : i32 to index
        %swap3A_530 = arith.constant 96 : index
        %swap3A_531 = tpu.vector_load %arg13[%swap3A_529, %swap3A_530] {strides = array<i32>} : memref<16x128xf32, #tpu.memory_space<vmem>>, vector<1x16xf32>,
        %swap3A_532 = vector.shape_cast %swap3A_531 : vector<1x16xf32> to vector<16xf32>
        %swap3A_533 = vector.shape_cast %add3A_524 : vector<16xf32> to vector<1x16xf32>
        tpu.vector_store %arg13[%swap3A_529, %swap3A_530], %swap3A_533 {strides = array<i32>} : memref<16x128xf32, #tpu.memory_space<vmem>>, vector<1x16xf32>,
        %mul3A_534 = arith.constant 16 : i32
        %mul3A_535 = arith.muli %scan3A_170, %mul3A_534 : i32
        %add3A_536 = arith.constant 7 : i32
        %add3A_537 = arith.addi %mul3A_535, %add3A_536 : i32
        %get3A_538 = arith.index_cast %add3A_537 : i32 to index
        %get3A_539 = arith.constant 0 : index
        %get3A_540 = tpu.vector_load %arg10[%get3A_538, %get3A_539] {strides = array<i32>} : memref<128x128xf32, #tpu.memory_space<vmem>>, vector<1x16xf32>,
        %get3A_541 = vector.shape_cast %get3A_540 : vector<1x16xf32> to vector<16xf32>
        %get3A_542 = arith.index_cast %add3A_537 : i32 to index
        %get3A_543 = arith.constant 0 : index
        %get3A_544 = tpu.vector_load %arg11[%get3A_542, %get3A_543] {strides = array<i32>} : memref<128x128xf32, #tpu.memory_space<vmem>>, vector<1x16xf32>,
        %get3A_545 = vector.shape_cast %get3A_544 : vector<1x16xf32> to vector<16xf32>
        %mul3A_546 = arith.mulf %get3A_541, %get3A_545 : vector<16xf32>
        %get3A_547 = arith.index_cast %add3A_537 : i32 to index
        %get3A_548 = arith.constant 16 : index
        %get3A_549 = tpu.vector_load %arg10[%get3A_547, %get3A_548] {strides = array<i32>} : memref<128x128xf32, #tpu.memory_space<vmem>>, vector<1x16xf32>,
        %get3A_550 = vector.shape_cast %get3A_549 : vector<1x16xf32> to vector<16xf32>
        %get3A_551 = arith.index_cast %add3A_537 : i32 to index
        %get3A_552 = arith.constant 16 : index
        %get3A_553 = tpu.vector_load %arg11[%get3A_551, %get3A_552] {strides = array<i32>} : memref<128x128xf32, #tpu.memory_space<vmem>>, vector<1x16xf32>,
        %get3A_554 = vector.shape_cast %get3A_553 : vector<1x16xf32> to vector<16xf32>
        %mul3A_555 = arith.mulf %get3A_550, %get3A_554 : vector<16xf32>
        %add3A_556 = arith.addf %mul3A_546, %mul3A_555 : vector<16xf32>
        %get3A_557 = arith.index_cast %add3A_537 : i32 to index
        %get3A_558 = arith.constant 32 : index
        %get3A_559 = tpu.vector_load %arg10[%get3A_557, %get3A_558] {strides = array<i32>} : memref<128x128xf32, #tpu.memory_space<vmem>>, vector<1x16xf32>,
        %get3A_560 = vector.shape_cast %get3A_559 : vector<1x16xf32> to vector<16xf32>
        %get3A_561 = arith.index_cast %add3A_537 : i32 to index
        %get3A_562 = arith.constant 32 : index
        %get3A_563 = tpu.vector_load %arg11[%get3A_561, %get3A_562] {strides = array<i32>} : memref<128x128xf32, #tpu.memory_space<vmem>>, vector<1x16xf32>,
        %get3A_564 = vector.shape_cast %get3A_563 : vector<1x16xf32> to vector<16xf32>
        %mul3A_565 = arith.mulf %get3A_560, %get3A_564 : vector<16xf32>
        %add3A_566 = arith.addf %add3A_556, %mul3A_565 : vector<16xf32>
        %get3A_567 = arith.index_cast %add3A_537 : i32 to index
        %get3A_568 = arith.constant 48 : index
        %get3A_569 = tpu.vector_load %arg10[%get3A_567, %get3A_568] {strides = array<i32>} : memref<128x128xf32, #tpu.memory_space<vmem>>, vector<1x16xf32>,
        %get3A_570 = vector.shape_cast %get3A_569 : vector<1x16xf32> to vector<16xf32>
        %get3A_571 = arith.index_cast %add3A_537 : i32 to index
        %get3A_572 = arith.constant 48 : index
        %get3A_573 = tpu.vector_load %arg11[%get3A_571, %get3A_572] {strides = array<i32>} : memref<128x128xf32, #tpu.memory_space<vmem>>, vector<1x16xf32>,
        %get3A_574 = vector.shape_cast %get3A_573 : vector<1x16xf32> to vector<16xf32>
        %mul3A_575 = arith.mulf %get3A_570, %get3A_574 : vector<16xf32>
        %add3A_576 = arith.addf %add3A_566, %mul3A_575 : vector<16xf32>
        %mul3A_577 = arith.constant 2 : i32
        %mul3A_578 = arith.muli %mul3A_577, %scan3A_170 : i32
        %add3A_579 = arith.constant 0 : i32
        %add3A_580 = arith.addi %mul3A_578, %add3A_579 : i32
        %swap3A_581 = arith.index_cast %add3A_580 : i32 to index
        %swap3A_582 = arith.constant 112 : index
        %swap3A_583 = tpu.vector_load %arg13[%swap3A_581, %swap3A_582] {strides = array<i32>} : memref<16x128xf32, #tpu.memory_space<vmem>>, vector<1x16xf32>,
        %swap3A_584 = vector.shape_cast %swap3A_583 : vector<1x16xf32> to vector<16xf32>
        %swap3A_585 = vector.shape_cast %add3A_576 : vector<16xf32> to vector<1x16xf32>
        tpu.vector_store %arg13[%swap3A_581, %swap3A_582], %swap3A_585 {strides = array<i32>} : memref<16x128xf32, #tpu.memory_space<vmem>>, vector<1x16xf32>,
        %mul3A_586 = arith.constant 16 : i32
        %mul3A_587 = arith.muli %scan3A_170, %mul3A_586 : i32
        %add3A_588 = arith.constant 8 : i32
        %add3A_589 = arith.addi %mul3A_587, %add3A_588 : i32
        %get3A_590 = arith.index_cast %add3A_589 : i32 to index
        %get3A_591 = arith.constant 0 : index
        %get3A_592 = tpu.vector_load %arg10[%get3A_590, %get3A_591] {strides = array<i32>} : memref<128x128xf32, #tpu.memory_space<vmem>>, vector<1x16xf32>,
        %get3A_593 = vector.shape_cast %get3A_592 : vector<1x16xf32> to vector<16xf32>
        %get3A_594 = arith.index_cast %add3A_589 : i32 to index
        %get3A_595 = arith.constant 0 : index
        %get3A_596 = tpu.vector_load %arg11[%get3A_594, %get3A_595] {strides = array<i32>} : memref<128x128xf32, #tpu.memory_space<vmem>>, vector<1x16xf32>,
        %get3A_597 = vector.shape_cast %get3A_596 : vector<1x16xf32> to vector<16xf32>
        %mul3A_598 = arith.mulf %get3A_593, %get3A_597 : vector<16xf32>
        %get3A_599 = arith.index_cast %add3A_589 : i32 to index
        %get3A_600 = arith.constant 16 : index
        %get3A_601 = tpu.vector_load %arg10[%get3A_599, %get3A_600] {strides = array<i32>} : memref<128x128xf32, #tpu.memory_space<vmem>>, vector<1x16xf32>,
        %get3A_602 = vector.shape_cast %get3A_601 : vector<1x16xf32> to vector<16xf32>
        %get3A_603 = arith.index_cast %add3A_589 : i32 to index
        %get3A_604 = arith.constant 16 : index
        %get3A_605 = tpu.vector_load %arg11[%get3A_603, %get3A_604] {strides = array<i32>} : memref<128x128xf32, #tpu.memory_space<vmem>>, vector<1x16xf32>,
        %get3A_606 = vector.shape_cast %get3A_605 : vector<1x16xf32> to vector<16xf32>
        %mul3A_607 = arith.mulf %get3A_602, %get3A_606 : vector<16xf32>
        %add3A_608 = arith.addf %mul3A_598, %mul3A_607 : vector<16xf32>
        %get3A_609 = arith.index_cast %add3A_589 : i32 to index
        %get3A_610 = arith.constant 32 : index
        %get3A_611 = tpu.vector_load %arg10[%get3A_609, %get3A_610] {strides = array<i32>} : memref<128x128xf32, #tpu.memory_space<vmem>>, vector<1x16xf32>,
        %get3A_612 = vector.shape_cast %get3A_611 : vector<1x16xf32> to vector<16xf32>
        %get3A_613 = arith.index_cast %add3A_589 : i32 to index
        %get3A_614 = arith.constant 32 : index
        %get3A_615 = tpu.vector_load %arg11[%get3A_613, %get3A_614] {strides = array<i32>} : memref<128x128xf32, #tpu.memory_space<vmem>>, vector<1x16xf32>,
        %get3A_616 = vector.shape_cast %get3A_615 : vector<1x16xf32> to vector<16xf32>
        %mul3A_617 = arith.mulf %get3A_612, %get3A_616 : vector<16xf32>
        %add3A_618 = arith.addf %add3A_608, %mul3A_617 : vector<16xf32>
        %get3A_619 = arith.index_cast %add3A_589 : i32 to index
        %get3A_620 = arith.constant 48 : index
        %get3A_621 = tpu.vector_load %arg10[%get3A_619, %get3A_620] {strides = array<i32>} : memref<128x128xf32, #tpu.memory_space<vmem>>, vector<1x16xf32>,
        %get3A_622 = vector.shape_cast %get3A_621 : vector<1x16xf32> to vector<16xf32>
        %get3A_623 = arith.index_cast %add3A_589 : i32 to index
        %get3A_624 = arith.constant 48 : index
        %get3A_625 = tpu.vector_load %arg11[%get3A_623, %get3A_624] {strides = array<i32>} : memref<128x128xf32, #tpu.memory_space<vmem>>, vector<1x16xf32>,
        %get3A_626 = vector.shape_cast %get3A_625 : vector<1x16xf32> to vector<16xf32>
        %mul3A_627 = arith.mulf %get3A_622, %get3A_626 : vector<16xf32>
        %add3A_628 = arith.addf %add3A_618, %mul3A_627 : vector<16xf32>
        %mul3A_629 = arith.constant 2 : i32
        %mul3A_630 = arith.muli %mul3A_629, %scan3A_170 : i32
        %add3A_631 = arith.constant 1 : i32
        %add3A_632 = arith.addi %mul3A_630, %add3A_631 : i32
        %swap3A_633 = arith.index_cast %add3A_632 : i32 to index
        %swap3A_634 = arith.constant 0 : index
        %swap3A_635 = tpu.vector_load %arg13[%swap3A_633, %swap3A_634] {strides = array<i32>} : memref<16x128xf32, #tpu.memory_space<vmem>>, vector<1x16xf32>,
        %swap3A_636 = vector.shape_cast %swap3A_635 : vector<1x16xf32> to vector<16xf32>
        %swap3A_637 = vector.shape_cast %add3A_628 : vector<16xf32> to vector<1x16xf32>
        tpu.vector_store %arg13[%swap3A_633, %swap3A_634], %swap3A_637 {strides = array<i32>} : memref<16x128xf32, #tpu.memory_space<vmem>>, vector<1x16xf32>,
        %mul3A_638 = arith.constant 16 : i32
        %mul3A_639 = arith.muli %scan3A_170, %mul3A_638 : i32
        %add3A_640 = arith.constant 9 : i32
        %add3A_641 = arith.addi %mul3A_639, %add3A_640 : i32
        %get3A_642 = arith.index_cast %add3A_641 : i32 to index
        %get3A_643 = arith.constant 0 : index
        %get3A_644 = tpu.vector_load %arg10[%get3A_642, %get3A_643] {strides = array<i32>} : memref<128x128xf32, #tpu.memory_space<vmem>>, vector<1x16xf32>,
        %get3A_645 = vector.shape_cast %get3A_644 : vector<1x16xf32> to vector<16xf32>
        %get3A_646 = arith.index_cast %add3A_641 : i32 to index
        %get3A_647 = arith.constant 0 : index
        %get3A_648 = tpu.vector_load %arg11[%get3A_646, %get3A_647] {strides = array<i32>} : memref<128x128xf32, #tpu.memory_space<vmem>>, vector<1x16xf32>,
        %get3A_649 = vector.shape_cast %get3A_648 : vector<1x16xf32> to vector<16xf32>
        %mul3A_650 = arith.mulf %get3A_645, %get3A_649 : vector<16xf32>
        %get3A_651 = arith.index_cast %add3A_641 : i32 to index
        %get3A_652 = arith.constant 16 : index
        %get3A_653 = tpu.vector_load %arg10[%get3A_651, %get3A_652] {strides = array<i32>} : memref<128x128xf32, #tpu.memory_space<vmem>>, vector<1x16xf32>,
        %get3A_654 = vector.shape_cast %get3A_653 : vector<1x16xf32> to vector<16xf32>
        %get3A_655 = arith.index_cast %add3A_641 : i32 to index
        %get3A_656 = arith.constant 16 : index
        %get3A_657 = tpu.vector_load %arg11[%get3A_655, %get3A_656] {strides = array<i32>} : memref<128x128xf32, #tpu.memory_space<vmem>>, vector<1x16xf32>,
        %get3A_658 = vector.shape_cast %get3A_657 : vector<1x16xf32> to vector<16xf32>
        %mul3A_659 = arith.mulf %get3A_654, %get3A_658 : vector<16xf32>
        %add3A_660 = arith.addf %mul3A_650, %mul3A_659 : vector<16xf32>
        %get3A_661 = arith.index_cast %add3A_641 : i32 to index
        %get3A_662 = arith.constant 32 : index
        %get3A_663 = tpu.vector_load %arg10[%get3A_661, %get3A_662] {strides = array<i32>} : memref<128x128xf32, #tpu.memory_space<vmem>>, vector<1x16xf32>,
        %get3A_664 = vector.shape_cast %get3A_663 : vector<1x16xf32> to vector<16xf32>
        %get3A_665 = arith.index_cast %add3A_641 : i32 to index
        %get3A_666 = arith.constant 32 : index
        %get3A_667 = tpu.vector_load %arg11[%get3A_665, %get3A_666] {strides = array<i32>} : memref<128x128xf32, #tpu.memory_space<vmem>>, vector<1x16xf32>,
        %get3A_668 = vector.shape_cast %get3A_667 : vector<1x16xf32> to vector<16xf32>
        %mul3A_669 = arith.mulf %get3A_664, %get3A_668 : vector<16xf32>
        %add3A_670 = arith.addf %add3A_660, %mul3A_669 : vector<16xf32>
        %get3A_671 = arith.index_cast %add3A_641 : i32 to index
        %get3A_672 = arith.constant 48 : index
        %get3A_673 = tpu.vector_load %arg10[%get3A_671, %get3A_672] {strides = array<i32>} : memref<128x128xf32, #tpu.memory_space<vmem>>, vector<1x16xf32>,
        %get3A_674 = vector.shape_cast %get3A_673 : vector<1x16xf32> to vector<16xf32>
        %get3A_675 = arith.index_cast %add3A_641 : i32 to index
        %get3A_676 = arith.constant 48 : index
        %get3A_677 = tpu.vector_load %arg11[%get3A_675, %get3A_676] {strides = array<i32>} : memref<128x128xf32, #tpu.memory_space<vmem>>, vector<1x16xf32>,
        %get3A_678 = vector.shape_cast %get3A_677 : vector<1x16xf32> to vector<16xf32>
        %mul3A_679 = arith.mulf %get3A_674, %get3A_678 : vector<16xf32>
        %add3A_680 = arith.addf %add3A_670, %mul3A_679 : vector<16xf32>
        %mul3A_681 = arith.constant 2 : i32
        %mul3A_682 = arith.muli %mul3A_681, %scan3A_170 : i32
        %add3A_683 = arith.constant 1 : i32
        %add3A_684 = arith.addi %mul3A_682, %add3A_683 : i32
        %swap3A_685 = arith.index_cast %add3A_684 : i32 to index
        %swap3A_686 = arith.constant 16 : index
        %swap3A_687 = tpu.vector_load %arg13[%swap3A_685, %swap3A_686] {strides = array<i32>} : memref<16x128xf32, #tpu.memory_space<vmem>>, vector<1x16xf32>,
        %swap3A_688 = vector.shape_cast %swap3A_687 : vector<1x16xf32> to vector<16xf32>
        %swap3A_689 = vector.shape_cast %add3A_680 : vector<16xf32> to vector<1x16xf32>
        tpu.vector_store %arg13[%swap3A_685, %swap3A_686], %swap3A_689 {strides = array<i32>} : memref<16x128xf32, #tpu.memory_space<vmem>>, vector<1x16xf32>,
        %mul3A_690 = arith.constant 16 : i32
        %mul3A_691 = arith.muli %scan3A_170, %mul3A_690 : i32
        %add3A_692 = arith.constant 10 : i32
        %add3A_693 = arith.addi %mul3A_691, %add3A_692 : i32
        %get3A_694 = arith.index_cast %add3A_693 : i32 to index
        %get3A_695 = arith.constant 0 : index
        %get3A_696 = tpu.vector_load %arg10[%get3A_694, %get3A_695] {strides = array<i32>} : memref<128x128xf32, #tpu.memory_space<vmem>>, vector<1x16xf32>,
        %get3A_697 = vector.shape_cast %get3A_696 : vector<1x16xf32> to vector<16xf32>
        %get3A_698 = arith.index_cast %add3A_693 : i32 to index
        %get3A_699 = arith.constant 0 : index
        %get3A_700 = tpu.vector_load %arg11[%get3A_698, %get3A_699] {strides = array<i32>} : memref<128x128xf32, #tpu.memory_space<vmem>>, vector<1x16xf32>,
        %get3A_701 = vector.shape_cast %get3A_700 : vector<1x16xf32> to vector<16xf32>
        %mul3A_702 = arith.mulf %get3A_697, %get3A_701 : vector<16xf32>
        %get3A_703 = arith.index_cast %add3A_693 : i32 to index
        %get3A_704 = arith.constant 16 : index
        %get3A_705 = tpu.vector_load %arg10[%get3A_703, %get3A_704] {strides = array<i32>} : memref<128x128xf32, #tpu.memory_space<vmem>>, vector<1x16xf32>,
        %get3A_706 = vector.shape_cast %get3A_705 : vector<1x16xf32> to vector<16xf32>
        %get3A_707 = arith.index_cast %add3A_693 : i32 to index
        %get3A_708 = arith.constant 16 : index
        %get3A_709 = tpu.vector_load %arg11[%get3A_707, %get3A_708] {strides = array<i32>} : memref<128x128xf32, #tpu.memory_space<vmem>>, vector<1x16xf32>,
        %get3A_710 = vector.shape_cast %get3A_709 : vector<1x16xf32> to vector<16xf32>
        %mul3A_711 = arith.mulf %get3A_706, %get3A_710 : vector<16xf32>
        %add3A_712 = arith.addf %mul3A_702, %mul3A_711 : vector<16xf32>
        %get3A_713 = arith.index_cast %add3A_693 : i32 to index
        %get3A_714 = arith.constant 32 : index
        %get3A_715 = tpu.vector_load %arg10[%get3A_713, %get3A_714] {strides = array<i32>} : memref<128x128xf32, #tpu.memory_space<vmem>>, vector<1x16xf32>,
        %get3A_716 = vector.shape_cast %get3A_715 : vector<1x16xf32> to vector<16xf32>
        %get3A_717 = arith.index_cast %add3A_693 : i32 to index
        %get3A_718 = arith.constant 32 : index
        %get3A_719 = tpu.vector_load %arg11[%get3A_717, %get3A_718] {strides = array<i32>} : memref<128x128xf32, #tpu.memory_space<vmem>>, vector<1x16xf32>,
        %get3A_720 = vector.shape_cast %get3A_719 : vector<1x16xf32> to vector<16xf32>
        %mul3A_721 = arith.mulf %get3A_716, %get3A_720 : vector<16xf32>
        %add3A_722 = arith.addf %add3A_712, %mul3A_721 : vector<16xf32>
        %get3A_723 = arith.index_cast %add3A_693 : i32 to index
        %get3A_724 = arith.constant 48 : index
        %get3A_725 = tpu.vector_load %arg10[%get3A_723, %get3A_724] {strides = array<i32>} : memref<128x128xf32, #tpu.memory_space<vmem>>, vector<1x16xf32>,
        %get3A_726 = vector.shape_cast %get3A_725 : vector<1x16xf32> to vector<16xf32>
        %get3A_727 = arith.index_cast %add3A_693 : i32 to index
        %get3A_728 = arith.constant 48 : index
        %get3A_729 = tpu.vector_load %arg11[%get3A_727, %get3A_728] {strides = array<i32>} : memref<128x128xf32, #tpu.memory_space<vmem>>, vector<1x16xf32>,
        %get3A_730 = vector.shape_cast %get3A_729 : vector<1x16xf32> to vector<16xf32>
        %mul3A_731 = arith.mulf %get3A_726, %get3A_730 : vector<16xf32>
        %add3A_732 = arith.addf %add3A_722, %mul3A_731 : vector<16xf32>
        %mul3A_733 = arith.constant 2 : i32
        %mul3A_734 = arith.muli %mul3A_733, %scan3A_170 : i32
        %add3A_735 = arith.constant 1 : i32
        %add3A_736 = arith.addi %mul3A_734, %add3A_735 : i32
        %swap3A_737 = arith.index_cast %add3A_736 : i32 to index
        %swap3A_738 = arith.constant 32 : index
        %swap3A_739 = tpu.vector_load %arg13[%swap3A_737, %swap3A_738] {strides = array<i32>} : memref<16x128xf32, #tpu.memory_space<vmem>>, vector<1x16xf32>,
        %swap3A_740 = vector.shape_cast %swap3A_739 : vector<1x16xf32> to vector<16xf32>
        %swap3A_741 = vector.shape_cast %add3A_732 : vector<16xf32> to vector<1x16xf32>
        tpu.vector_store %arg13[%swap3A_737, %swap3A_738], %swap3A_741 {strides = array<i32>} : memref<16x128xf32, #tpu.memory_space<vmem>>, vector<1x16xf32>,
        %mul3A_742 = arith.constant 16 : i32
        %mul3A_743 = arith.muli %scan3A_170, %mul3A_742 : i32
        %add3A_744 = arith.constant 11 : i32
        %add3A_745 = arith.addi %mul3A_743, %add3A_744 : i32
        %get3A_746 = arith.index_cast %add3A_745 : i32 to index
        %get3A_747 = arith.constant 0 : index
        %get3A_748 = tpu.vector_load %arg10[%get3A_746, %get3A_747] {strides = array<i32>} : memref<128x128xf32, #tpu.memory_space<vmem>>, vector<1x16xf32>,
        %get3A_749 = vector.shape_cast %get3A_748 : vector<1x16xf32> to vector<16xf32>
        %get3A_750 = arith.index_cast %add3A_745 : i32 to index
        %get3A_751 = arith.constant 0 : index
        %get3A_752 = tpu.vector_load %arg11[%get3A_750, %get3A_751] {strides = array<i32>} : memref<128x128xf32, #tpu.memory_space<vmem>>, vector<1x16xf32>,
        %get3A_753 = vector.shape_cast %get3A_752 : vector<1x16xf32> to vector<16xf32>
        %mul3A_754 = arith.mulf %get3A_749, %get3A_753 : vector<16xf32>
        %get3A_755 = arith.index_cast %add3A_745 : i32 to index
        %get3A_756 = arith.constant 16 : index
        %get3A_757 = tpu.vector_load %arg10[%get3A_755, %get3A_756] {strides = array<i32>} : memref<128x128xf32, #tpu.memory_space<vmem>>, vector<1x16xf32>,
        %get3A_758 = vector.shape_cast %get3A_757 : vector<1x16xf32> to vector<16xf32>
        %get3A_759 = arith.index_cast %add3A_745 : i32 to index
        %get3A_760 = arith.constant 16 : index
        %get3A_761 = tpu.vector_load %arg11[%get3A_759, %get3A_760] {strides = array<i32>} : memref<128x128xf32, #tpu.memory_space<vmem>>, vector<1x16xf32>,
        %get3A_762 = vector.shape_cast %get3A_761 : vector<1x16xf32> to vector<16xf32>
        %mul3A_763 = arith.mulf %get3A_758, %get3A_762 : vector<16xf32>
        %add3A_764 = arith.addf %mul3A_754, %mul3A_763 : vector<16xf32>
        %get3A_765 = arith.index_cast %add3A_745 : i32 to index
        %get3A_766 = arith.constant 32 : index
        %get3A_767 = tpu.vector_load %arg10[%get3A_765, %get3A_766] {strides = array<i32>} : memref<128x128xf32, #tpu.memory_space<vmem>>, vector<1x16xf32>,
        %get3A_768 = vector.shape_cast %get3A_767 : vector<1x16xf32> to vector<16xf32>
        %get3A_769 = arith.index_cast %add3A_745 : i32 to index
        %get3A_770 = arith.constant 32 : index
        %get3A_771 = tpu.vector_load %arg11[%get3A_769, %get3A_770] {strides = array<i32>} : memref<128x128xf32, #tpu.memory_space<vmem>>, vector<1x16xf32>,
        %get3A_772 = vector.shape_cast %get3A_771 : vector<1x16xf32> to vector<16xf32>
        %mul3A_773 = arith.mulf %get3A_768, %get3A_772 : vector<16xf32>
        %add3A_774 = arith.addf %add3A_764, %mul3A_773 : vector<16xf32>
        %get3A_775 = arith.index_cast %add3A_745 : i32 to index
        %get3A_776 = arith.constant 48 : index
        %get3A_777 = tpu.vector_load %arg10[%get3A_775, %get3A_776] {strides = array<i32>} : memref<128x128xf32, #tpu.memory_space<vmem>>, vector<1x16xf32>,
        %get3A_778 = vector.shape_cast %get3A_777 : vector<1x16xf32> to vector<16xf32>
        %get3A_779 = arith.index_cast %add3A_745 : i32 to index
        %get3A_780 = arith.constant 48 : index
        %get3A_781 = tpu.vector_load %arg11[%get3A_779, %get3A_780] {strides = array<i32>} : memref<128x128xf32, #tpu.memory_space<vmem>>, vector<1x16xf32>,
        %get3A_782 = vector.shape_cast %get3A_781 : vector<1x16xf32> to vector<16xf32>
        %mul3A_783 = arith.mulf %get3A_778, %get3A_782 : vector<16xf32>
        %add3A_784 = arith.addf %add3A_774, %mul3A_783 : vector<16xf32>
        %mul3A_785 = arith.constant 2 : i32
        %mul3A_786 = arith.muli %mul3A_785, %scan3A_170 : i32
        %add3A_787 = arith.constant 1 : i32
        %add3A_788 = arith.addi %mul3A_786, %add3A_787 : i32
        %swap3A_789 = arith.index_cast %add3A_788 : i32 to index
        %swap3A_790 = arith.constant 48 : index
        %swap3A_791 = tpu.vector_load %arg13[%swap3A_789, %swap3A_790] {strides = array<i32>} : memref<16x128xf32, #tpu.memory_space<vmem>>, vector<1x16xf32>,
        %swap3A_792 = vector.shape_cast %swap3A_791 : vector<1x16xf32> to vector<16xf32>
        %swap3A_793 = vector.shape_cast %add3A_784 : vector<16xf32> to vector<1x16xf32>
        tpu.vector_store %arg13[%swap3A_789, %swap3A_790], %swap3A_793 {strides = array<i32>} : memref<16x128xf32, #tpu.memory_space<vmem>>, vector<1x16xf32>,
        %mul3A_794 = arith.constant 16 : i32
        %mul3A_795 = arith.muli %scan3A_170, %mul3A_794 : i32
        %add3A_796 = arith.constant 12 : i32
        %add3A_797 = arith.addi %mul3A_795, %add3A_796 : i32
        %get3A_798 = arith.index_cast %add3A_797 : i32 to index
        %get3A_799 = arith.constant 0 : index
        %get3A_800 = tpu.vector_load %arg10[%get3A_798, %get3A_799] {strides = array<i32>} : memref<128x128xf32, #tpu.memory_space<vmem>>, vector<1x16xf32>,
        %get3A_801 = vector.shape_cast %get3A_800 : vector<1x16xf32> to vector<16xf32>
        %get3A_802 = arith.index_cast %add3A_797 : i32 to index
        %get3A_803 = arith.constant 0 : index
        %get3A_804 = tpu.vector_load %arg11[%get3A_802, %get3A_803] {strides = array<i32>} : memref<128x128xf32, #tpu.memory_space<vmem>>, vector<1x16xf32>,
        %get3A_805 = vector.shape_cast %get3A_804 : vector<1x16xf32> to vector<16xf32>
        %mul3A_806 = arith.mulf %get3A_801, %get3A_805 : vector<16xf32>
        %get3A_807 = arith.index_cast %add3A_797 : i32 to index
        %get3A_808 = arith.constant 16 : index
        %get3A_809 = tpu.vector_load %arg10[%get3A_807, %get3A_808] {strides = array<i32>} : memref<128x128xf32, #tpu.memory_space<vmem>>, vector<1x16xf32>,
        %get3A_810 = vector.shape_cast %get3A_809 : vector<1x16xf32> to vector<16xf32>
        %get3A_811 = arith.index_cast %add3A_797 : i32 to index
        %get3A_812 = arith.constant 16 : index
        %get3A_813 = tpu.vector_load %arg11[%get3A_811, %get3A_812] {strides = array<i32>} : memref<128x128xf32, #tpu.memory_space<vmem>>, vector<1x16xf32>,
        %get3A_814 = vector.shape_cast %get3A_813 : vector<1x16xf32> to vector<16xf32>
        %mul3A_815 = arith.mulf %get3A_810, %get3A_814 : vector<16xf32>
        %add3A_816 = arith.addf %mul3A_806, %mul3A_815 : vector<16xf32>
        %get3A_817 = arith.index_cast %add3A_797 : i32 to index
        %get3A_818 = arith.constant 32 : index
        %get3A_819 = tpu.vector_load %arg10[%get3A_817, %get3A_818] {strides = array<i32>} : memref<128x128xf32, #tpu.memory_space<vmem>>, vector<1x16xf32>,
        %get3A_820 = vector.shape_cast %get3A_819 : vector<1x16xf32> to vector<16xf32>
        %get3A_821 = arith.index_cast %add3A_797 : i32 to index
        %get3A_822 = arith.constant 32 : index
        %get3A_823 = tpu.vector_load %arg11[%get3A_821, %get3A_822] {strides = array<i32>} : memref<128x128xf32, #tpu.memory_space<vmem>>, vector<1x16xf32>,
        %get3A_824 = vector.shape_cast %get3A_823 : vector<1x16xf32> to vector<16xf32>
        %mul3A_825 = arith.mulf %get3A_820, %get3A_824 : vector<16xf32>
        %add3A_826 = arith.addf %add3A_816, %mul3A_825 : vector<16xf32>
        %get3A_827 = arith.index_cast %add3A_797 : i32 to index
        %get3A_828 = arith.constant 48 : index
        %get3A_829 = tpu.vector_load %arg10[%get3A_827, %get3A_828] {strides = array<i32>} : memref<128x128xf32, #tpu.memory_space<vmem>>, vector<1x16xf32>,
        %get3A_830 = vector.shape_cast %get3A_829 : vector<1x16xf32> to vector<16xf32>
        %get3A_831 = arith.index_cast %add3A_797 : i32 to index
        %get3A_832 = arith.constant 48 : index
        %get3A_833 = tpu.vector_load %arg11[%get3A_831, %get3A_832] {strides = array<i32>} : memref<128x128xf32, #tpu.memory_space<vmem>>, vector<1x16xf32>,
        %get3A_834 = vector.shape_cast %get3A_833 : vector<1x16xf32> to vector<16xf32>
        %mul3A_835 = arith.mulf %get3A_830, %get3A_834 : vector<16xf32>
        %add3A_836 = arith.addf %add3A_826, %mul3A_835 : vector<16xf32>
        %mul3A_837 = arith.constant 2 : i32
        %mul3A_838 = arith.muli %mul3A_837, %scan3A_170 : i32
        %add3A_839 = arith.constant 1 : i32
        %add3A_840 = arith.addi %mul3A_838, %add3A_839 : i32
        %swap3A_841 = arith.index_cast %add3A_840 : i32 to index
        %swap3A_842 = arith.constant 64 : index
        %swap3A_843 = tpu.vector_load %arg13[%swap3A_841, %swap3A_842] {strides = array<i32>} : memref<16x128xf32, #tpu.memory_space<vmem>>, vector<1x16xf32>,
        %swap3A_844 = vector.shape_cast %swap3A_843 : vector<1x16xf32> to vector<16xf32>
        %swap3A_845 = vector.shape_cast %add3A_836 : vector<16xf32> to vector<1x16xf32>
        tpu.vector_store %arg13[%swap3A_841, %swap3A_842], %swap3A_845 {strides = array<i32>} : memref<16x128xf32, #tpu.memory_space<vmem>>, vector<1x16xf32>,
        %mul3A_846 = arith.constant 16 : i32
        %mul3A_847 = arith.muli %scan3A_170, %mul3A_846 : i32
        %add3A_848 = arith.constant 13 : i32
        %add3A_849 = arith.addi %mul3A_847, %add3A_848 : i32
        %get3A_850 = arith.index_cast %add3A_849 : i32 to index
        %get3A_851 = arith.constant 0 : index
        %get3A_852 = tpu.vector_load %arg10[%get3A_850, %get3A_851] {strides = array<i32>} : memref<128x128xf32, #tpu.memory_space<vmem>>, vector<1x16xf32>,
        %get3A_853 = vector.shape_cast %get3A_852 : vector<1x16xf32> to vector<16xf32>
        %get3A_854 = arith.index_cast %add3A_849 : i32 to index
        %get3A_855 = arith.constant 0 : index
        %get3A_856 = tpu.vector_load %arg11[%get3A_854, %get3A_855] {strides = array<i32>} : memref<128x128xf32, #tpu.memory_space<vmem>>, vector<1x16xf32>,
        %get3A_857 = vector.shape_cast %get3A_856 : vector<1x16xf32> to vector<16xf32>
        %mul3A_858 = arith.mulf %get3A_853, %get3A_857 : vector<16xf32>
        %get3A_859 = arith.index_cast %add3A_849 : i32 to index
        %get3A_860 = arith.constant 16 : index
        %get3A_861 = tpu.vector_load %arg10[%get3A_859, %get3A_860] {strides = array<i32>} : memref<128x128xf32, #tpu.memory_space<vmem>>, vector<1x16xf32>,
        %get3A_862 = vector.shape_cast %get3A_861 : vector<1x16xf32> to vector<16xf32>
        %get3A_863 = arith.index_cast %add3A_849 : i32 to index
        %get3A_864 = arith.constant 16 : index
        %get3A_865 = tpu.vector_load %arg11[%get3A_863, %get3A_864] {strides = array<i32>} : memref<128x128xf32, #tpu.memory_space<vmem>>, vector<1x16xf32>,
        %get3A_866 = vector.shape_cast %get3A_865 : vector<1x16xf32> to vector<16xf32>
        %mul3A_867 = arith.mulf %get3A_862, %get3A_866 : vector<16xf32>
        %add3A_868 = arith.addf %mul3A_858, %mul3A_867 : vector<16xf32>
        %get3A_869 = arith.index_cast %add3A_849 : i32 to index
        %get3A_870 = arith.constant 32 : index
        %get3A_871 = tpu.vector_load %arg10[%get3A_869, %get3A_870] {strides = array<i32>} : memref<128x128xf32, #tpu.memory_space<vmem>>, vector<1x16xf32>,
        %get3A_872 = vector.shape_cast %get3A_871 : vector<1x16xf32> to vector<16xf32>
        %get3A_873 = arith.index_cast %add3A_849 : i32 to index
        %get3A_874 = arith.constant 32 : index
        %get3A_875 = tpu.vector_load %arg11[%get3A_873, %get3A_874] {strides = array<i32>} : memref<128x128xf32, #tpu.memory_space<vmem>>, vector<1x16xf32>,
        %get3A_876 = vector.shape_cast %get3A_875 : vector<1x16xf32> to vector<16xf32>
        %mul3A_877 = arith.mulf %get3A_872, %get3A_876 : vector<16xf32>
        %add3A_878 = arith.addf %add3A_868, %mul3A_877 : vector<16xf32>
        %get3A_879 = arith.index_cast %add3A_849 : i32 to index
        %get3A_880 = arith.constant 48 : index
        %get3A_881 = tpu.vector_load %arg10[%get3A_879, %get3A_880] {strides = array<i32>} : memref<128x128xf32, #tpu.memory_space<vmem>>, vector<1x16xf32>,
        %get3A_882 = vector.shape_cast %get3A_881 : vector<1x16xf32> to vector<16xf32>
        %get3A_883 = arith.index_cast %add3A_849 : i32 to index
        %get3A_884 = arith.constant 48 : index
        %get3A_885 = tpu.vector_load %arg11[%get3A_883, %get3A_884] {strides = array<i32>} : memref<128x128xf32, #tpu.memory_space<vmem>>, vector<1x16xf32>,
        %get3A_886 = vector.shape_cast %get3A_885 : vector<1x16xf32> to vector<16xf32>
        %mul3A_887 = arith.mulf %get3A_882, %get3A_886 : vector<16xf32>
        %add3A_888 = arith.addf %add3A_878, %mul3A_887 : vector<16xf32>
        %mul3A_889 = arith.constant 2 : i32
        %mul3A_890 = arith.muli %mul3A_889, %scan3A_170 : i32
        %add3A_891 = arith.constant 1 : i32
        %add3A_892 = arith.addi %mul3A_890, %add3A_891 : i32
        %swap3A_893 = arith.index_cast %add3A_892 : i32 to index
        %swap3A_894 = arith.constant 80 : index
        %swap3A_895 = tpu.vector_load %arg13[%swap3A_893, %swap3A_894] {strides = array<i32>} : memref<16x128xf32, #tpu.memory_space<vmem>>, vector<1x16xf32>,
        %swap3A_896 = vector.shape_cast %swap3A_895 : vector<1x16xf32> to vector<16xf32>
        %swap3A_897 = vector.shape_cast %add3A_888 : vector<16xf32> to vector<1x16xf32>
        tpu.vector_store %arg13[%swap3A_893, %swap3A_894], %swap3A_897 {strides = array<i32>} : memref<16x128xf32, #tpu.memory_space<vmem>>, vector<1x16xf32>,
        %mul3A_898 = arith.constant 16 : i32
        %mul3A_899 = arith.muli %scan3A_170, %mul3A_898 : i32
        %add3A_900 = arith.constant 14 : i32
        %add3A_901 = arith.addi %mul3A_899, %add3A_900 : i32
        %get3A_902 = arith.index_cast %add3A_901 : i32 to index
        %get3A_903 = arith.constant 0 : index
        %get3A_904 = tpu.vector_load %arg10[%get3A_902, %get3A_903] {strides = array<i32>} : memref<128x128xf32, #tpu.memory_space<vmem>>, vector<1x16xf32>,
        %get3A_905 = vector.shape_cast %get3A_904 : vector<1x16xf32> to vector<16xf32>
        %get3A_906 = arith.index_cast %add3A_901 : i32 to index
        %get3A_907 = arith.constant 0 : index
        %get3A_908 = tpu.vector_load %arg11[%get3A_906, %get3A_907] {strides = array<i32>} : memref<128x128xf32, #tpu.memory_space<vmem>>, vector<1x16xf32>,
        %get3A_909 = vector.shape_cast %get3A_908 : vector<1x16xf32> to vector<16xf32>
        %mul3A_910 = arith.mulf %get3A_905, %get3A_909 : vector<16xf32>
        %get3A_911 = arith.index_cast %add3A_901 : i32 to index
        %get3A_912 = arith.constant 16 : index
        %get3A_913 = tpu.vector_load %arg10[%get3A_911, %get3A_912] {strides = array<i32>} : memref<128x128xf32, #tpu.memory_space<vmem>>, vector<1x16xf32>,
        %get3A_914 = vector.shape_cast %get3A_913 : vector<1x16xf32> to vector<16xf32>
        %get3A_915 = arith.index_cast %add3A_901 : i32 to index
        %get3A_916 = arith.constant 16 : index
        %get3A_917 = tpu.vector_load %arg11[%get3A_915, %get3A_916] {strides = array<i32>} : memref<128x128xf32, #tpu.memory_space<vmem>>, vector<1x16xf32>,
        %get3A_918 = vector.shape_cast %get3A_917 : vector<1x16xf32> to vector<16xf32>
        %mul3A_919 = arith.mulf %get3A_914, %get3A_918 : vector<16xf32>
        %add3A_920 = arith.addf %mul3A_910, %mul3A_919 : vector<16xf32>
        %get3A_921 = arith.index_cast %add3A_901 : i32 to index
        %get3A_922 = arith.constant 32 : index
        %get3A_923 = tpu.vector_load %arg10[%get3A_921, %get3A_922] {strides = array<i32>} : memref<128x128xf32, #tpu.memory_space<vmem>>, vector<1x16xf32>,
        %get3A_924 = vector.shape_cast %get3A_923 : vector<1x16xf32> to vector<16xf32>
        %get3A_925 = arith.index_cast %add3A_901 : i32 to index
        %get3A_926 = arith.constant 32 : index
        %get3A_927 = tpu.vector_load %arg11[%get3A_925, %get3A_926] {strides = array<i32>} : memref<128x128xf32, #tpu.memory_space<vmem>>, vector<1x16xf32>,
        %get3A_928 = vector.shape_cast %get3A_927 : vector<1x16xf32> to vector<16xf32>
        %mul3A_929 = arith.mulf %get3A_924, %get3A_928 : vector<16xf32>
        %add3A_930 = arith.addf %add3A_920, %mul3A_929 : vector<16xf32>
        %get3A_931 = arith.index_cast %add3A_901 : i32 to index
        %get3A_932 = arith.constant 48 : index
        %get3A_933 = tpu.vector_load %arg10[%get3A_931, %get3A_932] {strides = array<i32>} : memref<128x128xf32, #tpu.memory_space<vmem>>, vector<1x16xf32>,
        %get3A_934 = vector.shape_cast %get3A_933 : vector<1x16xf32> to vector<16xf32>
        %get3A_935 = arith.index_cast %add3A_901 : i32 to index
        %get3A_936 = arith.constant 48 : index
        %get3A_937 = tpu.vector_load %arg11[%get3A_935, %get3A_936] {strides = array<i32>} : memref<128x128xf32, #tpu.memory_space<vmem>>, vector<1x16xf32>,
        %get3A_938 = vector.shape_cast %get3A_937 : vector<1x16xf32> to vector<16xf32>
        %mul3A_939 = arith.mulf %get3A_934, %get3A_938 : vector<16xf32>
        %add3A_940 = arith.addf %add3A_930, %mul3A_939 : vector<16xf32>
        %mul3A_941 = arith.constant 2 : i32
        %mul3A_942 = arith.muli %mul3A_941, %scan3A_170 : i32
        %add3A_943 = arith.constant 1 : i32
        %add3A_944 = arith.addi %mul3A_942, %add3A_943 : i32
        %swap3A_945 = arith.index_cast %add3A_944 : i32 to index
        %swap3A_946 = arith.constant 96 : index
        %swap3A_947 = tpu.vector_load %arg13[%swap3A_945, %swap3A_946] {strides = array<i32>} : memref<16x128xf32, #tpu.memory_space<vmem>>, vector<1x16xf32>,
        %swap3A_948 = vector.shape_cast %swap3A_947 : vector<1x16xf32> to vector<16xf32>
        %swap3A_949 = vector.shape_cast %add3A_940 : vector<16xf32> to vector<1x16xf32>
        tpu.vector_store %arg13[%swap3A_945, %swap3A_946], %swap3A_949 {strides = array<i32>} : memref<16x128xf32, #tpu.memory_space<vmem>>, vector<1x16xf32>,
        %mul3A_950 = arith.constant 16 : i32
        %mul3A_951 = arith.muli %scan3A_170, %mul3A_950 : i32
        %add3A_952 = arith.constant 15 : i32
        %add3A_953 = arith.addi %mul3A_951, %add3A_952 : i32
        %get3A_954 = arith.index_cast %add3A_953 : i32 to index
        %get3A_955 = arith.constant 0 : index
        %get3A_956 = tpu.vector_load %arg10[%get3A_954, %get3A_955] {strides = array<i32>} : memref<128x128xf32, #tpu.memory_space<vmem>>, vector<1x16xf32>,
        %get3A_957 = vector.shape_cast %get3A_956 : vector<1x16xf32> to vector<16xf32>
        %get3A_958 = arith.index_cast %add3A_953 : i32 to index
        %get3A_959 = arith.constant 0 : index
        %get3A_960 = tpu.vector_load %arg11[%get3A_958, %get3A_959] {strides = array<i32>} : memref<128x128xf32, #tpu.memory_space<vmem>>, vector<1x16xf32>,
        %get3A_961 = vector.shape_cast %get3A_960 : vector<1x16xf32> to vector<16xf32>
        %mul3A_962 = arith.mulf %get3A_957, %get3A_961 : vector<16xf32>
        %get3A_963 = arith.index_cast %add3A_953 : i32 to index
        %get3A_964 = arith.constant 16 : index
        %get3A_965 = tpu.vector_load %arg10[%get3A_963, %get3A_964] {strides = array<i32>} : memref<128x128xf32, #tpu.memory_space<vmem>>, vector<1x16xf32>,
        %get3A_966 = vector.shape_cast %get3A_965 : vector<1x16xf32> to vector<16xf32>
        %get3A_967 = arith.index_cast %add3A_953 : i32 to index
        %get3A_968 = arith.constant 16 : index
        %get3A_969 = tpu.vector_load %arg11[%get3A_967, %get3A_968] {strides = array<i32>} : memref<128x128xf32, #tpu.memory_space<vmem>>, vector<1x16xf32>,
        %get3A_970 = vector.shape_cast %get3A_969 : vector<1x16xf32> to vector<16xf32>
        %mul3A_971 = arith.mulf %get3A_966, %get3A_970 : vector<16xf32>
        %add3A_972 = arith.addf %mul3A_962, %mul3A_971 : vector<16xf32>
        %get3A_973 = arith.index_cast %add3A_953 : i32 to index
        %get3A_974 = arith.constant 32 : index
        %get3A_975 = tpu.vector_load %arg10[%get3A_973, %get3A_974] {strides = array<i32>} : memref<128x128xf32, #tpu.memory_space<vmem>>, vector<1x16xf32>,
        %get3A_976 = vector.shape_cast %get3A_975 : vector<1x16xf32> to vector<16xf32>
        %get3A_977 = arith.index_cast %add3A_953 : i32 to index
        %get3A_978 = arith.constant 32 : index
        %get3A_979 = tpu.vector_load %arg11[%get3A_977, %get3A_978] {strides = array<i32>} : memref<128x128xf32, #tpu.memory_space<vmem>>, vector<1x16xf32>,
        %get3A_980 = vector.shape_cast %get3A_979 : vector<1x16xf32> to vector<16xf32>
        %mul3A_981 = arith.mulf %get3A_976, %get3A_980 : vector<16xf32>
        %add3A_982 = arith.addf %add3A_972, %mul3A_981 : vector<16xf32>
        %get3A_983 = arith.index_cast %add3A_953 : i32 to index
        %get3A_984 = arith.constant 48 : index
        %get3A_985 = tpu.vector_load %arg10[%get3A_983, %get3A_984] {strides = array<i32>} : memref<128x128xf32, #tpu.memory_space<vmem>>, vector<1x16xf32>,
        %get3A_986 = vector.shape_cast %get3A_985 : vector<1x16xf32> to vector<16xf32>
        %get3A_987 = arith.index_cast %add3A_953 : i32 to index
        %get3A_988 = arith.constant 48 : index
        %get3A_989 = tpu.vector_load %arg11[%get3A_987, %get3A_988] {strides = array<i32>} : memref<128x128xf32, #tpu.memory_space<vmem>>, vector<1x16xf32>,
        %get3A_990 = vector.shape_cast %get3A_989 : vector<1x16xf32> to vector<16xf32>
        %mul3A_991 = arith.mulf %get3A_986, %get3A_990 : vector<16xf32>
        %add3A_992 = arith.addf %add3A_982, %mul3A_991 : vector<16xf32>
        %mul3A_993 = arith.constant 2 : i32
        %mul3A_994 = arith.muli %mul3A_993, %scan3A_170 : i32
        %add3A_995 = arith.constant 1 : i32
        %add3A_996 = arith.addi %mul3A_994, %add3A_995 : i32
        %swap3A_997 = arith.index_cast %add3A_996 : i32 to index
        %swap3A_998 = arith.constant 112 : index
        %swap3A_999 = tpu.vector_load %arg13[%swap3A_997, %swap3A_998] {strides = array<i32>} : memref<16x128xf32, #tpu.memory_space<vmem>>, vector<1x16xf32>,
        %swap3A_1000 = vector.shape_cast %swap3A_999 : vector<1x16xf32> to vector<16xf32>
        %swap3A_1001 = vector.shape_cast %add3A_992 : vector<16xf32> to vector<1x16xf32>
        tpu.vector_store %arg13[%swap3A_997, %swap3A_998], %swap3A_1001 {strides = array<i32>} : memref<16x128xf32, #tpu.memory_space<vmem>>, vector<1x16xf32>,
        %scan3A_1002 = arith.constant 0 : i32
        scf.yield %scan3A_1002 : i32
      }
      %scan3A_159 = arith.constant 8 : i32
      %mul3A_160 = arith.constant 157 : i32
      %mul3A_161 = arith.muli %add3A, %mul3A_160 : i32
      %add3A_162 = arith.addi %mul3A_161, %add3A_152 : i32
      %mul3A_163 = arith.constant 16 : i32
      %mul3A_164 = arith.muli %add3A_162, %mul3A_163 : i32
      %dma_start3A_165 = arith.constant 0 : i32
      %dma_start3A_166 = tpu.memref_slice %arg5[%mul3A_164, %dma_start3A_165] : memref<80384x128xf32, #tpu.memory_space<hbm>> -> memref<16x128xf32, #tpu.memory_space<hbm>>
      %dma_start3A_167 = arith.constant 0 : i32
      %dma_start3A_168 = tpu.memref_slice %arg5[%mul3A_164, %dma_start3A_167] : memref<80384x128xf32, #tpu.memory_space<hbm>> -> memref<16x128xf32, #tpu.memory_space<hbm>>
      tpu.enqueue_dma source(%arg13 : memref<16x128xf32, #tpu.memory_space<vmem>>) target(%dma_start3A_168 : memref<16x128xf32, #tpu.memory_space<hbm>>) target_semaphore(%arg19 : memref<!tpu.dma_semaphore, #tpu.memory_space<semaphore_mem>>)
      %scan3A_169 = arith.constant 0 : i32
      scf.yield %scan3A_169 : i32
    }
    %scan3A_19 = arith.constant 78 : i32
    %dma_wait3A = arith.constant 0 : i32
    %dma_wait3A_20 = arith.constant 0 : i32
    %dma_wait3A_21 = tpu.memref_slice %arg6[%dma_wait3A, %dma_wait3A_20] : memref<157x128xi32, #tpu.memory_space<vmem>> -> memref<1x128xi32, #tpu.memory_space<vmem>>
    %dma_wait3A_22 = tpu.memref_squeeze %dma_wait3A_21 : memref<1x128xi32, #tpu.memory_space<vmem>> -> memref<128xi32, #tpu.memory_space<vmem>>
    %dma_wait3A_23 = arith.constant 0 : i32
    %dma_wait3A_24 = arith.constant 0 : i32
    %dma_wait3A_25 = tpu.memref_slice %arg4[%dma_wait3A_23, %dma_wait3A_24] : memref<10240x128xf32, #tpu.memory_space<hbm>> -> memref<10240x128xf32, #tpu.memory_space<hbm>>
    tpu.wait_indirect_dma semaphore(%arg14 : memref<!tpu.dma_semaphore, #tpu.memory_space<semaphore_mem>>) src(%dma_wait3A_25 : memref<10240x128xf32, #tpu.memory_space<hbm>>) dst(%arg8 : memref<128x128xf32, #tpu.memory_space<vmem>>)
    %dma_wait3A_26 = arith.constant 0 : i32
    %dma_wait3A_27 = arith.constant 0 : i32
    %dma_wait3A_28 = tpu.memref_slice %arg6[%dma_wait3A_26, %dma_wait3A_27] : memref<157x128xi32, #tpu.memory_space<vmem>> -> memref<1x128xi32, #tpu.memory_space<vmem>>
    %dma_wait3A_29 = tpu.memref_squeeze %dma_wait3A_28 : memref<1x128xi32, #tpu.memory_space<vmem>> -> memref<128xi32, #tpu.memory_space<vmem>>
    %dma_wait3A_30 = arith.constant 0 : i32
    %dma_wait3A_31 = arith.constant 0 : i32
    %dma_wait3A_32 = tpu.memref_slice %arg4[%dma_wait3A_30, %dma_wait3A_31] : memref<10240x128xf32, #tpu.memory_space<hbm>> -> memref<10240x128xf32, #tpu.memory_space<hbm>>
    tpu.wait_indirect_dma semaphore(%arg15 : memref<!tpu.dma_semaphore, #tpu.memory_space<semaphore_mem>>) src(%dma_wait3A_32 : memref<10240x128xf32, #tpu.memory_space<hbm>>) dst(%arg9 : memref<128x128xf32, #tpu.memory_space<vmem>>)
    %dma_wait3A_33 = arith.constant 0 : i32
    %dma_wait3A_34 = arith.constant 0 : i32
    %dma_wait3A_35 = tpu.memref_slice %arg5[%dma_wait3A_33, %dma_wait3A_34] : memref<80384x128xf32, #tpu.memory_space<hbm>> -> memref<16x128xf32, #tpu.memory_space<hbm>>
    %dma_wait3A_36 = arith.constant 0 : i32
    %dma_wait3A_37 = arith.constant 0 : i32
    %dma_wait3A_38 = tpu.memref_slice %arg5[%dma_wait3A_36, %dma_wait3A_37] : memref<80384x128xf32, #tpu.memory_space<hbm>> -> memref<16x128xf32, #tpu.memory_space<hbm>>
    tpu.wait_dma2 semaphore(%arg18 : memref<!tpu.dma_semaphore, #tpu.memory_space<semaphore_mem>>) src(%arg12 : memref<16x128xf32, #tpu.memory_space<vmem>>) dst(%dma_wait3A_38 : memref<16x128xf32, #tpu.memory_space<hbm>>)
    %scan3A_39 = arith.constant 0 : i32
    %scan3A_40 = arith.constant 0 : i32
    %scan3A_41 = arith.constant 8 : i32
    %scan3A_42 = arith.addi %scan3A_40, %scan3A_41 : i32
    %scan3A_43 = arith.constant 1 : i32
    %scan3A_44 = scf.for %scan3A_68 = %scan3A_40 to %scan3A_42 step %scan3A_43 iter_args(%scan3A_69 = %scan3A_39) -> (i32)  : i32 {
      %mul3A_70 = arith.constant 16 : i32
      %mul3A_71 = arith.muli %scan3A_68, %mul3A_70 : i32
      %add3A_72 = arith.constant 0 : i32
      %add3A_73 = arith.addi %mul3A_71, %add3A_72 : i32
      %get3A = arith.index_cast %add3A_73 : i32 to index
      %get3A_74 = arith.constant 0 : index
      %get3A_75 = tpu.vector_load %arg8[%get3A, %get3A_74] {strides = array<i32>} : memref<128x128xf32, #tpu.memory_space<vmem>>, vector<1x16xf32>,
      %get3A_76 = vector.shape_cast %get3A_75 : vector<1x16xf32> to vector<16xf32>
      %get3A_77 = arith.index_cast %add3A_73 : i32 to index
      %get3A_78 = arith.constant 0 : index
      %get3A_79 = tpu.vector_load %arg9[%get3A_77, %get3A_78] {strides = array<i32>} : memref<128x128xf32, #tpu.memory_space<vmem>>, vector<1x16xf32>,
      %get3A_80 = vector.shape_cast %get3A_79 : vector<1x16xf32> to vector<16xf32>
      %mul3A_81 = arith.mulf %get3A_76, %get3A_80 : vector<16xf32>
      %get3A_82 = arith.index_cast %add3A_73 : i32 to index
      %get3A_83 = arith.constant 16 : index
      %get3A_84 = tpu.vector_load %arg8[%get3A_82, %get3A_83] {strides = array<i32>} : memref<128x128xf32, #tpu.memory_space<vmem>>, vector<1x16xf32>,
      %get3A_85 = vector.shape_cast %get3A_84 : vector<1x16xf32> to vector<16xf32>
      %get3A_86 = arith.index_cast %add3A_73 : i32 to index
      %get3A_87 = arith.constant 16 : index
      %get3A_88 = tpu.vector_load %arg9[%get3A_86, %get3A_87] {strides = array<i32>} : memref<128x128xf32, #tpu.memory_space<vmem>>, vector<1x16xf32>,
      %get3A_89 = vector.shape_cast %get3A_88 : vector<1x16xf32> to vector<16xf32>
      %mul3A_90 = arith.mulf %get3A_85, %get3A_89 : vector<16xf32>
      %add3A_91 = arith.addf %mul3A_81, %mul3A_90 : vector<16xf32>
      %get3A_92 = arith.index_cast %add3A_73 : i32 to index
      %get3A_93 = arith.constant 32 : index
      %get3A_94 = tpu.vector_load %arg8[%get3A_92, %get3A_93] {strides = array<i32>} : memref<128x128xf32, #tpu.memory_space<vmem>>, vector<1x16xf32>,
      %get3A_95 = vector.shape_cast %get3A_94 : vector<1x16xf32> to vector<16xf32>
      %get3A_96 = arith.index_cast %add3A_73 : i32 to index
      %get3A_97 = arith.constant 32 : index
      %get3A_98 = tpu.vector_load %arg9[%get3A_96, %get3A_97] {strides = array<i32>} : memref<128x128xf32, #tpu.memory_space<vmem>>, vector<1x16xf32>,
      %get3A_99 = vector.shape_cast %get3A_98 : vector<1x16xf32> to vector<16xf32>
      %mul3A_100 = arith.mulf %get3A_95, %get3A_99 : vector<16xf32>
      %add3A_101 = arith.addf %add3A_91, %mul3A_100 : vector<16xf32>
      %get3A_102 = arith.index_cast %add3A_73 : i32 to index
      %get3A_103 = arith.constant 48 : index
      %get3A_104 = tpu.vector_load %arg8[%get3A_102, %get3A_103] {strides = array<i32>} : memref<128x128xf32, #tpu.memory_space<vmem>>, vector<1x16xf32>,
      %get3A_105 = vector.shape_cast %get3A_104 : vector<1x16xf32> to vector<16xf32>
      %get3A_106 = arith.index_cast %add3A_73 : i32 to index
      %get3A_107 = arith.constant 48 : index
      %get3A_108 = tpu.vector_load %arg9[%get3A_106, %get3A_107] {strides = array<i32>} : memref<128x128xf32, #tpu.memory_space<vmem>>, vector<1x16xf32>,
      %get3A_109 = vector.shape_cast %get3A_108 : vector<1x16xf32> to vector<16xf32>
      %mul3A_110 = arith.mulf %get3A_105, %get3A_109 : vector<16xf32>
      %add3A_111 = arith.addf %add3A_101, %mul3A_110 : vector<16xf32>
      %mul3A_112 = arith.constant 2 : i32
      %mul3A_113 = arith.muli %mul3A_112, %scan3A_68 : i32
      %add3A_114 = arith.constant 0 : i32
      %add3A_115 = arith.addi %mul3A_113, %add3A_114 : i32
      %swap3A = arith.index_cast %add3A_115 : i32 to index
      %swap3A_116 = arith.constant 0 : index
      %swap3A_117 = tpu.vector_load %arg12[%swap3A, %swap3A_116] {strides = array<i32>} : memref<16x128xf32, #tpu.memory_space<vmem>>, vector<1x16xf32>,
      %swap3A_118 = vector.shape_cast %swap3A_117 : vector<1x16xf32> to vector<16xf32>
      %swap3A_119 = vector.shape_cast %add3A_111 : vector<16xf32> to vector<1x16xf32>
      tpu.vector_store %arg12[%swap3A, %swap3A_116], %swap3A_119 {strides = array<i32>} : memref<16x128xf32, #tpu.memory_space<vmem>>, vector<1x16xf32>,
      %mul3A_120 = arith.constant 16 : i32
      %mul3A_121 = arith.muli %scan3A_68, %mul3A_120 : i32
      %add3A_122 = arith.constant 1 : i32
      %add3A_123 = arith.addi %mul3A_121, %add3A_122 : i32
      %get3A_124 = arith.index_cast %add3A_123 : i32 to index
      %get3A_125 = arith.constant 0 : index
      %get3A_126 = tpu.vector_load %arg8[%get3A_124, %get3A_125] {strides = array<i32>} : memref<128x128xf32, #tpu.memory_space<vmem>>, vector<1x16xf32>,
      %get3A_127 = vector.shape_cast %get3A_126 : vector<1x16xf32> to vector<16xf32>
      %get3A_128 = arith.index_cast %add3A_123 : i32 to index
      %get3A_129 = arith.constant 0 : index
      %get3A_130 = tpu.vector_load %arg9[%get3A_128, %get3A_129] {strides = array<i32>} : memref<128x128xf32, #tpu.memory_space<vmem>>, vector<1x16xf32>,
      %get3A_131 = vector.shape_cast %get3A_130 : vector<1x16xf32> to vector<16xf32>
      %mul3A_132 = arith.mulf %get3A_127, %get3A_131 : vector<16xf32>
      %get3A_133 = arith.index_cast %add3A_123 : i32 to index
      %get3A_134 = arith.constant 16 : index
      %get3A_135 = tpu.vector_load %arg8[%get3A_133, %get3A_134] {strides = array<i32>} : memref<128x128xf32, #tpu.memory_space<vmem>>, vector<1x16xf32>,
      %get3A_136 = vector.shape_cast %get3A_135 : vector<1x16xf32> to vector<16xf32>
      %get3A_137 = arith.index_cast %add3A_123 : i32 to index
      %get3A_138 = arith.constant 16 : index
      %get3A_139 = tpu.vector_load %arg9[%get3A_137, %get3A_138] {strides = array<i32>} : memref<128x128xf32, #tpu.memory_space<vmem>>, vector<1x16xf32>,
      %get3A_140 = vector.shape_cast %get3A_139 : vector<1x16xf32> to vector<16xf32>
      %mul3A_141 = arith.mulf %get3A_136, %get3A_140 : vector<16xf32>
      %add3A_142 = arith.addf %mul3A_132, %mul3A_141 : vector<16xf32>
      %get3A_143 = arith.index_cast %add3A_123 : i32 to index
      %get3A_144 = arith.constant 32 : index
      %get3A_145 = tpu.vector_load %arg8[%get3A_143, %get3A_144] {strides = array<i32>} : memref<128x128xf32, #tpu.memory_space<vmem>>, vector<1x16xf32>,
      %get3A_146 = vector.shape_cast %get3A_145 : vector<1x16xf32> to vector<16xf32>
      %get3A_147 = arith.index_cast %add3A_123 : i32 to index
      %get3A_148 = arith.constant 32 : index
      %get3A_149 = tpu.vector_load %arg9[%get3A_147, %get3A_148] {strides = array<i32>} : memref<128x128xf32, #tpu.memory_space<vmem>>, vector<1x16xf32>,
      %get3A_150 = vector.shape_cast %get3A_149 : vector<1x16xf32> to vector<16xf32>
      %mul3A_151 = arith.mulf %get3A_146, %get3A_150 : vector<16xf32>
      %add3A_152 = arith.addf %add3A_142, %mul3A_151 : vector<16xf32>
      %get3A_153 = arith.index_cast %add3A_123 : i32 to index
      %get3A_154 = arith.constant 48 : index
      %get3A_155 = tpu.vector_load %arg8[%get3A_153, %get3A_154] {strides = array<i32>} : memref<128x128xf32, #tpu.memory_space<vmem>>, vector<1x16xf32>,
      %get3A_156 = vector.shape_cast %get3A_155 : vector<1x16xf32> to vector<16xf32>
      %get3A_157 = arith.index_cast %add3A_123 : i32 to index
      %get3A_158 = arith.constant 48 : index
      %get3A_159 = tpu.vector_load %arg9[%get3A_157, %get3A_158] {strides = array<i32>} : memref<128x128xf32, #tpu.memory_space<vmem>>, vector<1x16xf32>,
      %get3A_160 = vector.shape_cast %get3A_159 : vector<1x16xf32> to vector<16xf32>
      %mul3A_161 = arith.mulf %get3A_156, %get3A_160 : vector<16xf32>
      %add3A_162 = arith.addf %add3A_152, %mul3A_161 : vector<16xf32>
      %mul3A_163 = arith.constant 2 : i32
      %mul3A_164 = arith.muli %mul3A_163, %scan3A_68 : i32
      %add3A_165 = arith.constant 0 : i32
      %add3A_166 = arith.addi %mul3A_164, %add3A_165 : i32
      %swap3A_167 = arith.index_cast %add3A_166 : i32 to index
      %swap3A_168 = arith.constant 16 : index
      %swap3A_169 = tpu.vector_load %arg12[%swap3A_167, %swap3A_168] {strides = array<i32>} : memref<16x128xf32, #tpu.memory_space<vmem>>, vector<1x16xf32>,
      %swap3A_170 = vector.shape_cast %swap3A_169 : vector<1x16xf32> to vector<16xf32>
      %swap3A_171 = vector.shape_cast %add3A_162 : vector<16xf32> to vector<1x16xf32>
      tpu.vector_store %arg12[%swap3A_167, %swap3A_168], %swap3A_171 {strides = array<i32>} : memref<16x128xf32, #tpu.memory_space<vmem>>, vector<1x16xf32>,
      %mul3A_172 = arith.constant 16 : i32
      %mul3A_173 = arith.muli %scan3A_68, %mul3A_172 : i32
      %add3A_174 = arith.constant 2 : i32
      %add3A_175 = arith.addi %mul3A_173, %add3A_174 : i32
      %get3A_176 = arith.index_cast %add3A_175 : i32 to index
      %get3A_177 = arith.constant 0 : index
      %get3A_178 = tpu.vector_load %arg8[%get3A_176, %get3A_177] {strides = array<i32>} : memref<128x128xf32, #tpu.memory_space<vmem>>, vector<1x16xf32>,
      %get3A_179 = vector.shape_cast %get3A_178 : vector<1x16xf32> to vector<16xf32>
      %get3A_180 = arith.index_cast %add3A_175 : i32 to index
      %get3A_181 = arith.constant 0 : index
      %get3A_182 = tpu.vector_load %arg9[%get3A_180, %get3A_181] {strides = array<i32>} : memref<128x128xf32, #tpu.memory_space<vmem>>, vector<1x16xf32>,
      %get3A_183 = vector.shape_cast %get3A_182 : vector<1x16xf32> to vector<16xf32>
      %mul3A_184 = arith.mulf %get3A_179, %get3A_183 : vector<16xf32>
      %get3A_185 = arith.index_cast %add3A_175 : i32 to index
      %get3A_186 = arith.constant 16 : index
      %get3A_187 = tpu.vector_load %arg8[%get3A_185, %get3A_186] {strides = array<i32>} : memref<128x128xf32, #tpu.memory_space<vmem>>, vector<1x16xf32>,
      %get3A_188 = vector.shape_cast %get3A_187 : vector<1x16xf32> to vector<16xf32>
      %get3A_189 = arith.index_cast %add3A_175 : i32 to index
      %get3A_190 = arith.constant 16 : index
      %get3A_191 = tpu.vector_load %arg9[%get3A_189, %get3A_190] {strides = array<i32>} : memref<128x128xf32, #tpu.memory_space<vmem>>, vector<1x16xf32>,
      %get3A_192 = vector.shape_cast %get3A_191 : vector<1x16xf32> to vector<16xf32>
      %mul3A_193 = arith.mulf %get3A_188, %get3A_192 : vector<16xf32>
      %add3A_194 = arith.addf %mul3A_184, %mul3A_193 : vector<16xf32>
      %get3A_195 = arith.index_cast %add3A_175 : i32 to index
      %get3A_196 = arith.constant 32 : index
      %get3A_197 = tpu.vector_load %arg8[%get3A_195, %get3A_196] {strides = array<i32>} : memref<128x128xf32, #tpu.memory_space<vmem>>, vector<1x16xf32>,
      %get3A_198 = vector.shape_cast %get3A_197 : vector<1x16xf32> to vector<16xf32>
      %get3A_199 = arith.index_cast %add3A_175 : i32 to index
      %get3A_200 = arith.constant 32 : index
      %get3A_201 = tpu.vector_load %arg9[%get3A_199, %get3A_200] {strides = array<i32>} : memref<128x128xf32, #tpu.memory_space<vmem>>, vector<1x16xf32>,
      %get3A_202 = vector.shape_cast %get3A_201 : vector<1x16xf32> to vector<16xf32>
      %mul3A_203 = arith.mulf %get3A_198, %get3A_202 : vector<16xf32>
      %add3A_204 = arith.addf %add3A_194, %mul3A_203 : vector<16xf32>
      %get3A_205 = arith.index_cast %add3A_175 : i32 to index
      %get3A_206 = arith.constant 48 : index
      %get3A_207 = tpu.vector_load %arg8[%get3A_205, %get3A_206] {strides = array<i32>} : memref<128x128xf32, #tpu.memory_space<vmem>>, vector<1x16xf32>,
      %get3A_208 = vector.shape_cast %get3A_207 : vector<1x16xf32> to vector<16xf32>
      %get3A_209 = arith.index_cast %add3A_175 : i32 to index
      %get3A_210 = arith.constant 48 : index
      %get3A_211 = tpu.vector_load %arg9[%get3A_209, %get3A_210] {strides = array<i32>} : memref<128x128xf32, #tpu.memory_space<vmem>>, vector<1x16xf32>,
      %get3A_212 = vector.shape_cast %get3A_211 : vector<1x16xf32> to vector<16xf32>
      %mul3A_213 = arith.mulf %get3A_208, %get3A_212 : vector<16xf32>
      %add3A_214 = arith.addf %add3A_204, %mul3A_213 : vector<16xf32>
      %mul3A_215 = arith.constant 2 : i32
      %mul3A_216 = arith.muli %mul3A_215, %scan3A_68 : i32
      %add3A_217 = arith.constant 0 : i32
      %add3A_218 = arith.addi %mul3A_216, %add3A_217 : i32
      %swap3A_219 = arith.index_cast %add3A_218 : i32 to index
      %swap3A_220 = arith.constant 32 : index
      %swap3A_221 = tpu.vector_load %arg12[%swap3A_219, %swap3A_220] {strides = array<i32>} : memref<16x128xf32, #tpu.memory_space<vmem>>, vector<1x16xf32>,
      %swap3A_222 = vector.shape_cast %swap3A_221 : vector<1x16xf32> to vector<16xf32>
      %swap3A_223 = vector.shape_cast %add3A_214 : vector<16xf32> to vector<1x16xf32>
      tpu.vector_store %arg12[%swap3A_219, %swap3A_220], %swap3A_223 {strides = array<i32>} : memref<16x128xf32, #tpu.memory_space<vmem>>, vector<1x16xf32>,
      %mul3A_224 = arith.constant 16 : i32
      %mul3A_225 = arith.muli %scan3A_68, %mul3A_224 : i32
      %add3A_226 = arith.constant 3 : i32
      %add3A_227 = arith.addi %mul3A_225, %add3A_226 : i32
      %get3A_228 = arith.index_cast %add3A_227 : i32 to index
      %get3A_229 = arith.constant 0 : index
      %get3A_230 = tpu.vector_load %arg8[%get3A_228, %get3A_229] {strides = array<i32>} : memref<128x128xf32, #tpu.memory_space<vmem>>, vector<1x16xf32>,
      %get3A_231 = vector.shape_cast %get3A_230 : vector<1x16xf32> to vector<16xf32>
      %get3A_232 = arith.index_cast %add3A_227 : i32 to index
      %get3A_233 = arith.constant 0 : index
      %get3A_234 = tpu.vector_load %arg9[%get3A_232, %get3A_233] {strides = array<i32>} : memref<128x128xf32, #tpu.memory_space<vmem>>, vector<1x16xf32>,
      %get3A_235 = vector.shape_cast %get3A_234 : vector<1x16xf32> to vector<16xf32>
      %mul3A_236 = arith.mulf %get3A_231, %get3A_235 : vector<16xf32>
      %get3A_237 = arith.index_cast %add3A_227 : i32 to index
      %get3A_238 = arith.constant 16 : index
      %get3A_239 = tpu.vector_load %arg8[%get3A_237, %get3A_238] {strides = array<i32>} : memref<128x128xf32, #tpu.memory_space<vmem>>, vector<1x16xf32>,
      %get3A_240 = vector.shape_cast %get3A_239 : vector<1x16xf32> to vector<16xf32>
      %get3A_241 = arith.index_cast %add3A_227 : i32 to index
      %get3A_242 = arith.constant 16 : index
      %get3A_243 = tpu.vector_load %arg9[%get3A_241, %get3A_242] {strides = array<i32>} : memref<128x128xf32, #tpu.memory_space<vmem>>, vector<1x16xf32>,
      %get3A_244 = vector.shape_cast %get3A_243 : vector<1x16xf32> to vector<16xf32>
      %mul3A_245 = arith.mulf %get3A_240, %get3A_244 : vector<16xf32>
      %add3A_246 = arith.addf %mul3A_236, %mul3A_245 : vector<16xf32>
      %get3A_247 = arith.index_cast %add3A_227 : i32 to index
      %get3A_248 = arith.constant 32 : index
      %get3A_249 = tpu.vector_load %arg8[%get3A_247, %get3A_248] {strides = array<i32>} : memref<128x128xf32, #tpu.memory_space<vmem>>, vector<1x16xf32>,
      %get3A_250 = vector.shape_cast %get3A_249 : vector<1x16xf32> to vector<16xf32>
      %get3A_251 = arith.index_cast %add3A_227 : i32 to index
      %get3A_252 = arith.constant 32 : index
      %get3A_253 = tpu.vector_load %arg9[%get3A_251, %get3A_252] {strides = array<i32>} : memref<128x128xf32, #tpu.memory_space<vmem>>, vector<1x16xf32>,
      %get3A_254 = vector.shape_cast %get3A_253 : vector<1x16xf32> to vector<16xf32>
      %mul3A_255 = arith.mulf %get3A_250, %get3A_254 : vector<16xf32>
      %add3A_256 = arith.addf %add3A_246, %mul3A_255 : vector<16xf32>
      %get3A_257 = arith.index_cast %add3A_227 : i32 to index
      %get3A_258 = arith.constant 48 : index
      %get3A_259 = tpu.vector_load %arg8[%get3A_257, %get3A_258] {strides = array<i32>} : memref<128x128xf32, #tpu.memory_space<vmem>>, vector<1x16xf32>,
      %get3A_260 = vector.shape_cast %get3A_259 : vector<1x16xf32> to vector<16xf32>
      %get3A_261 = arith.index_cast %add3A_227 : i32 to index
      %get3A_262 = arith.constant 48 : index
      %get3A_263 = tpu.vector_load %arg9[%get3A_261, %get3A_262] {strides = array<i32>} : memref<128x128xf32, #tpu.memory_space<vmem>>, vector<1x16xf32>,
      %get3A_264 = vector.shape_cast %get3A_263 : vector<1x16xf32> to vector<16xf32>
      %mul3A_265 = arith.mulf %get3A_260, %get3A_264 : vector<16xf32>
      %add3A_266 = arith.addf %add3A_256, %mul3A_265 : vector<16xf32>
      %mul3A_267 = arith.constant 2 : i32
      %mul3A_268 = arith.muli %mul3A_267, %scan3A_68 : i32
      %add3A_269 = arith.constant 0 : i32
      %add3A_270 = arith.addi %mul3A_268, %add3A_269 : i32
      %swap3A_271 = arith.index_cast %add3A_270 : i32 to index
      %swap3A_272 = arith.constant 48 : index
      %swap3A_273 = tpu.vector_load %arg12[%swap3A_271, %swap3A_272] {strides = array<i32>} : memref<16x128xf32, #tpu.memory_space<vmem>>, vector<1x16xf32>,
      %swap3A_274 = vector.shape_cast %swap3A_273 : vector<1x16xf32> to vector<16xf32>
      %swap3A_275 = vector.shape_cast %add3A_266 : vector<16xf32> to vector<1x16xf32>
      tpu.vector_store %arg12[%swap3A_271, %swap3A_272], %swap3A_275 {strides = array<i32>} : memref<16x128xf32, #tpu.memory_space<vmem>>, vector<1x16xf32>,
      %mul3A_276 = arith.constant 16 : i32
      %mul3A_277 = arith.muli %scan3A_68, %mul3A_276 : i32
      %add3A_278 = arith.constant 4 : i32
      %add3A_279 = arith.addi %mul3A_277, %add3A_278 : i32
      %get3A_280 = arith.index_cast %add3A_279 : i32 to index
      %get3A_281 = arith.constant 0 : index
      %get3A_282 = tpu.vector_load %arg8[%get3A_280, %get3A_281] {strides = array<i32>} : memref<128x128xf32, #tpu.memory_space<vmem>>, vector<1x16xf32>,
      %get3A_283 = vector.shape_cast %get3A_282 : vector<1x16xf32> to vector<16xf32>
      %get3A_284 = arith.index_cast %add3A_279 : i32 to index
      %get3A_285 = arith.constant 0 : index
      %get3A_286 = tpu.vector_load %arg9[%get3A_284, %get3A_285] {strides = array<i32>} : memref<128x128xf32, #tpu.memory_space<vmem>>, vector<1x16xf32>,
      %get3A_287 = vector.shape_cast %get3A_286 : vector<1x16xf32> to vector<16xf32>
      %mul3A_288 = arith.mulf %get3A_283, %get3A_287 : vector<16xf32>
      %get3A_289 = arith.index_cast %add3A_279 : i32 to index
      %get3A_290 = arith.constant 16 : index
      %get3A_291 = tpu.vector_load %arg8[%get3A_289, %get3A_290] {strides = array<i32>} : memref<128x128xf32, #tpu.memory_space<vmem>>, vector<1x16xf32>,
      %get3A_292 = vector.shape_cast %get3A_291 : vector<1x16xf32> to vector<16xf32>
      %get3A_293 = arith.index_cast %add3A_279 : i32 to index
      %get3A_294 = arith.constant 16 : index
      %get3A_295 = tpu.vector_load %arg9[%get3A_293, %get3A_294] {strides = array<i32>} : memref<128x128xf32, #tpu.memory_space<vmem>>, vector<1x16xf32>,
      %get3A_296 = vector.shape_cast %get3A_295 : vector<1x16xf32> to vector<16xf32>
      %mul3A_297 = arith.mulf %get3A_292, %get3A_296 : vector<16xf32>
      %add3A_298 = arith.addf %mul3A_288, %mul3A_297 : vector<16xf32>
      %get3A_299 = arith.index_cast %add3A_279 : i32 to index
      %get3A_300 = arith.constant 32 : index
      %get3A_301 = tpu.vector_load %arg8[%get3A_299, %get3A_300] {strides = array<i32>} : memref<128x128xf32, #tpu.memory_space<vmem>>, vector<1x16xf32>,
      %get3A_302 = vector.shape_cast %get3A_301 : vector<1x16xf32> to vector<16xf32>
      %get3A_303 = arith.index_cast %add3A_279 : i32 to index
      %get3A_304 = arith.constant 32 : index
      %get3A_305 = tpu.vector_load %arg9[%get3A_303, %get3A_304] {strides = array<i32>} : memref<128x128xf32, #tpu.memory_space<vmem>>, vector<1x16xf32>,
      %get3A_306 = vector.shape_cast %get3A_305 : vector<1x16xf32> to vector<16xf32>
      %mul3A_307 = arith.mulf %get3A_302, %get3A_306 : vector<16xf32>
      %add3A_308 = arith.addf %add3A_298, %mul3A_307 : vector<16xf32>
      %get3A_309 = arith.index_cast %add3A_279 : i32 to index
      %get3A_310 = arith.constant 48 : index
      %get3A_311 = tpu.vector_load %arg8[%get3A_309, %get3A_310] {strides = array<i32>} : memref<128x128xf32, #tpu.memory_space<vmem>>, vector<1x16xf32>,
      %get3A_312 = vector.shape_cast %get3A_311 : vector<1x16xf32> to vector<16xf32>
      %get3A_313 = arith.index_cast %add3A_279 : i32 to index
      %get3A_314 = arith.constant 48 : index
      %get3A_315 = tpu.vector_load %arg9[%get3A_313, %get3A_314] {strides = array<i32>} : memref<128x128xf32, #tpu.memory_space<vmem>>, vector<1x16xf32>,
      %get3A_316 = vector.shape_cast %get3A_315 : vector<1x16xf32> to vector<16xf32>
      %mul3A_317 = arith.mulf %get3A_312, %get3A_316 : vector<16xf32>
      %add3A_318 = arith.addf %add3A_308, %mul3A_317 : vector<16xf32>
      %mul3A_319 = arith.constant 2 : i32
      %mul3A_320 = arith.muli %mul3A_319, %scan3A_68 : i32
      %add3A_321 = arith.constant 0 : i32
      %add3A_322 = arith.addi %mul3A_320, %add3A_321 : i32
      %swap3A_323 = arith.index_cast %add3A_322 : i32 to index
      %swap3A_324 = arith.constant 64 : index
      %swap3A_325 = tpu.vector_load %arg12[%swap3A_323, %swap3A_324] {strides = array<i32>} : memref<16x128xf32, #tpu.memory_space<vmem>>, vector<1x16xf32>,
      %swap3A_326 = vector.shape_cast %swap3A_325 : vector<1x16xf32> to vector<16xf32>
      %swap3A_327 = vector.shape_cast %add3A_318 : vector<16xf32> to vector<1x16xf32>
      tpu.vector_store %arg12[%swap3A_323, %swap3A_324], %swap3A_327 {strides = array<i32>} : memref<16x128xf32, #tpu.memory_space<vmem>>, vector<1x16xf32>,
      %mul3A_328 = arith.constant 16 : i32
      %mul3A_329 = arith.muli %scan3A_68, %mul3A_328 : i32
      %add3A_330 = arith.constant 5 : i32
      %add3A_331 = arith.addi %mul3A_329, %add3A_330 : i32
      %get3A_332 = arith.index_cast %add3A_331 : i32 to index
      %get3A_333 = arith.constant 0 : index
      %get3A_334 = tpu.vector_load %arg8[%get3A_332, %get3A_333] {strides = array<i32>} : memref<128x128xf32, #tpu.memory_space<vmem>>, vector<1x16xf32>,
      %get3A_335 = vector.shape_cast %get3A_334 : vector<1x16xf32> to vector<16xf32>
      %get3A_336 = arith.index_cast %add3A_331 : i32 to index
      %get3A_337 = arith.constant 0 : index
      %get3A_338 = tpu.vector_load %arg9[%get3A_336, %get3A_337] {strides = array<i32>} : memref<128x128xf32, #tpu.memory_space<vmem>>, vector<1x16xf32>,
      %get3A_339 = vector.shape_cast %get3A_338 : vector<1x16xf32> to vector<16xf32>
      %mul3A_340 = arith.mulf %get3A_335, %get3A_339 : vector<16xf32>
      %get3A_341 = arith.index_cast %add3A_331 : i32 to index
      %get3A_342 = arith.constant 16 : index
      %get3A_343 = tpu.vector_load %arg8[%get3A_341, %get3A_342] {strides = array<i32>} : memref<128x128xf32, #tpu.memory_space<vmem>>, vector<1x16xf32>,
      %get3A_344 = vector.shape_cast %get3A_343 : vector<1x16xf32> to vector<16xf32>
      %get3A_345 = arith.index_cast %add3A_331 : i32 to index
      %get3A_346 = arith.constant 16 : index
      %get3A_347 = tpu.vector_load %arg9[%get3A_345, %get3A_346] {strides = array<i32>} : memref<128x128xf32, #tpu.memory_space<vmem>>, vector<1x16xf32>,
      %get3A_348 = vector.shape_cast %get3A_347 : vector<1x16xf32> to vector<16xf32>
      %mul3A_349 = arith.mulf %get3A_344, %get3A_348 : vector<16xf32>
      %add3A_350 = arith.addf %mul3A_340, %mul3A_349 : vector<16xf32>
      %get3A_351 = arith.index_cast %add3A_331 : i32 to index
      %get3A_352 = arith.constant 32 : index
      %get3A_353 = tpu.vector_load %arg8[%get3A_351, %get3A_352] {strides = array<i32>} : memref<128x128xf32, #tpu.memory_space<vmem>>, vector<1x16xf32>,
      %get3A_354 = vector.shape_cast %get3A_353 : vector<1x16xf32> to vector<16xf32>
      %get3A_355 = arith.index_cast %add3A_331 : i32 to index
      %get3A_356 = arith.constant 32 : index
      %get3A_357 = tpu.vector_load %arg9[%get3A_355, %get3A_356] {strides = array<i32>} : memref<128x128xf32, #tpu.memory_space<vmem>>, vector<1x16xf32>,
      %get3A_358 = vector.shape_cast %get3A_357 : vector<1x16xf32> to vector<16xf32>
      %mul3A_359 = arith.mulf %get3A_354, %get3A_358 : vector<16xf32>
      %add3A_360 = arith.addf %add3A_350, %mul3A_359 : vector<16xf32>
      %get3A_361 = arith.index_cast %add3A_331 : i32 to index
      %get3A_362 = arith.constant 48 : index
      %get3A_363 = tpu.vector_load %arg8[%get3A_361, %get3A_362] {strides = array<i32>} : memref<128x128xf32, #tpu.memory_space<vmem>>, vector<1x16xf32>,
      %get3A_364 = vector.shape_cast %get3A_363 : vector<1x16xf32> to vector<16xf32>
      %get3A_365 = arith.index_cast %add3A_331 : i32 to index
      %get3A_366 = arith.constant 48 : index
      %get3A_367 = tpu.vector_load %arg9[%get3A_365, %get3A_366] {strides = array<i32>} : memref<128x128xf32, #tpu.memory_space<vmem>>, vector<1x16xf32>,
      %get3A_368 = vector.shape_cast %get3A_367 : vector<1x16xf32> to vector<16xf32>
      %mul3A_369 = arith.mulf %get3A_364, %get3A_368 : vector<16xf32>
      %add3A_370 = arith.addf %add3A_360, %mul3A_369 : vector<16xf32>
      %mul3A_371 = arith.constant 2 : i32
      %mul3A_372 = arith.muli %mul3A_371, %scan3A_68 : i32
      %add3A_373 = arith.constant 0 : i32
      %add3A_374 = arith.addi %mul3A_372, %add3A_373 : i32
      %swap3A_375 = arith.index_cast %add3A_374 : i32 to index
      %swap3A_376 = arith.constant 80 : index
      %swap3A_377 = tpu.vector_load %arg12[%swap3A_375, %swap3A_376] {strides = array<i32>} : memref<16x128xf32, #tpu.memory_space<vmem>>, vector<1x16xf32>,
      %swap3A_378 = vector.shape_cast %swap3A_377 : vector<1x16xf32> to vector<16xf32>
      %swap3A_379 = vector.shape_cast %add3A_370 : vector<16xf32> to vector<1x16xf32>
      tpu.vector_store %arg12[%swap3A_375, %swap3A_376], %swap3A_379 {strides = array<i32>} : memref<16x128xf32, #tpu.memory_space<vmem>>, vector<1x16xf32>,
      %mul3A_380 = arith.constant 16 : i32
      %mul3A_381 = arith.muli %scan3A_68, %mul3A_380 : i32
      %add3A_382 = arith.constant 6 : i32
      %add3A_383 = arith.addi %mul3A_381, %add3A_382 : i32
      %get3A_384 = arith.index_cast %add3A_383 : i32 to index
      %get3A_385 = arith.constant 0 : index
      %get3A_386 = tpu.vector_load %arg8[%get3A_384, %get3A_385] {strides = array<i32>} : memref<128x128xf32, #tpu.memory_space<vmem>>, vector<1x16xf32>,
      %get3A_387 = vector.shape_cast %get3A_386 : vector<1x16xf32> to vector<16xf32>
      %get3A_388 = arith.index_cast %add3A_383 : i32 to index
      %get3A_389 = arith.constant 0 : index
      %get3A_390 = tpu.vector_load %arg9[%get3A_388, %get3A_389] {strides = array<i32>} : memref<128x128xf32, #tpu.memory_space<vmem>>, vector<1x16xf32>,
      %get3A_391 = vector.shape_cast %get3A_390 : vector<1x16xf32> to vector<16xf32>
      %mul3A_392 = arith.mulf %get3A_387, %get3A_391 : vector<16xf32>
      %get3A_393 = arith.index_cast %add3A_383 : i32 to index
      %get3A_394 = arith.constant 16 : index
      %get3A_395 = tpu.vector_load %arg8[%get3A_393, %get3A_394] {strides = array<i32>} : memref<128x128xf32, #tpu.memory_space<vmem>>, vector<1x16xf32>,
      %get3A_396 = vector.shape_cast %get3A_395 : vector<1x16xf32> to vector<16xf32>
      %get3A_397 = arith.index_cast %add3A_383 : i32 to index
      %get3A_398 = arith.constant 16 : index
      %get3A_399 = tpu.vector_load %arg9[%get3A_397, %get3A_398] {strides = array<i32>} : memref<128x128xf32, #tpu.memory_space<vmem>>, vector<1x16xf32>,
      %get3A_400 = vector.shape_cast %get3A_399 : vector<1x16xf32> to vector<16xf32>
      %mul3A_401 = arith.mulf %get3A_396, %get3A_400 : vector<16xf32>
      %add3A_402 = arith.addf %mul3A_392, %mul3A_401 : vector<16xf32>
      %get3A_403 = arith.index_cast %add3A_383 : i32 to index
      %get3A_404 = arith.constant 32 : index
      %get3A_405 = tpu.vector_load %arg8[%get3A_403, %get3A_404] {strides = array<i32>} : memref<128x128xf32, #tpu.memory_space<vmem>>, vector<1x16xf32>,
      %get3A_406 = vector.shape_cast %get3A_405 : vector<1x16xf32> to vector<16xf32>
      %get3A_407 = arith.index_cast %add3A_383 : i32 to index
      %get3A_408 = arith.constant 32 : index
      %get3A_409 = tpu.vector_load %arg9[%get3A_407, %get3A_408] {strides = array<i32>} : memref<128x128xf32, #tpu.memory_space<vmem>>, vector<1x16xf32>,
      %get3A_410 = vector.shape_cast %get3A_409 : vector<1x16xf32> to vector<16xf32>
      %mul3A_411 = arith.mulf %get3A_406, %get3A_410 : vector<16xf32>
      %add3A_412 = arith.addf %add3A_402, %mul3A_411 : vector<16xf32>
      %get3A_413 = arith.index_cast %add3A_383 : i32 to index
      %get3A_414 = arith.constant 48 : index
      %get3A_415 = tpu.vector_load %arg8[%get3A_413, %get3A_414] {strides = array<i32>} : memref<128x128xf32, #tpu.memory_space<vmem>>, vector<1x16xf32>,
      %get3A_416 = vector.shape_cast %get3A_415 : vector<1x16xf32> to vector<16xf32>
      %get3A_417 = arith.index_cast %add3A_383 : i32 to index
      %get3A_418 = arith.constant 48 : index
      %get3A_419 = tpu.vector_load %arg9[%get3A_417, %get3A_418] {strides = array<i32>} : memref<128x128xf32, #tpu.memory_space<vmem>>, vector<1x16xf32>,
      %get3A_420 = vector.shape_cast %get3A_419 : vector<1x16xf32> to vector<16xf32>
      %mul3A_421 = arith.mulf %get3A_416, %get3A_420 : vector<16xf32>
      %add3A_422 = arith.addf %add3A_412, %mul3A_421 : vector<16xf32>
      %mul3A_423 = arith.constant 2 : i32
      %mul3A_424 = arith.muli %mul3A_423, %scan3A_68 : i32
      %add3A_425 = arith.constant 0 : i32
      %add3A_426 = arith.addi %mul3A_424, %add3A_425 : i32
      %swap3A_427 = arith.index_cast %add3A_426 : i32 to index
      %swap3A_428 = arith.constant 96 : index
      %swap3A_429 = tpu.vector_load %arg12[%swap3A_427, %swap3A_428] {strides = array<i32>} : memref<16x128xf32, #tpu.memory_space<vmem>>, vector<1x16xf32>,
      %swap3A_430 = vector.shape_cast %swap3A_429 : vector<1x16xf32> to vector<16xf32>
      %swap3A_431 = vector.shape_cast %add3A_422 : vector<16xf32> to vector<1x16xf32>
      tpu.vector_store %arg12[%swap3A_427, %swap3A_428], %swap3A_431 {strides = array<i32>} : memref<16x128xf32, #tpu.memory_space<vmem>>, vector<1x16xf32>,
      %mul3A_432 = arith.constant 16 : i32
      %mul3A_433 = arith.muli %scan3A_68, %mul3A_432 : i32
      %add3A_434 = arith.constant 7 : i32
      %add3A_435 = arith.addi %mul3A_433, %add3A_434 : i32
      %get3A_436 = arith.index_cast %add3A_435 : i32 to index
      %get3A_437 = arith.constant 0 : index
      %get3A_438 = tpu.vector_load %arg8[%get3A_436, %get3A_437] {strides = array<i32>} : memref<128x128xf32, #tpu.memory_space<vmem>>, vector<1x16xf32>,
      %get3A_439 = vector.shape_cast %get3A_438 : vector<1x16xf32> to vector<16xf32>
      %get3A_440 = arith.index_cast %add3A_435 : i32 to index
      %get3A_441 = arith.constant 0 : index
      %get3A_442 = tpu.vector_load %arg9[%get3A_440, %get3A_441] {strides = array<i32>} : memref<128x128xf32, #tpu.memory_space<vmem>>, vector<1x16xf32>,
      %get3A_443 = vector.shape_cast %get3A_442 : vector<1x16xf32> to vector<16xf32>
      %mul3A_444 = arith.mulf %get3A_439, %get3A_443 : vector<16xf32>
      %get3A_445 = arith.index_cast %add3A_435 : i32 to index
      %get3A_446 = arith.constant 16 : index
      %get3A_447 = tpu.vector_load %arg8[%get3A_445, %get3A_446] {strides = array<i32>} : memref<128x128xf32, #tpu.memory_space<vmem>>, vector<1x16xf32>,
      %get3A_448 = vector.shape_cast %get3A_447 : vector<1x16xf32> to vector<16xf32>
      %get3A_449 = arith.index_cast %add3A_435 : i32 to index
      %get3A_450 = arith.constant 16 : index
      %get3A_451 = tpu.vector_load %arg9[%get3A_449, %get3A_450] {strides = array<i32>} : memref<128x128xf32, #tpu.memory_space<vmem>>, vector<1x16xf32>,
      %get3A_452 = vector.shape_cast %get3A_451 : vector<1x16xf32> to vector<16xf32>
      %mul3A_453 = arith.mulf %get3A_448, %get3A_452 : vector<16xf32>
      %add3A_454 = arith.addf %mul3A_444, %mul3A_453 : vector<16xf32>
      %get3A_455 = arith.index_cast %add3A_435 : i32 to index
      %get3A_456 = arith.constant 32 : index
      %get3A_457 = tpu.vector_load %arg8[%get3A_455, %get3A_456] {strides = array<i32>} : memref<128x128xf32, #tpu.memory_space<vmem>>, vector<1x16xf32>,
      %get3A_458 = vector.shape_cast %get3A_457 : vector<1x16xf32> to vector<16xf32>
      %get3A_459 = arith.index_cast %add3A_435 : i32 to index
      %get3A_460 = arith.constant 32 : index
      %get3A_461 = tpu.vector_load %arg9[%get3A_459, %get3A_460] {strides = array<i32>} : memref<128x128xf32, #tpu.memory_space<vmem>>, vector<1x16xf32>,
      %get3A_462 = vector.shape_cast %get3A_461 : vector<1x16xf32> to vector<16xf32>
      %mul3A_463 = arith.mulf %get3A_458, %get3A_462 : vector<16xf32>
      %add3A_464 = arith.addf %add3A_454, %mul3A_463 : vector<16xf32>
      %get3A_465 = arith.index_cast %add3A_435 : i32 to index
      %get3A_466 = arith.constant 48 : index
      %get3A_467 = tpu.vector_load %arg8[%get3A_465, %get3A_466] {strides = array<i32>} : memref<128x128xf32, #tpu.memory_space<vmem>>, vector<1x16xf32>,
      %get3A_468 = vector.shape_cast %get3A_467 : vector<1x16xf32> to vector<16xf32>
      %get3A_469 = arith.index_cast %add3A_435 : i32 to index
      %get3A_470 = arith.constant 48 : index
      %get3A_471 = tpu.vector_load %arg9[%get3A_469, %get3A_470] {strides = array<i32>} : memref<128x128xf32, #tpu.memory_space<vmem>>, vector<1x16xf32>,
      %get3A_472 = vector.shape_cast %get3A_471 : vector<1x16xf32> to vector<16xf32>
      %mul3A_473 = arith.mulf %get3A_468, %get3A_472 : vector<16xf32>
      %add3A_474 = arith.addf %add3A_464, %mul3A_473 : vector<16xf32>
      %mul3A_475 = arith.constant 2 : i32
      %mul3A_476 = arith.muli %mul3A_475, %scan3A_68 : i32
      %add3A_477 = arith.constant 0 : i32
      %add3A_478 = arith.addi %mul3A_476, %add3A_477 : i32
      %swap3A_479 = arith.index_cast %add3A_478 : i32 to index
      %swap3A_480 = arith.constant 112 : index
      %swap3A_481 = tpu.vector_load %arg12[%swap3A_479, %swap3A_480] {strides = array<i32>} : memref<16x128xf32, #tpu.memory_space<vmem>>, vector<1x16xf32>,
      %swap3A_482 = vector.shape_cast %swap3A_481 : vector<1x16xf32> to vector<16xf32>
      %swap3A_483 = vector.shape_cast %add3A_474 : vector<16xf32> to vector<1x16xf32>
      tpu.vector_store %arg12[%swap3A_479, %swap3A_480], %swap3A_483 {strides = array<i32>} : memref<16x128xf32, #tpu.memory_space<vmem>>, vector<1x16xf32>,
      %mul3A_484 = arith.constant 16 : i32
      %mul3A_485 = arith.muli %scan3A_68, %mul3A_484 : i32
      %add3A_486 = arith.constant 8 : i32
      %add3A_487 = arith.addi %mul3A_485, %add3A_486 : i32
      %get3A_488 = arith.index_cast %add3A_487 : i32 to index
      %get3A_489 = arith.constant 0 : index
      %get3A_490 = tpu.vector_load %arg8[%get3A_488, %get3A_489] {strides = array<i32>} : memref<128x128xf32, #tpu.memory_space<vmem>>, vector<1x16xf32>,
      %get3A_491 = vector.shape_cast %get3A_490 : vector<1x16xf32> to vector<16xf32>
      %get3A_492 = arith.index_cast %add3A_487 : i32 to index
      %get3A_493 = arith.constant 0 : index
      %get3A_494 = tpu.vector_load %arg9[%get3A_492, %get3A_493] {strides = array<i32>} : memref<128x128xf32, #tpu.memory_space<vmem>>, vector<1x16xf32>,
      %get3A_495 = vector.shape_cast %get3A_494 : vector<1x16xf32> to vector<16xf32>
      %mul3A_496 = arith.mulf %get3A_491, %get3A_495 : vector<16xf32>
      %get3A_497 = arith.index_cast %add3A_487 : i32 to index
      %get3A_498 = arith.constant 16 : index
      %get3A_499 = tpu.vector_load %arg8[%get3A_497, %get3A_498] {strides = array<i32>} : memref<128x128xf32, #tpu.memory_space<vmem>>, vector<1x16xf32>,
      %get3A_500 = vector.shape_cast %get3A_499 : vector<1x16xf32> to vector<16xf32>
      %get3A_501 = arith.index_cast %add3A_487 : i32 to index
      %get3A_502 = arith.constant 16 : index
      %get3A_503 = tpu.vector_load %arg9[%get3A_501, %get3A_502] {strides = array<i32>} : memref<128x128xf32, #tpu.memory_space<vmem>>, vector<1x16xf32>,
      %get3A_504 = vector.shape_cast %get3A_503 : vector<1x16xf32> to vector<16xf32>
      %mul3A_505 = arith.mulf %get3A_500, %get3A_504 : vector<16xf32>
      %add3A_506 = arith.addf %mul3A_496, %mul3A_505 : vector<16xf32>
      %get3A_507 = arith.index_cast %add3A_487 : i32 to index
      %get3A_508 = arith.constant 32 : index
      %get3A_509 = tpu.vector_load %arg8[%get3A_507, %get3A_508] {strides = array<i32>} : memref<128x128xf32, #tpu.memory_space<vmem>>, vector<1x16xf32>,
      %get3A_510 = vector.shape_cast %get3A_509 : vector<1x16xf32> to vector<16xf32>
      %get3A_511 = arith.index_cast %add3A_487 : i32 to index
      %get3A_512 = arith.constant 32 : index
      %get3A_513 = tpu.vector_load %arg9[%get3A_511, %get3A_512] {strides = array<i32>} : memref<128x128xf32, #tpu.memory_space<vmem>>, vector<1x16xf32>,
      %get3A_514 = vector.shape_cast %get3A_513 : vector<1x16xf32> to vector<16xf32>
      %mul3A_515 = arith.mulf %get3A_510, %get3A_514 : vector<16xf32>
      %add3A_516 = arith.addf %add3A_506, %mul3A_515 : vector<16xf32>
      %get3A_517 = arith.index_cast %add3A_487 : i32 to index
      %get3A_518 = arith.constant 48 : index
      %get3A_519 = tpu.vector_load %arg8[%get3A_517, %get3A_518] {strides = array<i32>} : memref<128x128xf32, #tpu.memory_space<vmem>>, vector<1x16xf32>,
      %get3A_520 = vector.shape_cast %get3A_519 : vector<1x16xf32> to vector<16xf32>
      %get3A_521 = arith.index_cast %add3A_487 : i32 to index
      %get3A_522 = arith.constant 48 : index
      %get3A_523 = tpu.vector_load %arg9[%get3A_521, %get3A_522] {strides = array<i32>} : memref<128x128xf32, #tpu.memory_space<vmem>>, vector<1x16xf32>,
      %get3A_524 = vector.shape_cast %get3A_523 : vector<1x16xf32> to vector<16xf32>
      %mul3A_525 = arith.mulf %get3A_520, %get3A_524 : vector<16xf32>
      %add3A_526 = arith.addf %add3A_516, %mul3A_525 : vector<16xf32>
      %mul3A_527 = arith.constant 2 : i32
      %mul3A_528 = arith.muli %mul3A_527, %scan3A_68 : i32
      %add3A_529 = arith.constant 1 : i32
      %add3A_530 = arith.addi %mul3A_528, %add3A_529 : i32
      %swap3A_531 = arith.index_cast %add3A_530 : i32 to index
      %swap3A_532 = arith.constant 0 : index
      %swap3A_533 = tpu.vector_load %arg12[%swap3A_531, %swap3A_532] {strides = array<i32>} : memref<16x128xf32, #tpu.memory_space<vmem>>, vector<1x16xf32>,
      %swap3A_534 = vector.shape_cast %swap3A_533 : vector<1x16xf32> to vector<16xf32>
      %swap3A_535 = vector.shape_cast %add3A_526 : vector<16xf32> to vector<1x16xf32>
      tpu.vector_store %arg12[%swap3A_531, %swap3A_532], %swap3A_535 {strides = array<i32>} : memref<16x128xf32, #tpu.memory_space<vmem>>, vector<1x16xf32>,
      %mul3A_536 = arith.constant 16 : i32
      %mul3A_537 = arith.muli %scan3A_68, %mul3A_536 : i32
      %add3A_538 = arith.constant 9 : i32
      %add3A_539 = arith.addi %mul3A_537, %add3A_538 : i32
      %get3A_540 = arith.index_cast %add3A_539 : i32 to index
      %get3A_541 = arith.constant 0 : index
      %get3A_542 = tpu.vector_load %arg8[%get3A_540, %get3A_541] {strides = array<i32>} : memref<128x128xf32, #tpu.memory_space<vmem>>, vector<1x16xf32>,
      %get3A_543 = vector.shape_cast %get3A_542 : vector<1x16xf32> to vector<16xf32>
      %get3A_544 = arith.index_cast %add3A_539 : i32 to index
      %get3A_545 = arith.constant 0 : index
      %get3A_546 = tpu.vector_load %arg9[%get3A_544, %get3A_545] {strides = array<i32>} : memref<128x128xf32, #tpu.memory_space<vmem>>, vector<1x16xf32>,
      %get3A_547 = vector.shape_cast %get3A_546 : vector<1x16xf32> to vector<16xf32>
      %mul3A_548 = arith.mulf %get3A_543, %get3A_547 : vector<16xf32>
      %get3A_549 = arith.index_cast %add3A_539 : i32 to index
      %get3A_550 = arith.constant 16 : index
      %get3A_551 = tpu.vector_load %arg8[%get3A_549, %get3A_550] {strides = array<i32>} : memref<128x128xf32, #tpu.memory_space<vmem>>, vector<1x16xf32>,
      %get3A_552 = vector.shape_cast %get3A_551 : vector<1x16xf32> to vector<16xf32>
      %get3A_553 = arith.index_cast %add3A_539 : i32 to index
      %get3A_554 = arith.constant 16 : index
      %get3A_555 = tpu.vector_load %arg9[%get3A_553, %get3A_554] {strides = array<i32>} : memref<128x128xf32, #tpu.memory_space<vmem>>, vector<1x16xf32>,
      %get3A_556 = vector.shape_cast %get3A_555 : vector<1x16xf32> to vector<16xf32>
      %mul3A_557 = arith.mulf %get3A_552, %get3A_556 : vector<16xf32>
      %add3A_558 = arith.addf %mul3A_548, %mul3A_557 : vector<16xf32>
      %get3A_559 = arith.index_cast %add3A_539 : i32 to index
      %get3A_560 = arith.constant 32 : index
      %get3A_561 = tpu.vector_load %arg8[%get3A_559, %get3A_560] {strides = array<i32>} : memref<128x128xf32, #tpu.memory_space<vmem>>, vector<1x16xf32>,
      %get3A_562 = vector.shape_cast %get3A_561 : vector<1x16xf32> to vector<16xf32>
      %get3A_563 = arith.index_cast %add3A_539 : i32 to index
      %get3A_564 = arith.constant 32 : index
      %get3A_565 = tpu.vector_load %arg9[%get3A_563, %get3A_564] {strides = array<i32>} : memref<128x128xf32, #tpu.memory_space<vmem>>, vector<1x16xf32>,
      %get3A_566 = vector.shape_cast %get3A_565 : vector<1x16xf32> to vector<16xf32>
      %mul3A_567 = arith.mulf %get3A_562, %get3A_566 : vector<16xf32>
      %add3A_568 = arith.addf %add3A_558, %mul3A_567 : vector<16xf32>
      %get3A_569 = arith.index_cast %add3A_539 : i32 to index
      %get3A_570 = arith.constant 48 : index
      %get3A_571 = tpu.vector_load %arg8[%get3A_569, %get3A_570] {strides = array<i32>} : memref<128x128xf32, #tpu.memory_space<vmem>>, vector<1x16xf32>,
      %get3A_572 = vector.shape_cast %get3A_571 : vector<1x16xf32> to vector<16xf32>
      %get3A_573 = arith.index_cast %add3A_539 : i32 to index
      %get3A_574 = arith.constant 48 : index
      %get3A_575 = tpu.vector_load %arg9[%get3A_573, %get3A_574] {strides = array<i32>} : memref<128x128xf32, #tpu.memory_space<vmem>>, vector<1x16xf32>,
      %get3A_576 = vector.shape_cast %get3A_575 : vector<1x16xf32> to vector<16xf32>
      %mul3A_577 = arith.mulf %get3A_572, %get3A_576 : vector<16xf32>
      %add3A_578 = arith.addf %add3A_568, %mul3A_577 : vector<16xf32>
      %mul3A_579 = arith.constant 2 : i32
      %mul3A_580 = arith.muli %mul3A_579, %scan3A_68 : i32
      %add3A_581 = arith.constant 1 : i32
      %add3A_582 = arith.addi %mul3A_580, %add3A_581 : i32
      %swap3A_583 = arith.index_cast %add3A_582 : i32 to index
      %swap3A_584 = arith.constant 16 : index
      %swap3A_585 = tpu.vector_load %arg12[%swap3A_583, %swap3A_584] {strides = array<i32>} : memref<16x128xf32, #tpu.memory_space<vmem>>, vector<1x16xf32>,
      %swap3A_586 = vector.shape_cast %swap3A_585 : vector<1x16xf32> to vector<16xf32>
      %swap3A_587 = vector.shape_cast %add3A_578 : vector<16xf32> to vector<1x16xf32>
      tpu.vector_store %arg12[%swap3A_583, %swap3A_584], %swap3A_587 {strides = array<i32>} : memref<16x128xf32, #tpu.memory_space<vmem>>, vector<1x16xf32>,
      %mul3A_588 = arith.constant 16 : i32
      %mul3A_589 = arith.muli %scan3A_68, %mul3A_588 : i32
      %add3A_590 = arith.constant 10 : i32
      %add3A_591 = arith.addi %mul3A_589, %add3A_590 : i32
      %get3A_592 = arith.index_cast %add3A_591 : i32 to index
      %get3A_593 = arith.constant 0 : index
      %get3A_594 = tpu.vector_load %arg8[%get3A_592, %get3A_593] {strides = array<i32>} : memref<128x128xf32, #tpu.memory_space<vmem>>, vector<1x16xf32>,
      %get3A_595 = vector.shape_cast %get3A_594 : vector<1x16xf32> to vector<16xf32>
      %get3A_596 = arith.index_cast %add3A_591 : i32 to index
      %get3A_597 = arith.constant 0 : index
      %get3A_598 = tpu.vector_load %arg9[%get3A_596, %get3A_597] {strides = array<i32>} : memref<128x128xf32, #tpu.memory_space<vmem>>, vector<1x16xf32>,
      %get3A_599 = vector.shape_cast %get3A_598 : vector<1x16xf32> to vector<16xf32>
      %mul3A_600 = arith.mulf %get3A_595, %get3A_599 : vector<16xf32>
      %get3A_601 = arith.index_cast %add3A_591 : i32 to index
      %get3A_602 = arith.constant 16 : index
      %get3A_603 = tpu.vector_load %arg8[%get3A_601, %get3A_602] {strides = array<i32>} : memref<128x128xf32, #tpu.memory_space<vmem>>, vector<1x16xf32>,
      %get3A_604 = vector.shape_cast %get3A_603 : vector<1x16xf32> to vector<16xf32>
      %get3A_605 = arith.index_cast %add3A_591 : i32 to index
      %get3A_606 = arith.constant 16 : index
      %get3A_607 = tpu.vector_load %arg9[%get3A_605, %get3A_606] {strides = array<i32>} : memref<128x128xf32, #tpu.memory_space<vmem>>, vector<1x16xf32>,
      %get3A_608 = vector.shape_cast %get3A_607 : vector<1x16xf32> to vector<16xf32>
      %mul3A_609 = arith.mulf %get3A_604, %get3A_608 : vector<16xf32>
      %add3A_610 = arith.addf %mul3A_600, %mul3A_609 : vector<16xf32>
      %get3A_611 = arith.index_cast %add3A_591 : i32 to index
      %get3A_612 = arith.constant 32 : index
      %get3A_613 = tpu.vector_load %arg8[%get3A_611, %get3A_612] {strides = array<i32>} : memref<128x128xf32, #tpu.memory_space<vmem>>, vector<1x16xf32>,
      %get3A_614 = vector.shape_cast %get3A_613 : vector<1x16xf32> to vector<16xf32>
      %get3A_615 = arith.index_cast %add3A_591 : i32 to index
      %get3A_616 = arith.constant 32 : index
      %get3A_617 = tpu.vector_load %arg9[%get3A_615, %get3A_616] {strides = array<i32>} : memref<128x128xf32, #tpu.memory_space<vmem>>, vector<1x16xf32>,
      %get3A_618 = vector.shape_cast %get3A_617 : vector<1x16xf32> to vector<16xf32>
      %mul3A_619 = arith.mulf %get3A_614, %get3A_618 : vector<16xf32>
      %add3A_620 = arith.addf %add3A_610, %mul3A_619 : vector<16xf32>
      %get3A_621 = arith.index_cast %add3A_591 : i32 to index
      %get3A_622 = arith.constant 48 : index
      %get3A_623 = tpu.vector_load %arg8[%get3A_621, %get3A_622] {strides = array<i32>} : memref<128x128xf32, #tpu.memory_space<vmem>>, vector<1x16xf32>,
      %get3A_624 = vector.shape_cast %get3A_623 : vector<1x16xf32> to vector<16xf32>
      %get3A_625 = arith.index_cast %add3A_591 : i32 to index
      %get3A_626 = arith.constant 48 : index
      %get3A_627 = tpu.vector_load %arg9[%get3A_625, %get3A_626] {strides = array<i32>} : memref<128x128xf32, #tpu.memory_space<vmem>>, vector<1x16xf32>,
      %get3A_628 = vector.shape_cast %get3A_627 : vector<1x16xf32> to vector<16xf32>
      %mul3A_629 = arith.mulf %get3A_624, %get3A_628 : vector<16xf32>
      %add3A_630 = arith.addf %add3A_620, %mul3A_629 : vector<16xf32>
      %mul3A_631 = arith.constant 2 : i32
      %mul3A_632 = arith.muli %mul3A_631, %scan3A_68 : i32
      %add3A_633 = arith.constant 1 : i32
      %add3A_634 = arith.addi %mul3A_632, %add3A_633 : i32
      %swap3A_635 = arith.index_cast %add3A_634 : i32 to index
      %swap3A_636 = arith.constant 32 : index
      %swap3A_637 = tpu.vector_load %arg12[%swap3A_635, %swap3A_636] {strides = array<i32>} : memref<16x128xf32, #tpu.memory_space<vmem>>, vector<1x16xf32>,
      %swap3A_638 = vector.shape_cast %swap3A_637 : vector<1x16xf32> to vector<16xf32>
      %swap3A_639 = vector.shape_cast %add3A_630 : vector<16xf32> to vector<1x16xf32>
      tpu.vector_store %arg12[%swap3A_635, %swap3A_636], %swap3A_639 {strides = array<i32>} : memref<16x128xf32, #tpu.memory_space<vmem>>, vector<1x16xf32>,
      %mul3A_640 = arith.constant 16 : i32
      %mul3A_641 = arith.muli %scan3A_68, %mul3A_640 : i32
      %add3A_642 = arith.constant 11 : i32
      %add3A_643 = arith.addi %mul3A_641, %add3A_642 : i32
      %get3A_644 = arith.index_cast %add3A_643 : i32 to index
      %get3A_645 = arith.constant 0 : index
      %get3A_646 = tpu.vector_load %arg8[%get3A_644, %get3A_645] {strides = array<i32>} : memref<128x128xf32, #tpu.memory_space<vmem>>, vector<1x16xf32>,
      %get3A_647 = vector.shape_cast %get3A_646 : vector<1x16xf32> to vector<16xf32>
      %get3A_648 = arith.index_cast %add3A_643 : i32 to index
      %get3A_649 = arith.constant 0 : index
      %get3A_650 = tpu.vector_load %arg9[%get3A_648, %get3A_649] {strides = array<i32>} : memref<128x128xf32, #tpu.memory_space<vmem>>, vector<1x16xf32>,
      %get3A_651 = vector.shape_cast %get3A_650 : vector<1x16xf32> to vector<16xf32>
      %mul3A_652 = arith.mulf %get3A_647, %get3A_651 : vector<16xf32>
      %get3A_653 = arith.index_cast %add3A_643 : i32 to index
      %get3A_654 = arith.constant 16 : index
      %get3A_655 = tpu.vector_load %arg8[%get3A_653, %get3A_654] {strides = array<i32>} : memref<128x128xf32, #tpu.memory_space<vmem>>, vector<1x16xf32>,
      %get3A_656 = vector.shape_cast %get3A_655 : vector<1x16xf32> to vector<16xf32>
      %get3A_657 = arith.index_cast %add3A_643 : i32 to index
      %get3A_658 = arith.constant 16 : index
      %get3A_659 = tpu.vector_load %arg9[%get3A_657, %get3A_658] {strides = array<i32>} : memref<128x128xf32, #tpu.memory_space<vmem>>, vector<1x16xf32>,
      %get3A_660 = vector.shape_cast %get3A_659 : vector<1x16xf32> to vector<16xf32>
      %mul3A_661 = arith.mulf %get3A_656, %get3A_660 : vector<16xf32>
      %add3A_662 = arith.addf %mul3A_652, %mul3A_661 : vector<16xf32>
      %get3A_663 = arith.index_cast %add3A_643 : i32 to index
      %get3A_664 = arith.constant 32 : index
      %get3A_665 = tpu.vector_load %arg8[%get3A_663, %get3A_664] {strides = array<i32>} : memref<128x128xf32, #tpu.memory_space<vmem>>, vector<1x16xf32>,
      %get3A_666 = vector.shape_cast %get3A_665 : vector<1x16xf32> to vector<16xf32>
      %get3A_667 = arith.index_cast %add3A_643 : i32 to index
      %get3A_668 = arith.constant 32 : index
      %get3A_669 = tpu.vector_load %arg9[%get3A_667, %get3A_668] {strides = array<i32>} : memref<128x128xf32, #tpu.memory_space<vmem>>, vector<1x16xf32>,
      %get3A_670 = vector.shape_cast %get3A_669 : vector<1x16xf32> to vector<16xf32>
      %mul3A_671 = arith.mulf %get3A_666, %get3A_670 : vector<16xf32>
      %add3A_672 = arith.addf %add3A_662, %mul3A_671 : vector<16xf32>
      %get3A_673 = arith.index_cast %add3A_643 : i32 to index
      %get3A_674 = arith.constant 48 : index
      %get3A_675 = tpu.vector_load %arg8[%get3A_673, %get3A_674] {strides = array<i32>} : memref<128x128xf32, #tpu.memory_space<vmem>>, vector<1x16xf32>,
      %get3A_676 = vector.shape_cast %get3A_675 : vector<1x16xf32> to vector<16xf32>
      %get3A_677 = arith.index_cast %add3A_643 : i32 to index
      %get3A_678 = arith.constant 48 : index
      %get3A_679 = tpu.vector_load %arg9[%get3A_677, %get3A_678] {strides = array<i32>} : memref<128x128xf32, #tpu.memory_space<vmem>>, vector<1x16xf32>,
      %get3A_680 = vector.shape_cast %get3A_679 : vector<1x16xf32> to vector<16xf32>
      %mul3A_681 = arith.mulf %get3A_676, %get3A_680 : vector<16xf32>
      %add3A_682 = arith.addf %add3A_672, %mul3A_681 : vector<16xf32>
      %mul3A_683 = arith.constant 2 : i32
      %mul3A_684 = arith.muli %mul3A_683, %scan3A_68 : i32
      %add3A_685 = arith.constant 1 : i32
      %add3A_686 = arith.addi %mul3A_684, %add3A_685 : i32
      %swap3A_687 = arith.index_cast %add3A_686 : i32 to index
      %swap3A_688 = arith.constant 48 : index
      %swap3A_689 = tpu.vector_load %arg12[%swap3A_687, %swap3A_688] {strides = array<i32>} : memref<16x128xf32, #tpu.memory_space<vmem>>, vector<1x16xf32>,
      %swap3A_690 = vector.shape_cast %swap3A_689 : vector<1x16xf32> to vector<16xf32>
      %swap3A_691 = vector.shape_cast %add3A_682 : vector<16xf32> to vector<1x16xf32>
      tpu.vector_store %arg12[%swap3A_687, %swap3A_688], %swap3A_691 {strides = array<i32>} : memref<16x128xf32, #tpu.memory_space<vmem>>, vector<1x16xf32>,
      %mul3A_692 = arith.constant 16 : i32
      %mul3A_693 = arith.muli %scan3A_68, %mul3A_692 : i32
      %add3A_694 = arith.constant 12 : i32
      %add3A_695 = arith.addi %mul3A_693, %add3A_694 : i32
      %get3A_696 = arith.index_cast %add3A_695 : i32 to index
      %get3A_697 = arith.constant 0 : index
      %get3A_698 = tpu.vector_load %arg8[%get3A_696, %get3A_697] {strides = array<i32>} : memref<128x128xf32, #tpu.memory_space<vmem>>, vector<1x16xf32>,
      %get3A_699 = vector.shape_cast %get3A_698 : vector<1x16xf32> to vector<16xf32>
      %get3A_700 = arith.index_cast %add3A_695 : i32 to index
      %get3A_701 = arith.constant 0 : index
      %get3A_702 = tpu.vector_load %arg9[%get3A_700, %get3A_701] {strides = array<i32>} : memref<128x128xf32, #tpu.memory_space<vmem>>, vector<1x16xf32>,
      %get3A_703 = vector.shape_cast %get3A_702 : vector<1x16xf32> to vector<16xf32>
      %mul3A_704 = arith.mulf %get3A_699, %get3A_703 : vector<16xf32>
      %get3A_705 = arith.index_cast %add3A_695 : i32 to index
      %get3A_706 = arith.constant 16 : index
      %get3A_707 = tpu.vector_load %arg8[%get3A_705, %get3A_706] {strides = array<i32>} : memref<128x128xf32, #tpu.memory_space<vmem>>, vector<1x16xf32>,
      %get3A_708 = vector.shape_cast %get3A_707 : vector<1x16xf32> to vector<16xf32>
      %get3A_709 = arith.index_cast %add3A_695 : i32 to index
      %get3A_710 = arith.constant 16 : index
      %get3A_711 = tpu.vector_load %arg9[%get3A_709, %get3A_710] {strides = array<i32>} : memref<128x128xf32, #tpu.memory_space<vmem>>, vector<1x16xf32>,
      %get3A_712 = vector.shape_cast %get3A_711 : vector<1x16xf32> to vector<16xf32>
      %mul3A_713 = arith.mulf %get3A_708, %get3A_712 : vector<16xf32>
      %add3A_714 = arith.addf %mul3A_704, %mul3A_713 : vector<16xf32>
      %get3A_715 = arith.index_cast %add3A_695 : i32 to index
      %get3A_716 = arith.constant 32 : index
      %get3A_717 = tpu.vector_load %arg8[%get3A_715, %get3A_716] {strides = array<i32>} : memref<128x128xf32, #tpu.memory_space<vmem>>, vector<1x16xf32>,
      %get3A_718 = vector.shape_cast %get3A_717 : vector<1x16xf32> to vector<16xf32>
      %get3A_719 = arith.index_cast %add3A_695 : i32 to index
      %get3A_720 = arith.constant 32 : index
      %get3A_721 = tpu.vector_load %arg9[%get3A_719, %get3A_720] {strides = array<i32>} : memref<128x128xf32, #tpu.memory_space<vmem>>, vector<1x16xf32>,
      %get3A_722 = vector.shape_cast %get3A_721 : vector<1x16xf32> to vector<16xf32>
      %mul3A_723 = arith.mulf %get3A_718, %get3A_722 : vector<16xf32>
      %add3A_724 = arith.addf %add3A_714, %mul3A_723 : vector<16xf32>
      %get3A_725 = arith.index_cast %add3A_695 : i32 to index
      %get3A_726 = arith.constant 48 : index
      %get3A_727 = tpu.vector_load %arg8[%get3A_725, %get3A_726] {strides = array<i32>} : memref<128x128xf32, #tpu.memory_space<vmem>>, vector<1x16xf32>,
      %get3A_728 = vector.shape_cast %get3A_727 : vector<1x16xf32> to vector<16xf32>
      %get3A_729 = arith.index_cast %add3A_695 : i32 to index
      %get3A_730 = arith.constant 48 : index
      %get3A_731 = tpu.vector_load %arg9[%get3A_729, %get3A_730] {strides = array<i32>} : memref<128x128xf32, #tpu.memory_space<vmem>>, vector<1x16xf32>,
      %get3A_732 = vector.shape_cast %get3A_731 : vector<1x16xf32> to vector<16xf32>
      %mul3A_733 = arith.mulf %get3A_728, %get3A_732 : vector<16xf32>
      %add3A_734 = arith.addf %add3A_724, %mul3A_733 : vector<16xf32>
      %mul3A_735 = arith.constant 2 : i32
      %mul3A_736 = arith.muli %mul3A_735, %scan3A_68 : i32
      %add3A_737 = arith.constant 1 : i32
      %add3A_738 = arith.addi %mul3A_736, %add3A_737 : i32
      %swap3A_739 = arith.index_cast %add3A_738 : i32 to index
      %swap3A_740 = arith.constant 64 : index
      %swap3A_741 = tpu.vector_load %arg12[%swap3A_739, %swap3A_740] {strides = array<i32>} : memref<16x128xf32, #tpu.memory_space<vmem>>, vector<1x16xf32>,
      %swap3A_742 = vector.shape_cast %swap3A_741 : vector<1x16xf32> to vector<16xf32>
      %swap3A_743 = vector.shape_cast %add3A_734 : vector<16xf32> to vector<1x16xf32>
      tpu.vector_store %arg12[%swap3A_739, %swap3A_740], %swap3A_743 {strides = array<i32>} : memref<16x128xf32, #tpu.memory_space<vmem>>, vector<1x16xf32>,
      %mul3A_744 = arith.constant 16 : i32
      %mul3A_745 = arith.muli %scan3A_68, %mul3A_744 : i32
      %add3A_746 = arith.constant 13 : i32
      %add3A_747 = arith.addi %mul3A_745, %add3A_746 : i32
      %get3A_748 = arith.index_cast %add3A_747 : i32 to index
      %get3A_749 = arith.constant 0 : index
      %get3A_750 = tpu.vector_load %arg8[%get3A_748, %get3A_749] {strides = array<i32>} : memref<128x128xf32, #tpu.memory_space<vmem>>, vector<1x16xf32>,
      %get3A_751 = vector.shape_cast %get3A_750 : vector<1x16xf32> to vector<16xf32>
      %get3A_752 = arith.index_cast %add3A_747 : i32 to index
      %get3A_753 = arith.constant 0 : index
      %get3A_754 = tpu.vector_load %arg9[%get3A_752, %get3A_753] {strides = array<i32>} : memref<128x128xf32, #tpu.memory_space<vmem>>, vector<1x16xf32>,
      %get3A_755 = vector.shape_cast %get3A_754 : vector<1x16xf32> to vector<16xf32>
      %mul3A_756 = arith.mulf %get3A_751, %get3A_755 : vector<16xf32>
      %get3A_757 = arith.index_cast %add3A_747 : i32 to index
      %get3A_758 = arith.constant 16 : index
      %get3A_759 = tpu.vector_load %arg8[%get3A_757, %get3A_758] {strides = array<i32>} : memref<128x128xf32, #tpu.memory_space<vmem>>, vector<1x16xf32>,
      %get3A_760 = vector.shape_cast %get3A_759 : vector<1x16xf32> to vector<16xf32>
      %get3A_761 = arith.index_cast %add3A_747 : i32 to index
      %get3A_762 = arith.constant 16 : index
      %get3A_763 = tpu.vector_load %arg9[%get3A_761, %get3A_762] {strides = array<i32>} : memref<128x128xf32, #tpu.memory_space<vmem>>, vector<1x16xf32>,
      %get3A_764 = vector.shape_cast %get3A_763 : vector<1x16xf32> to vector<16xf32>
      %mul3A_765 = arith.mulf %get3A_760, %get3A_764 : vector<16xf32>
      %add3A_766 = arith.addf %mul3A_756, %mul3A_765 : vector<16xf32>
      %get3A_767 = arith.index_cast %add3A_747 : i32 to index
      %get3A_768 = arith.constant 32 : index
      %get3A_769 = tpu.vector_load %arg8[%get3A_767, %get3A_768] {strides = array<i32>} : memref<128x128xf32, #tpu.memory_space<vmem>>, vector<1x16xf32>,
      %get3A_770 = vector.shape_cast %get3A_769 : vector<1x16xf32> to vector<16xf32>
      %get3A_771 = arith.index_cast %add3A_747 : i32 to index
      %get3A_772 = arith.constant 32 : index
      %get3A_773 = tpu.vector_load %arg9[%get3A_771, %get3A_772] {strides = array<i32>} : memref<128x128xf32, #tpu.memory_space<vmem>>, vector<1x16xf32>,
      %get3A_774 = vector.shape_cast %get3A_773 : vector<1x16xf32> to vector<16xf32>
      %mul3A_775 = arith.mulf %get3A_770, %get3A_774 : vector<16xf32>
      %add3A_776 = arith.addf %add3A_766, %mul3A_775 : vector<16xf32>
      %get3A_777 = arith.index_cast %add3A_747 : i32 to index
      %get3A_778 = arith.constant 48 : index
      %get3A_779 = tpu.vector_load %arg8[%get3A_777, %get3A_778] {strides = array<i32>} : memref<128x128xf32, #tpu.memory_space<vmem>>, vector<1x16xf32>,
      %get3A_780 = vector.shape_cast %get3A_779 : vector<1x16xf32> to vector<16xf32>
      %get3A_781 = arith.index_cast %add3A_747 : i32 to index
      %get3A_782 = arith.constant 48 : index
      %get3A_783 = tpu.vector_load %arg9[%get3A_781, %get3A_782] {strides = array<i32>} : memref<128x128xf32, #tpu.memory_space<vmem>>, vector<1x16xf32>,
      %get3A_784 = vector.shape_cast %get3A_783 : vector<1x16xf32> to vector<16xf32>
      %mul3A_785 = arith.mulf %get3A_780, %get3A_784 : vector<16xf32>
      %add3A_786 = arith.addf %add3A_776, %mul3A_785 : vector<16xf32>
      %mul3A_787 = arith.constant 2 : i32
      %mul3A_788 = arith.muli %mul3A_787, %scan3A_68 : i32
      %add3A_789 = arith.constant 1 : i32
      %add3A_790 = arith.addi %mul3A_788, %add3A_789 : i32
      %swap3A_791 = arith.index_cast %add3A_790 : i32 to index
      %swap3A_792 = arith.constant 80 : index
      %swap3A_793 = tpu.vector_load %arg12[%swap3A_791, %swap3A_792] {strides = array<i32>} : memref<16x128xf32, #tpu.memory_space<vmem>>, vector<1x16xf32>,
      %swap3A_794 = vector.shape_cast %swap3A_793 : vector<1x16xf32> to vector<16xf32>
      %swap3A_795 = vector.shape_cast %add3A_786 : vector<16xf32> to vector<1x16xf32>
      tpu.vector_store %arg12[%swap3A_791, %swap3A_792], %swap3A_795 {strides = array<i32>} : memref<16x128xf32, #tpu.memory_space<vmem>>, vector<1x16xf32>,
      %mul3A_796 = arith.constant 16 : i32
      %mul3A_797 = arith.muli %scan3A_68, %mul3A_796 : i32
      %add3A_798 = arith.constant 14 : i32
      %add3A_799 = arith.addi %mul3A_797, %add3A_798 : i32
      %get3A_800 = arith.index_cast %add3A_799 : i32 to index
      %get3A_801 = arith.constant 0 : index
      %get3A_802 = tpu.vector_load %arg8[%get3A_800, %get3A_801] {strides = array<i32>} : memref<128x128xf32, #tpu.memory_space<vmem>>, vector<1x16xf32>,
      %get3A_803 = vector.shape_cast %get3A_802 : vector<1x16xf32> to vector<16xf32>
      %get3A_804 = arith.index_cast %add3A_799 : i32 to index
      %get3A_805 = arith.constant 0 : index
      %get3A_806 = tpu.vector_load %arg9[%get3A_804, %get3A_805] {strides = array<i32>} : memref<128x128xf32, #tpu.memory_space<vmem>>, vector<1x16xf32>,
      %get3A_807 = vector.shape_cast %get3A_806 : vector<1x16xf32> to vector<16xf32>
      %mul3A_808 = arith.mulf %get3A_803, %get3A_807 : vector<16xf32>
      %get3A_809 = arith.index_cast %add3A_799 : i32 to index
      %get3A_810 = arith.constant 16 : index
      %get3A_811 = tpu.vector_load %arg8[%get3A_809, %get3A_810] {strides = array<i32>} : memref<128x128xf32, #tpu.memory_space<vmem>>, vector<1x16xf32>,
      %get3A_812 = vector.shape_cast %get3A_811 : vector<1x16xf32> to vector<16xf32>
      %get3A_813 = arith.index_cast %add3A_799 : i32 to index
      %get3A_814 = arith.constant 16 : index
      %get3A_815 = tpu.vector_load %arg9[%get3A_813, %get3A_814] {strides = array<i32>} : memref<128x128xf32, #tpu.memory_space<vmem>>, vector<1x16xf32>,
      %get3A_816 = vector.shape_cast %get3A_815 : vector<1x16xf32> to vector<16xf32>
      %mul3A_817 = arith.mulf %get3A_812, %get3A_816 : vector<16xf32>
      %add3A_818 = arith.addf %mul3A_808, %mul3A_817 : vector<16xf32>
      %get3A_819 = arith.index_cast %add3A_799 : i32 to index
      %get3A_820 = arith.constant 32 : index
      %get3A_821 = tpu.vector_load %arg8[%get3A_819, %get3A_820] {strides = array<i32>} : memref<128x128xf32, #tpu.memory_space<vmem>>, vector<1x16xf32>,
      %get3A_822 = vector.shape_cast %get3A_821 : vector<1x16xf32> to vector<16xf32>
      %get3A_823 = arith.index_cast %add3A_799 : i32 to index
      %get3A_824 = arith.constant 32 : index
      %get3A_825 = tpu.vector_load %arg9[%get3A_823, %get3A_824] {strides = array<i32>} : memref<128x128xf32, #tpu.memory_space<vmem>>, vector<1x16xf32>,
      %get3A_826 = vector.shape_cast %get3A_825 : vector<1x16xf32> to vector<16xf32>
      %mul3A_827 = arith.mulf %get3A_822, %get3A_826 : vector<16xf32>
      %add3A_828 = arith.addf %add3A_818, %mul3A_827 : vector<16xf32>
      %get3A_829 = arith.index_cast %add3A_799 : i32 to index
      %get3A_830 = arith.constant 48 : index
      %get3A_831 = tpu.vector_load %arg8[%get3A_829, %get3A_830] {strides = array<i32>} : memref<128x128xf32, #tpu.memory_space<vmem>>, vector<1x16xf32>,
      %get3A_832 = vector.shape_cast %get3A_831 : vector<1x16xf32> to vector<16xf32>
      %get3A_833 = arith.index_cast %add3A_799 : i32 to index
      %get3A_834 = arith.constant 48 : index
      %get3A_835 = tpu.vector_load %arg9[%get3A_833, %get3A_834] {strides = array<i32>} : memref<128x128xf32, #tpu.memory_space<vmem>>, vector<1x16xf32>,
      %get3A_836 = vector.shape_cast %get3A_835 : vector<1x16xf32> to vector<16xf32>
      %mul3A_837 = arith.mulf %get3A_832, %get3A_836 : vector<16xf32>
      %add3A_838 = arith.addf %add3A_828, %mul3A_837 : vector<16xf32>
      %mul3A_839 = arith.constant 2 : i32
      %mul3A_840 = arith.muli %mul3A_839, %scan3A_68 : i32
      %add3A_841 = arith.constant 1 : i32
      %add3A_842 = arith.addi %mul3A_840, %add3A_841 : i32
      %swap3A_843 = arith.index_cast %add3A_842 : i32 to index
      %swap3A_844 = arith.constant 96 : index
      %swap3A_845 = tpu.vector_load %arg12[%swap3A_843, %swap3A_844] {strides = array<i32>} : memref<16x128xf32, #tpu.memory_space<vmem>>, vector<1x16xf32>,
      %swap3A_846 = vector.shape_cast %swap3A_845 : vector<1x16xf32> to vector<16xf32>
      %swap3A_847 = vector.shape_cast %add3A_838 : vector<16xf32> to vector<1x16xf32>
      tpu.vector_store %arg12[%swap3A_843, %swap3A_844], %swap3A_847 {strides = array<i32>} : memref<16x128xf32, #tpu.memory_space<vmem>>, vector<1x16xf32>,
      %mul3A_848 = arith.constant 16 : i32
      %mul3A_849 = arith.muli %scan3A_68, %mul3A_848 : i32
      %add3A_850 = arith.constant 15 : i32
      %add3A_851 = arith.addi %mul3A_849, %add3A_850 : i32
      %get3A_852 = arith.index_cast %add3A_851 : i32 to index
      %get3A_853 = arith.constant 0 : index
      %get3A_854 = tpu.vector_load %arg8[%get3A_852, %get3A_853] {strides = array<i32>} : memref<128x128xf32, #tpu.memory_space<vmem>>, vector<1x16xf32>,
      %get3A_855 = vector.shape_cast %get3A_854 : vector<1x16xf32> to vector<16xf32>
      %get3A_856 = arith.index_cast %add3A_851 : i32 to index
      %get3A_857 = arith.constant 0 : index
      %get3A_858 = tpu.vector_load %arg9[%get3A_856, %get3A_857] {strides = array<i32>} : memref<128x128xf32, #tpu.memory_space<vmem>>, vector<1x16xf32>,
      %get3A_859 = vector.shape_cast %get3A_858 : vector<1x16xf32> to vector<16xf32>
      %mul3A_860 = arith.mulf %get3A_855, %get3A_859 : vector<16xf32>
      %get3A_861 = arith.index_cast %add3A_851 : i32 to index
      %get3A_862 = arith.constant 16 : index
      %get3A_863 = tpu.vector_load %arg8[%get3A_861, %get3A_862] {strides = array<i32>} : memref<128x128xf32, #tpu.memory_space<vmem>>, vector<1x16xf32>,
      %get3A_864 = vector.shape_cast %get3A_863 : vector<1x16xf32> to vector<16xf32>
      %get3A_865 = arith.index_cast %add3A_851 : i32 to index
      %get3A_866 = arith.constant 16 : index
      %get3A_867 = tpu.vector_load %arg9[%get3A_865, %get3A_866] {strides = array<i32>} : memref<128x128xf32, #tpu.memory_space<vmem>>, vector<1x16xf32>,
      %get3A_868 = vector.shape_cast %get3A_867 : vector<1x16xf32> to vector<16xf32>
      %mul3A_869 = arith.mulf %get3A_864, %get3A_868 : vector<16xf32>
      %add3A_870 = arith.addf %mul3A_860, %mul3A_869 : vector<16xf32>
      %get3A_871 = arith.index_cast %add3A_851 : i32 to index
      %get3A_872 = arith.constant 32 : index
      %get3A_873 = tpu.vector_load %arg8[%get3A_871, %get3A_872] {strides = array<i32>} : memref<128x128xf32, #tpu.memory_space<vmem>>, vector<1x16xf32>,
      %get3A_874 = vector.shape_cast %get3A_873 : vector<1x16xf32> to vector<16xf32>
      %get3A_875 = arith.index_cast %add3A_851 : i32 to index
      %get3A_876 = arith.constant 32 : index
      %get3A_877 = tpu.vector_load %arg9[%get3A_875, %get3A_876] {strides = array<i32>} : memref<128x128xf32, #tpu.memory_space<vmem>>, vector<1x16xf32>,
      %get3A_878 = vector.shape_cast %get3A_877 : vector<1x16xf32> to vector<16xf32>
      %mul3A_879 = arith.mulf %get3A_874, %get3A_878 : vector<16xf32>
      %add3A_880 = arith.addf %add3A_870, %mul3A_879 : vector<16xf32>
      %get3A_881 = arith.index_cast %add3A_851 : i32 to index
      %get3A_882 = arith.constant 48 : index
      %get3A_883 = tpu.vector_load %arg8[%get3A_881, %get3A_882] {strides = array<i32>} : memref<128x128xf32, #tpu.memory_space<vmem>>, vector<1x16xf32>,
      %get3A_884 = vector.shape_cast %get3A_883 : vector<1x16xf32> to vector<16xf32>
      %get3A_885 = arith.index_cast %add3A_851 : i32 to index
      %get3A_886 = arith.constant 48 : index
      %get3A_887 = tpu.vector_load %arg9[%get3A_885, %get3A_886] {strides = array<i32>} : memref<128x128xf32, #tpu.memory_space<vmem>>, vector<1x16xf32>,
      %get3A_888 = vector.shape_cast %get3A_887 : vector<1x16xf32> to vector<16xf32>
      %mul3A_889 = arith.mulf %get3A_884, %get3A_888 : vector<16xf32>
      %add3A_890 = arith.addf %add3A_880, %mul3A_889 : vector<16xf32>
      %mul3A_891 = arith.constant 2 : i32
      %mul3A_892 = arith.muli %mul3A_891, %scan3A_68 : i32
      %add3A_893 = arith.constant 1 : i32
      %add3A_894 = arith.addi %mul3A_892, %add3A_893 : i32
      %swap3A_895 = arith.index_cast %add3A_894 : i32 to index
      %swap3A_896 = arith.constant 112 : index
      %swap3A_897 = tpu.vector_load %arg12[%swap3A_895, %swap3A_896] {strides = array<i32>} : memref<16x128xf32, #tpu.memory_space<vmem>>, vector<1x16xf32>,
      %swap3A_898 = vector.shape_cast %swap3A_897 : vector<1x16xf32> to vector<16xf32>
      %swap3A_899 = vector.shape_cast %add3A_890 : vector<16xf32> to vector<1x16xf32>
      tpu.vector_store %arg12[%swap3A_895, %swap3A_896], %swap3A_899 {strides = array<i32>} : memref<16x128xf32, #tpu.memory_space<vmem>>, vector<1x16xf32>,
      %scan3A_900 = arith.constant 0 : i32
      scf.yield %scan3A_900 : i32
    }
    %scan3A_45 = arith.constant 8 : i32
    %mul3A_46 = arith.constant 157 : i32
    %mul3A_47 = arith.muli %add3A, %mul3A_46 : i32
    %add3A_48 = arith.constant 156 : i32
    %add3A_49 = arith.addi %mul3A_47, %add3A_48 : i32
    %mul3A_50 = arith.constant 16 : i32
    %mul3A_51 = arith.muli %add3A_49, %mul3A_50 : i32
    %dma_start3A_52 = arith.constant 0 : i32
    %dma_start3A_53 = tpu.memref_slice %arg5[%mul3A_51, %dma_start3A_52] : memref<80384x128xf32, #tpu.memory_space<hbm>> -> memref<16x128xf32, #tpu.memory_space<hbm>>
    %dma_start3A_54 = arith.constant 0 : i32
    %dma_start3A_55 = tpu.memref_slice %arg5[%mul3A_51, %dma_start3A_54] : memref<80384x128xf32, #tpu.memory_space<hbm>> -> memref<16x128xf32, #tpu.memory_space<hbm>>
    tpu.enqueue_dma source(%arg12 : memref<16x128xf32, #tpu.memory_space<vmem>>) target(%dma_start3A_55 : memref<16x128xf32, #tpu.memory_space<hbm>>) target_semaphore(%arg18 : memref<!tpu.dma_semaphore, #tpu.memory_space<semaphore_mem>>)
    %dma_wait3A_56 = arith.constant 0 : i32
    %dma_wait3A_57 = arith.constant 0 : i32
    %dma_wait3A_58 = tpu.memref_slice %arg5[%dma_wait3A_56, %dma_wait3A_57] : memref<80384x128xf32, #tpu.memory_space<hbm>> -> memref<16x128xf32, #tpu.memory_space<hbm>>
    %dma_wait3A_59 = arith.constant 0 : i32
    %dma_wait3A_60 = arith.constant 0 : i32
    %dma_wait3A_61 = tpu.memref_slice %arg5[%dma_wait3A_59, %dma_wait3A_60] : memref<80384x128xf32, #tpu.memory_space<hbm>> -> memref<16x128xf32, #tpu.memory_space<hbm>>
    tpu.wait_dma2 semaphore(%arg19 : memref<!tpu.dma_semaphore, #tpu.memory_space<semaphore_mem>>) src(%arg13 : memref<16x128xf32, #tpu.memory_space<vmem>>) dst(%dma_wait3A_61 : memref<16x128xf32, #tpu.memory_space<hbm>>)
    %dma_wait3A_62 = arith.constant 0 : i32
    %dma_wait3A_63 = arith.constant 0 : i32
    %dma_wait3A_64 = tpu.memref_slice %arg5[%dma_wait3A_62, %dma_wait3A_63] : memref<80384x128xf32, #tpu.memory_space<hbm>> -> memref<16x128xf32, #tpu.memory_space<hbm>>
    %dma_wait3A_65 = arith.constant 0 : i32
    %dma_wait3A_66 = arith.constant 0 : i32
    %dma_wait3A_67 = tpu.memref_slice %arg5[%dma_wait3A_65, %dma_wait3A_66] : memref<80384x128xf32, #tpu.memory_space<hbm>> -> memref<16x128xf32, #tpu.memory_space<hbm>>
    tpu.wait_dma2 semaphore(%arg18 : memref<!tpu.dma_semaphore, #tpu.memory_space<semaphore_mem>>) src(%arg12 : memref<16x128xf32, #tpu.memory_space<vmem>>) dst(%dma_wait3A_67 : memref<16x128xf32, #tpu.memory_space<hbm>>)
    return
  }
}

#map = affine_map<(d0, d1) -> (0, 0, 0)>
#map1 = affine_map<(d0, d1) -> (0, 0)>
module attributes {stable_mosaic.version = 14 : i64} {
  func.func @_agg_body(%arg0: i32, %arg1: i32, %arg2: memref<32x79x128xi32, #tpu.memory_space<hbm>>, %arg3: memref<32x79x128xi32, #tpu.memory_space<hbm>>, %arg4: memref<10240x128xf32, #tpu.memory_space<hbm>>, %arg5: memref<2x10240x128xf32, #tpu.memory_space<hbm>>, %arg6: memref<79x128xi32, #tpu.memory_space<vmem>>, %arg7: memref<79x128xi32, #tpu.memory_space<vmem>>, %arg8: memref<128x128xf32, #tpu.memory_space<vmem>>, %arg9: memref<10240x128xf32, #tpu.memory_space<vmem_shared>>, %arg10: memref<!tpu.dma_semaphore, #tpu.memory_space<semaphore_mem>>) attributes {dimension_semantics = [#tpu.dimension_semantics<core_parallel>, #tpu.dimension_semantics<subcore_parallel>], iteration_bounds = array<i64: 2, 16>, scalar_prefetch = 0 : i64, scratch_operands = 5 : i64, tpu.core_type = #tpu.core_type<sc_vector_subcore>, window_params = [{transform_indices = #map}, {transform_indices = #map}, {transform_indices = #map1}, {transform_indices = #map}]} {
    %mul3A = arith.constant 16 : i32
    %mul3A_0 = arith.muli %arg0, %mul3A : i32
    %add3A = arith.addi %mul3A_0, %arg1 : i32
    "tpu.region"() ({
      %run_scoped3A = tpu.sem_alloc : memref<!tpu.dma_semaphore, #tpu.memory_space<semaphore_mem>>
      %dma_start3A = arith.constant 0 : i32
      %dma_start3A_27 = arith.constant 0 : i32
      %dma_start3A_28 = tpu.memref_slice %arg2[%add3A, %dma_start3A, %dma_start3A_27] : memref<32x79x128xi32, #tpu.memory_space<hbm>> -> memref<1x79x128xi32, #tpu.memory_space<hbm>>
      %dma_start3A_29 = tpu.memref_squeeze %dma_start3A_28 : memref<1x79x128xi32, #tpu.memory_space<hbm>> -> memref<79x128xi32, #tpu.memory_space<hbm>>
      %dma_start3A_30 = arith.constant 0 : i32
      %dma_start3A_31 = arith.constant 0 : i32
      %dma_start3A_32 = tpu.memref_slice %arg2[%add3A, %dma_start3A_30, %dma_start3A_31] : memref<32x79x128xi32, #tpu.memory_space<hbm>> -> memref<1x79x128xi32, #tpu.memory_space<hbm>>
      %dma_start3A_33 = tpu.memref_squeeze %dma_start3A_32 : memref<1x79x128xi32, #tpu.memory_space<hbm>> -> memref<79x128xi32, #tpu.memory_space<hbm>>
      tpu.enqueue_dma source(%dma_start3A_33 : memref<79x128xi32, #tpu.memory_space<hbm>>) target(%arg6 : memref<79x128xi32, #tpu.memory_space<vmem>>) target_semaphore(%run_scoped3A : memref<!tpu.dma_semaphore, #tpu.memory_space<semaphore_mem>>)
      %dma_wait3A = arith.constant 0 : i32
      %dma_wait3A_34 = arith.constant 0 : i32
      %dma_wait3A_35 = tpu.memref_slice %arg2[%add3A, %dma_wait3A, %dma_wait3A_34] : memref<32x79x128xi32, #tpu.memory_space<hbm>> -> memref<1x79x128xi32, #tpu.memory_space<hbm>>
      %dma_wait3A_36 = tpu.memref_squeeze %dma_wait3A_35 : memref<1x79x128xi32, #tpu.memory_space<hbm>> -> memref<79x128xi32, #tpu.memory_space<hbm>>
      %dma_wait3A_37 = arith.constant 0 : i32
      %dma_wait3A_38 = arith.constant 0 : i32
      %dma_wait3A_39 = tpu.memref_slice %arg2[%add3A, %dma_wait3A_37, %dma_wait3A_38] : memref<32x79x128xi32, #tpu.memory_space<hbm>> -> memref<1x79x128xi32, #tpu.memory_space<hbm>>
      %dma_wait3A_40 = tpu.memref_squeeze %dma_wait3A_39 : memref<1x79x128xi32, #tpu.memory_space<hbm>> -> memref<79x128xi32, #tpu.memory_space<hbm>>
      tpu.wait_dma2 semaphore(%run_scoped3A : memref<!tpu.dma_semaphore, #tpu.memory_space<semaphore_mem>>) src(%dma_wait3A_40 : memref<79x128xi32, #tpu.memory_space<hbm>>) dst(%arg6 : memref<79x128xi32, #tpu.memory_space<vmem>>)
      tpu.yield
    }) : () -> ()
    "tpu.region"() ({
      %run_scoped3A = tpu.sem_alloc : memref<!tpu.dma_semaphore, #tpu.memory_space<semaphore_mem>>
      %dma_start3A = arith.constant 0 : i32
      %dma_start3A_27 = arith.constant 0 : i32
      %dma_start3A_28 = tpu.memref_slice %arg3[%add3A, %dma_start3A, %dma_start3A_27] : memref<32x79x128xi32, #tpu.memory_space<hbm>> -> memref<1x79x128xi32, #tpu.memory_space<hbm>>
      %dma_start3A_29 = tpu.memref_squeeze %dma_start3A_28 : memref<1x79x128xi32, #tpu.memory_space<hbm>> -> memref<79x128xi32, #tpu.memory_space<hbm>>
      %dma_start3A_30 = arith.constant 0 : i32
      %dma_start3A_31 = arith.constant 0 : i32
      %dma_start3A_32 = tpu.memref_slice %arg3[%add3A, %dma_start3A_30, %dma_start3A_31] : memref<32x79x128xi32, #tpu.memory_space<hbm>> -> memref<1x79x128xi32, #tpu.memory_space<hbm>>
      %dma_start3A_33 = tpu.memref_squeeze %dma_start3A_32 : memref<1x79x128xi32, #tpu.memory_space<hbm>> -> memref<79x128xi32, #tpu.memory_space<hbm>>
      tpu.enqueue_dma source(%dma_start3A_33 : memref<79x128xi32, #tpu.memory_space<hbm>>) target(%arg7 : memref<79x128xi32, #tpu.memory_space<vmem>>) target_semaphore(%run_scoped3A : memref<!tpu.dma_semaphore, #tpu.memory_space<semaphore_mem>>)
      %dma_wait3A = arith.constant 0 : i32
      %dma_wait3A_34 = arith.constant 0 : i32
      %dma_wait3A_35 = tpu.memref_slice %arg3[%add3A, %dma_wait3A, %dma_wait3A_34] : memref<32x79x128xi32, #tpu.memory_space<hbm>> -> memref<1x79x128xi32, #tpu.memory_space<hbm>>
      %dma_wait3A_36 = tpu.memref_squeeze %dma_wait3A_35 : memref<1x79x128xi32, #tpu.memory_space<hbm>> -> memref<79x128xi32, #tpu.memory_space<hbm>>
      %dma_wait3A_37 = arith.constant 0 : i32
      %dma_wait3A_38 = arith.constant 0 : i32
      %dma_wait3A_39 = tpu.memref_slice %arg3[%add3A, %dma_wait3A_37, %dma_wait3A_38] : memref<32x79x128xi32, #tpu.memory_space<hbm>> -> memref<1x79x128xi32, #tpu.memory_space<hbm>>
      %dma_wait3A_40 = tpu.memref_squeeze %dma_wait3A_39 : memref<1x79x128xi32, #tpu.memory_space<hbm>> -> memref<79x128xi32, #tpu.memory_space<hbm>>
      tpu.wait_dma2 semaphore(%run_scoped3A : memref<!tpu.dma_semaphore, #tpu.memory_space<semaphore_mem>>) src(%dma_wait3A_40 : memref<79x128xi32, #tpu.memory_space<hbm>>) dst(%arg7 : memref<79x128xi32, #tpu.memory_space<vmem>>)
      tpu.yield
    }) : () -> ()
    %scan3A = arith.constant 0 : i32
    %scan3A_1 = arith.constant 0 : i32
    %scan3A_2 = arith.constant 128 : i32
    %scan3A_3 = arith.addi %scan3A_1, %scan3A_2 : i32
    %scan3A_4 = arith.constant 1 : i32
    %scan3A_5 = scf.for %scan3A_27 = %scan3A_1 to %scan3A_3 step %scan3A_4 iter_args(%scan3A_28 = %scan3A) -> (i32)  : i32 {
      %broadcast_in_dim3A = arith.constant 0.000000e+00 : f32
      %broadcast_in_dim3A_29 = vector.broadcast %broadcast_in_dim3A : f32 to vector<16xf32>
      %swap3A = arith.index_cast %scan3A_27 : i32 to index
      %swap3A_30 = arith.constant 0 : index
      %swap3A_31 = tpu.vector_load %arg8[%swap3A, %swap3A_30] {strides = array<i32>} : memref<128x128xf32, #tpu.memory_space<vmem>>, vector<1x16xf32>,
      %swap3A_32 = vector.shape_cast %swap3A_31 : vector<1x16xf32> to vector<16xf32>
      %swap3A_33 = vector.shape_cast %broadcast_in_dim3A_29 : vector<16xf32> to vector<1x16xf32>
      tpu.vector_store %arg8[%swap3A, %swap3A_30], %swap3A_33 {strides = array<i32>} : memref<128x128xf32, #tpu.memory_space<vmem>>, vector<1x16xf32>,
      %broadcast_in_dim3A_34 = arith.constant 0.000000e+00 : f32
      %broadcast_in_dim3A_35 = vector.broadcast %broadcast_in_dim3A_34 : f32 to vector<16xf32>
      %swap3A_36 = arith.index_cast %scan3A_27 : i32 to index
      %swap3A_37 = arith.constant 16 : index
      %swap3A_38 = tpu.vector_load %arg8[%swap3A_36, %swap3A_37] {strides = array<i32>} : memref<128x128xf32, #tpu.memory_space<vmem>>, vector<1x16xf32>,
      %swap3A_39 = vector.shape_cast %swap3A_38 : vector<1x16xf32> to vector<16xf32>
      %swap3A_40 = vector.shape_cast %broadcast_in_dim3A_35 : vector<16xf32> to vector<1x16xf32>
      tpu.vector_store %arg8[%swap3A_36, %swap3A_37], %swap3A_40 {strides = array<i32>} : memref<128x128xf32, #tpu.memory_space<vmem>>, vector<1x16xf32>,
      %broadcast_in_dim3A_41 = arith.constant 0.000000e+00 : f32
      %broadcast_in_dim3A_42 = vector.broadcast %broadcast_in_dim3A_41 : f32 to vector<16xf32>
      %swap3A_43 = arith.index_cast %scan3A_27 : i32 to index
      %swap3A_44 = arith.constant 32 : index
      %swap3A_45 = tpu.vector_load %arg8[%swap3A_43, %swap3A_44] {strides = array<i32>} : memref<128x128xf32, #tpu.memory_space<vmem>>, vector<1x16xf32>,
      %swap3A_46 = vector.shape_cast %swap3A_45 : vector<1x16xf32> to vector<16xf32>
      %swap3A_47 = vector.shape_cast %broadcast_in_dim3A_42 : vector<16xf32> to vector<1x16xf32>
      tpu.vector_store %arg8[%swap3A_43, %swap3A_44], %swap3A_47 {strides = array<i32>} : memref<128x128xf32, #tpu.memory_space<vmem>>, vector<1x16xf32>,
      %broadcast_in_dim3A_48 = arith.constant 0.000000e+00 : f32
      %broadcast_in_dim3A_49 = vector.broadcast %broadcast_in_dim3A_48 : f32 to vector<16xf32>
      %swap3A_50 = arith.index_cast %scan3A_27 : i32 to index
      %swap3A_51 = arith.constant 48 : index
      %swap3A_52 = tpu.vector_load %arg8[%swap3A_50, %swap3A_51] {strides = array<i32>} : memref<128x128xf32, #tpu.memory_space<vmem>>, vector<1x16xf32>,
      %swap3A_53 = vector.shape_cast %swap3A_52 : vector<1x16xf32> to vector<16xf32>
      %swap3A_54 = vector.shape_cast %broadcast_in_dim3A_49 : vector<16xf32> to vector<1x16xf32>
      tpu.vector_store %arg8[%swap3A_50, %swap3A_51], %swap3A_54 {strides = array<i32>} : memref<128x128xf32, #tpu.memory_space<vmem>>, vector<1x16xf32>,
      %broadcast_in_dim3A_55 = arith.constant 0.000000e+00 : f32
      %broadcast_in_dim3A_56 = vector.broadcast %broadcast_in_dim3A_55 : f32 to vector<16xf32>
      %swap3A_57 = arith.index_cast %scan3A_27 : i32 to index
      %swap3A_58 = arith.constant 64 : index
      %swap3A_59 = tpu.vector_load %arg8[%swap3A_57, %swap3A_58] {strides = array<i32>} : memref<128x128xf32, #tpu.memory_space<vmem>>, vector<1x16xf32>,
      %swap3A_60 = vector.shape_cast %swap3A_59 : vector<1x16xf32> to vector<16xf32>
      %swap3A_61 = vector.shape_cast %broadcast_in_dim3A_56 : vector<16xf32> to vector<1x16xf32>
      tpu.vector_store %arg8[%swap3A_57, %swap3A_58], %swap3A_61 {strides = array<i32>} : memref<128x128xf32, #tpu.memory_space<vmem>>, vector<1x16xf32>,
      %broadcast_in_dim3A_62 = arith.constant 0.000000e+00 : f32
      %broadcast_in_dim3A_63 = vector.broadcast %broadcast_in_dim3A_62 : f32 to vector<16xf32>
      %swap3A_64 = arith.index_cast %scan3A_27 : i32 to index
      %swap3A_65 = arith.constant 80 : index
      %swap3A_66 = tpu.vector_load %arg8[%swap3A_64, %swap3A_65] {strides = array<i32>} : memref<128x128xf32, #tpu.memory_space<vmem>>, vector<1x16xf32>,
      %swap3A_67 = vector.shape_cast %swap3A_66 : vector<1x16xf32> to vector<16xf32>
      %swap3A_68 = vector.shape_cast %broadcast_in_dim3A_63 : vector<16xf32> to vector<1x16xf32>
      tpu.vector_store %arg8[%swap3A_64, %swap3A_65], %swap3A_68 {strides = array<i32>} : memref<128x128xf32, #tpu.memory_space<vmem>>, vector<1x16xf32>,
      %broadcast_in_dim3A_69 = arith.constant 0.000000e+00 : f32
      %broadcast_in_dim3A_70 = vector.broadcast %broadcast_in_dim3A_69 : f32 to vector<16xf32>
      %swap3A_71 = arith.index_cast %scan3A_27 : i32 to index
      %swap3A_72 = arith.constant 96 : index
      %swap3A_73 = tpu.vector_load %arg8[%swap3A_71, %swap3A_72] {strides = array<i32>} : memref<128x128xf32, #tpu.memory_space<vmem>>, vector<1x16xf32>,
      %swap3A_74 = vector.shape_cast %swap3A_73 : vector<1x16xf32> to vector<16xf32>
      %swap3A_75 = vector.shape_cast %broadcast_in_dim3A_70 : vector<16xf32> to vector<1x16xf32>
      tpu.vector_store %arg8[%swap3A_71, %swap3A_72], %swap3A_75 {strides = array<i32>} : memref<128x128xf32, #tpu.memory_space<vmem>>, vector<1x16xf32>,
      %broadcast_in_dim3A_76 = arith.constant 0.000000e+00 : f32
      %broadcast_in_dim3A_77 = vector.broadcast %broadcast_in_dim3A_76 : f32 to vector<16xf32>
      %swap3A_78 = arith.index_cast %scan3A_27 : i32 to index
      %swap3A_79 = arith.constant 112 : index
      %swap3A_80 = tpu.vector_load %arg8[%swap3A_78, %swap3A_79] {strides = array<i32>} : memref<128x128xf32, #tpu.memory_space<vmem>>, vector<1x16xf32>,
      %swap3A_81 = vector.shape_cast %swap3A_80 : vector<1x16xf32> to vector<16xf32>
      %swap3A_82 = vector.shape_cast %broadcast_in_dim3A_77 : vector<16xf32> to vector<1x16xf32>
      tpu.vector_store %arg8[%swap3A_78, %swap3A_79], %swap3A_82 {strides = array<i32>} : memref<128x128xf32, #tpu.memory_space<vmem>>, vector<1x16xf32>,
      %scan3A_83 = arith.constant 0 : i32
      scf.yield %scan3A_83 : i32
    }
    %scan3A_6 = arith.constant 128 : i32
    %mul3A_7 = arith.constant 640 : i32
    %mul3A_8 = arith.muli %arg1, %mul3A_7 : i32
    %add3A_9 = arith.constant 0 : i32
    %add3A_10 = arith.addi %mul3A_8, %add3A_9 : i32
    "tpu.region"() ({
      %run_scoped3A = tpu.sem_alloc : memref<!tpu.dma_semaphore, #tpu.memory_space<semaphore_mem>>
      %dma_start3A = arith.constant 0 : i32
      %dma_start3A_27 = tpu.memref_slice %arg9[%add3A_10, %dma_start3A] : memref<10240x128xf32, #tpu.memory_space<vmem_shared>> -> memref<128x128xf32, #tpu.memory_space<vmem_shared>>
      %dma_start3A_28 = arith.constant 0 : i32
      %dma_start3A_29 = tpu.memref_slice %arg9[%add3A_10, %dma_start3A_28] : memref<10240x128xf32, #tpu.memory_space<vmem_shared>> -> memref<128x128xf32, #tpu.memory_space<vmem_shared>>
      tpu.enqueue_dma source(%arg8 : memref<128x128xf32, #tpu.memory_space<vmem>>) target(%dma_start3A_29 : memref<128x128xf32, #tpu.memory_space<vmem_shared>>) target_semaphore(%run_scoped3A : memref<!tpu.dma_semaphore, #tpu.memory_space<semaphore_mem>>)
      %dma_wait3A = arith.constant 0 : i32
      %dma_wait3A_30 = tpu.memref_slice %arg9[%add3A_10, %dma_wait3A] : memref<10240x128xf32, #tpu.memory_space<vmem_shared>> -> memref<128x128xf32, #tpu.memory_space<vmem_shared>>
      %dma_wait3A_31 = arith.constant 0 : i32
      %dma_wait3A_32 = tpu.memref_slice %arg9[%add3A_10, %dma_wait3A_31] : memref<10240x128xf32, #tpu.memory_space<vmem_shared>> -> memref<128x128xf32, #tpu.memory_space<vmem_shared>>
      tpu.wait_dma2 semaphore(%run_scoped3A : memref<!tpu.dma_semaphore, #tpu.memory_space<semaphore_mem>>) src(%arg8 : memref<128x128xf32, #tpu.memory_space<vmem>>) dst(%dma_wait3A_32 : memref<128x128xf32, #tpu.memory_space<vmem_shared>>)
      tpu.yield
    }) : () -> ()
    %add3A_11 = arith.constant 128 : i32
    %add3A_12 = arith.addi %mul3A_8, %add3A_11 : i32
    "tpu.region"() ({
      %run_scoped3A = tpu.sem_alloc : memref<!tpu.dma_semaphore, #tpu.memory_space<semaphore_mem>>
      %dma_start3A = arith.constant 0 : i32
      %dma_start3A_27 = tpu.memref_slice %arg9[%add3A_12, %dma_start3A] : memref<10240x128xf32, #tpu.memory_space<vmem_shared>> -> memref<128x128xf32, #tpu.memory_space<vmem_shared>>
      %dma_start3A_28 = arith.constant 0 : i32
      %dma_start3A_29 = tpu.memref_slice %arg9[%add3A_12, %dma_start3A_28] : memref<10240x128xf32, #tpu.memory_space<vmem_shared>> -> memref<128x128xf32, #tpu.memory_space<vmem_shared>>
      tpu.enqueue_dma source(%arg8 : memref<128x128xf32, #tpu.memory_space<vmem>>) target(%dma_start3A_29 : memref<128x128xf32, #tpu.memory_space<vmem_shared>>) target_semaphore(%run_scoped3A : memref<!tpu.dma_semaphore, #tpu.memory_space<semaphore_mem>>)
      %dma_wait3A = arith.constant 0 : i32
      %dma_wait3A_30 = tpu.memref_slice %arg9[%add3A_12, %dma_wait3A] : memref<10240x128xf32, #tpu.memory_space<vmem_shared>> -> memref<128x128xf32, #tpu.memory_space<vmem_shared>>
      %dma_wait3A_31 = arith.constant 0 : i32
      %dma_wait3A_32 = tpu.memref_slice %arg9[%add3A_12, %dma_wait3A_31] : memref<10240x128xf32, #tpu.memory_space<vmem_shared>> -> memref<128x128xf32, #tpu.memory_space<vmem_shared>>
      tpu.wait_dma2 semaphore(%run_scoped3A : memref<!tpu.dma_semaphore, #tpu.memory_space<semaphore_mem>>) src(%arg8 : memref<128x128xf32, #tpu.memory_space<vmem>>) dst(%dma_wait3A_32 : memref<128x128xf32, #tpu.memory_space<vmem_shared>>)
      tpu.yield
    }) : () -> ()
    %add3A_13 = arith.constant 256 : i32
    %add3A_14 = arith.addi %mul3A_8, %add3A_13 : i32
    "tpu.region"() ({
      %run_scoped3A = tpu.sem_alloc : memref<!tpu.dma_semaphore, #tpu.memory_space<semaphore_mem>>
      %dma_start3A = arith.constant 0 : i32
      %dma_start3A_27 = tpu.memref_slice %arg9[%add3A_14, %dma_start3A] : memref<10240x128xf32, #tpu.memory_space<vmem_shared>> -> memref<128x128xf32, #tpu.memory_space<vmem_shared>>
      %dma_start3A_28 = arith.constant 0 : i32
      %dma_start3A_29 = tpu.memref_slice %arg9[%add3A_14, %dma_start3A_28] : memref<10240x128xf32, #tpu.memory_space<vmem_shared>> -> memref<128x128xf32, #tpu.memory_space<vmem_shared>>
      tpu.enqueue_dma source(%arg8 : memref<128x128xf32, #tpu.memory_space<vmem>>) target(%dma_start3A_29 : memref<128x128xf32, #tpu.memory_space<vmem_shared>>) target_semaphore(%run_scoped3A : memref<!tpu.dma_semaphore, #tpu.memory_space<semaphore_mem>>)
      %dma_wait3A = arith.constant 0 : i32
      %dma_wait3A_30 = tpu.memref_slice %arg9[%add3A_14, %dma_wait3A] : memref<10240x128xf32, #tpu.memory_space<vmem_shared>> -> memref<128x128xf32, #tpu.memory_space<vmem_shared>>
      %dma_wait3A_31 = arith.constant 0 : i32
      %dma_wait3A_32 = tpu.memref_slice %arg9[%add3A_14, %dma_wait3A_31] : memref<10240x128xf32, #tpu.memory_space<vmem_shared>> -> memref<128x128xf32, #tpu.memory_space<vmem_shared>>
      tpu.wait_dma2 semaphore(%run_scoped3A : memref<!tpu.dma_semaphore, #tpu.memory_space<semaphore_mem>>) src(%arg8 : memref<128x128xf32, #tpu.memory_space<vmem>>) dst(%dma_wait3A_32 : memref<128x128xf32, #tpu.memory_space<vmem_shared>>)
      tpu.yield
    }) : () -> ()
    %add3A_15 = arith.constant 384 : i32
    %add3A_16 = arith.addi %mul3A_8, %add3A_15 : i32
    "tpu.region"() ({
      %run_scoped3A = tpu.sem_alloc : memref<!tpu.dma_semaphore, #tpu.memory_space<semaphore_mem>>
      %dma_start3A = arith.constant 0 : i32
      %dma_start3A_27 = tpu.memref_slice %arg9[%add3A_16, %dma_start3A] : memref<10240x128xf32, #tpu.memory_space<vmem_shared>> -> memref<128x128xf32, #tpu.memory_space<vmem_shared>>
      %dma_start3A_28 = arith.constant 0 : i32
      %dma_start3A_29 = tpu.memref_slice %arg9[%add3A_16, %dma_start3A_28] : memref<10240x128xf32, #tpu.memory_space<vmem_shared>> -> memref<128x128xf32, #tpu.memory_space<vmem_shared>>
      tpu.enqueue_dma source(%arg8 : memref<128x128xf32, #tpu.memory_space<vmem>>) target(%dma_start3A_29 : memref<128x128xf32, #tpu.memory_space<vmem_shared>>) target_semaphore(%run_scoped3A : memref<!tpu.dma_semaphore, #tpu.memory_space<semaphore_mem>>)
      %dma_wait3A = arith.constant 0 : i32
      %dma_wait3A_30 = tpu.memref_slice %arg9[%add3A_16, %dma_wait3A] : memref<10240x128xf32, #tpu.memory_space<vmem_shared>> -> memref<128x128xf32, #tpu.memory_space<vmem_shared>>
      %dma_wait3A_31 = arith.constant 0 : i32
      %dma_wait3A_32 = tpu.memref_slice %arg9[%add3A_16, %dma_wait3A_31] : memref<10240x128xf32, #tpu.memory_space<vmem_shared>> -> memref<128x128xf32, #tpu.memory_space<vmem_shared>>
      tpu.wait_dma2 semaphore(%run_scoped3A : memref<!tpu.dma_semaphore, #tpu.memory_space<semaphore_mem>>) src(%arg8 : memref<128x128xf32, #tpu.memory_space<vmem>>) dst(%dma_wait3A_32 : memref<128x128xf32, #tpu.memory_space<vmem_shared>>)
      tpu.yield
    }) : () -> ()
    %add3A_17 = arith.constant 512 : i32
    %add3A_18 = arith.addi %mul3A_8, %add3A_17 : i32
    "tpu.region"() ({
      %run_scoped3A = tpu.sem_alloc : memref<!tpu.dma_semaphore, #tpu.memory_space<semaphore_mem>>
      %dma_start3A = arith.constant 0 : i32
      %dma_start3A_27 = tpu.memref_slice %arg9[%add3A_18, %dma_start3A] : memref<10240x128xf32, #tpu.memory_space<vmem_shared>> -> memref<128x128xf32, #tpu.memory_space<vmem_shared>>
      %dma_start3A_28 = arith.constant 0 : i32
      %dma_start3A_29 = tpu.memref_slice %arg9[%add3A_18, %dma_start3A_28] : memref<10240x128xf32, #tpu.memory_space<vmem_shared>> -> memref<128x128xf32, #tpu.memory_space<vmem_shared>>
      tpu.enqueue_dma source(%arg8 : memref<128x128xf32, #tpu.memory_space<vmem>>) target(%dma_start3A_29 : memref<128x128xf32, #tpu.memory_space<vmem_shared>>) target_semaphore(%run_scoped3A : memref<!tpu.dma_semaphore, #tpu.memory_space<semaphore_mem>>)
      %dma_wait3A = arith.constant 0 : i32
      %dma_wait3A_30 = tpu.memref_slice %arg9[%add3A_18, %dma_wait3A] : memref<10240x128xf32, #tpu.memory_space<vmem_shared>> -> memref<128x128xf32, #tpu.memory_space<vmem_shared>>
      %dma_wait3A_31 = arith.constant 0 : i32
      %dma_wait3A_32 = tpu.memref_slice %arg9[%add3A_18, %dma_wait3A_31] : memref<10240x128xf32, #tpu.memory_space<vmem_shared>> -> memref<128x128xf32, #tpu.memory_space<vmem_shared>>
      tpu.wait_dma2 semaphore(%run_scoped3A : memref<!tpu.dma_semaphore, #tpu.memory_space<semaphore_mem>>) src(%arg8 : memref<128x128xf32, #tpu.memory_space<vmem>>) dst(%dma_wait3A_32 : memref<128x128xf32, #tpu.memory_space<vmem_shared>>)
      tpu.yield
    }) : () -> ()
    %barrier3A = arith.constant 0 : index
    tpu.barrier barrier_id(%barrier3A)
    %scan3A_19 = arith.constant 0 : i32
    %scan3A_20 = arith.constant 0 : i32
    %scan3A_21 = arith.constant 79 : i32
    %scan3A_22 = arith.addi %scan3A_20, %scan3A_21 : i32
    %scan3A_23 = arith.constant 1 : i32
    %scan3A_24 = scf.for %scan3A_27 = %scan3A_20 to %scan3A_22 step %scan3A_23 iter_args(%scan3A_28 = %scan3A_19) -> (i32)  : i32 {
      %dma_start3A = arith.constant 0 : i32
      %dma_start3A_29 = tpu.memref_slice %arg6[%scan3A_27, %dma_start3A] : memref<79x128xi32, #tpu.memory_space<vmem>> -> memref<1x128xi32, #tpu.memory_space<vmem>>
      %dma_start3A_30 = tpu.memref_squeeze %dma_start3A_29 : memref<1x128xi32, #tpu.memory_space<vmem>> -> memref<128xi32, #tpu.memory_space<vmem>>
      %dma_start3A_31 = arith.constant 0 : i32
      %dma_start3A_32 = arith.constant 0 : i32
      %dma_start3A_33 = tpu.memref_slice %arg4[%dma_start3A_31, %dma_start3A_32] : memref<10240x128xf32, #tpu.memory_space<hbm>> -> memref<10240x128xf32, #tpu.memory_space<hbm>>
      tpu.enqueue_indirect_dma source(%dma_start3A_33 : memref<10240x128xf32, #tpu.memory_space<hbm>>) target(%arg8 : memref<128x128xf32, #tpu.memory_space<vmem>>) offsets(%dma_start3A_30 : memref<128xi32, #tpu.memory_space<vmem>>) semaphore(%arg10 : memref<!tpu.dma_semaphore, #tpu.memory_space<semaphore_mem>>)
      %dma_wait3A = arith.constant 0 : i32
      %dma_wait3A_34 = tpu.memref_slice %arg6[%scan3A_27, %dma_wait3A] : memref<79x128xi32, #tpu.memory_space<vmem>> -> memref<1x128xi32, #tpu.memory_space<vmem>>
      %dma_wait3A_35 = tpu.memref_squeeze %dma_wait3A_34 : memref<1x128xi32, #tpu.memory_space<vmem>> -> memref<128xi32, #tpu.memory_space<vmem>>
      %dma_wait3A_36 = arith.constant 0 : i32
      %dma_wait3A_37 = arith.constant 0 : i32
      %dma_wait3A_38 = tpu.memref_slice %arg4[%dma_wait3A_36, %dma_wait3A_37] : memref<10240x128xf32, #tpu.memory_space<hbm>> -> memref<10240x128xf32, #tpu.memory_space<hbm>>
      tpu.wait_indirect_dma semaphore(%arg10 : memref<!tpu.dma_semaphore, #tpu.memory_space<semaphore_mem>>) src(%dma_wait3A_38 : memref<10240x128xf32, #tpu.memory_space<hbm>>) dst(%arg8 : memref<128x128xf32, #tpu.memory_space<vmem>>)
      "tpu.region"() ({
        %run_scoped3A = tpu.sem_alloc : memref<!tpu.dma_semaphore, #tpu.memory_space<semaphore_mem>>
        %dma_start3A_40 = arith.constant 0 : i32
        %dma_start3A_41 = tpu.memref_slice %arg7[%scan3A_27, %dma_start3A_40] : memref<79x128xi32, #tpu.memory_space<vmem>> -> memref<1x128xi32, #tpu.memory_space<vmem>>
        %dma_start3A_42 = tpu.memref_squeeze %dma_start3A_41 : memref<1x128xi32, #tpu.memory_space<vmem>> -> memref<128xi32, #tpu.memory_space<vmem>>
        %dma_start3A_43 = arith.constant 0 : i32
        %dma_start3A_44 = arith.constant 0 : i32
        %dma_start3A_45 = tpu.memref_slice %arg9[%dma_start3A_43, %dma_start3A_44] : memref<10240x128xf32, #tpu.memory_space<vmem_shared>> -> memref<10240x128xf32, #tpu.memory_space<vmem_shared>>
        tpu.enqueue_indirect_dma source(%arg8 : memref<128x128xf32, #tpu.memory_space<vmem>>) target(%dma_start3A_45 : memref<10240x128xf32, #tpu.memory_space<vmem_shared>>) offsets(%dma_start3A_42 : memref<128xi32, #tpu.memory_space<vmem>>) semaphore(%run_scoped3A : memref<!tpu.dma_semaphore, #tpu.memory_space<semaphore_mem>>) {add = true}
        %dma_wait3A_46 = arith.constant 0 : i32
        %dma_wait3A_47 = tpu.memref_slice %arg7[%scan3A_27, %dma_wait3A_46] : memref<79x128xi32, #tpu.memory_space<vmem>> -> memref<1x128xi32, #tpu.memory_space<vmem>>
        %dma_wait3A_48 = tpu.memref_squeeze %dma_wait3A_47 : memref<1x128xi32, #tpu.memory_space<vmem>> -> memref<128xi32, #tpu.memory_space<vmem>>
        %dma_wait3A_49 = arith.constant 0 : i32
        %dma_wait3A_50 = arith.constant 0 : i32
        %dma_wait3A_51 = tpu.memref_slice %arg9[%dma_wait3A_49, %dma_wait3A_50] : memref<10240x128xf32, #tpu.memory_space<vmem_shared>> -> memref<10240x128xf32, #tpu.memory_space<vmem_shared>>
        tpu.wait_indirect_dma semaphore(%run_scoped3A : memref<!tpu.dma_semaphore, #tpu.memory_space<semaphore_mem>>) src(%arg8 : memref<128x128xf32, #tpu.memory_space<vmem>>) dst(%dma_wait3A_51 : memref<10240x128xf32, #tpu.memory_space<vmem_shared>>)
        tpu.yield
      }) : () -> ()
      %scan3A_39 = arith.constant 0 : i32
      scf.yield %scan3A_39 : i32
    }
    %scan3A_25 = arith.constant 79 : i32
    %barrier3A_26 = arith.constant 0 : index
    tpu.barrier barrier_id(%barrier3A_26)
    "tpu.region"() ({
      %run_scoped3A = tpu.sem_alloc : memref<!tpu.dma_semaphore, #tpu.memory_space<semaphore_mem>>
      %dma_start3A = arith.constant 0 : i32
      %dma_start3A_27 = tpu.memref_slice %arg5[%arg0, %mul3A_8, %dma_start3A] : memref<2x10240x128xf32, #tpu.memory_space<hbm>> -> memref<1x640x128xf32, #tpu.memory_space<hbm>>
      %dma_start3A_28 = tpu.memref_squeeze %dma_start3A_27 : memref<1x640x128xf32, #tpu.memory_space<hbm>> -> memref<640x128xf32, #tpu.memory_space<hbm>>
      %dma_start3A_29 = arith.constant 0 : i32
      %dma_start3A_30 = tpu.memref_slice %arg9[%mul3A_8, %dma_start3A_29] : memref<10240x128xf32, #tpu.memory_space<vmem_shared>> -> memref<640x128xf32, #tpu.memory_space<vmem_shared>>
      tpu.enqueue_dma source(%dma_start3A_30 : memref<640x128xf32, #tpu.memory_space<vmem_shared>>) target(%dma_start3A_28 : memref<640x128xf32, #tpu.memory_space<hbm>>) target_semaphore(%run_scoped3A : memref<!tpu.dma_semaphore, #tpu.memory_space<semaphore_mem>>)
      %dma_wait3A = arith.constant 0 : i32
      %dma_wait3A_31 = tpu.memref_slice %arg5[%arg0, %mul3A_8, %dma_wait3A] : memref<2x10240x128xf32, #tpu.memory_space<hbm>> -> memref<1x640x128xf32, #tpu.memory_space<hbm>>
      %dma_wait3A_32 = tpu.memref_squeeze %dma_wait3A_31 : memref<1x640x128xf32, #tpu.memory_space<hbm>> -> memref<640x128xf32, #tpu.memory_space<hbm>>
      %dma_wait3A_33 = arith.constant 0 : i32
      %dma_wait3A_34 = tpu.memref_slice %arg9[%mul3A_8, %dma_wait3A_33] : memref<10240x128xf32, #tpu.memory_space<vmem_shared>> -> memref<640x128xf32, #tpu.memory_space<vmem_shared>>
      tpu.wait_dma2 semaphore(%run_scoped3A : memref<!tpu.dma_semaphore, #tpu.memory_space<semaphore_mem>>) src(%dma_wait3A_34 : memref<640x128xf32, #tpu.memory_space<vmem_shared>>) dst(%dma_wait3A_32 : memref<640x128xf32, #tpu.memory_space<hbm>>)
      tpu.yield
    }) : () -> ()
    return
  }
}

#map = affine_map<(d0, d1) -> (0, 0, 0)>
#map1 = affine_map<(d0, d1) -> (0, 0)>
module attributes {stable_mosaic.version = 14 : i64} {
  func.func @_agg_body(%arg0: i32, %arg1: i32, %arg2: memref<32x79x128xi32, #tpu.memory_space<hbm>>, %arg3: memref<32x79x128xi32, #tpu.memory_space<hbm>>, %arg4: memref<10240x128xf32, #tpu.memory_space<hbm>>, %arg5: memref<2x10240x128xf32, #tpu.memory_space<hbm>>, %arg6: memref<79x128xi32, #tpu.memory_space<vmem>>, %arg7: memref<79x128xi32, #tpu.memory_space<vmem>>, %arg8: memref<128x128xf32, #tpu.memory_space<vmem>>, %arg9: memref<10240x128xf32, #tpu.memory_space<vmem_shared>>, %arg10: memref<!tpu.dma_semaphore, #tpu.memory_space<semaphore_mem>>) attributes {dimension_semantics = [#tpu.dimension_semantics<core_parallel>, #tpu.dimension_semantics<subcore_parallel>], iteration_bounds = array<i64: 2, 16>, scalar_prefetch = 0 : i64, scratch_operands = 5 : i64, tpu.core_type = #tpu.core_type<sc_vector_subcore>, window_params = [{transform_indices = #map}, {transform_indices = #map}, {transform_indices = #map1}, {transform_indices = #map}]} {
    %mul3A = arith.constant 16 : i32
    %mul3A_0 = arith.muli %arg0, %mul3A : i32
    %add3A = arith.addi %mul3A_0, %arg1 : i32
    "tpu.region"() ({
      %run_scoped3A = tpu.sem_alloc : memref<!tpu.dma_semaphore, #tpu.memory_space<semaphore_mem>>
      %dma_start3A = arith.constant 0 : i32
      %dma_start3A_27 = arith.constant 0 : i32
      %dma_start3A_28 = tpu.memref_slice %arg2[%add3A, %dma_start3A, %dma_start3A_27] : memref<32x79x128xi32, #tpu.memory_space<hbm>> -> memref<1x79x128xi32, #tpu.memory_space<hbm>>
      %dma_start3A_29 = tpu.memref_squeeze %dma_start3A_28 : memref<1x79x128xi32, #tpu.memory_space<hbm>> -> memref<79x128xi32, #tpu.memory_space<hbm>>
      %dma_start3A_30 = arith.constant 0 : i32
      %dma_start3A_31 = arith.constant 0 : i32
      %dma_start3A_32 = tpu.memref_slice %arg2[%add3A, %dma_start3A_30, %dma_start3A_31] : memref<32x79x128xi32, #tpu.memory_space<hbm>> -> memref<1x79x128xi32, #tpu.memory_space<hbm>>
      %dma_start3A_33 = tpu.memref_squeeze %dma_start3A_32 : memref<1x79x128xi32, #tpu.memory_space<hbm>> -> memref<79x128xi32, #tpu.memory_space<hbm>>
      tpu.enqueue_dma source(%dma_start3A_33 : memref<79x128xi32, #tpu.memory_space<hbm>>) target(%arg6 : memref<79x128xi32, #tpu.memory_space<vmem>>) target_semaphore(%run_scoped3A : memref<!tpu.dma_semaphore, #tpu.memory_space<semaphore_mem>>)
      %dma_wait3A = arith.constant 0 : i32
      %dma_wait3A_34 = arith.constant 0 : i32
      %dma_wait3A_35 = tpu.memref_slice %arg2[%add3A, %dma_wait3A, %dma_wait3A_34] : memref<32x79x128xi32, #tpu.memory_space<hbm>> -> memref<1x79x128xi32, #tpu.memory_space<hbm>>
      %dma_wait3A_36 = tpu.memref_squeeze %dma_wait3A_35 : memref<1x79x128xi32, #tpu.memory_space<hbm>> -> memref<79x128xi32, #tpu.memory_space<hbm>>
      %dma_wait3A_37 = arith.constant 0 : i32
      %dma_wait3A_38 = arith.constant 0 : i32
      %dma_wait3A_39 = tpu.memref_slice %arg2[%add3A, %dma_wait3A_37, %dma_wait3A_38] : memref<32x79x128xi32, #tpu.memory_space<hbm>> -> memref<1x79x128xi32, #tpu.memory_space<hbm>>
      %dma_wait3A_40 = tpu.memref_squeeze %dma_wait3A_39 : memref<1x79x128xi32, #tpu.memory_space<hbm>> -> memref<79x128xi32, #tpu.memory_space<hbm>>
      tpu.wait_dma2 semaphore(%run_scoped3A : memref<!tpu.dma_semaphore, #tpu.memory_space<semaphore_mem>>) src(%dma_wait3A_40 : memref<79x128xi32, #tpu.memory_space<hbm>>) dst(%arg6 : memref<79x128xi32, #tpu.memory_space<vmem>>)
      tpu.yield
    }) : () -> ()
    "tpu.region"() ({
      %run_scoped3A = tpu.sem_alloc : memref<!tpu.dma_semaphore, #tpu.memory_space<semaphore_mem>>
      %dma_start3A = arith.constant 0 : i32
      %dma_start3A_27 = arith.constant 0 : i32
      %dma_start3A_28 = tpu.memref_slice %arg3[%add3A, %dma_start3A, %dma_start3A_27] : memref<32x79x128xi32, #tpu.memory_space<hbm>> -> memref<1x79x128xi32, #tpu.memory_space<hbm>>
      %dma_start3A_29 = tpu.memref_squeeze %dma_start3A_28 : memref<1x79x128xi32, #tpu.memory_space<hbm>> -> memref<79x128xi32, #tpu.memory_space<hbm>>
      %dma_start3A_30 = arith.constant 0 : i32
      %dma_start3A_31 = arith.constant 0 : i32
      %dma_start3A_32 = tpu.memref_slice %arg3[%add3A, %dma_start3A_30, %dma_start3A_31] : memref<32x79x128xi32, #tpu.memory_space<hbm>> -> memref<1x79x128xi32, #tpu.memory_space<hbm>>
      %dma_start3A_33 = tpu.memref_squeeze %dma_start3A_32 : memref<1x79x128xi32, #tpu.memory_space<hbm>> -> memref<79x128xi32, #tpu.memory_space<hbm>>
      tpu.enqueue_dma source(%dma_start3A_33 : memref<79x128xi32, #tpu.memory_space<hbm>>) target(%arg7 : memref<79x128xi32, #tpu.memory_space<vmem>>) target_semaphore(%run_scoped3A : memref<!tpu.dma_semaphore, #tpu.memory_space<semaphore_mem>>)
      %dma_wait3A = arith.constant 0 : i32
      %dma_wait3A_34 = arith.constant 0 : i32
      %dma_wait3A_35 = tpu.memref_slice %arg3[%add3A, %dma_wait3A, %dma_wait3A_34] : memref<32x79x128xi32, #tpu.memory_space<hbm>> -> memref<1x79x128xi32, #tpu.memory_space<hbm>>
      %dma_wait3A_36 = tpu.memref_squeeze %dma_wait3A_35 : memref<1x79x128xi32, #tpu.memory_space<hbm>> -> memref<79x128xi32, #tpu.memory_space<hbm>>
      %dma_wait3A_37 = arith.constant 0 : i32
      %dma_wait3A_38 = arith.constant 0 : i32
      %dma_wait3A_39 = tpu.memref_slice %arg3[%add3A, %dma_wait3A_37, %dma_wait3A_38] : memref<32x79x128xi32, #tpu.memory_space<hbm>> -> memref<1x79x128xi32, #tpu.memory_space<hbm>>
      %dma_wait3A_40 = tpu.memref_squeeze %dma_wait3A_39 : memref<1x79x128xi32, #tpu.memory_space<hbm>> -> memref<79x128xi32, #tpu.memory_space<hbm>>
      tpu.wait_dma2 semaphore(%run_scoped3A : memref<!tpu.dma_semaphore, #tpu.memory_space<semaphore_mem>>) src(%dma_wait3A_40 : memref<79x128xi32, #tpu.memory_space<hbm>>) dst(%arg7 : memref<79x128xi32, #tpu.memory_space<vmem>>)
      tpu.yield
    }) : () -> ()
    %scan3A = arith.constant 0 : i32
    %scan3A_1 = arith.constant 0 : i32
    %scan3A_2 = arith.constant 128 : i32
    %scan3A_3 = arith.addi %scan3A_1, %scan3A_2 : i32
    %scan3A_4 = arith.constant 1 : i32
    %scan3A_5 = scf.for %scan3A_27 = %scan3A_1 to %scan3A_3 step %scan3A_4 iter_args(%scan3A_28 = %scan3A) -> (i32)  : i32 {
      %broadcast_in_dim3A = arith.constant 0.000000e+00 : f32
      %broadcast_in_dim3A_29 = vector.broadcast %broadcast_in_dim3A : f32 to vector<16xf32>
      %swap3A = arith.index_cast %scan3A_27 : i32 to index
      %swap3A_30 = arith.constant 0 : index
      %swap3A_31 = tpu.vector_load %arg8[%swap3A, %swap3A_30] {strides = array<i32>} : memref<128x128xf32, #tpu.memory_space<vmem>>, vector<1x16xf32>,
      %swap3A_32 = vector.shape_cast %swap3A_31 : vector<1x16xf32> to vector<16xf32>
      %swap3A_33 = vector.shape_cast %broadcast_in_dim3A_29 : vector<16xf32> to vector<1x16xf32>
      tpu.vector_store %arg8[%swap3A, %swap3A_30], %swap3A_33 {strides = array<i32>} : memref<128x128xf32, #tpu.memory_space<vmem>>, vector<1x16xf32>,
      %broadcast_in_dim3A_34 = arith.constant 0.000000e+00 : f32
      %broadcast_in_dim3A_35 = vector.broadcast %broadcast_in_dim3A_34 : f32 to vector<16xf32>
      %swap3A_36 = arith.index_cast %scan3A_27 : i32 to index
      %swap3A_37 = arith.constant 16 : index
      %swap3A_38 = tpu.vector_load %arg8[%swap3A_36, %swap3A_37] {strides = array<i32>} : memref<128x128xf32, #tpu.memory_space<vmem>>, vector<1x16xf32>,
      %swap3A_39 = vector.shape_cast %swap3A_38 : vector<1x16xf32> to vector<16xf32>
      %swap3A_40 = vector.shape_cast %broadcast_in_dim3A_35 : vector<16xf32> to vector<1x16xf32>
      tpu.vector_store %arg8[%swap3A_36, %swap3A_37], %swap3A_40 {strides = array<i32>} : memref<128x128xf32, #tpu.memory_space<vmem>>, vector<1x16xf32>,
      %broadcast_in_dim3A_41 = arith.constant 0.000000e+00 : f32
      %broadcast_in_dim3A_42 = vector.broadcast %broadcast_in_dim3A_41 : f32 to vector<16xf32>
      %swap3A_43 = arith.index_cast %scan3A_27 : i32 to index
      %swap3A_44 = arith.constant 32 : index
      %swap3A_45 = tpu.vector_load %arg8[%swap3A_43, %swap3A_44] {strides = array<i32>} : memref<128x128xf32, #tpu.memory_space<vmem>>, vector<1x16xf32>,
      %swap3A_46 = vector.shape_cast %swap3A_45 : vector<1x16xf32> to vector<16xf32>
      %swap3A_47 = vector.shape_cast %broadcast_in_dim3A_42 : vector<16xf32> to vector<1x16xf32>
      tpu.vector_store %arg8[%swap3A_43, %swap3A_44], %swap3A_47 {strides = array<i32>} : memref<128x128xf32, #tpu.memory_space<vmem>>, vector<1x16xf32>,
      %broadcast_in_dim3A_48 = arith.constant 0.000000e+00 : f32
      %broadcast_in_dim3A_49 = vector.broadcast %broadcast_in_dim3A_48 : f32 to vector<16xf32>
      %swap3A_50 = arith.index_cast %scan3A_27 : i32 to index
      %swap3A_51 = arith.constant 48 : index
      %swap3A_52 = tpu.vector_load %arg8[%swap3A_50, %swap3A_51] {strides = array<i32>} : memref<128x128xf32, #tpu.memory_space<vmem>>, vector<1x16xf32>,
      %swap3A_53 = vector.shape_cast %swap3A_52 : vector<1x16xf32> to vector<16xf32>
      %swap3A_54 = vector.shape_cast %broadcast_in_dim3A_49 : vector<16xf32> to vector<1x16xf32>
      tpu.vector_store %arg8[%swap3A_50, %swap3A_51], %swap3A_54 {strides = array<i32>} : memref<128x128xf32, #tpu.memory_space<vmem>>, vector<1x16xf32>,
      %broadcast_in_dim3A_55 = arith.constant 0.000000e+00 : f32
      %broadcast_in_dim3A_56 = vector.broadcast %broadcast_in_dim3A_55 : f32 to vector<16xf32>
      %swap3A_57 = arith.index_cast %scan3A_27 : i32 to index
      %swap3A_58 = arith.constant 64 : index
      %swap3A_59 = tpu.vector_load %arg8[%swap3A_57, %swap3A_58] {strides = array<i32>} : memref<128x128xf32, #tpu.memory_space<vmem>>, vector<1x16xf32>,
      %swap3A_60 = vector.shape_cast %swap3A_59 : vector<1x16xf32> to vector<16xf32>
      %swap3A_61 = vector.shape_cast %broadcast_in_dim3A_56 : vector<16xf32> to vector<1x16xf32>
      tpu.vector_store %arg8[%swap3A_57, %swap3A_58], %swap3A_61 {strides = array<i32>} : memref<128x128xf32, #tpu.memory_space<vmem>>, vector<1x16xf32>,
      %broadcast_in_dim3A_62 = arith.constant 0.000000e+00 : f32
      %broadcast_in_dim3A_63 = vector.broadcast %broadcast_in_dim3A_62 : f32 to vector<16xf32>
      %swap3A_64 = arith.index_cast %scan3A_27 : i32 to index
      %swap3A_65 = arith.constant 80 : index
      %swap3A_66 = tpu.vector_load %arg8[%swap3A_64, %swap3A_65] {strides = array<i32>} : memref<128x128xf32, #tpu.memory_space<vmem>>, vector<1x16xf32>,
      %swap3A_67 = vector.shape_cast %swap3A_66 : vector<1x16xf32> to vector<16xf32>
      %swap3A_68 = vector.shape_cast %broadcast_in_dim3A_63 : vector<16xf32> to vector<1x16xf32>
      tpu.vector_store %arg8[%swap3A_64, %swap3A_65], %swap3A_68 {strides = array<i32>} : memref<128x128xf32, #tpu.memory_space<vmem>>, vector<1x16xf32>,
      %broadcast_in_dim3A_69 = arith.constant 0.000000e+00 : f32
      %broadcast_in_dim3A_70 = vector.broadcast %broadcast_in_dim3A_69 : f32 to vector<16xf32>
      %swap3A_71 = arith.index_cast %scan3A_27 : i32 to index
      %swap3A_72 = arith.constant 96 : index
      %swap3A_73 = tpu.vector_load %arg8[%swap3A_71, %swap3A_72] {strides = array<i32>} : memref<128x128xf32, #tpu.memory_space<vmem>>, vector<1x16xf32>,
      %swap3A_74 = vector.shape_cast %swap3A_73 : vector<1x16xf32> to vector<16xf32>
      %swap3A_75 = vector.shape_cast %broadcast_in_dim3A_70 : vector<16xf32> to vector<1x16xf32>
      tpu.vector_store %arg8[%swap3A_71, %swap3A_72], %swap3A_75 {strides = array<i32>} : memref<128x128xf32, #tpu.memory_space<vmem>>, vector<1x16xf32>,
      %broadcast_in_dim3A_76 = arith.constant 0.000000e+00 : f32
      %broadcast_in_dim3A_77 = vector.broadcast %broadcast_in_dim3A_76 : f32 to vector<16xf32>
      %swap3A_78 = arith.index_cast %scan3A_27 : i32 to index
      %swap3A_79 = arith.constant 112 : index
      %swap3A_80 = tpu.vector_load %arg8[%swap3A_78, %swap3A_79] {strides = array<i32>} : memref<128x128xf32, #tpu.memory_space<vmem>>, vector<1x16xf32>,
      %swap3A_81 = vector.shape_cast %swap3A_80 : vector<1x16xf32> to vector<16xf32>
      %swap3A_82 = vector.shape_cast %broadcast_in_dim3A_77 : vector<16xf32> to vector<1x16xf32>
      tpu.vector_store %arg8[%swap3A_78, %swap3A_79], %swap3A_82 {strides = array<i32>} : memref<128x128xf32, #tpu.memory_space<vmem>>, vector<1x16xf32>,
      %scan3A_83 = arith.constant 0 : i32
      scf.yield %scan3A_83 : i32
    }
    %scan3A_6 = arith.constant 128 : i32
    %mul3A_7 = arith.constant 640 : i32
    %mul3A_8 = arith.muli %arg1, %mul3A_7 : i32
    %add3A_9 = arith.constant 0 : i32
    %add3A_10 = arith.addi %mul3A_8, %add3A_9 : i32
    "tpu.region"() ({
      %run_scoped3A = tpu.sem_alloc : memref<!tpu.dma_semaphore, #tpu.memory_space<semaphore_mem>>
      %dma_start3A = arith.constant 0 : i32
      %dma_start3A_27 = tpu.memref_slice %arg9[%add3A_10, %dma_start3A] : memref<10240x128xf32, #tpu.memory_space<vmem_shared>> -> memref<128x128xf32, #tpu.memory_space<vmem_shared>>
      %dma_start3A_28 = arith.constant 0 : i32
      %dma_start3A_29 = tpu.memref_slice %arg9[%add3A_10, %dma_start3A_28] : memref<10240x128xf32, #tpu.memory_space<vmem_shared>> -> memref<128x128xf32, #tpu.memory_space<vmem_shared>>
      tpu.enqueue_dma source(%arg8 : memref<128x128xf32, #tpu.memory_space<vmem>>) target(%dma_start3A_29 : memref<128x128xf32, #tpu.memory_space<vmem_shared>>) target_semaphore(%run_scoped3A : memref<!tpu.dma_semaphore, #tpu.memory_space<semaphore_mem>>)
      %dma_wait3A = arith.constant 0 : i32
      %dma_wait3A_30 = tpu.memref_slice %arg9[%add3A_10, %dma_wait3A] : memref<10240x128xf32, #tpu.memory_space<vmem_shared>> -> memref<128x128xf32, #tpu.memory_space<vmem_shared>>
      %dma_wait3A_31 = arith.constant 0 : i32
      %dma_wait3A_32 = tpu.memref_slice %arg9[%add3A_10, %dma_wait3A_31] : memref<10240x128xf32, #tpu.memory_space<vmem_shared>> -> memref<128x128xf32, #tpu.memory_space<vmem_shared>>
      tpu.wait_dma2 semaphore(%run_scoped3A : memref<!tpu.dma_semaphore, #tpu.memory_space<semaphore_mem>>) src(%arg8 : memref<128x128xf32, #tpu.memory_space<vmem>>) dst(%dma_wait3A_32 : memref<128x128xf32, #tpu.memory_space<vmem_shared>>)
      tpu.yield
    }) : () -> ()
    %add3A_11 = arith.constant 128 : i32
    %add3A_12 = arith.addi %mul3A_8, %add3A_11 : i32
    "tpu.region"() ({
      %run_scoped3A = tpu.sem_alloc : memref<!tpu.dma_semaphore, #tpu.memory_space<semaphore_mem>>
      %dma_start3A = arith.constant 0 : i32
      %dma_start3A_27 = tpu.memref_slice %arg9[%add3A_12, %dma_start3A] : memref<10240x128xf32, #tpu.memory_space<vmem_shared>> -> memref<128x128xf32, #tpu.memory_space<vmem_shared>>
      %dma_start3A_28 = arith.constant 0 : i32
      %dma_start3A_29 = tpu.memref_slice %arg9[%add3A_12, %dma_start3A_28] : memref<10240x128xf32, #tpu.memory_space<vmem_shared>> -> memref<128x128xf32, #tpu.memory_space<vmem_shared>>
      tpu.enqueue_dma source(%arg8 : memref<128x128xf32, #tpu.memory_space<vmem>>) target(%dma_start3A_29 : memref<128x128xf32, #tpu.memory_space<vmem_shared>>) target_semaphore(%run_scoped3A : memref<!tpu.dma_semaphore, #tpu.memory_space<semaphore_mem>>)
      %dma_wait3A = arith.constant 0 : i32
      %dma_wait3A_30 = tpu.memref_slice %arg9[%add3A_12, %dma_wait3A] : memref<10240x128xf32, #tpu.memory_space<vmem_shared>> -> memref<128x128xf32, #tpu.memory_space<vmem_shared>>
      %dma_wait3A_31 = arith.constant 0 : i32
      %dma_wait3A_32 = tpu.memref_slice %arg9[%add3A_12, %dma_wait3A_31] : memref<10240x128xf32, #tpu.memory_space<vmem_shared>> -> memref<128x128xf32, #tpu.memory_space<vmem_shared>>
      tpu.wait_dma2 semaphore(%run_scoped3A : memref<!tpu.dma_semaphore, #tpu.memory_space<semaphore_mem>>) src(%arg8 : memref<128x128xf32, #tpu.memory_space<vmem>>) dst(%dma_wait3A_32 : memref<128x128xf32, #tpu.memory_space<vmem_shared>>)
      tpu.yield
    }) : () -> ()
    %add3A_13 = arith.constant 256 : i32
    %add3A_14 = arith.addi %mul3A_8, %add3A_13 : i32
    "tpu.region"() ({
      %run_scoped3A = tpu.sem_alloc : memref<!tpu.dma_semaphore, #tpu.memory_space<semaphore_mem>>
      %dma_start3A = arith.constant 0 : i32
      %dma_start3A_27 = tpu.memref_slice %arg9[%add3A_14, %dma_start3A] : memref<10240x128xf32, #tpu.memory_space<vmem_shared>> -> memref<128x128xf32, #tpu.memory_space<vmem_shared>>
      %dma_start3A_28 = arith.constant 0 : i32
      %dma_start3A_29 = tpu.memref_slice %arg9[%add3A_14, %dma_start3A_28] : memref<10240x128xf32, #tpu.memory_space<vmem_shared>> -> memref<128x128xf32, #tpu.memory_space<vmem_shared>>
      tpu.enqueue_dma source(%arg8 : memref<128x128xf32, #tpu.memory_space<vmem>>) target(%dma_start3A_29 : memref<128x128xf32, #tpu.memory_space<vmem_shared>>) target_semaphore(%run_scoped3A : memref<!tpu.dma_semaphore, #tpu.memory_space<semaphore_mem>>)
      %dma_wait3A = arith.constant 0 : i32
      %dma_wait3A_30 = tpu.memref_slice %arg9[%add3A_14, %dma_wait3A] : memref<10240x128xf32, #tpu.memory_space<vmem_shared>> -> memref<128x128xf32, #tpu.memory_space<vmem_shared>>
      %dma_wait3A_31 = arith.constant 0 : i32
      %dma_wait3A_32 = tpu.memref_slice %arg9[%add3A_14, %dma_wait3A_31] : memref<10240x128xf32, #tpu.memory_space<vmem_shared>> -> memref<128x128xf32, #tpu.memory_space<vmem_shared>>
      tpu.wait_dma2 semaphore(%run_scoped3A : memref<!tpu.dma_semaphore, #tpu.memory_space<semaphore_mem>>) src(%arg8 : memref<128x128xf32, #tpu.memory_space<vmem>>) dst(%dma_wait3A_32 : memref<128x128xf32, #tpu.memory_space<vmem_shared>>)
      tpu.yield
    }) : () -> ()
    %add3A_15 = arith.constant 384 : i32
    %add3A_16 = arith.addi %mul3A_8, %add3A_15 : i32
    "tpu.region"() ({
      %run_scoped3A = tpu.sem_alloc : memref<!tpu.dma_semaphore, #tpu.memory_space<semaphore_mem>>
      %dma_start3A = arith.constant 0 : i32
      %dma_start3A_27 = tpu.memref_slice %arg9[%add3A_16, %dma_start3A] : memref<10240x128xf32, #tpu.memory_space<vmem_shared>> -> memref<128x128xf32, #tpu.memory_space<vmem_shared>>
      %dma_start3A_28 = arith.constant 0 : i32
      %dma_start3A_29 = tpu.memref_slice %arg9[%add3A_16, %dma_start3A_28] : memref<10240x128xf32, #tpu.memory_space<vmem_shared>> -> memref<128x128xf32, #tpu.memory_space<vmem_shared>>
      tpu.enqueue_dma source(%arg8 : memref<128x128xf32, #tpu.memory_space<vmem>>) target(%dma_start3A_29 : memref<128x128xf32, #tpu.memory_space<vmem_shared>>) target_semaphore(%run_scoped3A : memref<!tpu.dma_semaphore, #tpu.memory_space<semaphore_mem>>)
      %dma_wait3A = arith.constant 0 : i32
      %dma_wait3A_30 = tpu.memref_slice %arg9[%add3A_16, %dma_wait3A] : memref<10240x128xf32, #tpu.memory_space<vmem_shared>> -> memref<128x128xf32, #tpu.memory_space<vmem_shared>>
      %dma_wait3A_31 = arith.constant 0 : i32
      %dma_wait3A_32 = tpu.memref_slice %arg9[%add3A_16, %dma_wait3A_31] : memref<10240x128xf32, #tpu.memory_space<vmem_shared>> -> memref<128x128xf32, #tpu.memory_space<vmem_shared>>
      tpu.wait_dma2 semaphore(%run_scoped3A : memref<!tpu.dma_semaphore, #tpu.memory_space<semaphore_mem>>) src(%arg8 : memref<128x128xf32, #tpu.memory_space<vmem>>) dst(%dma_wait3A_32 : memref<128x128xf32, #tpu.memory_space<vmem_shared>>)
      tpu.yield
    }) : () -> ()
    %add3A_17 = arith.constant 512 : i32
    %add3A_18 = arith.addi %mul3A_8, %add3A_17 : i32
    "tpu.region"() ({
      %run_scoped3A = tpu.sem_alloc : memref<!tpu.dma_semaphore, #tpu.memory_space<semaphore_mem>>
      %dma_start3A = arith.constant 0 : i32
      %dma_start3A_27 = tpu.memref_slice %arg9[%add3A_18, %dma_start3A] : memref<10240x128xf32, #tpu.memory_space<vmem_shared>> -> memref<128x128xf32, #tpu.memory_space<vmem_shared>>
      %dma_start3A_28 = arith.constant 0 : i32
      %dma_start3A_29 = tpu.memref_slice %arg9[%add3A_18, %dma_start3A_28] : memref<10240x128xf32, #tpu.memory_space<vmem_shared>> -> memref<128x128xf32, #tpu.memory_space<vmem_shared>>
      tpu.enqueue_dma source(%arg8 : memref<128x128xf32, #tpu.memory_space<vmem>>) target(%dma_start3A_29 : memref<128x128xf32, #tpu.memory_space<vmem_shared>>) target_semaphore(%run_scoped3A : memref<!tpu.dma_semaphore, #tpu.memory_space<semaphore_mem>>)
      %dma_wait3A = arith.constant 0 : i32
      %dma_wait3A_30 = tpu.memref_slice %arg9[%add3A_18, %dma_wait3A] : memref<10240x128xf32, #tpu.memory_space<vmem_shared>> -> memref<128x128xf32, #tpu.memory_space<vmem_shared>>
      %dma_wait3A_31 = arith.constant 0 : i32
      %dma_wait3A_32 = tpu.memref_slice %arg9[%add3A_18, %dma_wait3A_31] : memref<10240x128xf32, #tpu.memory_space<vmem_shared>> -> memref<128x128xf32, #tpu.memory_space<vmem_shared>>
      tpu.wait_dma2 semaphore(%run_scoped3A : memref<!tpu.dma_semaphore, #tpu.memory_space<semaphore_mem>>) src(%arg8 : memref<128x128xf32, #tpu.memory_space<vmem>>) dst(%dma_wait3A_32 : memref<128x128xf32, #tpu.memory_space<vmem_shared>>)
      tpu.yield
    }) : () -> ()
    %barrier3A = arith.constant 0 : index
    tpu.barrier barrier_id(%barrier3A)
    %scan3A_19 = arith.constant 0 : i32
    %scan3A_20 = arith.constant 0 : i32
    %scan3A_21 = arith.constant 79 : i32
    %scan3A_22 = arith.addi %scan3A_20, %scan3A_21 : i32
    %scan3A_23 = arith.constant 1 : i32
    %scan3A_24 = scf.for %scan3A_27 = %scan3A_20 to %scan3A_22 step %scan3A_23 iter_args(%scan3A_28 = %scan3A_19) -> (i32)  : i32 {
      %dma_start3A = arith.constant 0 : i32
      %dma_start3A_29 = tpu.memref_slice %arg6[%scan3A_27, %dma_start3A] : memref<79x128xi32, #tpu.memory_space<vmem>> -> memref<1x128xi32, #tpu.memory_space<vmem>>
      %dma_start3A_30 = tpu.memref_squeeze %dma_start3A_29 : memref<1x128xi32, #tpu.memory_space<vmem>> -> memref<128xi32, #tpu.memory_space<vmem>>
      %dma_start3A_31 = arith.constant 0 : i32
      %dma_start3A_32 = arith.constant 0 : i32
      %dma_start3A_33 = tpu.memref_slice %arg4[%dma_start3A_31, %dma_start3A_32] : memref<10240x128xf32, #tpu.memory_space<hbm>> -> memref<10240x128xf32, #tpu.memory_space<hbm>>
      tpu.enqueue_indirect_dma source(%dma_start3A_33 : memref<10240x128xf32, #tpu.memory_space<hbm>>) target(%arg8 : memref<128x128xf32, #tpu.memory_space<vmem>>) offsets(%dma_start3A_30 : memref<128xi32, #tpu.memory_space<vmem>>) semaphore(%arg10 : memref<!tpu.dma_semaphore, #tpu.memory_space<semaphore_mem>>)
      %dma_wait3A = arith.constant 0 : i32
      %dma_wait3A_34 = tpu.memref_slice %arg6[%scan3A_27, %dma_wait3A] : memref<79x128xi32, #tpu.memory_space<vmem>> -> memref<1x128xi32, #tpu.memory_space<vmem>>
      %dma_wait3A_35 = tpu.memref_squeeze %dma_wait3A_34 : memref<1x128xi32, #tpu.memory_space<vmem>> -> memref<128xi32, #tpu.memory_space<vmem>>
      %dma_wait3A_36 = arith.constant 0 : i32
      %dma_wait3A_37 = arith.constant 0 : i32
      %dma_wait3A_38 = tpu.memref_slice %arg4[%dma_wait3A_36, %dma_wait3A_37] : memref<10240x128xf32, #tpu.memory_space<hbm>> -> memref<10240x128xf32, #tpu.memory_space<hbm>>
      tpu.wait_indirect_dma semaphore(%arg10 : memref<!tpu.dma_semaphore, #tpu.memory_space<semaphore_mem>>) src(%dma_wait3A_38 : memref<10240x128xf32, #tpu.memory_space<hbm>>) dst(%arg8 : memref<128x128xf32, #tpu.memory_space<vmem>>)
      "tpu.region"() ({
        %run_scoped3A = tpu.sem_alloc : memref<!tpu.dma_semaphore, #tpu.memory_space<semaphore_mem>>
        %dma_start3A_40 = arith.constant 0 : i32
        %dma_start3A_41 = tpu.memref_slice %arg7[%scan3A_27, %dma_start3A_40] : memref<79x128xi32, #tpu.memory_space<vmem>> -> memref<1x128xi32, #tpu.memory_space<vmem>>
        %dma_start3A_42 = tpu.memref_squeeze %dma_start3A_41 : memref<1x128xi32, #tpu.memory_space<vmem>> -> memref<128xi32, #tpu.memory_space<vmem>>
        %dma_start3A_43 = arith.constant 0 : i32
        %dma_start3A_44 = arith.constant 0 : i32
        %dma_start3A_45 = tpu.memref_slice %arg9[%dma_start3A_43, %dma_start3A_44] : memref<10240x128xf32, #tpu.memory_space<vmem_shared>> -> memref<10240x128xf32, #tpu.memory_space<vmem_shared>>
        tpu.enqueue_indirect_dma source(%arg8 : memref<128x128xf32, #tpu.memory_space<vmem>>) target(%dma_start3A_45 : memref<10240x128xf32, #tpu.memory_space<vmem_shared>>) offsets(%dma_start3A_42 : memref<128xi32, #tpu.memory_space<vmem>>) semaphore(%run_scoped3A : memref<!tpu.dma_semaphore, #tpu.memory_space<semaphore_mem>>) {add = true}
        %dma_wait3A_46 = arith.constant 0 : i32
        %dma_wait3A_47 = tpu.memref_slice %arg7[%scan3A_27, %dma_wait3A_46] : memref<79x128xi32, #tpu.memory_space<vmem>> -> memref<1x128xi32, #tpu.memory_space<vmem>>
        %dma_wait3A_48 = tpu.memref_squeeze %dma_wait3A_47 : memref<1x128xi32, #tpu.memory_space<vmem>> -> memref<128xi32, #tpu.memory_space<vmem>>
        %dma_wait3A_49 = arith.constant 0 : i32
        %dma_wait3A_50 = arith.constant 0 : i32
        %dma_wait3A_51 = tpu.memref_slice %arg9[%dma_wait3A_49, %dma_wait3A_50] : memref<10240x128xf32, #tpu.memory_space<vmem_shared>> -> memref<10240x128xf32, #tpu.memory_space<vmem_shared>>
        tpu.wait_indirect_dma semaphore(%run_scoped3A : memref<!tpu.dma_semaphore, #tpu.memory_space<semaphore_mem>>) src(%arg8 : memref<128x128xf32, #tpu.memory_space<vmem>>) dst(%dma_wait3A_51 : memref<10240x128xf32, #tpu.memory_space<vmem_shared>>)
        tpu.yield
      }) : () -> ()
      %scan3A_39 = arith.constant 0 : i32
      scf.yield %scan3A_39 : i32
    }
    %scan3A_25 = arith.constant 79 : i32
    %barrier3A_26 = arith.constant 0 : index
    tpu.barrier barrier_id(%barrier3A_26)
    "tpu.region"() ({
      %run_scoped3A = tpu.sem_alloc : memref<!tpu.dma_semaphore, #tpu.memory_space<semaphore_mem>>
      %dma_start3A = arith.constant 0 : i32
      %dma_start3A_27 = tpu.memref_slice %arg5[%arg0, %mul3A_8, %dma_start3A] : memref<2x10240x128xf32, #tpu.memory_space<hbm>> -> memref<1x640x128xf32, #tpu.memory_space<hbm>>
      %dma_start3A_28 = tpu.memref_squeeze %dma_start3A_27 : memref<1x640x128xf32, #tpu.memory_space<hbm>> -> memref<640x128xf32, #tpu.memory_space<hbm>>
      %dma_start3A_29 = arith.constant 0 : i32
      %dma_start3A_30 = tpu.memref_slice %arg9[%mul3A_8, %dma_start3A_29] : memref<10240x128xf32, #tpu.memory_space<vmem_shared>> -> memref<640x128xf32, #tpu.memory_space<vmem_shared>>
      tpu.enqueue_dma source(%dma_start3A_30 : memref<640x128xf32, #tpu.memory_space<vmem_shared>>) target(%dma_start3A_28 : memref<640x128xf32, #tpu.memory_space<hbm>>) target_semaphore(%run_scoped3A : memref<!tpu.dma_semaphore, #tpu.memory_space<semaphore_mem>>)
      %dma_wait3A = arith.constant 0 : i32
      %dma_wait3A_31 = tpu.memref_slice %arg5[%arg0, %mul3A_8, %dma_wait3A] : memref<2x10240x128xf32, #tpu.memory_space<hbm>> -> memref<1x640x128xf32, #tpu.memory_space<hbm>>
      %dma_wait3A_32 = tpu.memref_squeeze %dma_wait3A_31 : memref<1x640x128xf32, #tpu.memory_space<hbm>> -> memref<640x128xf32, #tpu.memory_space<hbm>>
      %dma_wait3A_33 = arith.constant 0 : i32
      %dma_wait3A_34 = tpu.memref_slice %arg9[%mul3A_8, %dma_wait3A_33] : memref<10240x128xf32, #tpu.memory_space<vmem_shared>> -> memref<640x128xf32, #tpu.memory_space<vmem_shared>>
      tpu.wait_dma2 semaphore(%run_scoped3A : memref<!tpu.dma_semaphore, #tpu.memory_space<semaphore_mem>>) src(%dma_wait3A_34 : memref<640x128xf32, #tpu.memory_space<vmem_shared>>) dst(%dma_wait3A_32 : memref<640x128xf32, #tpu.memory_space<hbm>>)
      tpu.yield
    }) : () -> ()
    return
  }
}

module attributes {stable_mosaic.version = 14 : i64} {
  func.func @_stage1_body(%arg0: i32, %arg1: memref<256x128xf32, #tpu.memory_space<vmem>>, %arg2: memref<128x128xf32, #tpu.memory_space<vmem>>, %arg3: memref<2x256x16xf32, #tpu.memory_space<vmem>>, %arg4: memref<256x128xf32, #tpu.memory_space<vmem>>) attributes {dimension_semantics = [#tpu.dimension_semantics<arbitrary>], iteration_bounds = array<i64: 40>, scalar_prefetch = 0 : i64, scratch_operands = 0 : i64, tpu.core_type = #tpu.core_type<tc>, window_params = [{transform_indices = @transform_0, window_bounds = array<i64: 256, 128>}, {pipeline_mode = #tpu.pipeline_mode<synchronous>, transform_indices = @transform_1, window_bounds = array<i64: 128, 128>}, {transform_indices = @transform_2, window_bounds = array<i64: 2, 256, 16>}, {transform_indices = @transform_3, window_bounds = array<i64: 256, 128>}]} {
    %get3A = arith.constant 0 : index
    %get3A_0 = arith.constant 0 : index
    %get3A_1 = arith.constant 0 : index
    %get3A_2 = vector.load %arg3[%get3A, %get3A_0, %get3A_1] : memref<2x256x16xf32, #tpu.memory_space<vmem>>, vector<1x256x1xf32>
    %get3A_3 = vector.shape_cast %get3A_2 : vector<1x256x1xf32> to vector<256x1xf32>
    %get3A_4 = arith.constant 1 : index
    %get3A_5 = arith.constant 0 : index
    %get3A_6 = arith.constant 0 : index
    %get3A_7 = vector.load %arg3[%get3A_4, %get3A_5, %get3A_6] : memref<2x256x16xf32, #tpu.memory_space<vmem>>, vector<1x256x1xf32>
    %get3A_8 = vector.shape_cast %get3A_7 : vector<1x256x1xf32> to vector<256x1xf32>
    %add3A = arith.addf %get3A_3, %get3A_8 : vector<256x1xf32>
    %add3A_9 = arith.constant 1.000000e+00 : f32
    %add3A_10 = vector.broadcast %add3A_9 : f32 to vector<256x1xf32>
    %add3A_11 = arith.addf %add3A, %add3A_10 : vector<256x1xf32>
    %rsqrt3A = math.rsqrt %add3A_11 : vector<256x1xf32>
    %get3A_12 = arith.constant 0 : index
    %get3A_13 = arith.constant 0 : index
    %get3A_14 = vector.load %arg1[%get3A_12, %get3A_13] : memref<256x128xf32, #tpu.memory_space<vmem>>, vector<256x128xf32>
    %get3A_15 = arith.constant 0 : index
    %get3A_16 = arith.constant 0 : index
    %get3A_17 = vector.load %arg2[%get3A_15, %get3A_16] : memref<128x128xf32, #tpu.memory_space<vmem>>, vector<128x128xf32>
    %dot_general3A = arith.constant dense<0.000000e+00> : vector<256x128xf32>
    %dot_general3A_18 = tpu.matmul %get3A_14, %get3A_17, %dot_general3A {dimension_numbers = #tpu.dot_dimension_numbers<[1], [0], [0], [1], [0, 0, 1, 1], [], []>, transpose_lhs_hint = false} : vector<256x128xf32>, vector<128x128xf32>, vector<256x128xf32> -> vector<256x128xf32>
    %mul3A = vector.broadcast %rsqrt3A : vector<256x1xf32> to vector<256x128xf32>
    %mul3A_19 = arith.mulf %dot_general3A_18, %mul3A : vector<256x128xf32>
    %swap3A = arith.constant 0 : index
    %swap3A_20 = arith.constant 0 : index
    %swap3A_21 = vector.load %arg4[%swap3A, %swap3A_20] : memref<256x128xf32, #tpu.memory_space<vmem>>, vector<256x128xf32>
    tpu.vector_store %arg4[%swap3A, %swap3A_20], %mul3A_19 {strides = array<i32>} : memref<256x128xf32, #tpu.memory_space<vmem>>, vector<256x128xf32>,
    return
  }
  func.func @transform_0(%arg0: i32) -> (i32, i32) {
    %c0_i32 = arith.constant 0 : i32
    %c0_i32_0 = arith.constant 0 : i32
    return %arg0, %c0_i32 : i32, i32
  }
  func.func @transform_1(%arg0: i32) -> (i32, i32) {
    %c0_i32 = arith.constant 0 : i32
    %c0_i32_0 = arith.constant 0 : i32
    %c0_i32_1 = arith.constant 0 : i32
    return %c0_i32, %c0_i32_0 : i32, i32
  }
  func.func @transform_2(%arg0: i32) -> (i32, i32, i32) {
    %c0_i32 = arith.constant 0 : i32
    %c0_i32_0 = arith.constant 0 : i32
    %c0_i32_1 = arith.constant 0 : i32
    return %c0_i32, %arg0, %c0_i32_0 : i32, i32, i32
  }
  func.func @transform_3(%arg0: i32) -> (i32, i32) {
    %c0_i32 = arith.constant 0 : i32
    %c0_i32_0 = arith.constant 0 : i32
    return %arg0, %c0_i32 : i32, i32
  }
}

module attributes {stable_mosaic.version = 14 : i64} {
  func.func @_stage2_body(%arg0: i32, %arg1: memref<2x256x128xf32, #tpu.memory_space<vmem>>, %arg2: memref<256x128xf32, #tpu.memory_space<vmem>>, %arg3: memref<2x256x16xf32, #tpu.memory_space<vmem>>, %arg4: memref<128x128xf32, #tpu.memory_space<vmem>>, %arg5: memref<1x128xf32, #tpu.memory_space<vmem>>, %arg6: memref<256x128xf32, #tpu.memory_space<vmem>>) attributes {dimension_semantics = [#tpu.dimension_semantics<arbitrary>], iteration_bounds = array<i64: 40>, scalar_prefetch = 0 : i64, scratch_operands = 0 : i64, tpu.core_type = #tpu.core_type<tc>, window_params = [{transform_indices = @transform_0, window_bounds = array<i64: 2, 256, 128>}, {transform_indices = @transform_1, window_bounds = array<i64: 256, 128>}, {transform_indices = @transform_2, window_bounds = array<i64: 2, 256, 16>}, {pipeline_mode = #tpu.pipeline_mode<synchronous>, transform_indices = @transform_3, window_bounds = array<i64: 128, 128>}, {pipeline_mode = #tpu.pipeline_mode<synchronous>, transform_indices = @transform_4, window_bounds = array<i64: 1, 128>}, {transform_indices = @transform_5, window_bounds = array<i64: 256, 128>}]} {
    %get3A = arith.constant 0 : index
    %get3A_0 = arith.constant 0 : index
    %get3A_1 = arith.constant 0 : index
    %get3A_2 = vector.load %arg3[%get3A, %get3A_0, %get3A_1] : memref<2x256x16xf32, #tpu.memory_space<vmem>>, vector<1x256x1xf32>
    %get3A_3 = vector.shape_cast %get3A_2 : vector<1x256x1xf32> to vector<256x1xf32>
    %get3A_4 = arith.constant 1 : index
    %get3A_5 = arith.constant 0 : index
    %get3A_6 = arith.constant 0 : index
    %get3A_7 = vector.load %arg3[%get3A_4, %get3A_5, %get3A_6] : memref<2x256x16xf32, #tpu.memory_space<vmem>>, vector<1x256x1xf32>
    %get3A_8 = vector.shape_cast %get3A_7 : vector<1x256x1xf32> to vector<256x1xf32>
    %add3A = arith.addf %get3A_3, %get3A_8 : vector<256x1xf32>
    %add3A_9 = arith.constant 1.000000e+00 : f32
    %add3A_10 = vector.broadcast %add3A_9 : f32 to vector<256x1xf32>
    %add3A_11 = arith.addf %add3A, %add3A_10 : vector<256x1xf32>
    %rsqrt3A = math.rsqrt %add3A_11 : vector<256x1xf32>
    %get3A_12 = arith.constant 0 : index
    %get3A_13 = arith.constant 0 : index
    %get3A_14 = arith.constant 0 : index
    %get3A_15 = vector.load %arg1[%get3A_12, %get3A_13, %get3A_14] : memref<2x256x128xf32, #tpu.memory_space<vmem>>, vector<1x256x128xf32>
    %get3A_16 = vector.shape_cast %get3A_15 : vector<1x256x128xf32> to vector<256x128xf32>
    %get3A_17 = arith.constant 1 : index
    %get3A_18 = arith.constant 0 : index
    %get3A_19 = arith.constant 0 : index
    %get3A_20 = vector.load %arg1[%get3A_17, %get3A_18, %get3A_19] : memref<2x256x128xf32, #tpu.memory_space<vmem>>, vector<1x256x128xf32>
    %get3A_21 = vector.shape_cast %get3A_20 : vector<1x256x128xf32> to vector<256x128xf32>
    %add3A_22 = arith.addf %get3A_16, %get3A_21 : vector<256x128xf32>
    %get3A_23 = arith.constant 0 : index
    %get3A_24 = arith.constant 0 : index
    %get3A_25 = vector.load %arg2[%get3A_23, %get3A_24] : memref<256x128xf32, #tpu.memory_space<vmem>>, vector<256x128xf32>
    %add3A_26 = arith.addf %add3A_22, %get3A_25 : vector<256x128xf32>
    %mul3A = vector.broadcast %rsqrt3A : vector<256x1xf32> to vector<256x128xf32>
    %mul3A_27 = arith.mulf %mul3A, %add3A_26 : vector<256x128xf32>
    %get3A_28 = arith.constant 0 : index
    %get3A_29 = arith.constant 0 : index
    %get3A_30 = vector.load %arg5[%get3A_28, %get3A_29] : memref<1x128xf32, #tpu.memory_space<vmem>>, vector<1x128xf32>
    %add3A_31 = vector.broadcast %get3A_30 : vector<1x128xf32> to vector<256x128xf32>
    %add3A_32 = arith.addf %mul3A_27, %add3A_31 : vector<256x128xf32>
    %max3A = arith.constant 0.000000e+00 : f32
    %max3A_33 = vector.broadcast %max3A : f32 to vector<256x128xf32>
    %max3A_34 = arith.maximumf %add3A_32, %max3A_33 : vector<256x128xf32>
    %get3A_35 = arith.constant 0 : index
    %get3A_36 = arith.constant 0 : index
    %get3A_37 = vector.load %arg4[%get3A_35, %get3A_36] : memref<128x128xf32, #tpu.memory_space<vmem>>, vector<128x128xf32>
    %dot_general3A = arith.constant dense<0.000000e+00> : vector<256x128xf32>
    %dot_general3A_38 = tpu.matmul %max3A_34, %get3A_37, %dot_general3A {dimension_numbers = #tpu.dot_dimension_numbers<[1], [0], [0], [1], [0, 0, 1, 1], [], []>, transpose_lhs_hint = false} : vector<256x128xf32>, vector<128x128xf32>, vector<256x128xf32> -> vector<256x128xf32>
    %mul3A_39 = vector.broadcast %rsqrt3A : vector<256x1xf32> to vector<256x128xf32>
    %mul3A_40 = arith.mulf %dot_general3A_38, %mul3A_39 : vector<256x128xf32>
    %swap3A = arith.constant 0 : index
    %swap3A_41 = arith.constant 0 : index
    %swap3A_42 = vector.load %arg6[%swap3A, %swap3A_41] : memref<256x128xf32, #tpu.memory_space<vmem>>, vector<256x128xf32>
    tpu.vector_store %arg6[%swap3A, %swap3A_41], %mul3A_40 {strides = array<i32>} : memref<256x128xf32, #tpu.memory_space<vmem>>, vector<256x128xf32>,
    return
  }
  func.func @transform_0(%arg0: i32) -> (i32, i32, i32) {
    %c0_i32 = arith.constant 0 : i32
    %c0_i32_0 = arith.constant 0 : i32
    %c0_i32_1 = arith.constant 0 : i32
    return %c0_i32, %arg0, %c0_i32_0 : i32, i32, i32
  }
  func.func @transform_1(%arg0: i32) -> (i32, i32) {
    %c0_i32 = arith.constant 0 : i32
    %c0_i32_0 = arith.constant 0 : i32
    return %arg0, %c0_i32 : i32, i32
  }
  func.func @transform_2(%arg0: i32) -> (i32, i32, i32) {
    %c0_i32 = arith.constant 0 : i32
    %c0_i32_0 = arith.constant 0 : i32
    %c0_i32_1 = arith.constant 0 : i32
    return %c0_i32, %arg0, %c0_i32_0 : i32, i32, i32
  }
  func.func @transform_3(%arg0: i32) -> (i32, i32) {
    %c0_i32 = arith.constant 0 : i32
    %c0_i32_0 = arith.constant 0 : i32
    %c0_i32_1 = arith.constant 0 : i32
    return %c0_i32, %c0_i32_0 : i32, i32
  }
  func.func @transform_4(%arg0: i32) -> (i32, i32) {
    %c0_i32 = arith.constant 0 : i32
    %c0_i32_0 = arith.constant 0 : i32
    %c0_i32_1 = arith.constant 0 : i32
    return %c0_i32, %c0_i32_0 : i32, i32
  }
  func.func @transform_5(%arg0: i32) -> (i32, i32) {
    %c0_i32 = arith.constant 0 : i32
    %c0_i32_0 = arith.constant 0 : i32
    return %arg0, %c0_i32 : i32, i32
  }
}

module attributes {stable_mosaic.version = 14 : i64} {
  func.func @_stage3_body(%arg0: i32, %arg1: memref<2x256x128xf32, #tpu.memory_space<vmem>>, %arg2: memref<256x128xf32, #tpu.memory_space<vmem>>, %arg3: memref<2x256x16xf32, #tpu.memory_space<vmem>>, %arg4: memref<1x128xf32, #tpu.memory_space<vmem>>, %arg5: memref<256x128xf32, #tpu.memory_space<vmem>>) attributes {dimension_semantics = [#tpu.dimension_semantics<arbitrary>], iteration_bounds = array<i64: 40>, scalar_prefetch = 0 : i64, scratch_operands = 0 : i64, tpu.core_type = #tpu.core_type<tc>, window_params = [{transform_indices = @transform_0, window_bounds = array<i64: 2, 256, 128>}, {transform_indices = @transform_1, window_bounds = array<i64: 256, 128>}, {transform_indices = @transform_2, window_bounds = array<i64: 2, 256, 16>}, {pipeline_mode = #tpu.pipeline_mode<synchronous>, transform_indices = @transform_3, window_bounds = array<i64: 1, 128>}, {transform_indices = @transform_4, window_bounds = array<i64: 256, 128>}]} {
    %get3A = arith.constant 0 : index
    %get3A_0 = arith.constant 0 : index
    %get3A_1 = arith.constant 0 : index
    %get3A_2 = vector.load %arg3[%get3A, %get3A_0, %get3A_1] : memref<2x256x16xf32, #tpu.memory_space<vmem>>, vector<1x256x1xf32>
    %get3A_3 = vector.shape_cast %get3A_2 : vector<1x256x1xf32> to vector<256x1xf32>
    %get3A_4 = arith.constant 1 : index
    %get3A_5 = arith.constant 0 : index
    %get3A_6 = arith.constant 0 : index
    %get3A_7 = vector.load %arg3[%get3A_4, %get3A_5, %get3A_6] : memref<2x256x16xf32, #tpu.memory_space<vmem>>, vector<1x256x1xf32>
    %get3A_8 = vector.shape_cast %get3A_7 : vector<1x256x1xf32> to vector<256x1xf32>
    %add3A = arith.addf %get3A_3, %get3A_8 : vector<256x1xf32>
    %add3A_9 = arith.constant 1.000000e+00 : f32
    %add3A_10 = vector.broadcast %add3A_9 : f32 to vector<256x1xf32>
    %add3A_11 = arith.addf %add3A, %add3A_10 : vector<256x1xf32>
    %rsqrt3A = math.rsqrt %add3A_11 : vector<256x1xf32>
    %get3A_12 = arith.constant 0 : index
    %get3A_13 = arith.constant 0 : index
    %get3A_14 = arith.constant 0 : index
    %get3A_15 = vector.load %arg1[%get3A_12, %get3A_13, %get3A_14] : memref<2x256x128xf32, #tpu.memory_space<vmem>>, vector<1x256x128xf32>
    %get3A_16 = vector.shape_cast %get3A_15 : vector<1x256x128xf32> to vector<256x128xf32>
    %get3A_17 = arith.constant 1 : index
    %get3A_18 = arith.constant 0 : index
    %get3A_19 = arith.constant 0 : index
    %get3A_20 = vector.load %arg1[%get3A_17, %get3A_18, %get3A_19] : memref<2x256x128xf32, #tpu.memory_space<vmem>>, vector<1x256x128xf32>
    %get3A_21 = vector.shape_cast %get3A_20 : vector<1x256x128xf32> to vector<256x128xf32>
    %add3A_22 = arith.addf %get3A_16, %get3A_21 : vector<256x128xf32>
    %get3A_23 = arith.constant 0 : index
    %get3A_24 = arith.constant 0 : index
    %get3A_25 = vector.load %arg2[%get3A_23, %get3A_24] : memref<256x128xf32, #tpu.memory_space<vmem>>, vector<256x128xf32>
    %add3A_26 = arith.addf %add3A_22, %get3A_25 : vector<256x128xf32>
    %mul3A = vector.broadcast %rsqrt3A : vector<256x1xf32> to vector<256x128xf32>
    %mul3A_27 = arith.mulf %mul3A, %add3A_26 : vector<256x128xf32>
    %get3A_28 = arith.constant 0 : index
    %get3A_29 = arith.constant 0 : index
    %get3A_30 = vector.load %arg4[%get3A_28, %get3A_29] : memref<1x128xf32, #tpu.memory_space<vmem>>, vector<1x128xf32>
    %add3A_31 = vector.broadcast %get3A_30 : vector<1x128xf32> to vector<256x128xf32>
    %add3A_32 = arith.addf %mul3A_27, %add3A_31 : vector<256x128xf32>
    %swap3A = arith.constant 0 : index
    %swap3A_33 = arith.constant 0 : index
    %swap3A_34 = vector.load %arg5[%swap3A, %swap3A_33] : memref<256x128xf32, #tpu.memory_space<vmem>>, vector<256x128xf32>
    tpu.vector_store %arg5[%swap3A, %swap3A_33], %add3A_32 {strides = array<i32>} : memref<256x128xf32, #tpu.memory_space<vmem>>, vector<256x128xf32>,
    return
  }
  func.func @transform_0(%arg0: i32) -> (i32, i32, i32) {
    %c0_i32 = arith.constant 0 : i32
    %c0_i32_0 = arith.constant 0 : i32
    %c0_i32_1 = arith.constant 0 : i32
    return %c0_i32, %arg0, %c0_i32_0 : i32, i32, i32
  }
  func.func @transform_1(%arg0: i32) -> (i32, i32) {
    %c0_i32 = arith.constant 0 : i32
    %c0_i32_0 = arith.constant 0 : i32
    return %arg0, %c0_i32 : i32, i32
  }
  func.func @transform_2(%arg0: i32) -> (i32, i32, i32) {
    %c0_i32 = arith.constant 0 : i32
    %c0_i32_0 = arith.constant 0 : i32
    %c0_i32_1 = arith.constant 0 : i32
    return %c0_i32, %arg0, %c0_i32_0 : i32, i32, i32
  }
  func.func @transform_3(%arg0: i32) -> (i32, i32) {
    %c0_i32 = arith.constant 0 : i32
    %c0_i32_0 = arith.constant 0 : i32
    %c0_i32_1 = arith.constant 0 : i32
    return %c0_i32, %c0_i32_0 : i32, i32
  }
  func.func @transform_4(%arg0: i32) -> (i32, i32) {
    %c0_i32 = arith.constant 0 : i32
    %c0_i32_0 = arith.constant 0 : i32
    return %arg0, %c0_i32 : i32, i32
  }
}

module attributes {stable_mosaic.version = 14 : i64} {
  func.func @_reduce_body(%arg0: i32, %arg1: memref<512x128xf32, #tpu.memory_space<vmem>>, %arg2: memref<128x8xf32, #tpu.memory_space<vmem>>, %arg3: memref<512x8xf32, #tpu.memory_space<vmem>>) attributes {dimension_semantics = [#tpu.dimension_semantics<arbitrary>], iteration_bounds = array<i64: 157>, scalar_prefetch = 0 : i64, scratch_operands = 0 : i64, tpu.core_type = #tpu.core_type<tc>, window_params = [{transform_indices = @transform_0, window_bounds = array<i64: 512, 128>}, {pipeline_mode = #tpu.pipeline_mode<synchronous>, transform_indices = @transform_1, window_bounds = array<i64: 128, 8>}, {transform_indices = @transform_2, window_bounds = array<i64: 512, 8>}]} {
    %get3A = arith.constant 0 : index
    %get3A_0 = arith.constant 0 : index
    %get3A_1 = vector.load %arg1[%get3A, %get3A_0] : memref<512x128xf32, #tpu.memory_space<vmem>>, vector<512x128xf32>
    %get3A_2 = arith.constant 0 : index
    %get3A_3 = arith.constant 0 : index
    %get3A_4 = vector.load %arg2[%get3A_2, %get3A_3] : memref<128x8xf32, #tpu.memory_space<vmem>>, vector<128x8xf32>
    %dot_general3A = arith.constant dense<0.000000e+00> : vector<512x8xf32>
    %dot_general3A_5 = tpu.matmul %get3A_1, %get3A_4, %dot_general3A {dimension_numbers = #tpu.dot_dimension_numbers<[1], [0], [0], [1], [0, 0, 1, 1], [], []>, transpose_lhs_hint = false} : vector<512x128xf32>, vector<128x8xf32>, vector<512x8xf32> -> vector<512x8xf32>
    %swap3A = arith.constant 0 : index
    %swap3A_6 = arith.constant 0 : index
    %swap3A_7 = vector.load %arg3[%swap3A, %swap3A_6] : memref<512x8xf32, #tpu.memory_space<vmem>>, vector<512x8xf32>
    tpu.vector_store %arg3[%swap3A, %swap3A_6], %dot_general3A_5 {strides = array<i32>} : memref<512x8xf32, #tpu.memory_space<vmem>>, vector<512x8xf32>,
    return
  }
  func.func @transform_0(%arg0: i32) -> (i32, i32) {
    %c0_i32 = arith.constant 0 : i32
    %c0_i32_0 = arith.constant 0 : i32
    return %arg0, %c0_i32 : i32, i32
  }
  func.func @transform_1(%arg0: i32) -> (i32, i32) {
    %c0_i32 = arith.constant 0 : i32
    %c0_i32_0 = arith.constant 0 : i32
    %c0_i32_1 = arith.constant 0 : i32
    return %c0_i32, %c0_i32_0 : i32, i32
  }
  func.func @transform_2(%arg0: i32) -> (i32, i32) {
    %c0_i32 = arith.constant 0 : i32
    %c0_i32_0 = arith.constant 0 : i32
    return %arg0, %c0_i32 : i32, i32
  }
}

</mosaic_0001>

<sc_bundles>
// kernel: kernel.10.cloned.1.call-start
scs
__scs_entry_jumppad:
0x0: {  	(pc) =	sbr.rel $0x88, $3  }
0x1: {  	(tag) =	ssettag $0x0;
	lr =	simm.s32 $0x1  }
0x2: {  	[smem:$0x3F9A] =	sst lr;
	_ =	strace $0xD0000000  }
0x3: {  	_ = 	snop  }
0x4: {  	_ = 	snop  }
0x5: {  	_ = 	snop  }
0x6: {  	_ = 	snop  }
0x7: {  	_ = 	snop  }
__scs_overlays_trampoline_lowered:
0x8: {  	[smem:$0x3FA9] =	sst s0  }
0x9: {  	[smem:$0x3FAA] =	sst s1  }
0xa: {  	[smem:$0x3FAB] =	sst s2  }
0xb: {  	[smem:$0x3FAC] =	sst s3  }
0xc: {  	[smem:$0x3FAD] =	sst s4  }
0xd: {  	[smem:$0x3FAE] =	sst s5  }
0xe: {  	[smem:$0x3FAF] =	sst s6  }
0xf: {  	[smem:$0x3FB0] =	sst s7  }
0x10: {  	[smem:$0x3FB1] =	sst s8  }
0x11: {  	[smem:$0x3FB2] =	sst s9;
	s0 =	simm.s32 @!p0 $0x0  }
0x12: {  	s1 =	sld [smem:$0x3F98];
	s0 =	simm.s32 @p0 $0x1  }
0x13: {  	[smem:$0x3FB3] =	sst s0;
	s0 =	simm.s32 @!p1 $0x0  }
0x14: {  	s2 =	sld [smem:$0x3F97];
	s0 =	simm.s32 @p1 $0x1  }
0x15: {  	[smem:$0x3FB4] =	sst s0;
	s0 =	simm.s32 @!p2 $0x0  }
0x16: {  	s3 =	sld [smem:$0x3FDB];
	s0 =	simm.s32 @p2 $0x1  }
0x17: {  	s4 =	simm.s32 $0x1BF5;
	[smem:$0x3FB6] =	sst s0  }
0x18: {  	s0 =	sld [smem:$0x3F99];
	_ =	swait.ge [sflag:s4], $0x0  }
0x19: {  	s7 =	sld [smem:$0x3F9A]  }
0x1a: {  	s8 =	sadd.s32 $0xFFFFE003, lr  }
0x1b: {  	s9 =	sadd.s32 $0xFFFFFEF7, lr;
	s5 =	simm.s32 $0xFFFFFFFF;
	p2 =	slt.u32 s8, $0xFFFFF086  }
0x1c: {  	p1 =	slt.u32 s9, $0xF7A;
	s5 =	simm.s32 @!p2 $0x0  }
0x1d: {  	s5 =	simm.s32 @p1 $0x1;
	p0 =	seq.s32 s7, s2  }
0x1e: {  	s7 =	smul.u32 @!p0 $0xF7A, s2;
	p2 =	seq.s32 @!p0 s5, $0x0  }
0x1f: {  	s9 =	smul.u32 $0xF7A, s1;
	s8 =	simm.s32 @!p0 $0x1BF5;
	p2 =	por !p2, p0  }
0x20: {  	[sflag:s8] =	ssyncset.s32 @!p0 $0xFFFFF086;
	s6 =	sadd.s32 @!p0 s3, s7;
	s7 =	simm.s32 @!p0 $0x108  }
0x21: {  	s3 =	sadd.s32 s3, s9;
	s6 =	sadd.s32 @!p0 $0x88, s6;
	s7 =	simm.s32 @p2 $0x1082  }
0x22: {  	[simem:s7], [sflag:s8] =	dma.local @!p0 [hbm:s6], $0xF7A  }
0x23: {  	s9 =	sor.u32 $0xD0000000, s2;
	s6 =	simm.s32 $0x108;
	_ =	swait.ge @!p0 [sflag:s8], $0x0  }
0x24: {  	s3 =	sadd.s32 $0x88, s3;
	s6 =	simm.s32 @!p1 $0x1082;
	[sflag:s4] =	ssyncset.s32 $0xFFFFF086  }
0x25: {  	[simem:s6], [sflag:s4] =	dma.local [hbm:s3], $0xF7A  }
0x26: {  	[smem:$0x3F9A] =	sst s1;
	(tag) =	ssettag s2;
	_ =	strace s9  }
0x27: {  	s1 =	sld [smem:$0x3FAA]  }
0x28: {  	s2 =	sld [smem:$0x3FAB]  }
0x29: {  	s4 =	sld [smem:$0x3FAD]  }
0x2a: {  	p0 =	seq.s32 s5, $0x0;
	s5 =	sld [smem:$0x3FAE]  }
0x2b: {  	s6 =	sld [smem:$0x3FAF]  }
0x2c: {  	s7 =	sld [smem:$0x3FB0]  }
0x2d: {  	s3 =	simm.s32 $0x108;
	s8 =	sld [smem:$0x3FB1]  }
0x2e: {  	s3 =	simm.s32 @!p0 $0x1082;
	s9 =	sld [smem:$0x3FB2]  }
0x2f: {  	lr =	sadd.s32 s0, s3;
	s0 =	sld [smem:$0x3FA9]  }
0x30: {  	s3 =	sld [smem:$0x3FAC]  }
0x31: {  	[smem:$0x3FB5] =	sst s10  }
0x32: {  	s10 =	sld [smem:$0x3FB3];
	_ =	sdelay $0x3  }
0x33: {  	p0 =	seq.s32 s10, $0x1;
	s10 =	sld [smem:$0x3FB5];
	_ =	sdelay $0x3  }
0x34: {  	[smem:$0x3FB5] =	sst s10  }
0x35: {  	s10 =	sld [smem:$0x3FB4];
	_ =	sdelay $0x3  }
0x36: {  	p1 =	seq.s32 s10, $0x1;
	s10 =	sld [smem:$0x3FB5];
	_ =	sdelay $0x3  }
0x37: {  	[smem:$0x3FB5] =	sst s10  }
0x38: {  	s10 =	sld [smem:$0x3FB6]  }
0x39: {  	_ = 	snop;
	(pc) =	sbr.ind lr, $3  }
0x3a: {  	_ = 	snop  }
0x3b: {  	_ = 	snop  }
0x3c: {  	p2 =	seq.s32 s10, $0x1;
	s10 =	sld [smem:$0x3FB5]  }
0x3d: {  	_ =	shalt  }
0x3e: {  	_ =	shalt  }
0x3f: {  	_ =	shalt  }
0x40: {  	_ =	shalt  }
0x41: {  	_ =	shalt  }
0x42: {  	_ =	shalt  }
0x43: {  	_ =	shalt  }
0x44: {  	_ =	shalt  }
0x45: {  	_ =	shalt  }
0x46: {  	_ =	shalt  }
0x47: {  	_ =	shalt  }
0x48: {  	_ =	shalt  }
0x49: {  	_ =	shalt  }
0x4a: {  	_ =	shalt  }
0x4b: {  	_ =	shalt  }
0x4c: {  	_ =	shalt  }
0x4d: {  	_ =	shalt  }
0x4e: {  	_ =	shalt  }
0x4f: {  	_ =	shalt  }
0x50: {  	_ =	shalt  }
0x51: {  	_ =	shalt  }
0x52: {  	_ =	shalt  }
0x53: {  	_ =	shalt  }
0x54: {  	_ =	shalt  }
0x55: {  	_ =	shalt  }
0x56: {  	_ =	shalt  }
0x57: {  	_ =	shalt  }
0x58: {  	_ =	shalt  }
0x59: {  	_ =	shalt  }
0x5a: {  	_ =	shalt  }
0x5b: {  	_ =	shalt  }
0x5c: {  	_ =	shalt  }
0x5d: {  	_ =	shalt  }
0x5e: {  	_ =	shalt  }
0x5f: {  	_ =	shalt  }
0x60: {  	_ =	shalt  }
0x61: {  	_ =	shalt  }
0x62: {  	_ =	shalt  }
0x63: {  	_ =	shalt  }
0x64: {  	_ =	shalt  }
0x65: {  	_ =	shalt  }
0x66: {  	_ =	shalt  }
0x67: {  	_ =	shalt  }
0x68: {  	_ =	shalt  }
0x69: {  	_ =	shalt  }
0x6a: {  	_ =	shalt  }
0x6b: {  	_ =	shalt  }
0x6c: {  	_ =	shalt  }
0x6d: {  	_ =	shalt  }
0x6e: {  	_ =	shalt  }
0x6f: {  	_ =	shalt  }
0x70: {  	_ =	shalt  }
0x71: {  	_ =	shalt  }
0x72: {  	_ =	shalt  }
0x73: {  	_ =	shalt  }
0x74: {  	_ =	shalt  }
0x75: {  	_ =	shalt  }
0x76: {  	_ =	shalt  }
0x77: {  	_ =	shalt  }
0x78: {  	_ =	shalt  }
0x79: {  	_ =	shalt  }
0x7a: {  	_ =	shalt  }
0x7b: {  	_ =	shalt  }
0x7c: {  	_ =	shalt  }
0x7d: {  	_ =	shalt  }
0x7e: {  	_ =	shalt  }
0x7f: {  	_ =	shalt  }
0x80: {  	_ =	shalt  }
0x81: {  	_ =	shalt  }
0x82: {  	_ =	shalt  }
0x83: {  	_ =	shalt  }
0x84: {  	_ =	shalt  }
0x85: {  	_ =	shalt  }
0x86: {  	_ =	shalt  }
0x87: {  	_ =	shalt  }
.Lfunc_end0:
.L_simem_size_0:
called_computation_lowered:
.L_overlay_start_0:
0x88: {  	s2 =	sld [smem:$0x3FD9]  }
0x89: {  	s3 =	sld [smem:$0x3FFE];
	_ =	sdelay $0x1  }
0x8a: {  	s1 =	srdreg.scid  }
0x8b: {  	s0 =	sand.u32 $0x1, s1  }
0x8c: {  	s16 =	sshll.u32 s0, $0xA;
	s2 =	sadd.s32 s3, s2  }
0x8d: {  	s2 =	sadd.s32 s2, s16  }
0x8e: {  	[smem:$0x3FC1] =	sst s2  }
0x8f: {  	_ = 	snop  }
0x90: {  	(tm) =	ssettm $0x1  }
0x91: {  	s17 =	sld [smem:$0x3FFB];
	_ =	sdelay $0x3  }
0x92: {  	_ =	strace s17  }
0x93: {  	s2 =	sld [smem:$0x3FFC];
	_ =	sdelay $0x3  }
0x94: {  	_ =	strace s2  }
0x95: {  	s2 =	sld [smem:$0x3FFD];
	_ =	sdelay $0x3  }
0x96: {  	_ =	strace s2  }
0x97: {  	_ =	strace $0x8FFFFFFF  }
0x98: {  	s18 =	sld [smem:$0x3FDB];
	_ =	sdelay $0x1  }
0x99: {  	s19 =	simm.s32 $_scs_section_size  }
0x9a: {  	s4 =	simm.s32 $_size__tile_overlayer_lowered;
	s5 =	simm.s32 $_tile_overlayer_lowered  }
0x9b: {  	s22 =	simm.s32 $0x1BFF;
	s21 =	sshll.u32 s5, $0x1;
	s2 =	sadd.s32 s19, s18  }
0x9c: {  	s6 =	simm.s32 $0x0;
	s20 =	sshll.u32 s4, $0x1;
	s4 =	sadd.s32 s21, s2  }
0x9d: {  	[timem:s6], [sflag:s22] =	dma.local [hbm:s4], s20  }
0x9e: {  	_ =	swait.ge [sflag:s22], s20  }
0x9f: {  	s3 =	ssub.s32 $0x0, s20;
	[sflag:s22] =	ssyncset.done $0x0  }
0xa0: {  	[sflag:s22] =	ssyncadd.s32 s3;
	_ =	sdelay $0x1  }
0xa1: {  	s23 =	simm.s32 $0x1B8B  }
0xa2: {  	_ =	swait.ge [sflag:s23], $0x1  }
0xa3: {  	[sflag:s23] =	ssyncset.done $0x0  }
0xa4: {  	s25 =	simm.s32 $0x1B8E;
	s24 =	sld [smem:$0x3FFE];
	[sflag:s23] =	ssyncadd.s32 $0xFFFFFFFF  }
0xa5: {  	s26 =	simm.s32 $execute0_lowered;
	[smem:$0x3FD2] =	sst s25  }
0xa6: {  	s4 =	sshll.u32 s26, $0x1;
	_ =	strace $0x80000046;
	[dreg:$0x1] =	wrdreg $0xFFFFFFFF  }
0xa7: {  	s28 =	simm.s32 $_size_execute0_lowered;
	s2 =	sadd.s32 s2, s4;
	[dreg:$0x0] =	wrdreg $0x0  }
0xa8: {  	s4 =	sshll.u32 s28, $0x1;
	[dreg:$0x2] =	wrdreg s2  }
0xa9: {  	[dreg:$0x3] =	wrdreg s4  }
0xaa: {  	[dreg:$0x4] =	wrdreg $0xC0  }
0xab: {  	_ =	task [dreg:s6], $0x5FFFF  }
0xac: {  	[dreg:$0x1] =	wrdreg $0xFFFFFFFF  }
0xad: {  	[dreg:$0x0] =	wrdreg $0x60  }
0xae: {  	[dreg:$0x2] =	wrdreg s24  }
0xaf: {  	[dreg:$0x3] =	wrdreg $0x68000  }
0xb0: {  	[dreg:$0x4] =	wrdreg $0x9  }
0xb1: {  	_ =	task.clear_ibuf [dreg:s6], $0x5FFFF;
	_ =	strace $0x90000046  }
0xb2: {  	s29 =	simm.s32 $0x9;
	_ =	strace $0x80000048  }
0xb3: {  	_ =	swait.ge [sflag:s29], $0x1  }
0xb4: {  	[sflag:s29] =	ssyncadd.s32 $0xFFFFFFFF  }
0xb5: {  	_ =	strace $0x90000048  }
0xb6: {  	_ =	sfence  }
0xb7: {  	s30 =	sld [smem:$0x0];
	_ =	sdelay $0x2  }
0xb8: {  	s31 =	sshll.u32 s1, $0xD;
	s1 =	sshrl.u32 s1, $0x2  }
0xb9: {  	s3 =	sand.u32 $0x4000, s31;
	s1 =	sadd.s32 s1, s30  }
0xba: {  	s0 =	sor.u32 s3, s0;
	s1 =	sshll.u32 s1, $0x11  }
0xbb: {  	s0 =	sor.u32 s1, s0  }
0xbc: {  	s0 =	sadd.s32 $0x8F2B, s0  }
0xbd: {  	[sflag:s0] =	ssyncadd.remote.s32 $0x1  }
0xbe: {  	_ =	sfence.sel $0xFFFF  }
0xbf: {  	[dreg:$0x0] =	wrdreg $0xFFFFFFFF;
	(pc) =	sbr.abs _section_cstart, $3  }
0xc0: {  	[dreg:$0x1] =	wrdreg $0xFFFFFFFF  }
0xc1: {  	_ =	task.clear_ibuf [dreg:s6], $0x2FFFF;
	_ =	strace $0x9FFFFFFF  }
0xc2: {  	(tm) =	ssettm $0x7FFFFFFF  }
0xc3: {  	_ =	shalt  }
tec
execute0_lowered:
.L_overlay_start_1:
0x0: {  	(tag) =	ssettag $0x1  }
0x1: {  	s0 =	srdreg.scid;
	s5 =	rddreg [dreg:$0x0]  }
0x2: {  	s2 =	rddreg [dreg:$0x1];
	s3 =	simm.s32 $0x0;
	s12 =	simm.s32 $0x1  }
0x3: {  	s13 =	simm.s32 $0x2800;
	s14 =	simm.s32 $0x80;
	s4 =	sand.u32 $0x1, s0  }
0x4: {  	s17 =	simm.s32 $0x0;
	s0 =	stileid.u32;
	s7 =	smul.u32 $0x140000, s4  }
0x5: {  	[smem:$0x7FF] =	sst s3;
	s1 =	sshll.u32 s4, $0x4;
	s8 =	smul.u32 $0x14000, s0  }
0x6: {  	s9 =	smul.u32 $0x50000, s0;
	s29 =	ssub.s32 $0x2, s4;
	s15 =	sshll.u32 s0, $0x6  }
0x7: {  	s1 =	sor.u32 s0, s1;
	s31 =	sshrl.u32 s29, $0x1;
	s15 =	sor.u32 $0x1C01, s15  }
0x8: {  	s6 =	smul.u32 $0x500, s1;
	s1 =	rddreg [dreg:$0x2];
	_ =	strace $0x80000047  }
0x9: {  	s7 =	sadd.s32 s8, s7;
	s30 =	sshrl.u32 s9, $0x2;
	s11 =	ssub.s32 s29, s31  }
0xa: {  	s7 =	sshrl.u32 s7, $0x3;
	s4 =	sadd.s32 s30, s2;
	s11 =	smax.u32 s11, $0x1  }
0xb: {  	s6 =	sadd.s32 s6, s5;
	s10 =	sadd.s32 s7, s5;
	s7 =	sadd.s32 $0x8000, s4  }
0xc: {  	s8 =	sadd.s32 $0xC000, s4;
	s9 =	sadd.s32 $0x10000, s4;
	s16 =	sshrl.u32 s4, $0x3  }
0xd: {  	v0 =	vimm.f32 $0.0e+00;
	v1 =	vimm.f32 $1.000000000e+00;
	s5 =	sadd.s32 $0x2800, s6;
	s6 =	sadd.s32 $0x4000, s4;
	s10 =	sadd.s32 $0xC800, s10  }
.LBB2_1:
0xe: {  	[tilespmem:s3], [sflag:$0x1] =	stream.linear.gather [hbm4b:s5+s3], $0x2780, $0x38;
	[tilespmem:$0x9000] =	vst v63  }
0xf: {  	_ =	swait.ge [sflag:s12], $0x2780  }
0x10: {  	[sflag:s12] =	ssyncset.done $0x0  }
0x11: {  	s18 =	simm.s32 $0x200;
	s19 =	simm.s32 $0x0;
	[sflag:s12] =	ssyncadd.s32 $0xFFFFD880  }
.LBB2_2:
0x12: {  	p0 =	sne.s32 s18, $0xFE00;
	[tilespmem:s19+$0x2800] =	vst v0;
	s19 =	smov.u32 s18;
	s18 =	sadd.s32 $0x200, s18  }
.Ltmp0:
0x13: {  	(pc) =	sbr.rel @p0 .LBB2_2-.Ltmp0, $2  }
0x14: {  	_ =	sdelay $0x2  }
0x15: {  	s19 =	sshra.s32 s19, $0x2  }
0x16: {  	[tilespmem:s19+$0x2800] =	vst v0  }
0x17: {  	[spmem:s4] =	stream.linear.scatter [tilespmem:s13], [sflag:$0x1], $0x4000, $0x38;
	[tilespmem:$0x9000] =	vst v63  }
0x18: {  	_ =	swait.ge [sflag:s12], $0x4000  }
0x19: {  	[sflag:s12] =	ssyncset.done $0x0  }
0x1a: {  	[sflag:s12] =	ssyncadd.s32 $0xFFFFC000  }
0x1b: {  	[spmem:s6] =	stream.linear.scatter [tilespmem:s13], [sflag:$0x1], $0x4000, $0x38;
	[tilespmem:$0x9000] =	vst v63  }
0x1c: {  	_ =	swait.ge [sflag:s12], $0x4000  }
0x1d: {  	[sflag:s12] =	ssyncset.done $0x0  }
0x1e: {  	[sflag:s12] =	ssyncadd.s32 $0xFFFFC000  }
0x1f: {  	[spmem:s7] =	stream.linear.scatter [tilespmem:s13], [sflag:$0x1], $0x4000, $0x38;
	[tilespmem:$0x9000] =	vst v63  }
0x20: {  	_ =	swait.ge [sflag:s12], $0x4000  }
0x21: {  	[sflag:s12] =	ssyncset.done $0x0  }
0x22: {  	[sflag:s12] =	ssyncadd.s32 $0xFFFFC000  }
0x23: {  	[spmem:s8] =	stream.linear.scatter [tilespmem:s13], [sflag:$0x1], $0x4000, $0x38;
	[tilespmem:$0x9000] =	vst v63  }
0x24: {  	_ =	swait.ge [sflag:s12], $0x4000  }
0x25: {  	[sflag:s12] =	ssyncset.done $0x0  }
0x26: {  	[sflag:s12] =	ssyncadd.s32 $0xFFFFC000  }
0x27: {  	[spmem:s9] =	stream.linear.scatter [tilespmem:s13], [sflag:$0x1], $0x4000, $0x38;
	[tilespmem:$0x9000] =	vst v63  }
0x28: {  	_ =	swait.ge [sflag:s12], $0x4000  }
0x29: {  	[sflag:s12] =	ssyncset.done $0x0  }
0x2a: {  	[sflag:s12] =	ssyncadd.s32 $0xFFFFC000  }
0x2b: {  	s18 =	simm.s32 $0x200;
	s19 =	simm.s32 $0x0;
	[bflag:$0x0] =	sbarrier.arrive $0xFFFF  }
.LBB2_4:
0x2c: {  	p0 =	sne.s32 s18, $0xFE00;
	[tilespmem:s19+$0x2800] =	vst v1;
	s19 =	smov.u32 s18;
	s18 =	sadd.s32 $0x200, s18  }
.Ltmp1:
0x2d: {  	(pc) =	sbr.rel @p0 .LBB2_4-.Ltmp1, $2  }
0x2e: {  	_ =	sdelay $0x2  }
0x2f: {  	s19 =	sshra.s32 s19, $0x2  }
0x30: {  	[tilespmem:s19+$0x2800] =	vst v1;
	s18 =	simm.s32 $0x0  }
0x31: {  	[spmem:s2] =	stream.indirect.scatter.add.f32 [tilespmem:s13], [sflag:$0x1], $0x10, s18, s14, $0xb8;
	[tilespmem:$0x9000] =	vst v63  }
0x32: {  	_ =	swait.ge [sflag:s12], $0x800  }
0x33: {  	s18 =	simm.s32 $0x200;
	[sflag:s12] =	ssyncset.done $0x0  }
.LBB2_6:
0x34: {  	s19 =	sshra.s32 s18, $0x2;
	[sflag:s12] =	ssyncadd.s32 $0xFFFFF800;
	p0 =	sne.s32 s18, $0x9C00  }
0x35: {  	[spmem:s2] =	stream.indirect.scatter.add.f32 [tilespmem:s13], [sflag:$0x1], $0x10, s19, s14, $0xb8;
	[tilespmem:$0x9000] =	vst v63  }
.Ltmp2:
0x36: {  	_ = 	snop;
	(pc) =	sbr.rel @p0 .LBB2_6-.Ltmp2, $4  }
0x37: {  	_ = 	snop  }
0x38: {  	s18 =	sadd.s32 $0x200, s18  }
0x39: {  	_ =	swait.ge [sflag:s12], $0x800  }
0x3a: {  	[sflag:s12] =	ssyncset.done $0x0  }
0x3b: {  	s17 =	sadd.s32 $0x1, s17  }
0x3c: {  	[sflag:s12] =	ssyncadd.s32 $0xFFFFF800;
	p0 =	sne.s32 s17, s11  }
.Ltmp3:
0x3d: {  	[bflag:$0x0] =	sbarrier.arrive $0xFFFF;
	(pc) =	sbr.rel @p0 .LBB2_1-.Ltmp3, $4  }
0x3e: {  	[hbm:s10], [sflag:s15] =	dma.local [spmem:s16], $0x2800  }
0x3f: {  	_ =	swait.ge [sflag:s12], $0x2800  }
0x40: {  	[sflag:s12] =	ssyncset.done $0x0  }
0x41: {  	[sflag:s12] =	ssyncadd.s32 $0xFFFFD800  }
0x42: {  	_ =	sfence.sel $0x180000  }
0x43: {  	[bflag:$0x0] =	sbarrier.arrive $0xFFFF  }
0x44: {  	p0 =	sne.s32 s0, $0x0;
	_ =	strace $0x90000047  }
0x45: {  	s0 =	sadd.s32 @!p0 $0x100000, s1;
	[bflag:$0x2] =	sbarrier.arrive $0xFFFF  }
0x46: {  	[sflag:s0] =	ssyncadd.tile.s32 @!p0 $0x1;
	_ =	shalt  }
.Lfunc_end2:
_tile_overlayer_lowered:
.L_overlay_start_2:
0x47: {  	(tag) =	ssettag $0x2  }
0x48: {  	s0 =	rddreg [dreg:$0x0];
	s2 =	stileid.u32  }
0x49: {  	s1 =	rddreg [dreg:$0x1];
	p0 =	sne.s32 s2, $0x0  }
0x4a: {  	s3 =	rddreg [dreg:$0x2];
	[bflag:$0x3] =	sbarrier.arrive $0xFFFF;
	s2 =	simm.s32 @!p0 $0x1C01  }
0x4b: {  	[timem:s3], [sflag:s2] =	dma.local @!p0 [hbm:s0], s1  }
0x4c: {  	s0 =	simm.s32 @!p0 $0x1  }
0x4d: {  	_ =	swait.ge @!p0 [sflag:s0], s1  }
0x4e: {  	s1 =	ssub.s32 @!p0 $0x0, s1;
	[sflag:s0] =	ssyncset.done @!p0 $0x0  }
0x4f: {  	[sflag:s0] =	ssyncadd.s32 @!p0 s1  }
0x50: {  	[bflag:$0x3] =	sbarrier.arrive $0xFFFF  }
0x51: {  	_ =	shalt  }

// kernel: kernel.13.cloned.1.call-start
scs
__scs_entry_jumppad:
0x0: {  	(pc) =	sbr.rel $0x88, $3  }
0x1: {  	(tag) =	ssettag $0x0;
	lr =	simm.s32 $0x1  }
0x2: {  	[smem:$0x3F9A] =	sst lr;
	_ =	strace $0xD0000000  }
0x3: {  	_ = 	snop  }
0x4: {  	_ = 	snop  }
0x5: {  	_ = 	snop  }
0x6: {  	_ = 	snop  }
0x7: {  	_ = 	snop  }
__scs_overlays_trampoline_lowered:
0x8: {  	[smem:$0x3FA9] =	sst s0  }
0x9: {  	[smem:$0x3FAA] =	sst s1  }
0xa: {  	[smem:$0x3FAB] =	sst s2  }
0xb: {  	[smem:$0x3FAC] =	sst s3  }
0xc: {  	[smem:$0x3FAD] =	sst s4  }
0xd: {  	[smem:$0x3FAE] =	sst s5  }
0xe: {  	[smem:$0x3FAF] =	sst s6  }
0xf: {  	[smem:$0x3FB0] =	sst s7  }
0x10: {  	[smem:$0x3FB1] =	sst s8  }
0x11: {  	[smem:$0x3FB2] =	sst s9;
	s0 =	simm.s32 @!p0 $0x0  }
0x12: {  	s1 =	sld [smem:$0x3F98];
	s0 =	simm.s32 @p0 $0x1  }
0x13: {  	[smem:$0x3FB3] =	sst s0;
	s0 =	simm.s32 @!p1 $0x0  }
0x14: {  	s2 =	sld [smem:$0x3F97];
	s0 =	simm.s32 @p1 $0x1  }
0x15: {  	[smem:$0x3FB4] =	sst s0;
	s0 =	simm.s32 @!p2 $0x0  }
0x16: {  	s3 =	sld [smem:$0x3FDB];
	s0 =	simm.s32 @p2 $0x1  }
0x17: {  	s4 =	simm.s32 $0x1BF5;
	[smem:$0x3FB6] =	sst s0  }
0x18: {  	s0 =	sld [smem:$0x3F99];
	_ =	swait.ge [sflag:s4], $0x0  }
0x19: {  	s7 =	sld [smem:$0x3F9A]  }
0x1a: {  	s8 =	sadd.s32 $0xFFFFE003, lr  }
0x1b: {  	s9 =	sadd.s32 $0xFFFFFEF7, lr;
	s5 =	simm.s32 $0xFFFFFFFF;
	p2 =	slt.u32 s8, $0xFFFFF086  }
0x1c: {  	p1 =	slt.u32 s9, $0xF7A;
	s5 =	simm.s32 @!p2 $0x0  }
0x1d: {  	s5 =	simm.s32 @p1 $0x1;
	p0 =	seq.s32 s7, s2  }
0x1e: {  	s7 =	smul.u32 @!p0 $0xF7A, s2;
	p2 =	seq.s32 @!p0 s5, $0x0  }
0x1f: {  	s9 =	smul.u32 $0xF7A, s1;
	s8 =	simm.s32 @!p0 $0x1BF5;
	p2 =	por !p2, p0  }
0x20: {  	[sflag:s8] =	ssyncset.s32 @!p0 $0xFFFFF086;
	s6 =	sadd.s32 @!p0 s3, s7;
	s7 =	simm.s32 @!p0 $0x108  }
0x21: {  	s3 =	sadd.s32 s3, s9;
	s6 =	sadd.s32 @!p0 $0x88, s6;
	s7 =	simm.s32 @p2 $0x1082  }
0x22: {  	[simem:s7], [sflag:s8] =	dma.local @!p0 [hbm:s6], $0xF7A  }
0x23: {  	s9 =	sor.u32 $0xD0000000, s2;
	s6 =	simm.s32 $0x108;
	_ =	swait.ge @!p0 [sflag:s8], $0x0  }
0x24: {  	s3 =	sadd.s32 $0x88, s3;
	s6 =	simm.s32 @!p1 $0x1082;
	[sflag:s4] =	ssyncset.s32 $0xFFFFF086  }
0x25: {  	[simem:s6], [sflag:s4] =	dma.local [hbm:s3], $0xF7A  }
0x26: {  	[smem:$0x3F9A] =	sst s1;
	(tag) =	ssettag s2;
	_ =	strace s9  }
0x27: {  	s1 =	sld [smem:$0x3FAA]  }
0x28: {  	s2 =	sld [smem:$0x3FAB]  }
0x29: {  	s4 =	sld [smem:$0x3FAD]  }
0x2a: {  	p0 =	seq.s32 s5, $0x0;
	s5 =	sld [smem:$0x3FAE]  }
0x2b: {  	s6 =	sld [smem:$0x3FAF]  }
0x2c: {  	s7 =	sld [smem:$0x3FB0]  }
0x2d: {  	s3 =	simm.s32 $0x108;
	s8 =	sld [smem:$0x3FB1]  }
0x2e: {  	s3 =	simm.s32 @!p0 $0x1082;
	s9 =	sld [smem:$0x3FB2]  }
0x2f: {  	lr =	sadd.s32 s0, s3;
	s0 =	sld [smem:$0x3FA9]  }
0x30: {  	s3 =	sld [smem:$0x3FAC]  }
0x31: {  	[smem:$0x3FB5] =	sst s10  }
0x32: {  	s10 =	sld [smem:$0x3FB3];
	_ =	sdelay $0x3  }
0x33: {  	p0 =	seq.s32 s10, $0x1;
	s10 =	sld [smem:$0x3FB5];
	_ =	sdelay $0x3  }
0x34: {  	[smem:$0x3FB5] =	sst s10  }
0x35: {  	s10 =	sld [smem:$0x3FB4];
	_ =	sdelay $0x3  }
0x36: {  	p1 =	seq.s32 s10, $0x1;
	s10 =	sld [smem:$0x3FB5];
	_ =	sdelay $0x3  }
0x37: {  	[smem:$0x3FB5] =	sst s10  }
0x38: {  	s10 =	sld [smem:$0x3FB6]  }
0x39: {  	_ = 	snop;
	(pc) =	sbr.ind lr, $3  }
0x3a: {  	_ = 	snop  }
0x3b: {  	_ = 	snop  }
0x3c: {  	p2 =	seq.s32 s10, $0x1;
	s10 =	sld [smem:$0x3FB5]  }
0x3d: {  	_ =	shalt  }
0x3e: {  	_ =	shalt  }
0x3f: {  	_ =	shalt  }
0x40: {  	_ =	shalt  }
0x41: {  	_ =	shalt  }
0x42: {  	_ =	shalt  }
0x43: {  	_ =	shalt  }
0x44: {  	_ =	shalt  }
0x45: {  	_ =	shalt  }
0x46: {  	_ =	shalt  }
0x47: {  	_ =	shalt  }
0x48: {  	_ =	shalt  }
0x49: {  	_ =	shalt  }
0x4a: {  	_ =	shalt  }
0x4b: {  	_ =	shalt  }
0x4c: {  	_ =	shalt  }
0x4d: {  	_ =	shalt  }
0x4e: {  	_ =	shalt  }
0x4f: {  	_ =	shalt  }
0x50: {  	_ =	shalt  }
0x51: {  	_ =	shalt  }
0x52: {  	_ =	shalt  }
0x53: {  	_ =	shalt  }
0x54: {  	_ =	shalt  }
0x55: {  	_ =	shalt  }
0x56: {  	_ =	shalt  }
0x57: {  	_ =	shalt  }
0x58: {  	_ =	shalt  }
0x59: {  	_ =	shalt  }
0x5a: {  	_ =	shalt  }
0x5b: {  	_ =	shalt  }
0x5c: {  	_ =	shalt  }
0x5d: {  	_ =	shalt  }
0x5e: {  	_ =	shalt  }
0x5f: {  	_ =	shalt  }
0x60: {  	_ =	shalt  }
0x61: {  	_ =	shalt  }
0x62: {  	_ =	shalt  }
0x63: {  	_ =	shalt  }
0x64: {  	_ =	shalt  }
0x65: {  	_ =	shalt  }
0x66: {  	_ =	shalt  }
0x67: {  	_ =	shalt  }
0x68: {  	_ =	shalt  }
0x69: {  	_ =	shalt  }
0x6a: {  	_ =	shalt  }
0x6b: {  	_ =	shalt  }
0x6c: {  	_ =	shalt  }
0x6d: {  	_ =	shalt  }
0x6e: {  	_ =	shalt  }
0x6f: {  	_ =	shalt  }
0x70: {  	_ =	shalt  }
0x71: {  	_ =	shalt  }
0x72: {  	_ =	shalt  }
0x73: {  	_ =	shalt  }
0x74: {  	_ =	shalt  }
0x75: {  	_ =	shalt  }
0x76: {  	_ =	shalt  }
0x77: {  	_ =	shalt  }
0x78: {  	_ =	shalt  }
0x79: {  	_ =	shalt  }
0x7a: {  	_ =	shalt  }
0x7b: {  	_ =	shalt  }
0x7c: {  	_ =	shalt  }
0x7d: {  	_ =	shalt  }
0x7e: {  	_ =	shalt  }
0x7f: {  	_ =	shalt  }
0x80: {  	_ =	shalt  }
0x81: {  	_ =	shalt  }
0x82: {  	_ =	shalt  }
0x83: {  	_ =	shalt  }
0x84: {  	_ =	shalt  }
0x85: {  	_ =	shalt  }
0x86: {  	_ =	shalt  }
0x87: {  	_ =	shalt  }
.Lfunc_end0:
.L_simem_size_0:
called_computation.1_lowered:
.L_overlay_start_0:
0x88: {  	s2 =	sld [smem:$0x3FD9]  }
0x89: {  	s3 =	sld [smem:$0x3FFE];
	_ =	sdelay $0x1  }
0x8a: {  	s1 =	srdreg.scid  }
0x8b: {  	s0 =	sand.u32 $0x1, s1  }
0x8c: {  	s17 =	sshll.u32 s0, $0xA;
	s2 =	sadd.s32 s3, s2  }
0x8d: {  	s2 =	sadd.s32 s2, s17  }
0x8e: {  	[smem:$0x3FC1] =	sst s2  }
0x8f: {  	_ = 	snop  }
0x90: {  	s2 =	sld [smem:$0x3FD0];
	(tm) =	ssettm $0x1  }
0x91: {  	s18 =	sld [smem:$0x3FFB];
	_ =	sdelay $0x3  }
0x92: {  	_ =	strace s18  }
0x93: {  	s3 =	sld [smem:$0x3FFC];
	_ =	sdelay $0x3  }
0x94: {  	_ =	strace s3  }
0x95: {  	s3 =	sld [smem:$0x3FFD];
	_ =	sdelay $0x3  }
0x96: {  	_ =	strace s3  }
0x97: {  	_ =	strace $0x8FFFFFFF  }
0x98: {  	s19 =	sld [smem:$0x3FDB];
	_ =	sdelay $0x1  }
0x99: {  	s4 =	simm.s32 $_scs_section_size  }
0x9a: {  	s5 =	simm.s32 $_size__tile_overlayer_lowered;
	s6 =	simm.s32 $_tile_overlayer_lowered  }
0x9b: {  	s22 =	simm.s32 $0x1BFF;
	s21 =	sshll.u32 s6, $0x1;
	s3 =	sadd.s32 s4, s19  }
0x9c: {  	s7 =	simm.s32 $0x0;
	s20 =	sshll.u32 s5, $0x1;
	s5 =	sadd.s32 s21, s3  }
0x9d: {  	[timem:s7], [sflag:s22] =	dma.local [hbm:s5], s20  }
0x9e: {  	_ =	swait.ge [sflag:s22], s20  }
0x9f: {  	s4 =	ssub.s32 $0x0, s20;
	[sflag:s22] =	ssyncset.done $0x0  }
0xa0: {  	[sflag:s22] =	ssyncadd.s32 s4;
	_ =	sdelay $0x1  }
0xa1: {  	s23 =	simm.s32 $0x1B8B  }
0xa2: {  	_ =	swait.ge [sflag:s23], $0x1  }
0xa3: {  	[sflag:s23] =	ssyncset.done $0x0  }
0xa4: {  	s25 =	simm.s32 $0x1B8E;
	s24 =	sld [smem:$0x3FFE];
	[sflag:s23] =	ssyncadd.s32 $0xFFFFFFFF  }
0xa5: {  	s26 =	simm.s32 $execute0_lowered;
	[smem:$0x3FD2] =	sst s25  }
0xa6: {  	s5 =	sshll.u32 s26, $0x1;
	_ =	strace $0x80000049;
	[dreg:$0x1] =	wrdreg $0xFFFFFFFF  }
0xa7: {  	s28 =	simm.s32 $_size_execute0_lowered;
	s3 =	sadd.s32 s3, s5;
	[dreg:$0x0] =	wrdreg $0x0  }
0xa8: {  	s5 =	sshll.u32 s28, $0x1;
	[dreg:$0x2] =	wrdreg s3  }
0xa9: {  	[dreg:$0x3] =	wrdreg s5  }
0xaa: {  	[dreg:$0x4] =	wrdreg $0xC0  }
0xab: {  	_ =	task [dreg:s7], $0x5FFFF  }
0xac: {  	[dreg:$0x1] =	wrdreg $0xFFFFFFFF  }
0xad: {  	[dreg:$0x0] =	wrdreg $0x60  }
0xae: {  	[dreg:$0x2] =	wrdreg s2  }
0xaf: {  	[dreg:$0x3] =	wrdreg s24  }
0xb0: {  	[dreg:$0x4] =	wrdreg $0x90000  }
0xb1: {  	[dreg:$0x5] =	wrdreg $0x9  }
0xb2: {  	_ =	task.clear_ibuf [dreg:s7], $0x6FFFF;
	_ =	strace $0x90000049  }
0xb3: {  	s29 =	simm.s32 $0x9;
	_ =	strace $0x8000004B  }
0xb4: {  	_ =	swait.ge [sflag:s29], $0x1  }
0xb5: {  	[sflag:s29] =	ssyncadd.s32 $0xFFFFFFFF  }
0xb6: {  	_ =	strace $0x9000004B  }
0xb7: {  	_ =	sfence  }
0xb8: {  	s30 =	sld [smem:$0x0];
	_ =	sdelay $0x2  }
0xb9: {  	s31 =	sshll.u32 s1, $0xD;
	s1 =	sshrl.u32 s1, $0x2  }
0xba: {  	s3 =	sand.u32 $0x4000, s31;
	s1 =	sadd.s32 s1, s30  }
0xbb: {  	s0 =	sor.u32 s3, s0;
	s1 =	sshll.u32 s1, $0x11  }
0xbc: {  	s0 =	sor.u32 s1, s0  }
0xbd: {  	s0 =	sadd.s32 $0x8F2B, s0  }
0xbe: {  	[sflag:s0] =	ssyncadd.remote.s32 $0x1  }
0xbf: {  	_ =	sfence.sel $0xFFFF  }
0xc0: {  	[dreg:$0x0] =	wrdreg $0xFFFFFFFF;
	(pc) =	sbr.abs _section_cstart, $3  }
0xc1: {  	[dreg:$0x1] =	wrdreg $0xFFFFFFFF  }
0xc2: {  	_ =	task.clear_ibuf [dreg:s7], $0x2FFFF;
	_ =	strace $0x9FFFFFFF  }
0xc3: {  	(tm) =	ssettm $0x7FFFFFFF  }
tec
execute0_lowered:
.L_overlay_start_1:
0x0: {  	(tag) =	ssettag $0x1  }
0x1: {  	s5 =	rddreg [dreg:$0x0]  }
0x2: {  	s6 =	rddreg [dreg:$0x1]  }
0x3: {  	s0 =	srdreg.scid;
	s2 =	rddreg [dreg:$0x2]  }
0x4: {  	s3 =	simm.s32 $0x0;
	s15 =	simm.s32 $0x2800;
	s16 =	simm.s32 $0x5000  }
0x5: {  	s17 =	simm.s32 $0x80;
	s18 =	simm.s32 $0x1;
	s4 =	sand.u32 $0x1, s0  }
0x6: {  	s21 =	simm.s32 $0x0;
	s0 =	stileid.u32;
	s8 =	smul.u32 $0x140000, s4  }
0x7: {  	[smem:$0x7FF] =	sst s3;
	s1 =	sshll.u32 s4, $0x4;
	s9 =	smul.u32 $0x14000, s0  }
0x8: {  	s30 =	ssub.s32 $0x2, s4;
	s11 =	smul.u32 $0x50000, s0;
	s4 =	sadd.s32 $0x5C800, s6  }
0x9: {  	s19 =	sshll.u32 s0, $0x6;
	s1 =	sor.u32 s0, s1;
	s12 =	sshrl.u32 s30, $0x1  }
0xa: {  	s19 =	sor.u32 $0x1C02, s19;
	s7 =	smul.u32 $0x500, s1;
	s1 =	rddreg [dreg:$0x3]  }
0xb: {  	_ =	strace $0x8000004A;
	s8 =	sadd.s32 s9, s8;
	s14 =	ssub.s32 s30, s12  }
0xc: {  	s31 =	sshrl.u32 s11, $0x2;
	s8 =	sshrl.u32 s8, $0x3;
	s10 =	sadd.s32 s7, s6  }
0xd: {  	s13 =	sadd.s32 s8, s6;
	s5 =	sadd.s32 s5, s7;
	s7 =	sadd.s32 s31, s2  }
0xe: {  	s6 =	sadd.s32 $0x2800, s10;
	s8 =	sadd.s32 $0x4000, s7;
	s9 =	sadd.s32 $0x8000, s7  }
0xf: {  	s10 =	sadd.s32 $0xC000, s7;
	s11 =	sadd.s32 $0x10000, s7;
	s12 =	sadd.s32 $0x84800, s13  }
0x10: {  	v0 =	vimm.f32 $0.0e+00;
	s13 =	smax.u32 s14, $0x1;
	s14 =	simm.s32 $0x2;
	s20 =	sshrl.u32 s7, $0x3  }
.LBB2_1:
0x11: {  	[tilespmem:s3], [sflag:$0x2] =	stream.linear.gather [hbm4b:s5+s3], $0x2780, $0x38;
	[tilespmem:$0x1D000] =	vst v63  }
0x12: {  	_ =	swait.ge [sflag:s14], $0x2780  }
0x13: {  	[sflag:s14] =	ssyncset.done $0x0  }
0x14: {  	[sflag:s14] =	ssyncadd.s32 $0xFFFFD880  }
0x15: {  	[tilespmem:s15], [sflag:$0x2] =	stream.linear.gather [hbm4b:s6+s3], $0x2780, $0x38;
	[tilespmem:$0x1D000] =	vst v63  }
0x16: {  	_ =	swait.ge [sflag:s14], $0x2780  }
0x17: {  	[sflag:s14] =	ssyncset.done $0x0  }
0x18: {  	s22 =	simm.s32 $0x0;
	s23 =	simm.s32 $0x200;
	[sflag:s14] =	ssyncadd.s32 $0xFFFFD880  }
.LBB2_2:
0x19: {  	p0 =	sne.s32 s23, $0xFE00;
	[tilespmem:s22+$0x5070] =	vst v0  }
0x1a: {  	[tilespmem:s22+$0x5000] =	vst v0  }
0x1b: {  	[tilespmem:s22+$0x5010] =	vst v0  }
.Ltmp0:
0x1c: {  	[tilespmem:s22+$0x5020] =	vst v0;
	(pc) =	sbr.rel @p0 .LBB2_2-.Ltmp0, $4  }
0x1d: {  	[tilespmem:s22+$0x5030] =	vst v0  }
0x1e: {  	[tilespmem:s22+$0x5040] =	vst v0  }
0x1f: {  	[tilespmem:s22+$0x5050] =	vst v0  }
0x20: {  	[tilespmem:s22+$0x5060] =	vst v0;
	s22 =	sshra.s32 s23, $0x2;
	s23 =	sadd.s32 $0x200, s23  }
0x21: {  	[tilespmem:s22+$0x5070] =	vst v0  }
0x22: {  	[tilespmem:s22+$0x5000] =	vst v0  }
0x23: {  	[tilespmem:s22+$0x5010] =	vst v0  }
0x24: {  	[tilespmem:s22+$0x5020] =	vst v0  }
0x25: {  	[tilespmem:s22+$0x5030] =	vst v0  }
0x26: {  	[tilespmem:s22+$0x5040] =	vst v0  }
0x27: {  	[tilespmem:s22+$0x5050] =	vst v0  }
0x28: {  	[tilespmem:s22+$0x5060] =	vst v0  }
0x29: {  	[spmem:s7] =	stream.linear.scatter [tilespmem:s16], [sflag:$0x2], $0x4000, $0x38;
	[tilespmem:$0x1D000] =	vst v63  }
0x2a: {  	_ =	swait.ge [sflag:s14], $0x4000  }
0x2b: {  	[sflag:s14] =	ssyncset.done $0x0  }
0x2c: {  	[sflag:s14] =	ssyncadd.s32 $0xFFFFC000  }
0x2d: {  	[spmem:s8] =	stream.linear.scatter [tilespmem:s16], [sflag:$0x2], $0x4000, $0x38;
	[tilespmem:$0x1D000] =	vst v63  }
0x2e: {  	_ =	swait.ge [sflag:s14], $0x4000  }
0x2f: {  	[sflag:s14] =	ssyncset.done $0x0  }
0x30: {  	[sflag:s14] =	ssyncadd.s32 $0xFFFFC000  }
0x31: {  	[spmem:s9] =	stream.linear.scatter [tilespmem:s16], [sflag:$0x2], $0x4000, $0x38;
	[tilespmem:$0x1D000] =	vst v63  }
0x32: {  	_ =	swait.ge [sflag:s14], $0x4000  }
0x33: {  	[sflag:s14] =	ssyncset.done $0x0  }
0x34: {  	[sflag:s14] =	ssyncadd.s32 $0xFFFFC000  }
0x35: {  	[spmem:s10] =	stream.linear.scatter [tilespmem:s16], [sflag:$0x2], $0x4000, $0x38;
	[tilespmem:$0x1D000] =	vst v63  }
0x36: {  	_ =	swait.ge [sflag:s14], $0x4000  }
0x37: {  	[sflag:s14] =	ssyncset.done $0x0  }
0x38: {  	[sflag:s14] =	ssyncadd.s32 $0xFFFFC000  }
0x39: {  	[spmem:s11] =	stream.linear.scatter [tilespmem:s16], [sflag:$0x2], $0x4000, $0x38;
	[tilespmem:$0x1D000] =	vst v63  }
0x3a: {  	_ =	swait.ge [sflag:s14], $0x4000  }
0x3b: {  	[sflag:s14] =	ssyncset.done $0x0  }
0x3c: {  	[sflag:s14] =	ssyncadd.s32 $0xFFFFC000  }
0x3d: {  	s30 =	simm.s32 $0x0;
	[bflag:$0x0] =	sbarrier.arrive $0xFFFF  }
0x3e: {  	[tilespmem:s16], [sflag:$0x1] =	stream.indirect.gather [hbm4b:s4+s17], $0x80, s30, s17, $0xb8;
	[tilespmem:$0x1D000] =	vst v63  }
0x3f: {  	_ =	swait.ge [sflag:s18], $0x4000  }
0x40: {  	[sflag:s18] =	ssyncset.done $0x0  }
0x41: {  	s31 =	simm.s32 $0x2800;
	[sflag:s18] =	ssyncadd.s32 $0xFFFFC000  }
0x42: {  	[spmem:s2] =	stream.indirect.scatter.add.f32 [tilespmem:s16], [sflag:$0x2], $0x80, s31, s17, $0xb8;
	[tilespmem:$0x1D000] =	vst v63  }
0x43: {  	_ =	swait.ge [sflag:s14], $0x4000  }
0x44: {  	s22 =	simm.s32 $0x200;
	s23 =	simm.s32 $0x400;
	[sflag:s14] =	ssyncset.done $0x0  }
.LBB2_4:
0x45: {  	s24 =	sshra.s32 s22, $0x2  }
0x46: {  	[sflag:s14] =	ssyncadd.s32 $0xFFFFC000;
	s22 =	smov.u32 s23;
	s25 =	sadd.s32 $0x200, s23  }
0x47: {  	[tilespmem:s16], [sflag:$0x1] =	stream.indirect.gather [hbm4b:s4+s17], $0x80, s24, s17, $0xb8;
	[tilespmem:$0x1D000] =	vst v63  }
0x48: {  	p0 =	sne.s32 s23, $0x9C00;
	_ =	swait.ge [sflag:s18], $0x4000  }
.Ltmp1:
0x49: {  	[sflag:s18] =	ssyncset.done $0x0;
	(pc) =	sbr.rel @p0 .LBB2_4-.Ltmp1, $4  }
0x4a: {  	s23 =	sadd.s32 $0x2800, s24;
	[sflag:s18] =	ssyncadd.s32 $0xFFFFC000  }
0x4b: {  	[spmem:s2] =	stream.indirect.scatter.add.f32 [tilespmem:s16], [sflag:$0x2], $0x80, s23, s17, $0xb8;
	[tilespmem:$0x1D000] =	vst v63  }
0x4c: {  	_ =	swait.ge [sflag:s14], $0x4000  }
0x4d: {  	s23 =	smov.u32 s25;
	[sflag:s14] =	ssyncset.done $0x0  }
0x4e: {  	s22 =	sshra.s32 s22, $0x2;
	[sflag:s14] =	ssyncadd.s32 $0xFFFFC000  }
0x4f: {  	[tilespmem:s16], [sflag:$0x1] =	stream.indirect.gather [hbm4b:s4+s17], $0x80, s22, s17, $0xb8;
	[tilespmem:$0x1D000] =	vst v63  }
0x50: {  	_ =	swait.ge [sflag:s18], $0x4000  }
0x51: {  	[sflag:s18] =	ssyncset.done $0x0  }
0x52: {  	s22 =	sadd.s32 $0x2800, s22;
	[sflag:s18] =	ssyncadd.s32 $0xFFFFC000  }
0x53: {  	[spmem:s2] =	stream.indirect.scatter.add.f32 [tilespmem:s16], [sflag:$0x2], $0x80, s22, s17, $0xb8;
	[tilespmem:$0x1D000] =	vst v63  }
0x54: {  	_ =	swait.ge [sflag:s14], $0x4000  }
0x55: {  	s21 =	sadd.s32 $0x1, s21;
	[sflag:s14] =	ssyncset.done $0x0  }
0x56: {  	p0 =	sne.s32 s21, s13;
	[sflag:s14] =	ssyncadd.s32 $0xFFFFC000  }
.Ltmp2:
0x57: {  	[bflag:$0x0] =	sbarrier.arrive $0xFFFF;
	(pc) =	sbr.rel @p0 .LBB2_1-.Ltmp2, $4  }
0x58: {  	[hbm:s12], [sflag:s19] =	dma.local [spmem:s20], $0x2800  }
0x59: {  	_ =	swait.ge [sflag:s14], $0x2800  }
0x5a: {  	[sflag:s14] =	ssyncset.done $0x0  }
0x5b: {  	[sflag:s14] =	ssyncadd.s32 $0xFFFFD800  }
0x5c: {  	_ =	sfence.sel $0x180000  }
0x5d: {  	[bflag:$0x0] =	sbarrier.arrive $0xFFFF  }
0x5e: {  	p0 =	sne.s32 s0, $0x0;
	_ =	strace $0x9000004A  }
0x5f: {  	s0 =	sadd.s32 @!p0 $0x100000, s1;
	[bflag:$0x2] =	sbarrier.arrive $0xFFFF  }
0x60: {  	[sflag:s0] =	ssyncadd.tile.s32 @!p0 $0x1;
	_ =	shalt  }
.Lfunc_end2:
_tile_overlayer_lowered:
.L_overlay_start_2:
0x61: {  	(tag) =	ssettag $0x2  }
0x62: {  	s0 =	rddreg [dreg:$0x0];
	s2 =	stileid.u32  }
0x63: {  	s1 =	rddreg [dreg:$0x1];
	p0 =	sne.s32 s2, $0x0  }
0x64: {  	s3 =	rddreg [dreg:$0x2];
	[bflag:$0x3] =	sbarrier.arrive $0xFFFF;
	s2 =	simm.s32 @!p0 $0x1C02  }
0x65: {  	[timem:s3], [sflag:s2] =	dma.local @!p0 [hbm:s0], s1  }
0x66: {  	s0 =	simm.s32 @!p0 $0x2  }
0x67: {  	_ =	swait.ge @!p0 [sflag:s0], s1  }
0x68: {  	s1 =	ssub.s32 @!p0 $0x0, s1;
	[sflag:s0] =	ssyncset.done @!p0 $0x0  }
0x69: {  	[sflag:s0] =	ssyncadd.s32 @!p0 s1  }
0x6a: {  	[bflag:$0x3] =	sbarrier.arrive $0xFFFF  }
0x6b: {  	_ =	shalt  }

// kernel: kernel.16.cloned.1.call-start
scs
__scs_entry_jumppad:
0x0: {  	(pc) =	sbr.rel $0x88, $3  }
0x1: {  	(tag) =	ssettag $0x0;
	lr =	simm.s32 $0x1  }
0x2: {  	[smem:$0x3F9A] =	sst lr;
	_ =	strace $0xD0000000  }
0x3: {  	_ = 	snop  }
0x4: {  	_ = 	snop  }
0x5: {  	_ = 	snop  }
0x6: {  	_ = 	snop  }
0x7: {  	_ = 	snop  }
__scs_overlays_trampoline_lowered:
0x8: {  	[smem:$0x3FA9] =	sst s0  }
0x9: {  	[smem:$0x3FAA] =	sst s1  }
0xa: {  	[smem:$0x3FAB] =	sst s2  }
0xb: {  	[smem:$0x3FAC] =	sst s3  }
0xc: {  	[smem:$0x3FAD] =	sst s4  }
0xd: {  	[smem:$0x3FAE] =	sst s5  }
0xe: {  	[smem:$0x3FAF] =	sst s6  }
0xf: {  	[smem:$0x3FB0] =	sst s7  }
0x10: {  	[smem:$0x3FB1] =	sst s8  }
0x11: {  	[smem:$0x3FB2] =	sst s9;
	s0 =	simm.s32 @!p0 $0x0  }
0x12: {  	s1 =	sld [smem:$0x3F98];
	s0 =	simm.s32 @p0 $0x1  }
0x13: {  	[smem:$0x3FB3] =	sst s0;
	s0 =	simm.s32 @!p1 $0x0  }
0x14: {  	s2 =	sld [smem:$0x3F97];
	s0 =	simm.s32 @p1 $0x1  }
0x15: {  	[smem:$0x3FB4] =	sst s0;
	s0 =	simm.s32 @!p2 $0x0  }
0x16: {  	s3 =	sld [smem:$0x3FDB];
	s0 =	simm.s32 @p2 $0x1  }
0x17: {  	s4 =	simm.s32 $0x1BF5;
	[smem:$0x3FB6] =	sst s0  }
0x18: {  	s0 =	sld [smem:$0x3F99];
	_ =	swait.ge [sflag:s4], $0x0  }
0x19: {  	s7 =	sld [smem:$0x3F9A]  }
0x1a: {  	s8 =	sadd.s32 $0xFFFFE003, lr  }
0x1b: {  	s9 =	sadd.s32 $0xFFFFFEF7, lr;
	s5 =	simm.s32 $0xFFFFFFFF;
	p2 =	slt.u32 s8, $0xFFFFF086  }
0x1c: {  	p1 =	slt.u32 s9, $0xF7A;
	s5 =	simm.s32 @!p2 $0x0  }
0x1d: {  	s5 =	simm.s32 @p1 $0x1;
	p0 =	seq.s32 s7, s2  }
0x1e: {  	s7 =	smul.u32 @!p0 $0xF7A, s2;
	p2 =	seq.s32 @!p0 s5, $0x0  }
0x1f: {  	s9 =	smul.u32 $0xF7A, s1;
	s8 =	simm.s32 @!p0 $0x1BF5;
	p2 =	por !p2, p0  }
0x20: {  	[sflag:s8] =	ssyncset.s32 @!p0 $0xFFFFF086;
	s6 =	sadd.s32 @!p0 s3, s7;
	s7 =	simm.s32 @!p0 $0x108  }
0x21: {  	s3 =	sadd.s32 s3, s9;
	s6 =	sadd.s32 @!p0 $0x88, s6;
	s7 =	simm.s32 @p2 $0x1082  }
0x22: {  	[simem:s7], [sflag:s8] =	dma.local @!p0 [hbm:s6], $0xF7A  }
0x23: {  	s9 =	sor.u32 $0xD0000000, s2;
	s6 =	simm.s32 $0x108;
	_ =	swait.ge @!p0 [sflag:s8], $0x0  }
0x24: {  	s3 =	sadd.s32 $0x88, s3;
	s6 =	simm.s32 @!p1 $0x1082;
	[sflag:s4] =	ssyncset.s32 $0xFFFFF086  }
0x25: {  	[simem:s6], [sflag:s4] =	dma.local [hbm:s3], $0xF7A  }
0x26: {  	[smem:$0x3F9A] =	sst s1;
	(tag) =	ssettag s2;
	_ =	strace s9  }
0x27: {  	s1 =	sld [smem:$0x3FAA]  }
0x28: {  	s2 =	sld [smem:$0x3FAB]  }
0x29: {  	s4 =	sld [smem:$0x3FAD]  }
0x2a: {  	p0 =	seq.s32 s5, $0x0;
	s5 =	sld [smem:$0x3FAE]  }
0x2b: {  	s6 =	sld [smem:$0x3FAF]  }
0x2c: {  	s7 =	sld [smem:$0x3FB0]  }
0x2d: {  	s3 =	simm.s32 $0x108;
	s8 =	sld [smem:$0x3FB1]  }
0x2e: {  	s3 =	simm.s32 @!p0 $0x1082;
	s9 =	sld [smem:$0x3FB2]  }
0x2f: {  	lr =	sadd.s32 s0, s3;
	s0 =	sld [smem:$0x3FA9]  }
0x30: {  	s3 =	sld [smem:$0x3FAC]  }
0x31: {  	[smem:$0x3FB5] =	sst s10  }
0x32: {  	s10 =	sld [smem:$0x3FB3];
	_ =	sdelay $0x3  }
0x33: {  	p0 =	seq.s32 s10, $0x1;
	s10 =	sld [smem:$0x3FB5];
	_ =	sdelay $0x3  }
0x34: {  	[smem:$0x3FB5] =	sst s10  }
0x35: {  	s10 =	sld [smem:$0x3FB4];
	_ =	sdelay $0x3  }
0x36: {  	p1 =	seq.s32 s10, $0x1;
	s10 =	sld [smem:$0x3FB5];
	_ =	sdelay $0x3  }
0x37: {  	[smem:$0x3FB5] =	sst s10  }
0x38: {  	s10 =	sld [smem:$0x3FB6]  }
0x39: {  	_ = 	snop;
	(pc) =	sbr.ind lr, $3  }
0x3a: {  	_ = 	snop  }
0x3b: {  	_ = 	snop  }
0x3c: {  	p2 =	seq.s32 s10, $0x1;
	s10 =	sld [smem:$0x3FB5]  }
0x3d: {  	_ =	shalt  }
0x3e: {  	_ =	shalt  }
0x3f: {  	_ =	shalt  }
0x40: {  	_ =	shalt  }
0x41: {  	_ =	shalt  }
0x42: {  	_ =	shalt  }
0x43: {  	_ =	shalt  }
0x44: {  	_ =	shalt  }
0x45: {  	_ =	shalt  }
0x46: {  	_ =	shalt  }
0x47: {  	_ =	shalt  }
0x48: {  	_ =	shalt  }
0x49: {  	_ =	shalt  }
0x4a: {  	_ =	shalt  }
0x4b: {  	_ =	shalt  }
0x4c: {  	_ =	shalt  }
0x4d: {  	_ =	shalt  }
0x4e: {  	_ =	shalt  }
0x4f: {  	_ =	shalt  }
0x50: {  	_ =	shalt  }
0x51: {  	_ =	shalt  }
0x52: {  	_ =	shalt  }
0x53: {  	_ =	shalt  }
0x54: {  	_ =	shalt  }
0x55: {  	_ =	shalt  }
0x56: {  	_ =	shalt  }
0x57: {  	_ =	shalt  }
0x58: {  	_ =	shalt  }
0x59: {  	_ =	shalt  }
0x5a: {  	_ =	shalt  }
0x5b: {  	_ =	shalt  }
0x5c: {  	_ =	shalt  }
0x5d: {  	_ =	shalt  }
0x5e: {  	_ =	shalt  }
0x5f: {  	_ =	shalt  }
0x60: {  	_ =	shalt  }
0x61: {  	_ =	shalt  }
0x62: {  	_ =	shalt  }
0x63: {  	_ =	shalt  }
0x64: {  	_ =	shalt  }
0x65: {  	_ =	shalt  }
0x66: {  	_ =	shalt  }
0x67: {  	_ =	shalt  }
0x68: {  	_ =	shalt  }
0x69: {  	_ =	shalt  }
0x6a: {  	_ =	shalt  }
0x6b: {  	_ =	shalt  }
0x6c: {  	_ =	shalt  }
0x6d: {  	_ =	shalt  }
0x6e: {  	_ =	shalt  }
0x6f: {  	_ =	shalt  }
0x70: {  	_ =	shalt  }
0x71: {  	_ =	shalt  }
0x72: {  	_ =	shalt  }
0x73: {  	_ =	shalt  }
0x74: {  	_ =	shalt  }
0x75: {  	_ =	shalt  }
0x76: {  	_ =	shalt  }
0x77: {  	_ =	shalt  }
0x78: {  	_ =	shalt  }
0x79: {  	_ =	shalt  }
0x7a: {  	_ =	shalt  }
0x7b: {  	_ =	shalt  }
0x7c: {  	_ =	shalt  }
0x7d: {  	_ =	shalt  }
0x7e: {  	_ =	shalt  }
0x7f: {  	_ =	shalt  }
0x80: {  	_ =	shalt  }
0x81: {  	_ =	shalt  }
0x82: {  	_ =	shalt  }
0x83: {  	_ =	shalt  }
0x84: {  	_ =	shalt  }
0x85: {  	_ =	shalt  }
0x86: {  	_ =	shalt  }
0x87: {  	_ =	shalt  }
.Lfunc_end0:
.L_simem_size_0:
called_computation.2_lowered:
.L_overlay_start_0:
0x88: {  	s2 =	sld [smem:$0x3FD9]  }
0x89: {  	s3 =	sld [smem:$0x3FFE];
	_ =	sdelay $0x1  }
0x8a: {  	s1 =	srdreg.scid  }
0x8b: {  	s0 =	sand.u32 $0x1, s1  }
0x8c: {  	s17 =	sshll.u32 s0, $0xA;
	s2 =	sadd.s32 s3, s2  }
0x8d: {  	s2 =	sadd.s32 s2, s17  }
0x8e: {  	[smem:$0x3FC1] =	sst s2  }
0x8f: {  	_ = 	snop  }
0x90: {  	s2 =	sld [smem:$0x3FD0];
	(tm) =	ssettm $0x1  }
0x91: {  	s18 =	sld [smem:$0x3FFB];
	_ =	sdelay $0x3  }
0x92: {  	_ =	strace s18  }
0x93: {  	s3 =	sld [smem:$0x3FFC];
	_ =	sdelay $0x3  }
0x94: {  	_ =	strace s3  }
0x95: {  	s3 =	sld [smem:$0x3FFD];
	_ =	sdelay $0x3  }
0x96: {  	_ =	strace s3  }
0x97: {  	_ =	strace $0x8FFFFFFF  }
0x98: {  	s19 =	sld [smem:$0x3FDB];
	_ =	sdelay $0x1  }
0x99: {  	s4 =	simm.s32 $_scs_section_size  }
0x9a: {  	s5 =	simm.s32 $_size__tile_overlayer_lowered;
	s6 =	simm.s32 $_tile_overlayer_lowered  }
0x9b: {  	s22 =	simm.s32 $0x1BFF;
	s21 =	sshll.u32 s6, $0x1;
	s3 =	sadd.s32 s4, s19  }
0x9c: {  	s7 =	simm.s32 $0x0;
	s20 =	sshll.u32 s5, $0x1;
	s5 =	sadd.s32 s21, s3  }
0x9d: {  	[timem:s7], [sflag:s22] =	dma.local [hbm:s5], s20  }
0x9e: {  	_ =	swait.ge [sflag:s22], s20  }
0x9f: {  	s4 =	ssub.s32 $0x0, s20;
	[sflag:s22] =	ssyncset.done $0x0  }
0xa0: {  	[sflag:s22] =	ssyncadd.s32 s4;
	_ =	sdelay $0x1  }
0xa1: {  	s23 =	simm.s32 $0x1B8B  }
0xa2: {  	_ =	swait.ge [sflag:s23], $0x1  }
0xa3: {  	[sflag:s23] =	ssyncset.done $0x0  }
0xa4: {  	s25 =	simm.s32 $0x1B8E;
	s24 =	sld [smem:$0x3FFE];
	[sflag:s23] =	ssyncadd.s32 $0xFFFFFFFF  }
0xa5: {  	s26 =	simm.s32 $execute0_lowered;
	[smem:$0x3FD2] =	sst s25  }
0xa6: {  	s5 =	sshll.u32 s26, $0x1;
	_ =	strace $0x8000004C;
	[dreg:$0x1] =	wrdreg $0xFFFFFFFF  }
0xa7: {  	s28 =	simm.s32 $_size_execute0_lowered;
	s3 =	sadd.s32 s3, s5;
	[dreg:$0x0] =	wrdreg $0x0  }
0xa8: {  	s5 =	sshll.u32 s28, $0x1;
	[dreg:$0x2] =	wrdreg s3  }
0xa9: {  	[dreg:$0x3] =	wrdreg s5  }
0xaa: {  	[dreg:$0x4] =	wrdreg $0xC0  }
0xab: {  	_ =	task [dreg:s7], $0x5FFFF  }
0xac: {  	[dreg:$0x1] =	wrdreg $0xFFFFFFFF  }
0xad: {  	[dreg:$0x0] =	wrdreg $0x60  }
0xae: {  	[dreg:$0x2] =	wrdreg s2  }
0xaf: {  	[dreg:$0x3] =	wrdreg s24  }
0xb0: {  	[dreg:$0x4] =	wrdreg $0x90000  }
0xb1: {  	[dreg:$0x5] =	wrdreg $0x9  }
0xb2: {  	_ =	task.clear_ibuf [dreg:s7], $0x6FFFF;
	_ =	strace $0x9000004C  }
0xb3: {  	s29 =	simm.s32 $0x9;
	_ =	strace $0x8000004E  }
0xb4: {  	_ =	swait.ge [sflag:s29], $0x1  }
0xb5: {  	[sflag:s29] =	ssyncadd.s32 $0xFFFFFFFF  }
0xb6: {  	_ =	strace $0x9000004E  }
0xb7: {  	_ =	sfence  }
0xb8: {  	s30 =	sld [smem:$0x0];
	_ =	sdelay $0x2  }
0xb9: {  	s31 =	sshll.u32 s1, $0xD;
	s1 =	sshrl.u32 s1, $0x2  }
0xba: {  	s3 =	sand.u32 $0x4000, s31;
	s1 =	sadd.s32 s1, s30  }
0xbb: {  	s0 =	sor.u32 s3, s0;
	s1 =	sshll.u32 s1, $0x11  }
0xbc: {  	s0 =	sor.u32 s1, s0  }
0xbd: {  	s0 =	sadd.s32 $0x8F2B, s0  }
0xbe: {  	[sflag:s0] =	ssyncadd.remote.s32 $0x1  }
0xbf: {  	_ =	sfence.sel $0xFFFF  }
0xc0: {  	[dreg:$0x0] =	wrdreg $0xFFFFFFFF;
	(pc) =	sbr.abs _section_cstart, $3  }
0xc1: {  	[dreg:$0x1] =	wrdreg $0xFFFFFFFF  }
0xc2: {  	_ =	task.clear_ibuf [dreg:s7], $0x2FFFF;
	_ =	strace $0x9FFFFFFF  }
0xc3: {  	(tm) =	ssettm $0x7FFFFFFF  }
tec
execute0_lowered:
.L_overlay_start_1:
0x0: {  	(tag) =	ssettag $0x1  }
0x1: {  	s5 =	rddreg [dreg:$0x0]  }
0x2: {  	s6 =	rddreg [dreg:$0x1]  }
0x3: {  	s0 =	srdreg.scid;
	s2 =	rddreg [dreg:$0x2]  }
0x4: {  	s3 =	simm.s32 $0x0;
	s15 =	simm.s32 $0x2800;
	s16 =	simm.s32 $0x5000  }
0x5: {  	s17 =	simm.s32 $0x80;
	s18 =	simm.s32 $0x1;
	s4 =	sand.u32 $0x1, s0  }
0x6: {  	s21 =	simm.s32 $0x0;
	s0 =	stileid.u32;
	s8 =	smul.u32 $0x140000, s4  }
0x7: {  	[smem:$0x7FF] =	sst s3;
	s1 =	sshll.u32 s4, $0x4;
	s9 =	smul.u32 $0x14000, s0  }
0x8: {  	s30 =	ssub.s32 $0x2, s4;
	s11 =	smul.u32 $0x50000, s0;
	s4 =	sadd.s32 $0x5C800, s6  }
0x9: {  	s19 =	sshll.u32 s0, $0x6;
	s1 =	sor.u32 s0, s1;
	s12 =	sshrl.u32 s30, $0x1  }
0xa: {  	s19 =	sor.u32 $0x1C02, s19;
	s7 =	smul.u32 $0x500, s1;
	s1 =	rddreg [dreg:$0x3]  }
0xb: {  	_ =	strace $0x8000004D;
	s8 =	sadd.s32 s9, s8;
	s14 =	ssub.s32 s30, s12  }
0xc: {  	s31 =	sshrl.u32 s11, $0x2;
	s8 =	sshrl.u32 s8, $0x3;
	s10 =	sadd.s32 s7, s6  }
0xd: {  	s13 =	sadd.s32 s8, s6;
	s5 =	sadd.s32 s5, s7;
	s7 =	sadd.s32 s31, s2  }
0xe: {  	s6 =	sadd.s32 $0x2800, s10;
	s8 =	sadd.s32 $0x4000, s7;
	s9 =	sadd.s32 $0x8000, s7  }
0xf: {  	s10 =	sadd.s32 $0xC000, s7;
	s11 =	sadd.s32 $0x10000, s7;
	s12 =	sadd.s32 $0x84800, s13  }
0x10: {  	v0 =	vimm.f32 $0.0e+00;
	s13 =	smax.u32 s14, $0x1;
	s14 =	simm.s32 $0x2;
	s20 =	sshrl.u32 s7, $0x3  }
.LBB2_1:
0x11: {  	[tilespmem:s3], [sflag:$0x2] =	stream.linear.gather [hbm4b:s5+s3], $0x2780, $0x38;
	[tilespmem:$0x1D000] =	vst v63  }
0x12: {  	_ =	swait.ge [sflag:s14], $0x2780  }
0x13: {  	[sflag:s14] =	ssyncset.done $0x0  }
0x14: {  	[sflag:s14] =	ssyncadd.s32 $0xFFFFD880  }
0x15: {  	[tilespmem:s15], [sflag:$0x2] =	stream.linear.gather [hbm4b:s6+s3], $0x2780, $0x38;
	[tilespmem:$0x1D000] =	vst v63  }
0x16: {  	_ =	swait.ge [sflag:s14], $0x2780  }
0x17: {  	[sflag:s14] =	ssyncset.done $0x0  }
0x18: {  	s22 =	simm.s32 $0x0;
	s23 =	simm.s32 $0x200;
	[sflag:s14] =	ssyncadd.s32 $0xFFFFD880  }
.LBB2_2:
0x19: {  	p0 =	sne.s32 s23, $0xFE00;
	[tilespmem:s22+$0x5070] =	vst v0  }
0x1a: {  	[tilespmem:s22+$0x5000] =	vst v0  }
0x1b: {  	[tilespmem:s22+$0x5010] =	vst v0  }
.Ltmp0:
0x1c: {  	[tilespmem:s22+$0x5020] =	vst v0;
	(pc) =	sbr.rel @p0 .LBB2_2-.Ltmp0, $4  }
0x1d: {  	[tilespmem:s22+$0x5030] =	vst v0  }
0x1e: {  	[tilespmem:s22+$0x5040] =	vst v0  }
0x1f: {  	[tilespmem:s22+$0x5050] =	vst v0  }
0x20: {  	[tilespmem:s22+$0x5060] =	vst v0;
	s22 =	sshra.s32 s23, $0x2;
	s23 =	sadd.s32 $0x200, s23  }
0x21: {  	[tilespmem:s22+$0x5070] =	vst v0  }
0x22: {  	[tilespmem:s22+$0x5000] =	vst v0  }
0x23: {  	[tilespmem:s22+$0x5010] =	vst v0  }
0x24: {  	[tilespmem:s22+$0x5020] =	vst v0  }
0x25: {  	[tilespmem:s22+$0x5030] =	vst v0  }
0x26: {  	[tilespmem:s22+$0x5040] =	vst v0  }
0x27: {  	[tilespmem:s22+$0x5050] =	vst v0  }
0x28: {  	[tilespmem:s22+$0x5060] =	vst v0  }
0x29: {  	[spmem:s7] =	stream.linear.scatter [tilespmem:s16], [sflag:$0x2], $0x4000, $0x38;
	[tilespmem:$0x1D000] =	vst v63  }
0x2a: {  	_ =	swait.ge [sflag:s14], $0x4000  }
0x2b: {  	[sflag:s14] =	ssyncset.done $0x0  }
0x2c: {  	[sflag:s14] =	ssyncadd.s32 $0xFFFFC000  }
0x2d: {  	[spmem:s8] =	stream.linear.scatter [tilespmem:s16], [sflag:$0x2], $0x4000, $0x38;
	[tilespmem:$0x1D000] =	vst v63  }
0x2e: {  	_ =	swait.ge [sflag:s14], $0x4000  }
0x2f: {  	[sflag:s14] =	ssyncset.done $0x0  }
0x30: {  	[sflag:s14] =	ssyncadd.s32 $0xFFFFC000  }
0x31: {  	[spmem:s9] =	stream.linear.scatter [tilespmem:s16], [sflag:$0x2], $0x4000, $0x38;
	[tilespmem:$0x1D000] =	vst v63  }
0x32: {  	_ =	swait.ge [sflag:s14], $0x4000  }
0x33: {  	[sflag:s14] =	ssyncset.done $0x0  }
0x34: {  	[sflag:s14] =	ssyncadd.s32 $0xFFFFC000  }
0x35: {  	[spmem:s10] =	stream.linear.scatter [tilespmem:s16], [sflag:$0x2], $0x4000, $0x38;
	[tilespmem:$0x1D000] =	vst v63  }
0x36: {  	_ =	swait.ge [sflag:s14], $0x4000  }
0x37: {  	[sflag:s14] =	ssyncset.done $0x0  }
0x38: {  	[sflag:s14] =	ssyncadd.s32 $0xFFFFC000  }
0x39: {  	[spmem:s11] =	stream.linear.scatter [tilespmem:s16], [sflag:$0x2], $0x4000, $0x38;
	[tilespmem:$0x1D000] =	vst v63  }
0x3a: {  	_ =	swait.ge [sflag:s14], $0x4000  }
0x3b: {  	[sflag:s14] =	ssyncset.done $0x0  }
0x3c: {  	[sflag:s14] =	ssyncadd.s32 $0xFFFFC000  }
0x3d: {  	s30 =	simm.s32 $0x0;
	[bflag:$0x0] =	sbarrier.arrive $0xFFFF  }
0x3e: {  	[tilespmem:s16], [sflag:$0x1] =	stream.indirect.gather [hbm4b:s4+s17], $0x80, s30, s17, $0xb8;
	[tilespmem:$0x1D000] =	vst v63  }
0x3f: {  	_ =	swait.ge [sflag:s18], $0x4000  }
0x40: {  	[sflag:s18] =	ssyncset.done $0x0  }
0x41: {  	s31 =	simm.s32 $0x2800;
	[sflag:s18] =	ssyncadd.s32 $0xFFFFC000  }
0x42: {  	[spmem:s2] =	stream.indirect.scatter.add.f32 [tilespmem:s16], [sflag:$0x2], $0x80, s31, s17, $0xb8;
	[tilespmem:$0x1D000] =	vst v63  }
0x43: {  	_ =	swait.ge [sflag:s14], $0x4000  }
0x44: {  	s22 =	simm.s32 $0x200;
	s23 =	simm.s32 $0x400;
	[sflag:s14] =	ssyncset.done $0x0  }
.LBB2_4:
0x45: {  	s24 =	sshra.s32 s22, $0x2  }
0x46: {  	[sflag:s14] =	ssyncadd.s32 $0xFFFFC000;
	s22 =	smov.u32 s23;
	s25 =	sadd.s32 $0x200, s23  }
0x47: {  	[tilespmem:s16], [sflag:$0x1] =	stream.indirect.gather [hbm4b:s4+s17], $0x80, s24, s17, $0xb8;
	[tilespmem:$0x1D000] =	vst v63  }
0x48: {  	p0 =	sne.s32 s23, $0x9C00;
	_ =	swait.ge [sflag:s18], $0x4000  }
.Ltmp1:
0x49: {  	[sflag:s18] =	ssyncset.done $0x0;
	(pc) =	sbr.rel @p0 .LBB2_4-.Ltmp1, $4  }
0x4a: {  	s23 =	sadd.s32 $0x2800, s24;
	[sflag:s18] =	ssyncadd.s32 $0xFFFFC000  }
0x4b: {  	[spmem:s2] =	stream.indirect.scatter.add.f32 [tilespmem:s16], [sflag:$0x2], $0x80, s23, s17, $0xb8;
	[tilespmem:$0x1D000] =	vst v63  }
0x4c: {  	_ =	swait.ge [sflag:s14], $0x4000  }
0x4d: {  	s23 =	smov.u32 s25;
	[sflag:s14] =	ssyncset.done $0x0  }
0x4e: {  	s22 =	sshra.s32 s22, $0x2;
	[sflag:s14] =	ssyncadd.s32 $0xFFFFC000  }
0x4f: {  	[tilespmem:s16], [sflag:$0x1] =	stream.indirect.gather [hbm4b:s4+s17], $0x80, s22, s17, $0xb8;
	[tilespmem:$0x1D000] =	vst v63  }
0x50: {  	_ =	swait.ge [sflag:s18], $0x4000  }
0x51: {  	[sflag:s18] =	ssyncset.done $0x0  }
0x52: {  	s22 =	sadd.s32 $0x2800, s22;
	[sflag:s18] =	ssyncadd.s32 $0xFFFFC000  }
0x53: {  	[spmem:s2] =	stream.indirect.scatter.add.f32 [tilespmem:s16], [sflag:$0x2], $0x80, s22, s17, $0xb8;
	[tilespmem:$0x1D000] =	vst v63  }
0x54: {  	_ =	swait.ge [sflag:s14], $0x4000  }
0x55: {  	s21 =	sadd.s32 $0x1, s21;
	[sflag:s14] =	ssyncset.done $0x0  }
0x56: {  	p0 =	sne.s32 s21, s13;
	[sflag:s14] =	ssyncadd.s32 $0xFFFFC000  }
.Ltmp2:
0x57: {  	[bflag:$0x0] =	sbarrier.arrive $0xFFFF;
	(pc) =	sbr.rel @p0 .LBB2_1-.Ltmp2, $4  }
0x58: {  	[hbm:s12], [sflag:s19] =	dma.local [spmem:s20], $0x2800  }
0x59: {  	_ =	swait.ge [sflag:s14], $0x2800  }
0x5a: {  	[sflag:s14] =	ssyncset.done $0x0  }
0x5b: {  	[sflag:s14] =	ssyncadd.s32 $0xFFFFD800  }
0x5c: {  	_ =	sfence.sel $0x180000  }
0x5d: {  	[bflag:$0x0] =	sbarrier.arrive $0xFFFF  }
0x5e: {  	p0 =	sne.s32 s0, $0x0;
	_ =	strace $0x9000004D  }
0x5f: {  	s0 =	sadd.s32 @!p0 $0x100000, s1;
	[bflag:$0x2] =	sbarrier.arrive $0xFFFF  }
0x60: {  	[sflag:s0] =	ssyncadd.tile.s32 @!p0 $0x1;
	_ =	shalt  }
.Lfunc_end2:
_tile_overlayer_lowered:
.L_overlay_start_2:
0x61: {  	(tag) =	ssettag $0x2  }
0x62: {  	s0 =	rddreg [dreg:$0x0];
	s2 =	stileid.u32  }
0x63: {  	s1 =	rddreg [dreg:$0x1];
	p0 =	sne.s32 s2, $0x0  }
0x64: {  	s3 =	rddreg [dreg:$0x2];
	[bflag:$0x3] =	sbarrier.arrive $0xFFFF;
	s2 =	simm.s32 @!p0 $0x1C02  }
0x65: {  	[timem:s3], [sflag:s2] =	dma.local @!p0 [hbm:s0], s1  }
0x66: {  	s0 =	simm.s32 @!p0 $0x2  }
0x67: {  	_ =	swait.ge @!p0 [sflag:s0], s1  }
0x68: {  	s1 =	ssub.s32 @!p0 $0x0, s1;
	[sflag:s0] =	ssyncset.done @!p0 $0x0  }
0x69: {  	[sflag:s0] =	ssyncadd.s32 @!p0 s1  }
0x6a: {  	[bflag:$0x3] =	sbarrier.arrive $0xFFFF  }
0x6b: {  	_ =	shalt  }

// kernel: kernel.19.cloned.1.call-start
scs
__scs_entry_jumppad:
0x0: {  	(pc) =	sbr.rel $0x88, $3  }
0x1: {  	(tag) =	ssettag $0x0;
	lr =	simm.s32 $0x1  }
0x2: {  	[smem:$0x3F9A] =	sst lr;
	_ =	strace $0xD0000000  }
0x3: {  	_ = 	snop  }
0x4: {  	_ = 	snop  }
0x5: {  	_ = 	snop  }
0x6: {  	_ = 	snop  }
0x7: {  	_ = 	snop  }
__scs_overlays_trampoline_lowered:
0x8: {  	[smem:$0x3FA9] =	sst s0  }
0x9: {  	[smem:$0x3FAA] =	sst s1  }
0xa: {  	[smem:$0x3FAB] =	sst s2  }
0xb: {  	[smem:$0x3FAC] =	sst s3  }
0xc: {  	[smem:$0x3FAD] =	sst s4  }
0xd: {  	[smem:$0x3FAE] =	sst s5  }
0xe: {  	[smem:$0x3FAF] =	sst s6  }
0xf: {  	[smem:$0x3FB0] =	sst s7  }
0x10: {  	[smem:$0x3FB1] =	sst s8  }
0x11: {  	[smem:$0x3FB2] =	sst s9;
	s0 =	simm.s32 @!p0 $0x0  }
0x12: {  	s1 =	sld [smem:$0x3F98];
	s0 =	simm.s32 @p0 $0x1  }
0x13: {  	[smem:$0x3FB3] =	sst s0;
	s0 =	simm.s32 @!p1 $0x0  }
0x14: {  	s2 =	sld [smem:$0x3F97];
	s0 =	simm.s32 @p1 $0x1  }
0x15: {  	[smem:$0x3FB4] =	sst s0;
	s0 =	simm.s32 @!p2 $0x0  }
0x16: {  	s3 =	sld [smem:$0x3FDB];
	s0 =	simm.s32 @p2 $0x1  }
0x17: {  	s4 =	simm.s32 $0x1BF5;
	[smem:$0x3FB6] =	sst s0  }
0x18: {  	s0 =	sld [smem:$0x3F99];
	_ =	swait.ge [sflag:s4], $0x0  }
0x19: {  	s7 =	sld [smem:$0x3F9A]  }
0x1a: {  	s8 =	sadd.s32 $0xFFFFE003, lr  }
0x1b: {  	s9 =	sadd.s32 $0xFFFFFEF7, lr;
	s5 =	simm.s32 $0xFFFFFFFF;
	p2 =	slt.u32 s8, $0xFFFFF086  }
0x1c: {  	p1 =	slt.u32 s9, $0xF7A;
	s5 =	simm.s32 @!p2 $0x0  }
0x1d: {  	s5 =	simm.s32 @p1 $0x1;
	p0 =	seq.s32 s7, s2  }
0x1e: {  	s7 =	smul.u32 @!p0 $0xF7A, s2;
	p2 =	seq.s32 @!p0 s5, $0x0  }
0x1f: {  	s9 =	smul.u32 $0xF7A, s1;
	s8 =	simm.s32 @!p0 $0x1BF5;
	p2 =	por !p2, p0  }
0x20: {  	[sflag:s8] =	ssyncset.s32 @!p0 $0xFFFFF086;
	s6 =	sadd.s32 @!p0 s3, s7;
	s7 =	simm.s32 @!p0 $0x108  }
0x21: {  	s3 =	sadd.s32 s3, s9;
	s6 =	sadd.s32 @!p0 $0x88, s6;
	s7 =	simm.s32 @p2 $0x1082  }
0x22: {  	[simem:s7], [sflag:s8] =	dma.local @!p0 [hbm:s6], $0xF7A  }
0x23: {  	s9 =	sor.u32 $0xD0000000, s2;
	s6 =	simm.s32 $0x108;
	_ =	swait.ge @!p0 [sflag:s8], $0x0  }
0x24: {  	s3 =	sadd.s32 $0x88, s3;
	s6 =	simm.s32 @!p1 $0x1082;
	[sflag:s4] =	ssyncset.s32 $0xFFFFF086  }
0x25: {  	[simem:s6], [sflag:s4] =	dma.local [hbm:s3], $0xF7A  }
0x26: {  	[smem:$0x3F9A] =	sst s1;
	(tag) =	ssettag s2;
	_ =	strace s9  }
0x27: {  	s1 =	sld [smem:$0x3FAA]  }
0x28: {  	s2 =	sld [smem:$0x3FAB]  }
0x29: {  	s4 =	sld [smem:$0x3FAD]  }
0x2a: {  	p0 =	seq.s32 s5, $0x0;
	s5 =	sld [smem:$0x3FAE]  }
0x2b: {  	s6 =	sld [smem:$0x3FAF]  }
0x2c: {  	s7 =	sld [smem:$0x3FB0]  }
0x2d: {  	s3 =	simm.s32 $0x108;
	s8 =	sld [smem:$0x3FB1]  }
0x2e: {  	s3 =	simm.s32 @!p0 $0x1082;
	s9 =	sld [smem:$0x3FB2]  }
0x2f: {  	lr =	sadd.s32 s0, s3;
	s0 =	sld [smem:$0x3FA9]  }
0x30: {  	s3 =	sld [smem:$0x3FAC]  }
0x31: {  	[smem:$0x3FB5] =	sst s10  }
0x32: {  	s10 =	sld [smem:$0x3FB3];
	_ =	sdelay $0x3  }
0x33: {  	p0 =	seq.s32 s10, $0x1;
	s10 =	sld [smem:$0x3FB5];
	_ =	sdelay $0x3  }
0x34: {  	[smem:$0x3FB5] =	sst s10  }
0x35: {  	s10 =	sld [smem:$0x3FB4];
	_ =	sdelay $0x3  }
0x36: {  	p1 =	seq.s32 s10, $0x1;
	s10 =	sld [smem:$0x3FB5];
	_ =	sdelay $0x3  }
0x37: {  	[smem:$0x3FB5] =	sst s10  }
0x38: {  	s10 =	sld [smem:$0x3FB6]  }
0x39: {  	_ = 	snop;
	(pc) =	sbr.ind lr, $3  }
0x3a: {  	_ = 	snop  }
0x3b: {  	_ = 	snop  }
0x3c: {  	p2 =	seq.s32 s10, $0x1;
	s10 =	sld [smem:$0x3FB5]  }
0x3d: {  	_ =	shalt  }
0x3e: {  	_ =	shalt  }
0x3f: {  	_ =	shalt  }
0x40: {  	_ =	shalt  }
0x41: {  	_ =	shalt  }
0x42: {  	_ =	shalt  }
0x43: {  	_ =	shalt  }
0x44: {  	_ =	shalt  }
0x45: {  	_ =	shalt  }
0x46: {  	_ =	shalt  }
0x47: {  	_ =	shalt  }
0x48: {  	_ =	shalt  }
0x49: {  	_ =	shalt  }
0x4a: {  	_ =	shalt  }
0x4b: {  	_ =	shalt  }
0x4c: {  	_ =	shalt  }
0x4d: {  	_ =	shalt  }
0x4e: {  	_ =	shalt  }
0x4f: {  	_ =	shalt  }
0x50: {  	_ =	shalt  }
0x51: {  	_ =	shalt  }
0x52: {  	_ =	shalt  }
0x53: {  	_ =	shalt  }
0x54: {  	_ =	shalt  }
0x55: {  	_ =	shalt  }
0x56: {  	_ =	shalt  }
0x57: {  	_ =	shalt  }
0x58: {  	_ =	shalt  }
0x59: {  	_ =	shalt  }
0x5a: {  	_ =	shalt  }
0x5b: {  	_ =	shalt  }
0x5c: {  	_ =	shalt  }
0x5d: {  	_ =	shalt  }
0x5e: {  	_ =	shalt  }
0x5f: {  	_ =	shalt  }
0x60: {  	_ =	shalt  }
0x61: {  	_ =	shalt  }
0x62: {  	_ =	shalt  }
0x63: {  	_ =	shalt  }
0x64: {  	_ =	shalt  }
0x65: {  	_ =	shalt  }
0x66: {  	_ =	shalt  }
0x67: {  	_ =	shalt  }
0x68: {  	_ =	shalt  }
0x69: {  	_ =	shalt  }
0x6a: {  	_ =	shalt  }
0x6b: {  	_ =	shalt  }
0x6c: {  	_ =	shalt  }
0x6d: {  	_ =	shalt  }
0x6e: {  	_ =	shalt  }
0x6f: {  	_ =	shalt  }
0x70: {  	_ =	shalt  }
0x71: {  	_ =	shalt  }
0x72: {  	_ =	shalt  }
0x73: {  	_ =	shalt  }
0x74: {  	_ =	shalt  }
0x75: {  	_ =	shalt  }
0x76: {  	_ =	shalt  }
0x77: {  	_ =	shalt  }
0x78: {  	_ =	shalt  }
0x79: {  	_ =	shalt  }
0x7a: {  	_ =	shalt  }
0x7b: {  	_ =	shalt  }
0x7c: {  	_ =	shalt  }
0x7d: {  	_ =	shalt  }
0x7e: {  	_ =	shalt  }
0x7f: {  	_ =	shalt  }
0x80: {  	_ =	shalt  }
0x81: {  	_ =	shalt  }
0x82: {  	_ =	shalt  }
0x83: {  	_ =	shalt  }
0x84: {  	_ =	shalt  }
0x85: {  	_ =	shalt  }
0x86: {  	_ =	shalt  }
0x87: {  	_ =	shalt  }
.Lfunc_end0:
.L_simem_size_0:
called_computation.3_lowered:
.L_overlay_start_0:
0x88: {  	s2 =	sld [smem:$0x3FD9]  }
0x89: {  	s3 =	sld [smem:$0x3FFE];
	_ =	sdelay $0x1  }
0x8a: {  	s1 =	srdreg.scid  }
0x8b: {  	s0 =	sand.u32 $0x1, s1  }
0x8c: {  	s16 =	sshll.u32 s0, $0xA;
	s2 =	sadd.s32 s3, s2  }
0x8d: {  	s2 =	sadd.s32 s2, s16  }
0x8e: {  	[smem:$0x3FC1] =	sst s2  }
0x8f: {  	_ = 	snop  }
0x90: {  	(tm) =	ssettm $0x1  }
0x91: {  	s17 =	sld [smem:$0x3FFB];
	_ =	sdelay $0x3  }
0x92: {  	_ =	strace s17  }
0x93: {  	s2 =	sld [smem:$0x3FFC];
	_ =	sdelay $0x3  }
0x94: {  	_ =	strace s2  }
0x95: {  	s2 =	sld [smem:$0x3FFD];
	_ =	sdelay $0x3  }
0x96: {  	_ =	strace s2  }
0x97: {  	_ =	strace $0x8FFFFFFF  }
0x98: {  	s18 =	sld [smem:$0x3FDB];
	_ =	sdelay $0x1  }
0x99: {  	s19 =	simm.s32 $_scs_section_size  }
0x9a: {  	s4 =	simm.s32 $_size__tile_overlayer_lowered;
	s5 =	simm.s32 $_tile_overlayer_lowered  }
0x9b: {  	s22 =	simm.s32 $0x1BFF;
	s21 =	sshll.u32 s5, $0x1;
	s2 =	sadd.s32 s19, s18  }
0x9c: {  	s6 =	simm.s32 $0x0;
	s20 =	sshll.u32 s4, $0x1;
	s4 =	sadd.s32 s21, s2  }
0x9d: {  	[timem:s6], [sflag:s22] =	dma.local [hbm:s4], s20  }
0x9e: {  	_ =	swait.ge [sflag:s22], s20  }
0x9f: {  	s3 =	ssub.s32 $0x0, s20;
	[sflag:s22] =	ssyncset.done $0x0  }
0xa0: {  	[sflag:s22] =	ssyncadd.s32 s3;
	_ =	sdelay $0x1  }
0xa1: {  	s23 =	simm.s32 $0x1B8B  }
0xa2: {  	_ =	swait.ge [sflag:s23], $0x1  }
0xa3: {  	[sflag:s23] =	ssyncset.done $0x0  }
0xa4: {  	s25 =	simm.s32 $0x1B8E;
	s24 =	sld [smem:$0x3FFE];
	[sflag:s23] =	ssyncadd.s32 $0xFFFFFFFF  }
0xa5: {  	s26 =	simm.s32 $execute0_lowered;
	[smem:$0x3FD2] =	sst s25  }
0xa6: {  	s4 =	sshll.u32 s26, $0x1;
	_ =	strace $0x8000004F;
	[dreg:$0x1] =	wrdreg $0xFFFFFFFF  }
0xa7: {  	s28 =	simm.s32 $_size_execute0_lowered;
	s2 =	sadd.s32 s2, s4;
	[dreg:$0x0] =	wrdreg $0x0  }
0xa8: {  	s4 =	sshll.u32 s28, $0x1;
	[dreg:$0x2] =	wrdreg s2  }
0xa9: {  	[dreg:$0x3] =	wrdreg s4  }
0xaa: {  	[dreg:$0x4] =	wrdreg $0xC0  }
0xab: {  	_ =	task [dreg:s6], $0x5FFFF  }
0xac: {  	[dreg:$0x1] =	wrdreg $0xFFFFFFFF  }
0xad: {  	[dreg:$0x0] =	wrdreg $0x60  }
0xae: {  	[dreg:$0x2] =	wrdreg s24  }
0xaf: {  	[dreg:$0x3] =	wrdreg $0x9  }
0xb0: {  	_ =	task.clear_ibuf [dreg:s6], $0x4FFFF;
	_ =	strace $0x9000004F  }
0xb1: {  	s29 =	simm.s32 $0x9;
	_ =	strace $0x80000051  }
0xb2: {  	_ =	swait.ge [sflag:s29], $0x1  }
0xb3: {  	[sflag:s29] =	ssyncadd.s32 $0xFFFFFFFF  }
0xb4: {  	_ =	strace $0x90000051  }
0xb5: {  	_ =	sfence  }
0xb6: {  	s30 =	sld [smem:$0x0];
	_ =	sdelay $0x2  }
0xb7: {  	s31 =	sshll.u32 s1, $0xD;
	s1 =	sshrl.u32 s1, $0x2  }
0xb8: {  	s3 =	sand.u32 $0x4000, s31;
	s1 =	sadd.s32 s1, s30  }
0xb9: {  	s0 =	sor.u32 s3, s0;
	s1 =	sshll.u32 s1, $0x11  }
0xba: {  	s0 =	sor.u32 s1, s0  }
0xbb: {  	s0 =	sadd.s32 $0x8F2B, s0  }
0xbc: {  	[sflag:s0] =	ssyncadd.remote.s32 $0x1  }
0xbd: {  	_ =	sfence.sel $0xFFFF  }
0xbe: {  	[dreg:$0x0] =	wrdreg $0xFFFFFFFF;
	(pc) =	sbr.abs _section_cstart, $3  }
0xbf: {  	[dreg:$0x1] =	wrdreg $0xFFFFFFFF  }
0xc0: {  	_ =	task.clear_ibuf [dreg:s6], $0x2FFFF;
	_ =	strace $0x9FFFFFFF  }
0xc1: {  	(tm) =	ssettm $0x7FFFFFFF  }
tec
execute0_lowered:
.L_overlay_start_1:
0x0: {  	(tag) =	ssettag $0x1  }
0x1: {  	s0 =	srdreg.scid  }
0x2: {  	s1 =	rddreg [dreg:$0x0];
	s4 =	stileid.u32  }
0x3: {  	s2 =	simm.s32 $0x0;
	s10 =	simm.s32 $0x7;
	s12 =	simm.s32 $0x80  }
0x4: {  	s13 =	simm.s32 $0xA000;
	s14 =	simm.s32 $0xE000;
	s15 =	simm.s32 $0x1  }
0x5: {  	s16 =	simm.s32 $0x2;
	s17 =	simm.s32 $0x12000;
	s18 =	simm.s32 $0x16000  }
0x6: {  	s19 =	simm.s32 $0x1A000;
	s20 =	simm.s32 $0x3;
	s21 =	simm.s32 $0x4  }
0x7: {  	s22 =	simm.s32 $0x1A800;
	s23 =	simm.s32 $0x5;
	s0 =	sand.u32 $0x1, s0  }
0x8: {  	s24 =	simm.s32 $0x6;
	s25 =	simm.s32 $0x0;
	s3 =	sshll.u32 s0, $0x4  }
0x9: {  	[smem:$0x7FF] =	sst s2;
	s0 =	ssub.s32 $0x2, s0;
	s7 =	sor.u32 s4, s3  }
0xa: {  	_ =	strace $0x80000050;
	s30 =	sshrl.u32 s0, $0x1;
	s8 =	smul.u32 $0x4E800, s7  }
0xb: {  	s4 =	sadd.s32 $0xFC800, s1;
	s3 =	smul.u32 $0xA00, s7;
	s0 =	ssub.s32 s0, s30  }
0xc: {  	s7 =	smul.u32 $0x9D, s7;
	s9 =	smax.u32 s0, $0x1;
	s31 =	sshrl.u32 s8, $0x3  }
0xd: {  	s6 =	sadd.s32 s3, s1;
	s3 =	sadd.s32 $0x2800, s1;
	s1 =	sadd.s32 s4, s31  }
0xe: {  	s5 =	sadd.s32 $0xE8800, s6;
	s6 =	sadd.s32 $0xD4800, s6;
	s8 =	sadd.s32 $0x9C00, s1  }
.LBB2_1:
0xf: {  	[tilespmem:s2], [sflag:$0x7] =	stream.linear.gather [hbm4b:s5+s2], $0x4E80, $0x38;
	[tilespmem:$0x1B000] =	vst v63  }
0x10: {  	_ =	swait.ge [sflag:s10], $0x4E80  }
0x11: {  	[sflag:s10] =	ssyncset.done $0x0  }
0x12: {  	s0 =	simm.s32 $0x5000;
	[sflag:s10] =	ssyncadd.s32 $0xFFFFB180  }
0x13: {  	[tilespmem:s0], [sflag:$0x7] =	stream.linear.gather [hbm4b:s6+s2], $0x4E80, $0x38;
	[tilespmem:$0x1B000] =	vst v63  }
0x14: {  	_ =	swait.ge [sflag:s10], $0x4E80  }
0x15: {  	[sflag:s10] =	ssyncset.done $0x0  }
0x16: {  	[sflag:s10] =	ssyncadd.s32 $0xFFFFB180  }
0x17: {  	[tilespmem:s13], [sflag:$0x1] =	stream.indirect.gather [hbm4b:s3+s12], $0x80, s2, s12, $0xb8;
	[tilespmem:$0x1B000] =	vst v63  }
0x18: {  	s26 =	simm.s32 $0x0  }
0x19: {  	[tilespmem:s14], [sflag:$0x2] =	stream.indirect.gather [hbm4b:s3+s12], $0x80, s0, s12, $0xb8;
	[tilespmem:$0x1B000] =	vst v63  }
.LBB2_2:
0x1a: {  	_ =	swait.ge [sflag:s15], $0x4000  }
0x1b: {  	[sflag:s15] =	ssyncset.done $0x0  }
0x1c: {  	[sflag:s15] =	ssyncadd.s32 $0xFFFFC000  }
0x1d: {  	_ =	swait.ge [sflag:s16], $0x4000  }
0x1e: {  	s28 =	sshllo.u32 s26, $0x1;
	[sflag:s16] =	ssyncset.done $0x0  }
0x1f: {  	s0 =	sshll.u32 s28, $0x7;
	[sflag:s16] =	ssyncadd.s32 $0xFFFFC000  }
0x20: {  	[tilespmem:s17], [sflag:$0x3] =	stream.indirect.gather [hbm4b:s3+s12], $0x80, s0, s12, $0xb8;
	[tilespmem:$0x1B000] =	vst v63  }
0x21: {  	p0 =	seq.s32 s26, $0x0;
	s0 =	sadd.s32 $0x5000, s0  }
0x22: {  	[tilespmem:s18], [sflag:$0x4] =	stream.indirect.gather [hbm4b:s3+s12], $0x80, s0, s12, $0xb8;
	[tilespmem:$0x1B000] =	vst v63  }
0x23: {  	s0 =	simm.s32 @!p0 $0x5  }
0x24: {  	_ =	swait.ge @!p0 [sflag:s0], $0x800  }
0x25: {  	[sflag:s0] =	ssyncset.done @!p0 $0x0  }
0x26: {  	s29 =	simm.s32 $0x0;
	[sflag:s0] =	ssyncadd.s32 @!p0 $0xFFFFF800  }
0x27: {  	v0 =	vld [tilespmem:s29+$0xE010]  }
0x28: {  	v1 =	vld [tilespmem:s29+$0xA000]  }
0x29: {  	v2 =	vld [tilespmem:s29+$0xA010]  }
0x2a: {  	v3 =	vld [tilespmem:s29+$0xE000]  }
0x2b: {  	v4 =	vld [tilespmem:s29+$0xE020]  }
0x2c: {  	v5 =	vld [tilespmem:s29+$0xA020]  }
0x2d: {  	v6 =	vld [tilespmem:s29+$0xE030]  }
0x2e: {  	v7 =	vld [tilespmem:s29+$0xA030]  }
0x2f: {  	v0 =	vmul.f32 v0, v2;
	v1 =	vmul.f32 v3, v1;
	_ =	sdelay $0x1  }
0x30: {  	v0 =	vadd.f32 v0, v1;
	v1 =	vmul.f32 v4, v5;
	_ =	sdelay $0x1  }
0x31: {  	v0 =	vadd.f32 v1, v0;
	v1 =	vmul.f32 v6, v7;
	_ =	sdelay $0x1  }
0x32: {  	v0 =	vadd.f32 v1, v0  }
0x33: {  	s30 =	simm.s32 $0x1A080  }
0x34: {  	[tilespmem:s30+$0xFFFFFF80] =	vst v0  }
0x35: {  	v0 =	vld [tilespmem:s29+$0xA080]  }
0x36: {  	v1 =	vld [tilespmem:s29+$0xE080]  }
0x37: {  	v2 =	vld [tilespmem:s29+$0xA090]  }
0x38: {  	v3 =	vld [tilespmem:s29+$0xE090]  }
0x39: {  	v16 =	vld [tilespmem:s29+$0xE0A0]  }
0x3a: {  	v17 =	vld [tilespmem:s29+$0xA0A0]  }
0x3b: {  	v18 =	vld [tilespmem:s29+$0xE0B0]  }
0x3c: {  	v19 =	vld [tilespmem:s29+$0xA0B0]  }
0x3d: {  	v0 =	vmul.f32 v1, v0;
	v1 =	vmul.f32 v3, v2;
	_ =	sdelay $0x1  }
0x3e: {  	v0 =	vadd.f32 v1, v0;
	v1 =	vmul.f32 v16, v17;
	_ =	sdelay $0x1  }
0x3f: {  	v0 =	vadd.f32 v1, v0;
	v1 =	vmul.f32 v18, v19;
	_ =	sdelay $0x1  }
0x40: {  	v0 =	vadd.f32 v1, v0;
	_ =	sdelay $0x1  }
0x41: {  	[tilespmem:s30+$0xFFFFFF90] =	vst v0  }
0x42: {  	v0 =	vld [tilespmem:s29+$0xE110]  }
0x43: {  	v1 =	vld [tilespmem:s29+$0xA100]  }
0x44: {  	v2 =	vld [tilespmem:s29+$0xE100]  }
0x45: {  	v3 =	vld [tilespmem:s29+$0xA110]  }
0x46: {  	v20 =	vld [tilespmem:s29+$0xE120]  }
0x47: {  	v21 =	vld [tilespmem:s29+$0xA120]  }
0x48: {  	v22 =	vld [tilespmem:s29+$0xE130]  }
0x49: {  	v23 =	vld [tilespmem:s29+$0xA130]  }
0x4a: {  	v1 =	vmul.f32 v2, v1;
	v0 =	vmul.f32 v0, v3;
	_ =	sdelay $0x1  }
0x4b: {  	v0 =	vadd.f32 v0, v1;
	v1 =	vmul.f32 v20, v21;
	_ =	sdelay $0x1  }
0x4c: {  	v0 =	vadd.f32 v1, v0;
	v1 =	vmul.f32 v22, v23;
	_ =	sdelay $0x1  }
0x4d: {  	v0 =	vadd.f32 v1, v0;
	_ =	sdelay $0x1  }
0x4e: {  	[tilespmem:s30+$0xFFFFFFA0] =	vst v0  }
0x4f: {  	v0 =	vld [tilespmem:s29+$0xE190]  }
0x50: {  	v1 =	vld [tilespmem:s29+$0xA180]  }
0x51: {  	v2 =	vld [tilespmem:s29+$0xE180]  }
0x52: {  	v3 =	vld [tilespmem:s29+$0xA190]  }
0x53: {  	v24 =	vld [tilespmem:s29+$0xA1A0]  }
0x54: {  	v25 =	vld [tilespmem:s29+$0xE1A0]  }
0x55: {  	v26 =	vld [tilespmem:s29+$0xE1B0]  }
0x56: {  	v27 =	vld [tilespmem:s29+$0xA1B0]  }
0x57: {  	v1 =	vmul.f32 v2, v1;
	v0 =	vmul.f32 v0, v3;
	_ =	sdelay $0x1  }
0x58: {  	v0 =	vadd.f32 v0, v1;
	v1 =	vmul.f32 v25, v24;
	_ =	sdelay $0x1  }
0x59: {  	v0 =	vadd.f32 v1, v0;
	v1 =	vmul.f32 v26, v27;
	_ =	sdelay $0x1  }
0x5a: {  	v0 =	vadd.f32 v1, v0;
	_ =	sdelay $0x1  }
0x5b: {  	[tilespmem:s30+$0xFFFFFFB0] =	vst v0  }
0x5c: {  	v0 =	vld [tilespmem:s29+$0xE200]  }
0x5d: {  	v1 =	vld [tilespmem:s29+$0xE210]  }
0x5e: {  	v2 =	vld [tilespmem:s29+$0xA200]  }
0x5f: {  	v3 =	vld [tilespmem:s29+$0xA210]  }
0x60: {  	v28 =	vld [tilespmem:s29+$0xA220]  }
0x61: {  	v29 =	vld [tilespmem:s29+$0xE220]  }
0x62: {  	v30 =	vld [tilespmem:s29+$0xE230]  }
0x63: {  	v31 =	vld [tilespmem:s29+$0xA230]  }
0x64: {  	v0 =	vmul.f32 v0, v2;
	v1 =	vmul.f32 v1, v3;
	_ =	sdelay $0x1  }
0x65: {  	v0 =	vadd.f32 v1, v0;
	v1 =	vmul.f32 v29, v28;
	_ =	sdelay $0x1  }
0x66: {  	v0 =	vadd.f32 v1, v0;
	v1 =	vmul.f32 v30, v31;
	_ =	sdelay $0x1  }
0x67: {  	v0 =	vadd.f32 v1, v0;
	_ =	sdelay $0x1  }
0x68: {  	[tilespmem:s30+$0xFFFFFFC0] =	vst v0  }
0x69: {  	v0 =	vld [tilespmem:s29+$0xE280]  }
0x6a: {  	v1 =	vld [tilespmem:s29+$0xE290]  }
0x6b: {  	v2 =	vld [tilespmem:s29+$0xA280]  }
0x6c: {  	v3 =	vld [tilespmem:s29+$0xA290]  }
0x6d: {  	v32 =	vld [tilespmem:s29+$0xA2A0]  }
0x6e: {  	v33 =	vld [tilespmem:s29+$0xE2A0]  }
0x6f: {  	v34 =	vld [tilespmem:s29+$0xE2B0]  }
0x70: {  	v35 =	vld [tilespmem:s29+$0xA2B0]  }
0x71: {  	v0 =	vmul.f32 v0, v2;
	v1 =	vmul.f32 v1, v3;
	_ =	sdelay $0x1  }
0x72: {  	v0 =	vadd.f32 v1, v0;
	v1 =	vmul.f32 v33, v32;
	_ =	sdelay $0x1  }
0x73: {  	v0 =	vadd.f32 v1, v0;
	v1 =	vmul.f32 v34, v35;
	_ =	sdelay $0x1  }
0x74: {  	v0 =	vadd.f32 v1, v0;
	_ =	sdelay $0x1  }
0x75: {  	[tilespmem:s30+$0xFFFFFFD0] =	vst v0  }
0x76: {  	v0 =	vld [tilespmem:s29+$0xE300]  }
0x77: {  	v1 =	vld [tilespmem:s29+$0xE310]  }
0x78: {  	v2 =	vld [tilespmem:s29+$0xA310]  }
0x79: {  	v3 =	vld [tilespmem:s29+$0xA300]  }
0x7a: {  	v36 =	vld [tilespmem:s29+$0xA320]  }
0x7b: {  	v37 =	vld [tilespmem:s29+$0xE320]  }
0x7c: {  	v38 =	vld [tilespmem:s29+$0xE330]  }
0x7d: {  	v39 =	vld [tilespmem:s29+$0xA330]  }
0x7e: {  	v1 =	vmul.f32 v1, v2;
	v0 =	vmul.f32 v0, v3;
	_ =	sdelay $0x1  }
0x7f: {  	v0 =	vadd.f32 v1, v0;
	v1 =	vmul.f32 v37, v36;
	_ =	sdelay $0x1  }
0x80: {  	v0 =	vadd.f32 v1, v0;
	v1 =	vmul.f32 v38, v39;
	_ =	sdelay $0x1  }
0x81: {  	v0 =	vadd.f32 v1, v0;
	_ =	sdelay $0x1  }
0x82: {  	[tilespmem:s30+$0xFFFFFFE0] =	vst v0  }
0x83: {  	v0 =	vld [tilespmem:s29+$0xA380]  }
0x84: {  	v1 =	vld [tilespmem:s29+$0xE380]  }
0x85: {  	v2 =	vld [tilespmem:s29+$0xE390]  }
0x86: {  	v3 =	vld [tilespmem:s29+$0xA390]  }
0x87: {  	v40 =	vld [tilespmem:s29+$0xA3A0]  }
0x88: {  	v41 =	vld [tilespmem:s29+$0xE3A0]  }
0x89: {  	v42 =	vld [tilespmem:s29+$0xE3B0]  }
0x8a: {  	v43 =	vld [tilespmem:s29+$0xA3B0]  }
0x8b: {  	v0 =	vmul.f32 v1, v0;
	v1 =	vmul.f32 v2, v3;
	_ =	sdelay $0x1  }
0x8c: {  	v0 =	vadd.f32 v1, v0;
	v1 =	vmul.f32 v41, v40;
	_ =	sdelay $0x1  }
0x8d: {  	v0 =	vadd.f32 v1, v0;
	v1 =	vmul.f32 v42, v43;
	_ =	sdelay $0x1  }
0x8e: {  	v0 =	vadd.f32 v1, v0;
	_ =	sdelay $0x1  }
0x8f: {  	[tilespmem:s30+$0xFFFFFFF0] =	vst v0  }
0x90: {  	v0 =	vld [tilespmem:s29+$0xE400]  }
0x91: {  	v1 =	vld [tilespmem:s29+$0xE410]  }
0x92: {  	v2 =	vld [tilespmem:s29+$0xA400]  }
0x93: {  	v3 =	vld [tilespmem:s29+$0xA410]  }
0x94: {  	v44 =	vld [tilespmem:s29+$0xA420]  }
0x95: {  	v45 =	vld [tilespmem:s29+$0xE420]  }
0x96: {  	v46 =	vld [tilespmem:s29+$0xA430]  }
0x97: {  	v47 =	vld [tilespmem:s29+$0xE430]  }
0x98: {  	v0 =	vmul.f32 v0, v2;
	v1 =	vmul.f32 v1, v3;
	_ =	sdelay $0x1  }
0x99: {  	v0 =	vadd.f32 v1, v0;
	v1 =	vmul.f32 v45, v44;
	_ =	sdelay $0x1  }
0x9a: {  	v0 =	vadd.f32 v1, v0;
	v1 =	vmul.f32 v47, v46;
	_ =	sdelay $0x1  }
0x9b: {  	v0 =	vadd.f32 v1, v0;
	_ =	sdelay $0x1  }
0x9c: {  	[tilespmem:s30+$0x0] =	vst v0  }
0x9d: {  	v0 =	vld [tilespmem:s29+$0xE480]  }
0x9e: {  	v1 =	vld [tilespmem:s29+$0xE490]  }
0x9f: {  	v2 =	vld [tilespmem:s29+$0xA490]  }
0xa0: {  	v3 =	vld [tilespmem:s29+$0xA480]  }
0xa1: {  	v48 =	vld [tilespmem:s29+$0xA4A0]  }
0xa2: {  	v49 =	vld [tilespmem:s29+$0xE4A0]  }
0xa3: {  	v50 =	vld [tilespmem:s29+$0xA4B0]  }
0xa4: {  	v51 =	vld [tilespmem:s29+$0xE4B0]  }
0xa5: {  	v1 =	vmul.f32 v1, v2;
	v0 =	vmul.f32 v0, v3;
	_ =	sdelay $0x1  }
0xa6: {  	v0 =	vadd.f32 v1, v0;
	v1 =	vmul.f32 v49, v48;
	_ =	sdelay $0x1  }
0xa7: {  	v0 =	vadd.f32 v1, v0;
	v1 =	vmul.f32 v51, v50;
	_ =	sdelay $0x1  }
0xa8: {  	v0 =	vadd.f32 v1, v0;
	_ =	sdelay $0x1  }
0xa9: {  	[tilespmem:s30+$0x10] =	vst v0  }
0xaa: {  	v0 =	vld [tilespmem:s29+$0xE510]  }
0xab: {  	v1 =	vld [tilespmem:s29+$0xE500]  }
0xac: {  	v2 =	vld [tilespmem:s29+$0xA500]  }
0xad: {  	v3 =	vld [tilespmem:s29+$0xA510]  }
0xae: {  	v52 =	vld [tilespmem:s29+$0xA520]  }
0xaf: {  	v53 =	vld [tilespmem:s29+$0xE520]  }
0xb0: {  	v54 =	vld [tilespmem:s29+$0xA530]  }
0xb1: {  	v55 =	vld [tilespmem:s29+$0xE530]  }
0xb2: {  	v1 =	vmul.f32 v1, v2;
	v0 =	vmul.f32 v0, v3;
	_ =	sdelay $0x1  }
0xb3: {  	v0 =	vadd.f32 v0, v1;
	v1 =	vmul.f32 v53, v52;
	_ =	sdelay $0x1  }
0xb4: {  	v0 =	vadd.f32 v1, v0;
	v1 =	vmul.f32 v55, v54;
	_ =	sdelay $0x1  }
0xb5: {  	v0 =	vadd.f32 v1, v0;
	_ =	sdelay $0x1  }
0xb6: {  	[tilespmem:s30+$0x20] =	vst v0  }
0xb7: {  	v0 =	vld [tilespmem:s29+$0xE580]  }
0xb8: {  	v1 =	vld [tilespmem:s29+$0xE590]  }
0xb9: {  	v2 =	vld [tilespmem:s29+$0xA580]  }
0xba: {  	v3 =	vld [tilespmem:s29+$0xA590]  }
0xbb: {  	v56 =	vld [tilespmem:s29+$0xA5A0]  }
0xbc: {  	v57 =	vld [tilespmem:s29+$0xE5A0]  }
0xbd: {  	v58 =	vld [tilespmem:s29+$0xA5B0]  }
0xbe: {  	v59 =	vld [tilespmem:s29+$0xE5B0]  }
0xbf: {  	v0 =	vmul.f32 v0, v2;
	v1 =	vmul.f32 v1, v3;
	_ =	sdelay $0x1  }
0xc0: {  	v0 =	vadd.f32 v1, v0;
	v1 =	vmul.f32 v57, v56;
	_ =	sdelay $0x1  }
0xc1: {  	v0 =	vadd.f32 v1, v0;
	v1 =	vmul.f32 v59, v58;
	_ =	sdelay $0x1  }
0xc2: {  	v0 =	vadd.f32 v1, v0;
	_ =	sdelay $0x1  }
0xc3: {  	[tilespmem:s30+$0x30] =	vst v0  }
0xc4: {  	v0 =	vld [tilespmem:s29+$0xE600]  }
0xc5: {  	v1 =	vld [tilespmem:s29+$0xE610]  }
0xc6: {  	v2 =	vld [tilespmem:s29+$0xA600]  }
0xc7: {  	v3 =	vld [tilespmem:s29+$0xA610]  }
0xc8: {  	v60 =	vld [tilespmem:s29+$0xA620]  }
0xc9: {  	v61 =	vld [tilespmem:s29+$0xE620]  }
0xca: {  	v62 =	vld [tilespmem:s29+$0xA630]  }
0xcb: {  	v63 =	vld [tilespmem:s29+$0xE630]  }
0xcc: {  	v0 =	vmul.f32 v0, v2;
	v1 =	vmul.f32 v1, v3;
	_ =	sdelay $0x1  }
0xcd: {  	v0 =	vadd.f32 v1, v0;
	v1 =	vmul.f32 v61, v60;
	_ =	sdelay $0x1  }
0xce: {  	v0 =	vadd.f32 v1, v0;
	v1 =	vmul.f32 v63, v62;
	_ =	sdelay $0x1  }
0xcf: {  	v0 =	vadd.f32 v1, v0;
	_ =	sdelay $0x1  }
0xd0: {  	[tilespmem:s30+$0x40] =	vst v0  }
0xd1: {  	v0 =	vld [tilespmem:s29+$0xE680]  }
0xd2: {  	s31 =	sshll.u32 s26, $0x1;
	s1 =	simm.s32 $0x2000;
	s0 =	simm.s32 $0x1A080;
	v1 =	vld [tilespmem:s29+$0xE690]  }
.LBB2_3:
0xd3: {  	p1 =	sne.s32 s1, $0xE000  }
0xd4: {  	v2 =	vld [tilespmem:s29+$0xA680];
	s30 =	sadd.s32 $0x100, s30;
	s11 =	smov.u32 s1;
	s1 =	sadd.s32 $0x2000, s1  }
0xd5: {  	v3 =	vld [tilespmem:s29+$0xA690]  }
0xd6: {  	v4 =	vld [tilespmem:s29+$0xA6A0]  }
0xd7: {  	v5 =	vld [tilespmem:s29+$0xE6A0]  }
0xd8: {  	v6 =	vld [tilespmem:s29+$0xA6B0]  }
0xd9: {  	v0 =	vmul.f32 v0, v2;
	v2 =	vld [tilespmem:s29+$0xE6B0]  }
0xda: {  	v1 =	vmul.f32 v1, v3;
	_ =	sdelay $0x1  }
0xdb: {  	v0 =	vadd.f32 v1, v0;
	v1 =	vmul.f32 v5, v4;
	_ =	sdelay $0x1  }
0xdc: {  	v0 =	vadd.f32 v1, v0;
	v1 =	vmul.f32 v2, v6;
	_ =	sdelay $0x1  }
0xdd: {  	v0 =	vadd.f32 v1, v0;
	_ =	sdelay $0x1  }
0xde: {  	[tilespmem:s0+$0x50] =	vst v0  }
0xdf: {  	v0 =	vld [tilespmem:s29+$0xE700]  }
0xe0: {  	v1 =	vld [tilespmem:s29+$0xA700]  }
0xe1: {  	v2 =	vld [tilespmem:s29+$0xE710]  }
0xe2: {  	v3 =	vld [tilespmem:s29+$0xA710]  }
0xe3: {  	v4 =	vld [tilespmem:s29+$0xA720]  }
0xe4: {  	v5 =	vld [tilespmem:s29+$0xE720]  }
0xe5: {  	v0 =	vmul.f32 v0, v1;
	v1 =	vld [tilespmem:s29+$0xA730]  }
0xe6: {  	v6 =	vld [tilespmem:s29+$0xE730]  }
0xe7: {  	v2 =	vmul.f32 v2, v3;
	_ =	sdelay $0x1  }
0xe8: {  	v0 =	vadd.f32 v2, v0;
	v2 =	vmul.f32 v5, v4;
	_ =	sdelay $0x1  }
0xe9: {  	v0 =	vadd.f32 v2, v0;
	v1 =	vmul.f32 v6, v1;
	_ =	sdelay $0x1  }
0xea: {  	v0 =	vadd.f32 v1, v0;
	_ =	sdelay $0x1  }
0xeb: {  	[tilespmem:s0+$0x60] =	vst v0  }
0xec: {  	v0 =	vld [tilespmem:s29+$0xA7A0]  }
0xed: {  	v1 =	vld [tilespmem:s29+$0xA780]  }
0xee: {  	v2 =	vld [tilespmem:s29+$0xE7A0]  }
0xef: {  	v3 =	vld [tilespmem:s29+$0xE790]  }
0xf0: {  	v4 =	vld [tilespmem:s29+$0xE780]  }
0xf1: {  	v5 =	vld [tilespmem:s29+$0xA790]  }
0xf2: {  	v6 =	vld [tilespmem:s29+$0xA7B0]  }
0xf3: {  	v7 =	vld [tilespmem:s29+$0xE7B0];
	_ =	sdelay $0x1  }
0xf4: {  	v0 =	vmul.f32 v2, v0;
	v1 =	vmul.f32 v4, v1  }
0xf5: {  	v2 =	vmul.f32 v3, v5;
	_ =	sdelay $0x1  }
0xf6: {  	v1 =	vadd.f32 v2, v1;
	v2 =	vmul.f32 v7, v6;
	_ =	sdelay $0x1  }
0xf7: {  	v0 =	vadd.f32 v0, v1;
	_ =	sdelay $0x1  }
0xf8: {  	v0 =	vadd.f32 v2, v0;
	_ =	sdelay $0x1  }
0xf9: {  	s29 =	sshra.s32 s11, $0x2;
	[tilespmem:s0+$0x70] =	vst v0;
	s0 =	smov.u32 s30  }
0xfa: {  	v0 =	vld [tilespmem:s29+$0xE010]  }
0xfb: {  	v1 =	vld [tilespmem:s29+$0xA000]  }
0xfc: {  	v2 =	vld [tilespmem:s29+$0xA010]  }
0xfd: {  	v3 =	vld [tilespmem:s29+$0xE000]  }
0xfe: {  	v4 =	vld [tilespmem:s29+$0xE020]  }
0xff: {  	v5 =	vld [tilespmem:s29+$0xA020]  }
0x100: {  	v6 =	vld [tilespmem:s29+$0xE030]  }
0x101: {  	v0 =	vmul.f32 v0, v2;
	v2 =	vld [tilespmem:s29+$0xA030]  }
0x102: {  	v1 =	vmul.f32 v3, v1;
	_ =	sdelay $0x1  }
0x103: {  	v0 =	vadd.f32 v0, v1;
	v1 =	vmul.f32 v4, v5;
	_ =	sdelay $0x1  }
0x104: {  	v0 =	vadd.f32 v1, v0;
	v1 =	vmul.f32 v6, v2;
	_ =	sdelay $0x1  }
0x105: {  	v0 =	vadd.f32 v1, v0;
	_ =	sdelay $0x1  }
0x106: {  	[tilespmem:s30+$0xFFFFFF80] =	vst v0  }
0x107: {  	v0 =	vld [tilespmem:s29+$0xA080]  }
0x108: {  	v1 =	vld [tilespmem:s29+$0xE080]  }
0x109: {  	v2 =	vld [tilespmem:s29+$0xA090]  }
0x10a: {  	v3 =	vld [tilespmem:s29+$0xE090]  }
0x10b: {  	v4 =	vld [tilespmem:s29+$0xE0A0]  }
0x10c: {  	v5 =	vld [tilespmem:s29+$0xA0A0]  }
0x10d: {  	v0 =	vmul.f32 v1, v0;
	v1 =	vld [tilespmem:s29+$0xE0B0]  }
0x10e: {  	v6 =	vld [tilespmem:s29+$0xA0B0]  }
0x10f: {  	v2 =	vmul.f32 v3, v2;
	_ =	sdelay $0x1  }
0x110: {  	v0 =	vadd.f32 v2, v0;
	v2 =	vmul.f32 v4, v5;
	_ =	sdelay $0x1  }
0x111: {  	v0 =	vadd.f32 v2, v0;
	v1 =	vmul.f32 v1, v6;
	_ =	sdelay $0x1  }
0x112: {  	v0 =	vadd.f32 v1, v0;
	_ =	sdelay $0x1  }
0x113: {  	[tilespmem:s30+$0xFFFFFF90] =	vst v0  }
0x114: {  	v0 =	vld [tilespmem:s29+$0xE110]  }
0x115: {  	v1 =	vld [tilespmem:s29+$0xA100]  }
0x116: {  	v2 =	vld [tilespmem:s29+$0xE100]  }
0x117: {  	v3 =	vld [tilespmem:s29+$0xA110]  }
0x118: {  	v4 =	vld [tilespmem:s29+$0xE120]  }
0x119: {  	v5 =	vld [tilespmem:s29+$0xA120]  }
0x11a: {  	v6 =	vld [tilespmem:s29+$0xE130]  }
0x11b: {  	v1 =	vmul.f32 v2, v1;
	v2 =	vld [tilespmem:s29+$0xA130]  }
0x11c: {  	v0 =	vmul.f32 v0, v3;
	_ =	sdelay $0x1  }
0x11d: {  	v0 =	vadd.f32 v0, v1;
	v1 =	vmul.f32 v4, v5;
	_ =	sdelay $0x1  }
0x11e: {  	v0 =	vadd.f32 v1, v0;
	v1 =	vmul.f32 v6, v2;
	_ =	sdelay $0x1  }
0x11f: {  	v0 =	vadd.f32 v1, v0;
	_ =	sdelay $0x1  }
0x120: {  	[tilespmem:s30+$0xFFFFFFA0] =	vst v0  }
0x121: {  	v0 =	vld [tilespmem:s29+$0xE190]  }
0x122: {  	v1 =	vld [tilespmem:s29+$0xA180]  }
0x123: {  	v2 =	vld [tilespmem:s29+$0xE180]  }
0x124: {  	v3 =	vld [tilespmem:s29+$0xA190]  }
0x125: {  	v4 =	vld [tilespmem:s29+$0xA1A0]  }
0x126: {  	v5 =	vld [tilespmem:s29+$0xE1A0]  }
0x127: {  	v6 =	vld [tilespmem:s29+$0xE1B0]  }
0x128: {  	v1 =	vmul.f32 v2, v1;
	v2 =	vld [tilespmem:s29+$0xA1B0]  }
0x129: {  	v0 =	vmul.f32 v0, v3;
	_ =	sdelay $0x1  }
0x12a: {  	v0 =	vadd.f32 v0, v1;
	v1 =	vmul.f32 v5, v4;
	_ =	sdelay $0x1  }
0x12b: {  	v0 =	vadd.f32 v1, v0;
	v1 =	vmul.f32 v6, v2;
	_ =	sdelay $0x1  }
0x12c: {  	v0 =	vadd.f32 v1, v0;
	_ =	sdelay $0x1  }
0x12d: {  	[tilespmem:s30+$0xFFFFFFB0] =	vst v0  }
0x12e: {  	v0 =	vld [tilespmem:s29+$0xE200]  }
0x12f: {  	v1 =	vld [tilespmem:s29+$0xE210]  }
0x130: {  	v2 =	vld [tilespmem:s29+$0xA200]  }
0x131: {  	v3 =	vld [tilespmem:s29+$0xA210]  }
0x132: {  	v4 =	vld [tilespmem:s29+$0xA220]  }
0x133: {  	v5 =	vld [tilespmem:s29+$0xE220]  }
0x134: {  	v6 =	vld [tilespmem:s29+$0xE230]  }
0x135: {  	v0 =	vmul.f32 v0, v2;
	v2 =	vld [tilespmem:s29+$0xA230]  }
0x136: {  	v1 =	vmul.f32 v1, v3;
	_ =	sdelay $0x1  }
0x137: {  	v0 =	vadd.f32 v1, v0;
	v1 =	vmul.f32 v5, v4;
	_ =	sdelay $0x1  }
0x138: {  	v0 =	vadd.f32 v1, v0;
	v1 =	vmul.f32 v6, v2;
	_ =	sdelay $0x1  }
0x139: {  	v0 =	vadd.f32 v1, v0;
	_ =	sdelay $0x1  }
0x13a: {  	[tilespmem:s30+$0xFFFFFFC0] =	vst v0  }
0x13b: {  	v0 =	vld [tilespmem:s29+$0xE280]  }
0x13c: {  	v1 =	vld [tilespmem:s29+$0xE290]  }
0x13d: {  	v2 =	vld [tilespmem:s29+$0xA280]  }
0x13e: {  	v3 =	vld [tilespmem:s29+$0xA290]  }
0x13f: {  	v4 =	vld [tilespmem:s29+$0xA2A0]  }
0x140: {  	v5 =	vld [tilespmem:s29+$0xE2A0]  }
0x141: {  	v6 =	vld [tilespmem:s29+$0xE2B0]  }
0x142: {  	v0 =	vmul.f32 v0, v2;
	v2 =	vld [tilespmem:s29+$0xA2B0]  }
0x143: {  	v1 =	vmul.f32 v1, v3;
	_ =	sdelay $0x1  }
0x144: {  	v0 =	vadd.f32 v1, v0;
	v1 =	vmul.f32 v5, v4;
	_ =	sdelay $0x1  }
0x145: {  	v0 =	vadd.f32 v1, v0;
	v1 =	vmul.f32 v6, v2;
	_ =	sdelay $0x1  }
0x146: {  	v0 =	vadd.f32 v1, v0;
	_ =	sdelay $0x1  }
0x147: {  	[tilespmem:s30+$0xFFFFFFD0] =	vst v0  }
0x148: {  	v0 =	vld [tilespmem:s29+$0xE300]  }
0x149: {  	v1 =	vld [tilespmem:s29+$0xE310]  }
0x14a: {  	v2 =	vld [tilespmem:s29+$0xA310]  }
0x14b: {  	v3 =	vld [tilespmem:s29+$0xA300]  }
0x14c: {  	v4 =	vld [tilespmem:s29+$0xA320]  }
0x14d: {  	v5 =	vld [tilespmem:s29+$0xE320]  }
0x14e: {  	v6 =	vld [tilespmem:s29+$0xE330]  }
0x14f: {  	v1 =	vmul.f32 v1, v2;
	v2 =	vld [tilespmem:s29+$0xA330]  }
0x150: {  	v0 =	vmul.f32 v0, v3;
	_ =	sdelay $0x1  }
0x151: {  	v0 =	vadd.f32 v1, v0;
	v1 =	vmul.f32 v5, v4;
	_ =	sdelay $0x1  }
0x152: {  	v0 =	vadd.f32 v1, v0;
	v1 =	vmul.f32 v6, v2;
	_ =	sdelay $0x1  }
0x153: {  	v0 =	vadd.f32 v1, v0;
	_ =	sdelay $0x1  }
0x154: {  	[tilespmem:s30+$0xFFFFFFE0] =	vst v0  }
0x155: {  	v0 =	vld [tilespmem:s29+$0xA380]  }
0x156: {  	v1 =	vld [tilespmem:s29+$0xE380]  }
0x157: {  	v2 =	vld [tilespmem:s29+$0xE390]  }
0x158: {  	v3 =	vld [tilespmem:s29+$0xA390]  }
0x159: {  	v4 =	vld [tilespmem:s29+$0xA3A0]  }
0x15a: {  	v5 =	vld [tilespmem:s29+$0xE3A0]  }
0x15b: {  	v0 =	vmul.f32 v1, v0;
	v1 =	vld [tilespmem:s29+$0xE3B0]  }
0x15c: {  	v6 =	vld [tilespmem:s29+$0xA3B0]  }
0x15d: {  	v2 =	vmul.f32 v2, v3;
	_ =	sdelay $0x1  }
0x15e: {  	v0 =	vadd.f32 v2, v0;
	v2 =	vmul.f32 v5, v4;
	_ =	sdelay $0x1  }
0x15f: {  	v0 =	vadd.f32 v2, v0;
	v1 =	vmul.f32 v1, v6;
	_ =	sdelay $0x1  }
0x160: {  	v0 =	vadd.f32 v1, v0;
	_ =	sdelay $0x1  }
0x161: {  	[tilespmem:s30+$0xFFFFFFF0] =	vst v0  }
0x162: {  	v0 =	vld [tilespmem:s29+$0xE400]  }
0x163: {  	v1 =	vld [tilespmem:s29+$0xE410]  }
0x164: {  	v2 =	vld [tilespmem:s29+$0xA400]  }
0x165: {  	v3 =	vld [tilespmem:s29+$0xA410]  }
0x166: {  	v4 =	vld [tilespmem:s29+$0xA420]  }
0x167: {  	v5 =	vld [tilespmem:s29+$0xE420]  }
0x168: {  	v6 =	vld [tilespmem:s29+$0xA430]  }
0x169: {  	v0 =	vmul.f32 v0, v2;
	v2 =	vld [tilespmem:s29+$0xE430]  }
0x16a: {  	v1 =	vmul.f32 v1, v3;
	_ =	sdelay $0x1  }
0x16b: {  	v0 =	vadd.f32 v1, v0;
	v1 =	vmul.f32 v5, v4;
	_ =	sdelay $0x1  }
0x16c: {  	v0 =	vadd.f32 v1, v0;
	v1 =	vmul.f32 v2, v6;
	_ =	sdelay $0x1  }
0x16d: {  	v0 =	vadd.f32 v1, v0;
	_ =	sdelay $0x1  }
0x16e: {  	[tilespmem:s30+$0x0] =	vst v0  }
0x16f: {  	v0 =	vld [tilespmem:s29+$0xE480]  }
0x170: {  	v1 =	vld [tilespmem:s29+$0xE490]  }
0x171: {  	v2 =	vld [tilespmem:s29+$0xA490]  }
0x172: {  	v3 =	vld [tilespmem:s29+$0xA480]  }
0x173: {  	v4 =	vld [tilespmem:s29+$0xA4A0]  }
0x174: {  	v5 =	vld [tilespmem:s29+$0xE4A0]  }
0x175: {  	v6 =	vld [tilespmem:s29+$0xA4B0]  }
0x176: {  	v1 =	vmul.f32 v1, v2;
	v2 =	vld [tilespmem:s29+$0xE4B0]  }
0x177: {  	v0 =	vmul.f32 v0, v3;
	_ =	sdelay $0x1  }
0x178: {  	v0 =	vadd.f32 v1, v0;
	v1 =	vmul.f32 v5, v4;
	_ =	sdelay $0x1  }
0x179: {  	v0 =	vadd.f32 v1, v0;
	v1 =	vmul.f32 v2, v6;
	_ =	sdelay $0x1  }
0x17a: {  	v0 =	vadd.f32 v1, v0;
	_ =	sdelay $0x1  }
0x17b: {  	[tilespmem:s30+$0x10] =	vst v0  }
0x17c: {  	v0 =	vld [tilespmem:s29+$0xE510]  }
0x17d: {  	v1 =	vld [tilespmem:s29+$0xE500]  }
0x17e: {  	v2 =	vld [tilespmem:s29+$0xA500]  }
0x17f: {  	v3 =	vld [tilespmem:s29+$0xA510]  }
0x180: {  	v4 =	vld [tilespmem:s29+$0xA520]  }
0x181: {  	v5 =	vld [tilespmem:s29+$0xE520]  }
0x182: {  	v6 =	vld [tilespmem:s29+$0xA530]  }
0x183: {  	v1 =	vmul.f32 v1, v2;
	v2 =	vld [tilespmem:s29+$0xE530]  }
0x184: {  	v0 =	vmul.f32 v0, v3;
	_ =	sdelay $0x1  }
0x185: {  	v0 =	vadd.f32 v0, v1;
	v1 =	vmul.f32 v5, v4;
	_ =	sdelay $0x1  }
0x186: {  	v0 =	vadd.f32 v1, v0;
	v1 =	vmul.f32 v2, v6;
	_ =	sdelay $0x1  }
0x187: {  	v0 =	vadd.f32 v1, v0;
	_ =	sdelay $0x1  }
0x188: {  	[tilespmem:s30+$0x20] =	vst v0  }
0x189: {  	v0 =	vld [tilespmem:s29+$0xE580]  }
0x18a: {  	v1 =	vld [tilespmem:s29+$0xE590]  }
0x18b: {  	v2 =	vld [tilespmem:s29+$0xA580]  }
0x18c: {  	v3 =	vld [tilespmem:s29+$0xA590]  }
0x18d: {  	v4 =	vld [tilespmem:s29+$0xA5A0]  }
0x18e: {  	v5 =	vld [tilespmem:s29+$0xE5A0]  }
0x18f: {  	v6 =	vld [tilespmem:s29+$0xA5B0]  }
0x190: {  	v0 =	vmul.f32 v0, v2;
	v2 =	vld [tilespmem:s29+$0xE5B0]  }
0x191: {  	v1 =	vmul.f32 v1, v3;
	_ =	sdelay $0x1  }
0x192: {  	v0 =	vadd.f32 v1, v0;
	v1 =	vmul.f32 v5, v4;
	_ =	sdelay $0x1  }
0x193: {  	v0 =	vadd.f32 v1, v0;
	v1 =	vmul.f32 v2, v6;
	_ =	sdelay $0x1  }
0x194: {  	v0 =	vadd.f32 v1, v0;
	_ =	sdelay $0x1  }
0x195: {  	[tilespmem:s30+$0x30] =	vst v0  }
0x196: {  	v0 =	vld [tilespmem:s29+$0xE600]  }
0x197: {  	v1 =	vld [tilespmem:s29+$0xE610]  }
0x198: {  	v2 =	vld [tilespmem:s29+$0xA600]  }
0x199: {  	v3 =	vld [tilespmem:s29+$0xA610]  }
0x19a: {  	v4 =	vld [tilespmem:s29+$0xA620]  }
0x19b: {  	v5 =	vld [tilespmem:s29+$0xE620]  }
0x19c: {  	v6 =	vld [tilespmem:s29+$0xA630]  }
0x19d: {  	v0 =	vmul.f32 v0, v2;
	v2 =	vld [tilespmem:s29+$0xE630]  }
0x19e: {  	v1 =	vmul.f32 v1, v3;
	_ =	sdelay $0x1  }
0x19f: {  	v0 =	vadd.f32 v1, v0;
	v1 =	vmul.f32 v5, v4;
	_ =	sdelay $0x1  }
0x1a0: {  	v0 =	vadd.f32 v1, v0;
	v1 =	vmul.f32 v2, v6;
	_ =	sdelay $0x1  }
.Ltmp0:
0x1a1: {  	v0 =	vadd.f32 v1, v0;
	(pc) =	sbr.rel @p1 .LBB2_3-.Ltmp0, $4  }
0x1a2: {  	_ = 	snop  }
0x1a3: {  	[tilespmem:s30+$0x40] =	vst v0  }
0x1a4: {  	v0 =	vld [tilespmem:s29+$0xE680]  }
0x1a5: {  	v1 =	vld [tilespmem:s29+$0xE690]  }
0x1a6: {  	v2 =	vld [tilespmem:s29+$0xA680]  }
0x1a7: {  	v3 =	vld [tilespmem:s29+$0xA690]  }
0x1a8: {  	v4 =	vld [tilespmem:s29+$0xA6A0]  }
0x1a9: {  	v5 =	vld [tilespmem:s29+$0xE6A0]  }
0x1aa: {  	v6 =	vld [tilespmem:s29+$0xA6B0]  }
0x1ab: {  	v7 =	vld [tilespmem:s29+$0xE6B0]  }
0x1ac: {  	v0 =	vmul.f32 v0, v2;
	v1 =	vmul.f32 v1, v3;
	_ =	sdelay $0x1  }
0x1ad: {  	v0 =	vadd.f32 v1, v0;
	v1 =	vmul.f32 v5, v4;
	_ =	sdelay $0x1  }
0x1ae: {  	v0 =	vadd.f32 v1, v0;
	v1 =	vmul.f32 v7, v6;
	_ =	sdelay $0x1  }
0x1af: {  	v0 =	vadd.f32 v1, v0;
	_ =	sdelay $0x1  }
0x1b0: {  	[tilespmem:s0+$0x50] =	vst v0  }
0x1b1: {  	v0 =	vld [tilespmem:s29+$0xE700]  }
0x1b2: {  	v1 =	vld [tilespmem:s29+$0xA700]  }
0x1b3: {  	v2 =	vld [tilespmem:s29+$0xE710]  }
0x1b4: {  	v3 =	vld [tilespmem:s29+$0xA710]  }
0x1b5: {  	v59 =	vld [tilespmem:s29+$0xA720]  }
0x1b6: {  	v60 =	vld [tilespmem:s29+$0xE720]  }
0x1b7: {  	v61 =	vld [tilespmem:s29+$0xA730]  }
0x1b8: {  	v62 =	vld [tilespmem:s29+$0xE730]  }
0x1b9: {  	v0 =	vmul.f32 v0, v1;
	v1 =	vmul.f32 v2, v3;
	_ =	sdelay $0x1  }
0x1ba: {  	v0 =	vadd.f32 v1, v0;
	v1 =	vmul.f32 v60, v59;
	_ =	sdelay $0x1  }
0x1bb: {  	v0 =	vadd.f32 v1, v0;
	v1 =	vmul.f32 v62, v61;
	_ =	sdelay $0x1  }
0x1bc: {  	v0 =	vadd.f32 v1, v0;
	_ =	sdelay $0x1  }
0x1bd: {  	[tilespmem:s0+$0x60] =	vst v0  }
0x1be: {  	v0 =	vld [tilespmem:s29+$0xA780]  }
0x1bf: {  	v1 =	vld [tilespmem:s29+$0xE790]  }
0x1c0: {  	v2 =	vld [tilespmem:s29+$0xE780]  }
0x1c1: {  	v3 =	vld [tilespmem:s29+$0xA790]  }
0x1c2: {  	v63 =	vld [tilespmem:s29+$0xA7A0]  }
0x1c3: {  	v9 =	vld [tilespmem:s29+$0xE7A0]  }
0x1c4: {  	v10 =	vld [tilespmem:s29+$0xA7B0]  }
0x1c5: {  	v11 =	vld [tilespmem:s29+$0xE7B0]  }
0x1c6: {  	v0 =	vmul.f32 v2, v0;
	v1 =	vmul.f32 v1, v3;
	_ =	sdelay $0x1  }
0x1c7: {  	v2 =	vmul.f32 v9, v63;
	v0 =	vadd.f32 v1, v0;
	_ =	sdelay $0x1  }
0x1c8: {  	v1 =	vmul.f32 v11, v10;
	v0 =	vadd.f32 v2, v0;
	_ =	sdelay $0x1  }
0x1c9: {  	s1 =	sadd.s32 s7, s31;
	v0 =	vadd.f32 v1, v0  }
0x1ca: {  	s1 =	sshll.u32 s1, $0x8  }
0x1cb: {  	s1 =	sadd.s32 s4, s1;
	[tilespmem:s0+$0x70] =	vst v0  }
0x1cc: {  	[hbm4b:s1+s2] =	stream.linear.scatter [tilespmem:s19], [sflag:$0x5], $0x800, $0x38;
	[tilespmem:$0x1B000] =	vst v63  }
0x1cd: {  	_ =	swait.ge [sflag:s20], $0x4000  }
0x1ce: {  	[sflag:s20] =	ssyncset.done $0x0  }
0x1cf: {  	[sflag:s20] =	ssyncadd.s32 $0xFFFFC000  }
0x1d0: {  	_ =	swait.ge [sflag:s21], $0x4000  }
0x1d1: {  	s0 =	sshll.u32 s26, $0x8;
	[sflag:s21] =	ssyncset.done $0x0  }
0x1d2: {  	s11 =	sadd.s32 $0x100, s0;
	[sflag:s21] =	ssyncadd.s32 $0xFFFFC000  }
0x1d3: {  	[tilespmem:s13], [sflag:$0x1] =	stream.indirect.gather [hbm4b:s3+s12], $0x80, s11, s12, $0xb8;
	[tilespmem:$0x1B000] =	vst v63  }
0x1d4: {  	s0 =	sadd.s32 $0x5100, s0  }
0x1d5: {  	[tilespmem:s14], [sflag:$0x2] =	stream.indirect.gather [hbm4b:s3+s12], $0x80, s0, s12, $0xb8;
	[tilespmem:$0x1B000] =	vst v63  }
0x1d6: {  	s0 =	simm.s32 @!p0 $0x6  }
0x1d7: {  	_ =	swait.ge @!p0 [sflag:s0], $0x800  }
0x1d8: {  	[sflag:s0] =	ssyncset.done @!p0 $0x0  }
0x1d9: {  	s29 =	simm.s32 $0x0;
	[sflag:s0] =	ssyncadd.s32 @!p0 $0xFFFFF800  }
0x1da: {  	v0 =	vld [tilespmem:s29+$0x16010]  }
0x1db: {  	v1 =	vld [tilespmem:s29+$0x12000]  }
0x1dc: {  	v2 =	vld [tilespmem:s29+$0x12010]  }
0x1dd: {  	v3 =	vld [tilespmem:s29+$0x16000]  }
0x1de: {  	v12 =	vld [tilespmem:s29+$0x16020]  }
0x1df: {  	v13 =	vld [tilespmem:s29+$0x12020]  }
0x1e0: {  	v14 =	vld [tilespmem:s29+$0x16030]  }
0x1e1: {  	v15 =	vld [tilespmem:s29+$0x12030]  }
0x1e2: {  	v0 =	vmul.f32 v0, v2;
	v1 =	vmul.f32 v3, v1;
	_ =	sdelay $0x1  }
0x1e3: {  	v0 =	vadd.f32 v0, v1;
	v1 =	vmul.f32 v12, v13;
	_ =	sdelay $0x1  }
0x1e4: {  	v0 =	vadd.f32 v1, v0;
	v1 =	vmul.f32 v14, v15;
	_ =	sdelay $0x1  }
0x1e5: {  	v0 =	vadd.f32 v1, v0  }
0x1e6: {  	s30 =	simm.s32 $0x1A880  }
0x1e7: {  	[tilespmem:s30+$0xFFFFFF80] =	vst v0  }
0x1e8: {  	v0 =	vld [tilespmem:s29+$0x12080]  }
0x1e9: {  	v1 =	vld [tilespmem:s29+$0x16080]  }
0x1ea: {  	v2 =	vld [tilespmem:s29+$0x12090]  }
0x1eb: {  	v3 =	vld [tilespmem:s29+$0x16090]  }
0x1ec: {  	v16 =	vld [tilespmem:s29+$0x160A0]  }
0x1ed: {  	v17 =	vld [tilespmem:s29+$0x120A0]  }
0x1ee: {  	v18 =	vld [tilespmem:s29+$0x160B0]  }
0x1ef: {  	v19 =	vld [tilespmem:s29+$0x120B0]  }
0x1f0: {  	v0 =	vmul.f32 v1, v0;
	v1 =	vmul.f32 v3, v2;
	_ =	sdelay $0x1  }
0x1f1: {  	v0 =	vadd.f32 v1, v0;
	v1 =	vmul.f32 v16, v17;
	_ =	sdelay $0x1  }
0x1f2: {  	v0 =	vadd.f32 v1, v0;
	v1 =	vmul.f32 v18, v19;
	_ =	sdelay $0x1  }
0x1f3: {  	v0 =	vadd.f32 v1, v0;
	_ =	sdelay $0x1  }
0x1f4: {  	[tilespmem:s30+$0xFFFFFF90] =	vst v0  }
0x1f5: {  	v0 =	vld [tilespmem:s29+$0x16110]  }
0x1f6: {  	v1 =	vld [tilespmem:s29+$0x12100]  }
0x1f7: {  	v2 =	vld [tilespmem:s29+$0x16100]  }
0x1f8: {  	v3 =	vld [tilespmem:s29+$0x12110]  }
0x1f9: {  	v20 =	vld [tilespmem:s29+$0x16120]  }
0x1fa: {  	v21 =	vld [tilespmem:s29+$0x12120]  }
0x1fb: {  	v22 =	vld [tilespmem:s29+$0x16130]  }
0x1fc: {  	v23 =	vld [tilespmem:s29+$0x12130]  }
0x1fd: {  	v1 =	vmul.f32 v2, v1;
	v0 =	vmul.f32 v0, v3;
	_ =	sdelay $0x1  }
0x1fe: {  	v0 =	vadd.f32 v0, v1;
	v1 =	vmul.f32 v20, v21;
	_ =	sdelay $0x1  }
0x1ff: {  	v0 =	vadd.f32 v1, v0;
	v1 =	vmul.f32 v22, v23;
	_ =	sdelay $0x1  }
0x200: {  	v0 =	vadd.f32 v1, v0;
	_ =	sdelay $0x1  }
0x201: {  	[tilespmem:s30+$0xFFFFFFA0] =	vst v0  }
0x202: {  	v0 =	vld [tilespmem:s29+$0x16190]  }
0x203: {  	v1 =	vld [tilespmem:s29+$0x12180]  }
0x204: {  	v2 =	vld [tilespmem:s29+$0x16180]  }
0x205: {  	v3 =	vld [tilespmem:s29+$0x12190]  }
0x206: {  	v24 =	vld [tilespmem:s29+$0x121A0]  }
0x207: {  	v25 =	vld [tilespmem:s29+$0x161A0]  }
0x208: {  	v26 =	vld [tilespmem:s29+$0x161B0]  }
0x209: {  	v27 =	vld [tilespmem:s29+$0x121B0]  }
0x20a: {  	v1 =	vmul.f32 v2, v1;
	v0 =	vmul.f32 v0, v3;
	_ =	sdelay $0x1  }
0x20b: {  	v0 =	vadd.f32 v0, v1;
	v1 =	vmul.f32 v25, v24;
	_ =	sdelay $0x1  }
0x20c: {  	v0 =	vadd.f32 v1, v0;
	v1 =	vmul.f32 v26, v27;
	_ =	sdelay $0x1  }
0x20d: {  	v0 =	vadd.f32 v1, v0;
	_ =	sdelay $0x1  }
0x20e: {  	[tilespmem:s30+$0xFFFFFFB0] =	vst v0  }
0x20f: {  	v0 =	vld [tilespmem:s29+$0x16200]  }
0x210: {  	v1 =	vld [tilespmem:s29+$0x16210]  }
0x211: {  	v2 =	vld [tilespmem:s29+$0x12200]  }
0x212: {  	v3 =	vld [tilespmem:s29+$0x12210]  }
0x213: {  	v28 =	vld [tilespmem:s29+$0x12220]  }
0x214: {  	v29 =	vld [tilespmem:s29+$0x16220]  }
0x215: {  	v30 =	vld [tilespmem:s29+$0x16230]  }
0x216: {  	v31 =	vld [tilespmem:s29+$0x12230]  }
0x217: {  	v0 =	vmul.f32 v0, v2;
	v1 =	vmul.f32 v1, v3;
	_ =	sdelay $0x1  }
0x218: {  	v0 =	vadd.f32 v1, v0;
	v1 =	vmul.f32 v29, v28;
	_ =	sdelay $0x1  }
0x219: {  	v0 =	vadd.f32 v1, v0;
	v1 =	vmul.f32 v30, v31;
	_ =	sdelay $0x1  }
0x21a: {  	v0 =	vadd.f32 v1, v0;
	_ =	sdelay $0x1  }
0x21b: {  	[tilespmem:s30+$0xFFFFFFC0] =	vst v0  }
0x21c: {  	v0 =	vld [tilespmem:s29+$0x16280]  }
0x21d: {  	v1 =	vld [tilespmem:s29+$0x16290]  }
0x21e: {  	v2 =	vld [tilespmem:s29+$0x12280]  }
0x21f: {  	v3 =	vld [tilespmem:s29+$0x12290]  }
0x220: {  	v32 =	vld [tilespmem:s29+$0x122A0]  }
0x221: {  	v33 =	vld [tilespmem:s29+$0x162A0]  }
0x222: {  	v34 =	vld [tilespmem:s29+$0x162B0]  }
0x223: {  	v35 =	vld [tilespmem:s29+$0x122B0]  }
0x224: {  	v0 =	vmul.f32 v0, v2;
	v1 =	vmul.f32 v1, v3;
	_ =	sdelay $0x1  }
0x225: {  	v0 =	vadd.f32 v1, v0;
	v1 =	vmul.f32 v33, v32;
	_ =	sdelay $0x1  }
0x226: {  	v0 =	vadd.f32 v1, v0;
	v1 =	vmul.f32 v34, v35;
	_ =	sdelay $0x1  }
0x227: {  	v0 =	vadd.f32 v1, v0;
	_ =	sdelay $0x1  }
0x228: {  	[tilespmem:s30+$0xFFFFFFD0] =	vst v0  }
0x229: {  	v0 =	vld [tilespmem:s29+$0x16300]  }
0x22a: {  	v1 =	vld [tilespmem:s29+$0x16310]  }
0x22b: {  	v2 =	vld [tilespmem:s29+$0x12310]  }
0x22c: {  	v3 =	vld [tilespmem:s29+$0x12300]  }
0x22d: {  	v36 =	vld [tilespmem:s29+$0x12320]  }
0x22e: {  	v37 =	vld [tilespmem:s29+$0x16320]  }
0x22f: {  	v38 =	vld [tilespmem:s29+$0x16330]  }
0x230: {  	v39 =	vld [tilespmem:s29+$0x12330]  }
0x231: {  	v1 =	vmul.f32 v1, v2;
	v0 =	vmul.f32 v0, v3;
	_ =	sdelay $0x1  }
0x232: {  	v0 =	vadd.f32 v1, v0;
	v1 =	vmul.f32 v37, v36;
	_ =	sdelay $0x1  }
0x233: {  	v0 =	vadd.f32 v1, v0;
	v1 =	vmul.f32 v38, v39;
	_ =	sdelay $0x1  }
0x234: {  	v0 =	vadd.f32 v1, v0;
	_ =	sdelay $0x1  }
0x235: {  	[tilespmem:s30+$0xFFFFFFE0] =	vst v0  }
0x236: {  	v0 =	vld [tilespmem:s29+$0x12380]  }
0x237: {  	v1 =	vld [tilespmem:s29+$0x16380]  }
0x238: {  	v2 =	vld [tilespmem:s29+$0x16390]  }
0x239: {  	v3 =	vld [tilespmem:s29+$0x12390]  }
0x23a: {  	v40 =	vld [tilespmem:s29+$0x123A0]  }
0x23b: {  	v41 =	vld [tilespmem:s29+$0x163A0]  }
0x23c: {  	v42 =	vld [tilespmem:s29+$0x163B0]  }
0x23d: {  	v43 =	vld [tilespmem:s29+$0x123B0]  }
0x23e: {  	v0 =	vmul.f32 v1, v0;
	v1 =	vmul.f32 v2, v3;
	_ =	sdelay $0x1  }
0x23f: {  	v0 =	vadd.f32 v1, v0;
	v1 =	vmul.f32 v41, v40;
	_ =	sdelay $0x1  }
0x240: {  	v0 =	vadd.f32 v1, v0;
	v1 =	vmul.f32 v42, v43;
	_ =	sdelay $0x1  }
0x241: {  	v0 =	vadd.f32 v1, v0;
	_ =	sdelay $0x1  }
0x242: {  	[tilespmem:s30+$0xFFFFFFF0] =	vst v0  }
0x243: {  	v0 =	vld [tilespmem:s29+$0x16400]  }
0x244: {  	v1 =	vld [tilespmem:s29+$0x16410]  }
0x245: {  	v2 =	vld [tilespmem:s29+$0x12400]  }
0x246: {  	v3 =	vld [tilespmem:s29+$0x12410]  }
0x247: {  	v44 =	vld [tilespmem:s29+$0x12420]  }
0x248: {  	v45 =	vld [tilespmem:s29+$0x16420]  }
0x249: {  	v46 =	vld [tilespmem:s29+$0x12430]  }
0x24a: {  	v47 =	vld [tilespmem:s29+$0x16430]  }
0x24b: {  	v0 =	vmul.f32 v0, v2;
	v1 =	vmul.f32 v1, v3;
	_ =	sdelay $0x1  }
0x24c: {  	v0 =	vadd.f32 v1, v0;
	v1 =	vmul.f32 v45, v44;
	_ =	sdelay $0x1  }
0x24d: {  	v0 =	vadd.f32 v1, v0;
	v1 =	vmul.f32 v47, v46;
	_ =	sdelay $0x1  }
0x24e: {  	v0 =	vadd.f32 v1, v0;
	_ =	sdelay $0x1  }
0x24f: {  	[tilespmem:s30+$0x0] =	vst v0  }
0x250: {  	v0 =	vld [tilespmem:s29+$0x16480]  }
0x251: {  	v1 =	vld [tilespmem:s29+$0x16490]  }
0x252: {  	v2 =	vld [tilespmem:s29+$0x12490]  }
0x253: {  	v3 =	vld [tilespmem:s29+$0x12480]  }
0x254: {  	v48 =	vld [tilespmem:s29+$0x124A0]  }
0x255: {  	v49 =	vld [tilespmem:s29+$0x164A0]  }
0x256: {  	v50 =	vld [tilespmem:s29+$0x124B0]  }
0x257: {  	v51 =	vld [tilespmem:s29+$0x164B0]  }
0x258: {  	v1 =	vmul.f32 v1, v2;
	v0 =	vmul.f32 v0, v3;
	_ =	sdelay $0x1  }
0x259: {  	v0 =	vadd.f32 v1, v0;
	v1 =	vmul.f32 v49, v48;
	_ =	sdelay $0x1  }
0x25a: {  	v0 =	vadd.f32 v1, v0;
	v1 =	vmul.f32 v51, v50;
	_ =	sdelay $0x1  }
0x25b: {  	v0 =	vadd.f32 v1, v0;
	_ =	sdelay $0x1  }
0x25c: {  	[tilespmem:s30+$0x10] =	vst v0  }
0x25d: {  	v0 =	vld [tilespmem:s29+$0x16510]  }
0x25e: {  	v1 =	vld [tilespmem:s29+$0x16500]  }
0x25f: {  	v2 =	vld [tilespmem:s29+$0x12500]  }
0x260: {  	v3 =	vld [tilespmem:s29+$0x12510]  }
0x261: {  	v52 =	vld [tilespmem:s29+$0x12520]  }
0x262: {  	v53 =	vld [tilespmem:s29+$0x16520]  }
0x263: {  	v54 =	vld [tilespmem:s29+$0x12530]  }
0x264: {  	v55 =	vld [tilespmem:s29+$0x16530]  }
0x265: {  	v1 =	vmul.f32 v1, v2;
	v0 =	vmul.f32 v0, v3;
	_ =	sdelay $0x1  }
0x266: {  	v0 =	vadd.f32 v0, v1;
	v1 =	vmul.f32 v53, v52;
	_ =	sdelay $0x1  }
0x267: {  	v0 =	vadd.f32 v1, v0;
	v1 =	vmul.f32 v55, v54;
	_ =	sdelay $0x1  }
0x268: {  	v0 =	vadd.f32 v1, v0;
	_ =	sdelay $0x1  }
0x269: {  	[tilespmem:s30+$0x20] =	vst v0  }
0x26a: {  	v0 =	vld [tilespmem:s29+$0x16580]  }
0x26b: {  	v1 =	vld [tilespmem:s29+$0x16590]  }
0x26c: {  	v2 =	vld [tilespmem:s29+$0x12580]  }
0x26d: {  	v3 =	vld [tilespmem:s29+$0x12590]  }
0x26e: {  	v56 =	vld [tilespmem:s29+$0x125A0]  }
0x26f: {  	v57 =	vld [tilespmem:s29+$0x165A0]  }
0x270: {  	v58 =	vld [tilespmem:s29+$0x125B0]  }
0x271: {  	v59 =	vld [tilespmem:s29+$0x165B0]  }
0x272: {  	v0 =	vmul.f32 v0, v2;
	v1 =	vmul.f32 v1, v3;
	_ =	sdelay $0x1  }
0x273: {  	v0 =	vadd.f32 v1, v0;
	v1 =	vmul.f32 v57, v56;
	_ =	sdelay $0x1  }
0x274: {  	v0 =	vadd.f32 v1, v0;
	v1 =	vmul.f32 v59, v58;
	_ =	sdelay $0x1  }
0x275: {  	v0 =	vadd.f32 v1, v0;
	_ =	sdelay $0x1  }
0x276: {  	[tilespmem:s30+$0x30] =	vst v0  }
0x277: {  	v0 =	vld [tilespmem:s29+$0x16600]  }
0x278: {  	v1 =	vld [tilespmem:s29+$0x16610]  }
0x279: {  	v2 =	vld [tilespmem:s29+$0x12600]  }
0x27a: {  	v3 =	vld [tilespmem:s29+$0x12610]  }
0x27b: {  	v60 =	vld [tilespmem:s29+$0x12620]  }
0x27c: {  	v61 =	vld [tilespmem:s29+$0x16620]  }
0x27d: {  	v62 =	vld [tilespmem:s29+$0x12630]  }
0x27e: {  	v63 =	vld [tilespmem:s29+$0x16630]  }
0x27f: {  	v0 =	vmul.f32 v0, v2;
	v1 =	vmul.f32 v1, v3;
	_ =	sdelay $0x1  }
0x280: {  	v0 =	vadd.f32 v1, v0;
	v1 =	vmul.f32 v61, v60;
	_ =	sdelay $0x1  }
0x281: {  	v0 =	vadd.f32 v1, v0;
	v1 =	vmul.f32 v63, v62;
	_ =	sdelay $0x1  }
0x282: {  	v0 =	vadd.f32 v1, v0;
	_ =	sdelay $0x1  }
0x283: {  	[tilespmem:s30+$0x40] =	vst v0  }
0x284: {  	v0 =	vld [tilespmem:s29+$0x16680]  }
0x285: {  	s31 =	simm.s32 $0x1A880;
	s0 =	simm.s32 $0x2000;
	v1 =	vld [tilespmem:s29+$0x16690]  }
.LBB2_5:
0x286: {  	p0 =	sne.s32 s0, $0xE000  }
0x287: {  	v2 =	vld [tilespmem:s29+$0x12680];
	s30 =	sadd.s32 $0x100, s30;
	s1 =	smov.u32 s0;
	s0 =	sadd.s32 $0x2000, s0  }
0x288: {  	v3 =	vld [tilespmem:s29+$0x12690]  }
0x289: {  	v4 =	vld [tilespmem:s29+$0x126A0]  }
0x28a: {  	v5 =	vld [tilespmem:s29+$0x166A0]  }
0x28b: {  	v6 =	vld [tilespmem:s29+$0x126B0]  }
0x28c: {  	v0 =	vmul.f32 v0, v2;
	v2 =	vld [tilespmem:s29+$0x166B0]  }
0x28d: {  	v1 =	vmul.f32 v1, v3;
	_ =	sdelay $0x1  }
0x28e: {  	v0 =	vadd.f32 v1, v0;
	v1 =	vmul.f32 v5, v4;
	_ =	sdelay $0x1  }
0x28f: {  	v0 =	vadd.f32 v1, v0;
	v1 =	vmul.f32 v2, v6;
	_ =	sdelay $0x1  }
0x290: {  	v0 =	vadd.f32 v1, v0;
	_ =	sdelay $0x1  }
0x291: {  	[tilespmem:s31+$0x50] =	vst v0  }
0x292: {  	v0 =	vld [tilespmem:s29+$0x16700]  }
0x293: {  	v1 =	vld [tilespmem:s29+$0x12700]  }
0x294: {  	v2 =	vld [tilespmem:s29+$0x16710]  }
0x295: {  	v3 =	vld [tilespmem:s29+$0x12710]  }
0x296: {  	v4 =	vld [tilespmem:s29+$0x12720]  }
0x297: {  	v5 =	vld [tilespmem:s29+$0x16720]  }
0x298: {  	v0 =	vmul.f32 v0, v1;
	v1 =	vld [tilespmem:s29+$0x12730]  }
0x299: {  	v6 =	vld [tilespmem:s29+$0x16730]  }
0x29a: {  	v2 =	vmul.f32 v2, v3;
	_ =	sdelay $0x1  }
0x29b: {  	v0 =	vadd.f32 v2, v0;
	v2 =	vmul.f32 v5, v4;
	_ =	sdelay $0x1  }
0x29c: {  	v0 =	vadd.f32 v2, v0;
	v1 =	vmul.f32 v6, v1;
	_ =	sdelay $0x1  }
0x29d: {  	v0 =	vadd.f32 v1, v0;
	_ =	sdelay $0x1  }
0x29e: {  	[tilespmem:s31+$0x60] =	vst v0  }
0x29f: {  	v0 =	vld [tilespmem:s29+$0x127A0]  }
0x2a0: {  	v1 =	vld [tilespmem:s29+$0x12780]  }
0x2a1: {  	v2 =	vld [tilespmem:s29+$0x167A0]  }
0x2a2: {  	v3 =	vld [tilespmem:s29+$0x16790]  }
0x2a3: {  	v4 =	vld [tilespmem:s29+$0x16780]  }
0x2a4: {  	v5 =	vld [tilespmem:s29+$0x12790]  }
0x2a5: {  	v6 =	vld [tilespmem:s29+$0x127B0]  }
0x2a6: {  	v7 =	vld [tilespmem:s29+$0x167B0];
	_ =	sdelay $0x1  }
0x2a7: {  	v0 =	vmul.f32 v2, v0;
	v1 =	vmul.f32 v4, v1  }
0x2a8: {  	v2 =	vmul.f32 v3, v5;
	_ =	sdelay $0x1  }
0x2a9: {  	v1 =	vadd.f32 v2, v1;
	v2 =	vmul.f32 v7, v6;
	_ =	sdelay $0x1  }
0x2aa: {  	v0 =	vadd.f32 v0, v1;
	_ =	sdelay $0x1  }
0x2ab: {  	v0 =	vadd.f32 v2, v0;
	_ =	sdelay $0x1  }
0x2ac: {  	s29 =	sshra.s32 s1, $0x2;
	[tilespmem:s31+$0x70] =	vst v0;
	s31 =	smov.u32 s30  }
0x2ad: {  	v0 =	vld [tilespmem:s29+$0x16010]  }
0x2ae: {  	v1 =	vld [tilespmem:s29+$0x12000]  }
0x2af: {  	v2 =	vld [tilespmem:s29+$0x12010]  }
0x2b0: {  	v3 =	vld [tilespmem:s29+$0x16000]  }
0x2b1: {  	v4 =	vld [tilespmem:s29+$0x16020]  }
0x2b2: {  	v5 =	vld [tilespmem:s29+$0x12020]  }
0x2b3: {  	v6 =	vld [tilespmem:s29+$0x16030]  }
0x2b4: {  	v0 =	vmul.f32 v0, v2;
	v2 =	vld [tilespmem:s29+$0x12030]  }
0x2b5: {  	v1 =	vmul.f32 v3, v1;
	_ =	sdelay $0x1  }
0x2b6: {  	v0 =	vadd.f32 v0, v1;
	v1 =	vmul.f32 v4, v5;
	_ =	sdelay $0x1  }
0x2b7: {  	v0 =	vadd.f32 v1, v0;
	v1 =	vmul.f32 v6, v2;
	_ =	sdelay $0x1  }
0x2b8: {  	v0 =	vadd.f32 v1, v0;
	_ =	sdelay $0x1  }
0x2b9: {  	[tilespmem:s30+$0xFFFFFF80] =	vst v0  }
0x2ba: {  	v0 =	vld [tilespmem:s29+$0x12080]  }
0x2bb: {  	v1 =	vld [tilespmem:s29+$0x16080]  }
0x2bc: {  	v2 =	vld [tilespmem:s29+$0x12090]  }
0x2bd: {  	v3 =	vld [tilespmem:s29+$0x16090]  }
0x2be: {  	v4 =	vld [tilespmem:s29+$0x160A0]  }
0x2bf: {  	v5 =	vld [tilespmem:s29+$0x120A0]  }
0x2c0: {  	v0 =	vmul.f32 v1, v0;
	v1 =	vld [tilespmem:s29+$0x160B0]  }
0x2c1: {  	v6 =	vld [tilespmem:s29+$0x120B0]  }
0x2c2: {  	v2 =	vmul.f32 v3, v2;
	_ =	sdelay $0x1  }
0x2c3: {  	v0 =	vadd.f32 v2, v0;
	v2 =	vmul.f32 v4, v5;
	_ =	sdelay $0x1  }
0x2c4: {  	v0 =	vadd.f32 v2, v0;
	v1 =	vmul.f32 v1, v6;
	_ =	sdelay $0x1  }
0x2c5: {  	v0 =	vadd.f32 v1, v0;
	_ =	sdelay $0x1  }
0x2c6: {  	[tilespmem:s30+$0xFFFFFF90] =	vst v0  }
0x2c7: {  	v0 =	vld [tilespmem:s29+$0x16110]  }
0x2c8: {  	v1 =	vld [tilespmem:s29+$0x12100]  }
0x2c9: {  	v2 =	vld [tilespmem:s29+$0x16100]  }
0x2ca: {  	v3 =	vld [tilespmem:s29+$0x12110]  }
0x2cb: {  	v4 =	vld [tilespmem:s29+$0x16120]  }
0x2cc: {  	v5 =	vld [tilespmem:s29+$0x12120]  }
0x2cd: {  	v6 =	vld [tilespmem:s29+$0x16130]  }
0x2ce: {  	v1 =	vmul.f32 v2, v1;
	v2 =	vld [tilespmem:s29+$0x12130]  }
0x2cf: {  	v0 =	vmul.f32 v0, v3;
	_ =	sdelay $0x1  }
0x2d0: {  	v0 =	vadd.f32 v0, v1;
	v1 =	vmul.f32 v4, v5;
	_ =	sdelay $0x1  }
0x2d1: {  	v0 =	vadd.f32 v1, v0;
	v1 =	vmul.f32 v6, v2;
	_ =	sdelay $0x1  }
0x2d2: {  	v0 =	vadd.f32 v1, v0;
	_ =	sdelay $0x1  }
0x2d3: {  	[tilespmem:s30+$0xFFFFFFA0] =	vst v0  }
0x2d4: {  	v0 =	vld [tilespmem:s29+$0x16190]  }
0x2d5: {  	v1 =	vld [tilespmem:s29+$0x12180]  }
0x2d6: {  	v2 =	vld [tilespmem:s29+$0x16180]  }
0x2d7: {  	v3 =	vld [tilespmem:s29+$0x12190]  }
0x2d8: {  	v4 =	vld [tilespmem:s29+$0x121A0]  }
0x2d9: {  	v5 =	vld [tilespmem:s29+$0x161A0]  }
0x2da: {  	v6 =	vld [tilespmem:s29+$0x161B0]  }
0x2db: {  	v1 =	vmul.f32 v2, v1;
	v2 =	vld [tilespmem:s29+$0x121B0]  }
0x2dc: {  	v0 =	vmul.f32 v0, v3;
	_ =	sdelay $0x1  }
0x2dd: {  	v0 =	vadd.f32 v0, v1;
	v1 =	vmul.f32 v5, v4;
	_ =	sdelay $0x1  }
0x2de: {  	v0 =	vadd.f32 v1, v0;
	v1 =	vmul.f32 v6, v2;
	_ =	sdelay $0x1  }
0x2df: {  	v0 =	vadd.f32 v1, v0;
	_ =	sdelay $0x1  }
0x2e0: {  	[tilespmem:s30+$0xFFFFFFB0] =	vst v0  }
0x2e1: {  	v0 =	vld [tilespmem:s29+$0x16200]  }
0x2e2: {  	v1 =	vld [tilespmem:s29+$0x16210]  }
0x2e3: {  	v2 =	vld [tilespmem:s29+$0x12200]  }
0x2e4: {  	v3 =	vld [tilespmem:s29+$0x12210]  }
0x2e5: {  	v4 =	vld [tilespmem:s29+$0x12220]  }
0x2e6: {  	v5 =	vld [tilespmem:s29+$0x16220]  }
0x2e7: {  	v6 =	vld [tilespmem:s29+$0x16230]  }
0x2e8: {  	v0 =	vmul.f32 v0, v2;
	v2 =	vld [tilespmem:s29+$0x12230]  }
0x2e9: {  	v1 =	vmul.f32 v1, v3;
	_ =	sdelay $0x1  }
0x2ea: {  	v0 =	vadd.f32 v1, v0;
	v1 =	vmul.f32 v5, v4;
	_ =	sdelay $0x1  }
0x2eb: {  	v0 =	vadd.f32 v1, v0;
	v1 =	vmul.f32 v6, v2;
	_ =	sdelay $0x1  }
0x2ec: {  	v0 =	vadd.f32 v1, v0;
	_ =	sdelay $0x1  }
0x2ed: {  	[tilespmem:s30+$0xFFFFFFC0] =	vst v0  }
0x2ee: {  	v0 =	vld [tilespmem:s29+$0x16280]  }
0x2ef: {  	v1 =	vld [tilespmem:s29+$0x16290]  }
0x2f0: {  	v2 =	vld [tilespmem:s29+$0x12280]  }
0x2f1: {  	v3 =	vld [tilespmem:s29+$0x12290]  }
0x2f2: {  	v4 =	vld [tilespmem:s29+$0x122A0]  }
0x2f3: {  	v5 =	vld [tilespmem:s29+$0x162A0]  }
0x2f4: {  	v6 =	vld [tilespmem:s29+$0x162B0]  }
0x2f5: {  	v0 =	vmul.f32 v0, v2;
	v2 =	vld [tilespmem:s29+$0x122B0]  }
0x2f6: {  	v1 =	vmul.f32 v1, v3;
	_ =	sdelay $0x1  }
0x2f7: {  	v0 =	vadd.f32 v1, v0;
	v1 =	vmul.f32 v5, v4;
	_ =	sdelay $0x1  }
0x2f8: {  	v0 =	vadd.f32 v1, v0;
	v1 =	vmul.f32 v6, v2;
	_ =	sdelay $0x1  }
0x2f9: {  	v0 =	vadd.f32 v1, v0;
	_ =	sdelay $0x1  }
0x2fa: {  	[tilespmem:s30+$0xFFFFFFD0] =	vst v0  }
0x2fb: {  	v0 =	vld [tilespmem:s29+$0x16300]  }
0x2fc: {  	v1 =	vld [tilespmem:s29+$0x16310]  }
0x2fd: {  	v2 =	vld [tilespmem:s29+$0x12310]  }
0x2fe: {  	v3 =	vld [tilespmem:s29+$0x12300]  }
0x2ff: {  	v4 =	vld [tilespmem:s29+$0x12320]  }
0x300: {  	v5 =	vld [tilespmem:s29+$0x16320]  }
0x301: {  	v6 =	vld [tilespmem:s29+$0x16330]  }
0x302: {  	v1 =	vmul.f32 v1, v2;
	v2 =	vld [tilespmem:s29+$0x12330]  }
0x303: {  	v0 =	vmul.f32 v0, v3;
	_ =	sdelay $0x1  }
0x304: {  	v0 =	vadd.f32 v1, v0;
	v1 =	vmul.f32 v5, v4;
	_ =	sdelay $0x1  }
0x305: {  	v0 =	vadd.f32 v1, v0;
	v1 =	vmul.f32 v6, v2;
	_ =	sdelay $0x1  }
0x306: {  	v0 =	vadd.f32 v1, v0;
	_ =	sdelay $0x1  }
0x307: {  	[tilespmem:s30+$0xFFFFFFE0] =	vst v0  }
0x308: {  	v0 =	vld [tilespmem:s29+$0x12380]  }
0x309: {  	v1 =	vld [tilespmem:s29+$0x16380]  }
0x30a: {  	v2 =	vld [tilespmem:s29+$0x16390]  }
0x30b: {  	v3 =	vld [tilespmem:s29+$0x12390]  }
0x30c: {  	v4 =	vld [tilespmem:s29+$0x123A0]  }
0x30d: {  	v5 =	vld [tilespmem:s29+$0x163A0]  }
0x30e: {  	v0 =	vmul.f32 v1, v0;
	v1 =	vld [tilespmem:s29+$0x163B0]  }
0x30f: {  	v6 =	vld [tilespmem:s29+$0x123B0]  }
0x310: {  	v2 =	vmul.f32 v2, v3;
	_ =	sdelay $0x1  }
0x311: {  	v0 =	vadd.f32 v2, v0;
	v2 =	vmul.f32 v5, v4;
	_ =	sdelay $0x1  }
0x312: {  	v0 =	vadd.f32 v2, v0;
	v1 =	vmul.f32 v1, v6;
	_ =	sdelay $0x1  }
0x313: {  	v0 =	vadd.f32 v1, v0;
	_ =	sdelay $0x1  }
0x314: {  	[tilespmem:s30+$0xFFFFFFF0] =	vst v0  }
0x315: {  	v0 =	vld [tilespmem:s29+$0x16400]  }
0x316: {  	v1 =	vld [tilespmem:s29+$0x16410]  }
0x317: {  	v2 =	vld [tilespmem:s29+$0x12400]  }
0x318: {  	v3 =	vld [tilespmem:s29+$0x12410]  }
0x319: {  	v4 =	vld [tilespmem:s29+$0x12420]  }
0x31a: {  	v5 =	vld [tilespmem:s29+$0x16420]  }
0x31b: {  	v6 =	vld [tilespmem:s29+$0x12430]  }
0x31c: {  	v0 =	vmul.f32 v0, v2;
	v2 =	vld [tilespmem:s29+$0x16430]  }
0x31d: {  	v1 =	vmul.f32 v1, v3;
	_ =	sdelay $0x1  }
0x31e: {  	v0 =	vadd.f32 v1, v0;
	v1 =	vmul.f32 v5, v4;
	_ =	sdelay $0x1  }
0x31f: {  	v0 =	vadd.f32 v1, v0;
	v1 =	vmul.f32 v2, v6;
	_ =	sdelay $0x1  }
0x320: {  	v0 =	vadd.f32 v1, v0;
	_ =	sdelay $0x1  }
0x321: {  	[tilespmem:s30+$0x0] =	vst v0  }
0x322: {  	v0 =	vld [tilespmem:s29+$0x16480]  }
0x323: {  	v1 =	vld [tilespmem:s29+$0x16490]  }
0x324: {  	v2 =	vld [tilespmem:s29+$0x12490]  }
0x325: {  	v3 =	vld [tilespmem:s29+$0x12480]  }
0x326: {  	v4 =	vld [tilespmem:s29+$0x124A0]  }
0x327: {  	v5 =	vld [tilespmem:s29+$0x164A0]  }
0x328: {  	v6 =	vld [tilespmem:s29+$0x124B0]  }
0x329: {  	v1 =	vmul.f32 v1, v2;
	v2 =	vld [tilespmem:s29+$0x164B0]  }
0x32a: {  	v0 =	vmul.f32 v0, v3;
	_ =	sdelay $0x1  }
0x32b: {  	v0 =	vadd.f32 v1, v0;
	v1 =	vmul.f32 v5, v4;
	_ =	sdelay $0x1  }
0x32c: {  	v0 =	vadd.f32 v1, v0;
	v1 =	vmul.f32 v2, v6;
	_ =	sdelay $0x1  }
0x32d: {  	v0 =	vadd.f32 v1, v0;
	_ =	sdelay $0x1  }
0x32e: {  	[tilespmem:s30+$0x10] =	vst v0  }
0x32f: {  	v0 =	vld [tilespmem:s29+$0x16510]  }
0x330: {  	v1 =	vld [tilespmem:s29+$0x16500]  }
0x331: {  	v2 =	vld [tilespmem:s29+$0x12500]  }
0x332: {  	v3 =	vld [tilespmem:s29+$0x12510]  }
0x333: {  	v4 =	vld [tilespmem:s29+$0x12520]  }
0x334: {  	v5 =	vld [tilespmem:s29+$0x16520]  }
0x335: {  	v6 =	vld [tilespmem:s29+$0x12530]  }
0x336: {  	v1 =	vmul.f32 v1, v2;
	v2 =	vld [tilespmem:s29+$0x16530]  }
0x337: {  	v0 =	vmul.f32 v0, v3;
	_ =	sdelay $0x1  }
0x338: {  	v0 =	vadd.f32 v0, v1;
	v1 =	vmul.f32 v5, v4;
	_ =	sdelay $0x1  }
0x339: {  	v0 =	vadd.f32 v1, v0;
	v1 =	vmul.f32 v2, v6;
	_ =	sdelay $0x1  }
0x33a: {  	v0 =	vadd.f32 v1, v0;
	_ =	sdelay $0x1  }
0x33b: {  	[tilespmem:s30+$0x20] =	vst v0  }
0x33c: {  	v0 =	vld [tilespmem:s29+$0x16580]  }
0x33d: {  	v1 =	vld [tilespmem:s29+$0x16590]  }
0x33e: {  	v2 =	vld [tilespmem:s29+$0x12580]  }
0x33f: {  	v3 =	vld [tilespmem:s29+$0x12590]  }
0x340: {  	v4 =	vld [tilespmem:s29+$0x125A0]  }
0x341: {  	v5 =	vld [tilespmem:s29+$0x165A0]  }
0x342: {  	v6 =	vld [tilespmem:s29+$0x125B0]  }
0x343: {  	v0 =	vmul.f32 v0, v2;
	v2 =	vld [tilespmem:s29+$0x165B0]  }
0x344: {  	v1 =	vmul.f32 v1, v3;
	_ =	sdelay $0x1  }
0x345: {  	v0 =	vadd.f32 v1, v0;
	v1 =	vmul.f32 v5, v4;
	_ =	sdelay $0x1  }
0x346: {  	v0 =	vadd.f32 v1, v0;
	v1 =	vmul.f32 v2, v6;
	_ =	sdelay $0x1  }
0x347: {  	v0 =	vadd.f32 v1, v0;
	_ =	sdelay $0x1  }
0x348: {  	[tilespmem:s30+$0x30] =	vst v0  }
0x349: {  	v0 =	vld [tilespmem:s29+$0x16600]  }
0x34a: {  	v1 =	vld [tilespmem:s29+$0x16610]  }
0x34b: {  	v2 =	vld [tilespmem:s29+$0x12600]  }
0x34c: {  	v3 =	vld [tilespmem:s29+$0x12610]  }
0x34d: {  	v4 =	vld [tilespmem:s29+$0x12620]  }
0x34e: {  	v5 =	vld [tilespmem:s29+$0x16620]  }
0x34f: {  	v6 =	vld [tilespmem:s29+$0x12630]  }
0x350: {  	v0 =	vmul.f32 v0, v2;
	v2 =	vld [tilespmem:s29+$0x16630]  }
0x351: {  	v1 =	vmul.f32 v1, v3;
	_ =	sdelay $0x1  }
0x352: {  	v0 =	vadd.f32 v1, v0;
	v1 =	vmul.f32 v5, v4;
	_ =	sdelay $0x1  }
0x353: {  	v0 =	vadd.f32 v1, v0;
	v1 =	vmul.f32 v2, v6;
	_ =	sdelay $0x1  }
.Ltmp1:
0x354: {  	v0 =	vadd.f32 v1, v0;
	(pc) =	sbr.rel @p0 .LBB2_5-.Ltmp1, $4  }
0x355: {  	_ = 	snop  }
0x356: {  	[tilespmem:s30+$0x40] =	vst v0  }
0x357: {  	v0 =	vld [tilespmem:s29+$0x16680]  }
0x358: {  	v1 =	vld [tilespmem:s29+$0x16690]  }
0x359: {  	v2 =	vld [tilespmem:s29+$0x12680]  }
0x35a: {  	v3 =	vld [tilespmem:s29+$0x12690]  }
0x35b: {  	v4 =	vld [tilespmem:s29+$0x126A0]  }
0x35c: {  	v5 =	vld [tilespmem:s29+$0x166A0]  }
0x35d: {  	v6 =	vld [tilespmem:s29+$0x126B0]  }
0x35e: {  	v7 =	vld [tilespmem:s29+$0x166B0]  }
0x35f: {  	v0 =	vmul.f32 v0, v2;
	v1 =	vmul.f32 v1, v3;
	_ =	sdelay $0x1  }
0x360: {  	v43 =	vmul.f32 v5, v4;
	v0 =	vadd.f32 v1, v0;
	_ =	sdelay $0x1  }
0x361: {  	v44 =	vmul.f32 v7, v6;
	v0 =	vadd.f32 v43, v0;
	_ =	sdelay $0x1  }
0x362: {  	v0 =	vadd.f32 v44, v0;
	_ =	sdelay $0x1  }
0x363: {  	[tilespmem:s31+$0x50] =	vst v0  }
0x364: {  	v0 =	vld [tilespmem:s29+$0x16700]  }
0x365: {  	v45 =	vld [tilespmem:s29+$0x12700]  }
0x366: {  	v46 =	vld [tilespmem:s29+$0x16710]  }
0x367: {  	v47 =	vld [tilespmem:s29+$0x12710]  }
0x368: {  	v48 =	vld [tilespmem:s29+$0x12720]  }
0x369: {  	v49 =	vld [tilespmem:s29+$0x16720]  }
0x36a: {  	v50 =	vld [tilespmem:s29+$0x12730]  }
0x36b: {  	v51 =	vld [tilespmem:s29+$0x16730]  }
0x36c: {  	v0 =	vmul.f32 v0, v45;
	v52 =	vmul.f32 v46, v47;
	_ =	sdelay $0x1  }
0x36d: {  	v53 =	vmul.f32 v49, v48;
	v0 =	vadd.f32 v52, v0;
	_ =	sdelay $0x1  }
0x36e: {  	v54 =	vmul.f32 v51, v50;
	v0 =	vadd.f32 v53, v0;
	_ =	sdelay $0x1  }
0x36f: {  	v0 =	vadd.f32 v54, v0;
	_ =	sdelay $0x1  }
0x370: {  	[tilespmem:s31+$0x60] =	vst v0  }
0x371: {  	v0 =	vld [tilespmem:s29+$0x12780]  }
0x372: {  	v55 =	vld [tilespmem:s29+$0x16790]  }
0x373: {  	v56 =	vld [tilespmem:s29+$0x16780]  }
0x374: {  	v57 =	vld [tilespmem:s29+$0x12790]  }
0x375: {  	v58 =	vld [tilespmem:s29+$0x127A0]  }
0x376: {  	v59 =	vld [tilespmem:s29+$0x167A0]  }
0x377: {  	v60 =	vld [tilespmem:s29+$0x127B0]  }
0x378: {  	v61 =	vld [tilespmem:s29+$0x167B0]  }
0x379: {  	v0 =	vmul.f32 v56, v0;
	v1 =	vmul.f32 v55, v57;
	_ =	sdelay $0x1  }
0x37a: {  	v62 =	vmul.f32 v59, v58;
	v0 =	vadd.f32 v1, v0  }
0x37b: {  	s26 =	sadd.s32 $0x1, s26  }
0x37c: {  	p0 =	sne.s32 s26, $0x4E;
	v63 =	vmul.f32 v61, v60;
	v0 =	vadd.f32 v62, v0  }
.Ltmp2:
0x37d: {  	s0 =	sadd.s32 s7, s28;
	(pc) =	sbr.rel @p0 .LBB2_2-.Ltmp2, $4  }
0x37e: {  	s0 =	sshll.u32 s0, $0x8;
	v0 =	vadd.f32 v63, v0  }
0x37f: {  	s0 =	sand.u32 $0x1FFFFF00, s0  }
0x380: {  	s0 =	sadd.s32 s4, s0;
	[tilespmem:s31+$0x70] =	vst v0  }
0x381: {  	[hbm4b:s0+s2] =	stream.linear.scatter [tilespmem:s22], [sflag:$0x6], $0x800, $0x38;
	[tilespmem:$0x1B000] =	vst v63  }
0x382: {  	_ =	swait.ge [sflag:s15], $0x4000  }
0x383: {  	[sflag:s15] =	ssyncset.done $0x0  }
0x384: {  	[sflag:s15] =	ssyncadd.s32 $0xFFFFC000  }
0x385: {  	_ =	swait.ge [sflag:s16], $0x4000  }
0x386: {  	[sflag:s16] =	ssyncset.done $0x0  }
0x387: {  	[sflag:s16] =	ssyncadd.s32 $0xFFFFC000  }
0x388: {  	_ =	swait.ge [sflag:s23], $0x800  }
0x389: {  	[sflag:s23] =	ssyncset.done $0x0  }
0x38a: {  	s26 =	simm.s32 $0x0;
	[sflag:s23] =	ssyncadd.s32 $0xFFFFF800  }
0x38b: {  	v0 =	vld [tilespmem:s26+$0xE010]  }
0x38c: {  	v1 =	vld [tilespmem:s26+$0xA000]  }
0x38d: {  	v2 =	vld [tilespmem:s26+$0xA010]  }
0x38e: {  	v3 =	vld [tilespmem:s26+$0xE000]  }
0x38f: {  	v4 =	vld [tilespmem:s26+$0xE020]  }
0x390: {  	v5 =	vld [tilespmem:s26+$0xA020]  }
0x391: {  	v6 =	vld [tilespmem:s26+$0xE030]  }
0x392: {  	v7 =	vld [tilespmem:s26+$0xA030]  }
0x393: {  	v0 =	vmul.f32 v0, v2;
	v1 =	vmul.f32 v3, v1;
	_ =	sdelay $0x1  }
0x394: {  	v0 =	vadd.f32 v0, v1;
	v1 =	vmul.f32 v4, v5;
	_ =	sdelay $0x1  }
0x395: {  	v0 =	vadd.f32 v1, v0;
	v1 =	vmul.f32 v6, v7;
	_ =	sdelay $0x1  }
0x396: {  	v0 =	vadd.f32 v1, v0  }
0x397: {  	s28 =	simm.s32 $0x1A080  }
0x398: {  	[tilespmem:s28+$0xFFFFFF80] =	vst v0  }
0x399: {  	v0 =	vld [tilespmem:s26+$0xA080]  }
0x39a: {  	v1 =	vld [tilespmem:s26+$0xE080]  }
0x39b: {  	v2 =	vld [tilespmem:s26+$0xA090]  }
0x39c: {  	v3 =	vld [tilespmem:s26+$0xE090]  }
0x39d: {  	v16 =	vld [tilespmem:s26+$0xE0A0]  }
0x39e: {  	v17 =	vld [tilespmem:s26+$0xA0A0]  }
0x39f: {  	v18 =	vld [tilespmem:s26+$0xE0B0]  }
0x3a0: {  	v19 =	vld [tilespmem:s26+$0xA0B0]  }
0x3a1: {  	v0 =	vmul.f32 v1, v0;
	v1 =	vmul.f32 v3, v2;
	_ =	sdelay $0x1  }
0x3a2: {  	v0 =	vadd.f32 v1, v0;
	v1 =	vmul.f32 v16, v17;
	_ =	sdelay $0x1  }
0x3a3: {  	v0 =	vadd.f32 v1, v0;
	v1 =	vmul.f32 v18, v19;
	_ =	sdelay $0x1  }
0x3a4: {  	v0 =	vadd.f32 v1, v0;
	_ =	sdelay $0x1  }
0x3a5: {  	[tilespmem:s28+$0xFFFFFF90] =	vst v0  }
0x3a6: {  	v0 =	vld [tilespmem:s26+$0xE110]  }
0x3a7: {  	v1 =	vld [tilespmem:s26+$0xA100]  }
0x3a8: {  	v2 =	vld [tilespmem:s26+$0xE100]  }
0x3a9: {  	v3 =	vld [tilespmem:s26+$0xA110]  }
0x3aa: {  	v20 =	vld [tilespmem:s26+$0xE120]  }
0x3ab: {  	v21 =	vld [tilespmem:s26+$0xA120]  }
0x3ac: {  	v22 =	vld [tilespmem:s26+$0xE130]  }
0x3ad: {  	v23 =	vld [tilespmem:s26+$0xA130]  }
0x3ae: {  	v1 =	vmul.f32 v2, v1;
	v0 =	vmul.f32 v0, v3;
	_ =	sdelay $0x1  }
0x3af: {  	v0 =	vadd.f32 v0, v1;
	v1 =	vmul.f32 v20, v21;
	_ =	sdelay $0x1  }
0x3b0: {  	v0 =	vadd.f32 v1, v0;
	v1 =	vmul.f32 v22, v23;
	_ =	sdelay $0x1  }
0x3b1: {  	v0 =	vadd.f32 v1, v0;
	_ =	sdelay $0x1  }
0x3b2: {  	[tilespmem:s28+$0xFFFFFFA0] =	vst v0  }
0x3b3: {  	v0 =	vld [tilespmem:s26+$0xE190]  }
0x3b4: {  	v1 =	vld [tilespmem:s26+$0xA180]  }
0x3b5: {  	v2 =	vld [tilespmem:s26+$0xE180]  }
0x3b6: {  	v3 =	vld [tilespmem:s26+$0xA190]  }
0x3b7: {  	v24 =	vld [tilespmem:s26+$0xA1A0]  }
0x3b8: {  	v25 =	vld [tilespmem:s26+$0xE1A0]  }
0x3b9: {  	v26 =	vld [tilespmem:s26+$0xE1B0]  }
0x3ba: {  	v27 =	vld [tilespmem:s26+$0xA1B0]  }
0x3bb: {  	v1 =	vmul.f32 v2, v1;
	v0 =	vmul.f32 v0, v3;
	_ =	sdelay $0x1  }
0x3bc: {  	v0 =	vadd.f32 v0, v1;
	v1 =	vmul.f32 v25, v24;
	_ =	sdelay $0x1  }
0x3bd: {  	v0 =	vadd.f32 v1, v0;
	v1 =	vmul.f32 v26, v27;
	_ =	sdelay $0x1  }
0x3be: {  	v0 =	vadd.f32 v1, v0;
	_ =	sdelay $0x1  }
0x3bf: {  	[tilespmem:s28+$0xFFFFFFB0] =	vst v0  }
0x3c0: {  	v0 =	vld [tilespmem:s26+$0xE200]  }
0x3c1: {  	v1 =	vld [tilespmem:s26+$0xE210]  }
0x3c2: {  	v2 =	vld [tilespmem:s26+$0xA200]  }
0x3c3: {  	v3 =	vld [tilespmem:s26+$0xA210]  }
0x3c4: {  	v28 =	vld [tilespmem:s26+$0xA220]  }
0x3c5: {  	v29 =	vld [tilespmem:s26+$0xE220]  }
0x3c6: {  	v30 =	vld [tilespmem:s26+$0xE230]  }
0x3c7: {  	v31 =	vld [tilespmem:s26+$0xA230]  }
0x3c8: {  	v0 =	vmul.f32 v0, v2;
	v1 =	vmul.f32 v1, v3;
	_ =	sdelay $0x1  }
0x3c9: {  	v0 =	vadd.f32 v1, v0;
	v1 =	vmul.f32 v29, v28;
	_ =	sdelay $0x1  }
0x3ca: {  	v0 =	vadd.f32 v1, v0;
	v1 =	vmul.f32 v30, v31;
	_ =	sdelay $0x1  }
0x3cb: {  	v0 =	vadd.f32 v1, v0;
	_ =	sdelay $0x1  }
0x3cc: {  	[tilespmem:s28+$0xFFFFFFC0] =	vst v0  }
0x3cd: {  	v0 =	vld [tilespmem:s26+$0xE280]  }
0x3ce: {  	v1 =	vld [tilespmem:s26+$0xE290]  }
0x3cf: {  	v2 =	vld [tilespmem:s26+$0xA280]  }
0x3d0: {  	v3 =	vld [tilespmem:s26+$0xA290]  }
0x3d1: {  	v32 =	vld [tilespmem:s26+$0xA2A0]  }
0x3d2: {  	v33 =	vld [tilespmem:s26+$0xE2A0]  }
0x3d3: {  	v34 =	vld [tilespmem:s26+$0xE2B0]  }
0x3d4: {  	v35 =	vld [tilespmem:s26+$0xA2B0]  }
0x3d5: {  	v0 =	vmul.f32 v0, v2;
	v1 =	vmul.f32 v1, v3;
	_ =	sdelay $0x1  }
0x3d6: {  	v0 =	vadd.f32 v1, v0;
	v1 =	vmul.f32 v33, v32;
	_ =	sdelay $0x1  }
0x3d7: {  	v0 =	vadd.f32 v1, v0;
	v1 =	vmul.f32 v34, v35;
	_ =	sdelay $0x1  }
0x3d8: {  	v0 =	vadd.f32 v1, v0;
	_ =	sdelay $0x1  }
0x3d9: {  	[tilespmem:s28+$0xFFFFFFD0] =	vst v0  }
0x3da: {  	v0 =	vld [tilespmem:s26+$0xE300]  }
0x3db: {  	v1 =	vld [tilespmem:s26+$0xE310]  }
0x3dc: {  	v2 =	vld [tilespmem:s26+$0xA310]  }
0x3dd: {  	v3 =	vld [tilespmem:s26+$0xA300]  }
0x3de: {  	v36 =	vld [tilespmem:s26+$0xA320]  }
0x3df: {  	v37 =	vld [tilespmem:s26+$0xE320]  }
0x3e0: {  	v38 =	vld [tilespmem:s26+$0xE330]  }
0x3e1: {  	v39 =	vld [tilespmem:s26+$0xA330]  }
0x3e2: {  	v1 =	vmul.f32 v1, v2;
	v0 =	vmul.f32 v0, v3;
	_ =	sdelay $0x1  }
0x3e3: {  	v0 =	vadd.f32 v1, v0;
	v1 =	vmul.f32 v37, v36;
	_ =	sdelay $0x1  }
0x3e4: {  	v0 =	vadd.f32 v1, v0;
	v1 =	vmul.f32 v38, v39;
	_ =	sdelay $0x1  }
0x3e5: {  	v0 =	vadd.f32 v1, v0;
	_ =	sdelay $0x1  }
0x3e6: {  	[tilespmem:s28+$0xFFFFFFE0] =	vst v0  }
0x3e7: {  	v0 =	vld [tilespmem:s26+$0xA380]  }
0x3e8: {  	v1 =	vld [tilespmem:s26+$0xE380]  }
0x3e9: {  	v2 =	vld [tilespmem:s26+$0xE390]  }
0x3ea: {  	v3 =	vld [tilespmem:s26+$0xA390]  }
0x3eb: {  	v40 =	vld [tilespmem:s26+$0xA3A0]  }
0x3ec: {  	v41 =	vld [tilespmem:s26+$0xE3A0]  }
0x3ed: {  	v42 =	vld [tilespmem:s26+$0xE3B0]  }
0x3ee: {  	v43 =	vld [tilespmem:s26+$0xA3B0]  }
0x3ef: {  	v0 =	vmul.f32 v1, v0;
	v1 =	vmul.f32 v2, v3;
	_ =	sdelay $0x1  }
0x3f0: {  	v0 =	vadd.f32 v1, v0;
	v1 =	vmul.f32 v41, v40;
	_ =	sdelay $0x1  }
0x3f1: {  	v0 =	vadd.f32 v1, v0;
	v1 =	vmul.f32 v42, v43;
	_ =	sdelay $0x1  }
0x3f2: {  	v0 =	vadd.f32 v1, v0;
	_ =	sdelay $0x1  }
0x3f3: {  	[tilespmem:s28+$0xFFFFFFF0] =	vst v0  }
0x3f4: {  	v0 =	vld [tilespmem:s26+$0xE400]  }
0x3f5: {  	v1 =	vld [tilespmem:s26+$0xE410]  }
0x3f6: {  	v2 =	vld [tilespmem:s26+$0xA400]  }
0x3f7: {  	v3 =	vld [tilespmem:s26+$0xA410]  }
0x3f8: {  	v44 =	vld [tilespmem:s26+$0xA420]  }
0x3f9: {  	v45 =	vld [tilespmem:s26+$0xE420]  }
0x3fa: {  	v46 =	vld [tilespmem:s26+$0xA430]  }
0x3fb: {  	v47 =	vld [tilespmem:s26+$0xE430]  }
0x3fc: {  	v0 =	vmul.f32 v0, v2;
	v1 =	vmul.f32 v1, v3;
	_ =	sdelay $0x1  }
0x3fd: {  	v0 =	vadd.f32 v1, v0;
	v1 =	vmul.f32 v45, v44;
	_ =	sdelay $0x1  }
0x3fe: {  	v0 =	vadd.f32 v1, v0;
	v1 =	vmul.f32 v47, v46;
	_ =	sdelay $0x1  }
0x3ff: {  	v0 =	vadd.f32 v1, v0;
	_ =	sdelay $0x1  }
0x400: {  	[tilespmem:s28+$0x0] =	vst v0  }
0x401: {  	v0 =	vld [tilespmem:s26+$0xE480]  }
0x402: {  	v1 =	vld [tilespmem:s26+$0xE490]  }
0x403: {  	v2 =	vld [tilespmem:s26+$0xA490]  }
0x404: {  	v3 =	vld [tilespmem:s26+$0xA480]  }
0x405: {  	v48 =	vld [tilespmem:s26+$0xA4A0]  }
0x406: {  	v49 =	vld [tilespmem:s26+$0xE4A0]  }
0x407: {  	v50 =	vld [tilespmem:s26+$0xA4B0]  }
0x408: {  	v51 =	vld [tilespmem:s26+$0xE4B0]  }
0x409: {  	v1 =	vmul.f32 v1, v2;
	v0 =	vmul.f32 v0, v3;
	_ =	sdelay $0x1  }
0x40a: {  	v0 =	vadd.f32 v1, v0;
	v1 =	vmul.f32 v49, v48;
	_ =	sdelay $0x1  }
0x40b: {  	v0 =	vadd.f32 v1, v0;
	v1 =	vmul.f32 v51, v50;
	_ =	sdelay $0x1  }
0x40c: {  	v0 =	vadd.f32 v1, v0;
	_ =	sdelay $0x1  }
0x40d: {  	[tilespmem:s28+$0x10] =	vst v0  }
0x40e: {  	v0 =	vld [tilespmem:s26+$0xE510]  }
0x40f: {  	v1 =	vld [tilespmem:s26+$0xE500]  }
0x410: {  	v2 =	vld [tilespmem:s26+$0xA500]  }
0x411: {  	v3 =	vld [tilespmem:s26+$0xA510]  }
0x412: {  	v52 =	vld [tilespmem:s26+$0xA520]  }
0x413: {  	v53 =	vld [tilespmem:s26+$0xE520]  }
0x414: {  	v54 =	vld [tilespmem:s26+$0xA530]  }
0x415: {  	v55 =	vld [tilespmem:s26+$0xE530]  }
0x416: {  	v1 =	vmul.f32 v1, v2;
	v0 =	vmul.f32 v0, v3;
	_ =	sdelay $0x1  }
0x417: {  	v0 =	vadd.f32 v0, v1;
	v1 =	vmul.f32 v53, v52;
	_ =	sdelay $0x1  }
0x418: {  	v0 =	vadd.f32 v1, v0;
	v1 =	vmul.f32 v55, v54;
	_ =	sdelay $0x1  }
0x419: {  	v0 =	vadd.f32 v1, v0;
	_ =	sdelay $0x1  }
0x41a: {  	[tilespmem:s28+$0x20] =	vst v0  }
0x41b: {  	v0 =	vld [tilespmem:s26+$0xE580]  }
0x41c: {  	v1 =	vld [tilespmem:s26+$0xE590]  }
0x41d: {  	v2 =	vld [tilespmem:s26+$0xA580]  }
0x41e: {  	v3 =	vld [tilespmem:s26+$0xA590]  }
0x41f: {  	v56 =	vld [tilespmem:s26+$0xA5A0]  }
0x420: {  	v57 =	vld [tilespmem:s26+$0xE5A0]  }
0x421: {  	v58 =	vld [tilespmem:s26+$0xA5B0]  }
0x422: {  	v59 =	vld [tilespmem:s26+$0xE5B0]  }
0x423: {  	v0 =	vmul.f32 v0, v2;
	v1 =	vmul.f32 v1, v3;
	_ =	sdelay $0x1  }
0x424: {  	v0 =	vadd.f32 v1, v0;
	v1 =	vmul.f32 v57, v56;
	_ =	sdelay $0x1  }
0x425: {  	v0 =	vadd.f32 v1, v0;
	v1 =	vmul.f32 v59, v58;
	_ =	sdelay $0x1  }
0x426: {  	v0 =	vadd.f32 v1, v0;
	_ =	sdelay $0x1  }
0x427: {  	[tilespmem:s28+$0x30] =	vst v0  }
0x428: {  	v0 =	vld [tilespmem:s26+$0xE600]  }
0x429: {  	v1 =	vld [tilespmem:s26+$0xE610]  }
0x42a: {  	v2 =	vld [tilespmem:s26+$0xA600]  }
0x42b: {  	v3 =	vld [tilespmem:s26+$0xA610]  }
0x42c: {  	v60 =	vld [tilespmem:s26+$0xA620]  }
0x42d: {  	v61 =	vld [tilespmem:s26+$0xE620]  }
0x42e: {  	v62 =	vld [tilespmem:s26+$0xA630]  }
0x42f: {  	v63 =	vld [tilespmem:s26+$0xE630]  }
0x430: {  	v0 =	vmul.f32 v0, v2;
	v1 =	vmul.f32 v1, v3;
	_ =	sdelay $0x1  }
0x431: {  	v0 =	vadd.f32 v1, v0;
	v1 =	vmul.f32 v61, v60;
	_ =	sdelay $0x1  }
0x432: {  	v0 =	vadd.f32 v1, v0;
	v1 =	vmul.f32 v63, v62;
	_ =	sdelay $0x1  }
0x433: {  	v0 =	vadd.f32 v1, v0;
	_ =	sdelay $0x1  }
0x434: {  	[tilespmem:s28+$0x40] =	vst v0  }
0x435: {  	v0 =	vld [tilespmem:s26+$0xE680]  }
0x436: {  	s1 =	simm.s32 $0x2000;
	s0 =	simm.s32 $0x1A080;
	v1 =	vld [tilespmem:s26+$0xE690]  }
.LBB2_8:
0x437: {  	p0 =	sne.s32 s1, $0xE000  }
0x438: {  	v2 =	vld [tilespmem:s26+$0xA680];
	s28 =	sadd.s32 $0x100, s28;
	s11 =	smov.u32 s1;
	s1 =	sadd.s32 $0x2000, s1  }
0x439: {  	v3 =	vld [tilespmem:s26+$0xA690]  }
0x43a: {  	v4 =	vld [tilespmem:s26+$0xA6A0]  }
0x43b: {  	v5 =	vld [tilespmem:s26+$0xE6A0]  }
0x43c: {  	v6 =	vld [tilespmem:s26+$0xA6B0]  }
0x43d: {  	v0 =	vmul.f32 v0, v2;
	v2 =	vld [tilespmem:s26+$0xE6B0]  }
0x43e: {  	v1 =	vmul.f32 v1, v3;
	_ =	sdelay $0x1  }
0x43f: {  	v0 =	vadd.f32 v1, v0;
	v1 =	vmul.f32 v5, v4;
	_ =	sdelay $0x1  }
0x440: {  	v0 =	vadd.f32 v1, v0;
	v1 =	vmul.f32 v2, v6;
	_ =	sdelay $0x1  }
0x441: {  	v0 =	vadd.f32 v1, v0;
	_ =	sdelay $0x1  }
0x442: {  	[tilespmem:s0+$0x50] =	vst v0  }
0x443: {  	v0 =	vld [tilespmem:s26+$0xE700]  }
0x444: {  	v1 =	vld [tilespmem:s26+$0xA700]  }
0x445: {  	v2 =	vld [tilespmem:s26+$0xE710]  }
0x446: {  	v3 =	vld [tilespmem:s26+$0xA710]  }
0x447: {  	v4 =	vld [tilespmem:s26+$0xA720]  }
0x448: {  	v5 =	vld [tilespmem:s26+$0xE720]  }
0x449: {  	v0 =	vmul.f32 v0, v1;
	v1 =	vld [tilespmem:s26+$0xA730]  }
0x44a: {  	v6 =	vld [tilespmem:s26+$0xE730]  }
0x44b: {  	v2 =	vmul.f32 v2, v3;
	_ =	sdelay $0x1  }
0x44c: {  	v0 =	vadd.f32 v2, v0;
	v2 =	vmul.f32 v5, v4;
	_ =	sdelay $0x1  }
0x44d: {  	v0 =	vadd.f32 v2, v0;
	v1 =	vmul.f32 v6, v1;
	_ =	sdelay $0x1  }
0x44e: {  	v0 =	vadd.f32 v1, v0;
	_ =	sdelay $0x1  }
0x44f: {  	[tilespmem:s0+$0x60] =	vst v0  }
0x450: {  	v0 =	vld [tilespmem:s26+$0xA7A0]  }
0x451: {  	v1 =	vld [tilespmem:s26+$0xA780]  }
0x452: {  	v2 =	vld [tilespmem:s26+$0xE7A0]  }
0x453: {  	v3 =	vld [tilespmem:s26+$0xE790]  }
0x454: {  	v4 =	vld [tilespmem:s26+$0xE780]  }
0x455: {  	v5 =	vld [tilespmem:s26+$0xA790]  }
0x456: {  	v6 =	vld [tilespmem:s26+$0xA7B0]  }
0x457: {  	v7 =	vld [tilespmem:s26+$0xE7B0];
	_ =	sdelay $0x1  }
0x458: {  	v0 =	vmul.f32 v2, v0;
	v1 =	vmul.f32 v4, v1  }
0x459: {  	v2 =	vmul.f32 v3, v5;
	_ =	sdelay $0x1  }
0x45a: {  	v1 =	vadd.f32 v2, v1;
	v2 =	vmul.f32 v7, v6;
	_ =	sdelay $0x1  }
0x45b: {  	v0 =	vadd.f32 v0, v1;
	_ =	sdelay $0x1  }
0x45c: {  	v0 =	vadd.f32 v2, v0;
	_ =	sdelay $0x1  }
0x45d: {  	s26 =	sshra.s32 s11, $0x2;
	[tilespmem:s0+$0x70] =	vst v0;
	s0 =	smov.u32 s28  }
0x45e: {  	v0 =	vld [tilespmem:s26+$0xE010]  }
0x45f: {  	v1 =	vld [tilespmem:s26+$0xA000]  }
0x460: {  	v2 =	vld [tilespmem:s26+$0xA010]  }
0x461: {  	v3 =	vld [tilespmem:s26+$0xE000]  }
0x462: {  	v4 =	vld [tilespmem:s26+$0xE020]  }
0x463: {  	v5 =	vld [tilespmem:s26+$0xA020]  }
0x464: {  	v6 =	vld [tilespmem:s26+$0xE030]  }
0x465: {  	v0 =	vmul.f32 v0, v2;
	v2 =	vld [tilespmem:s26+$0xA030]  }
0x466: {  	v1 =	vmul.f32 v3, v1;
	_ =	sdelay $0x1  }
0x467: {  	v0 =	vadd.f32 v0, v1;
	v1 =	vmul.f32 v4, v5;
	_ =	sdelay $0x1  }
0x468: {  	v0 =	vadd.f32 v1, v0;
	v1 =	vmul.f32 v6, v2;
	_ =	sdelay $0x1  }
0x469: {  	v0 =	vadd.f32 v1, v0;
	_ =	sdelay $0x1  }
0x46a: {  	[tilespmem:s28+$0xFFFFFF80] =	vst v0  }
0x46b: {  	v0 =	vld [tilespmem:s26+$0xA080]  }
0x46c: {  	v1 =	vld [tilespmem:s26+$0xE080]  }
0x46d: {  	v2 =	vld [tilespmem:s26+$0xA090]  }
0x46e: {  	v3 =	vld [tilespmem:s26+$0xE090]  }
0x46f: {  	v4 =	vld [tilespmem:s26+$0xE0A0]  }
0x470: {  	v5 =	vld [tilespmem:s26+$0xA0A0]  }
0x471: {  	v0 =	vmul.f32 v1, v0;
	v1 =	vld [tilespmem:s26+$0xE0B0]  }
0x472: {  	v6 =	vld [tilespmem:s26+$0xA0B0]  }
0x473: {  	v2 =	vmul.f32 v3, v2;
	_ =	sdelay $0x1  }
0x474: {  	v0 =	vadd.f32 v2, v0;
	v2 =	vmul.f32 v4, v5;
	_ =	sdelay $0x1  }
0x475: {  	v0 =	vadd.f32 v2, v0;
	v1 =	vmul.f32 v1, v6;
	_ =	sdelay $0x1  }
0x476: {  	v0 =	vadd.f32 v1, v0;
	_ =	sdelay $0x1  }
0x477: {  	[tilespmem:s28+$0xFFFFFF90] =	vst v0  }
0x478: {  	v0 =	vld [tilespmem:s26+$0xE110]  }
0x479: {  	v1 =	vld [tilespmem:s26+$0xA100]  }
0x47a: {  	v2 =	vld [tilespmem:s26+$0xE100]  }
0x47b: {  	v3 =	vld [tilespmem:s26+$0xA110]  }
0x47c: {  	v4 =	vld [tilespmem:s26+$0xE120]  }
0x47d: {  	v5 =	vld [tilespmem:s26+$0xA120]  }
0x47e: {  	v6 =	vld [tilespmem:s26+$0xE130]  }
0x47f: {  	v1 =	vmul.f32 v2, v1;
	v2 =	vld [tilespmem:s26+$0xA130]  }
0x480: {  	v0 =	vmul.f32 v0, v3;
	_ =	sdelay $0x1  }
0x481: {  	v0 =	vadd.f32 v0, v1;
	v1 =	vmul.f32 v4, v5;
	_ =	sdelay $0x1  }
0x482: {  	v0 =	vadd.f32 v1, v0;
	v1 =	vmul.f32 v6, v2;
	_ =	sdelay $0x1  }
0x483: {  	v0 =	vadd.f32 v1, v0;
	_ =	sdelay $0x1  }
0x484: {  	[tilespmem:s28+$0xFFFFFFA0] =	vst v0  }
0x485: {  	v0 =	vld [tilespmem:s26+$0xE190]  }
0x486: {  	v1 =	vld [tilespmem:s26+$0xA180]  }
0x487: {  	v2 =	vld [tilespmem:s26+$0xE180]  }
0x488: {  	v3 =	vld [tilespmem:s26+$0xA190]  }
0x489: {  	v4 =	vld [tilespmem:s26+$0xA1A0]  }
0x48a: {  	v5 =	vld [tilespmem:s26+$0xE1A0]  }
0x48b: {  	v6 =	vld [tilespmem:s26+$0xE1B0]  }
0x48c: {  	v1 =	vmul.f32 v2, v1;
	v2 =	vld [tilespmem:s26+$0xA1B0]  }
0x48d: {  	v0 =	vmul.f32 v0, v3;
	_ =	sdelay $0x1  }
0x48e: {  	v0 =	vadd.f32 v0, v1;
	v1 =	vmul.f32 v5, v4;
	_ =	sdelay $0x1  }
0x48f: {  	v0 =	vadd.f32 v1, v0;
	v1 =	vmul.f32 v6, v2;
	_ =	sdelay $0x1  }
0x490: {  	v0 =	vadd.f32 v1, v0;
	_ =	sdelay $0x1  }
0x491: {  	[tilespmem:s28+$0xFFFFFFB0] =	vst v0  }
0x492: {  	v0 =	vld [tilespmem:s26+$0xE200]  }
0x493: {  	v1 =	vld [tilespmem:s26+$0xE210]  }
0x494: {  	v2 =	vld [tilespmem:s26+$0xA200]  }
0x495: {  	v3 =	vld [tilespmem:s26+$0xA210]  }
0x496: {  	v4 =	vld [tilespmem:s26+$0xA220]  }
0x497: {  	v5 =	vld [tilespmem:s26+$0xE220]  }
0x498: {  	v6 =	vld [tilespmem:s26+$0xE230]  }
0x499: {  	v0 =	vmul.f32 v0, v2;
	v2 =	vld [tilespmem:s26+$0xA230]  }
0x49a: {  	v1 =	vmul.f32 v1, v3;
	_ =	sdelay $0x1  }
0x49b: {  	v0 =	vadd.f32 v1, v0;
	v1 =	vmul.f32 v5, v4;
	_ =	sdelay $0x1  }
0x49c: {  	v0 =	vadd.f32 v1, v0;
	v1 =	vmul.f32 v6, v2;
	_ =	sdelay $0x1  }
0x49d: {  	v0 =	vadd.f32 v1, v0;
	_ =	sdelay $0x1  }
0x49e: {  	[tilespmem:s28+$0xFFFFFFC0] =	vst v0  }
0x49f: {  	v0 =	vld [tilespmem:s26+$0xE280]  }
0x4a0: {  	v1 =	vld [tilespmem:s26+$0xE290]  }
0x4a1: {  	v2 =	vld [tilespmem:s26+$0xA280]  }
0x4a2: {  	v3 =	vld [tilespmem:s26+$0xA290]  }
0x4a3: {  	v4 =	vld [tilespmem:s26+$0xA2A0]  }
0x4a4: {  	v5 =	vld [tilespmem:s26+$0xE2A0]  }
0x4a5: {  	v6 =	vld [tilespmem:s26+$0xE2B0]  }
0x4a6: {  	v0 =	vmul.f32 v0, v2;
	v2 =	vld [tilespmem:s26+$0xA2B0]  }
0x4a7: {  	v1 =	vmul.f32 v1, v3;
	_ =	sdelay $0x1  }
0x4a8: {  	v0 =	vadd.f32 v1, v0;
	v1 =	vmul.f32 v5, v4;
	_ =	sdelay $0x1  }
0x4a9: {  	v0 =	vadd.f32 v1, v0;
	v1 =	vmul.f32 v6, v2;
	_ =	sdelay $0x1  }
0x4aa: {  	v0 =	vadd.f32 v1, v0;
	_ =	sdelay $0x1  }
0x4ab: {  	[tilespmem:s28+$0xFFFFFFD0] =	vst v0  }
0x4ac: {  	v0 =	vld [tilespmem:s26+$0xE300]  }
0x4ad: {  	v1 =	vld [tilespmem:s26+$0xE310]  }
0x4ae: {  	v2 =	vld [tilespmem:s26+$0xA310]  }
0x4af: {  	v3 =	vld [tilespmem:s26+$0xA300]  }
0x4b0: {  	v4 =	vld [tilespmem:s26+$0xA320]  }
0x4b1: {  	v5 =	vld [tilespmem:s26+$0xE320]  }
0x4b2: {  	v6 =	vld [tilespmem:s26+$0xE330]  }
0x4b3: {  	v1 =	vmul.f32 v1, v2;
	v2 =	vld [tilespmem:s26+$0xA330]  }
0x4b4: {  	v0 =	vmul.f32 v0, v3;
	_ =	sdelay $0x1  }
0x4b5: {  	v0 =	vadd.f32 v1, v0;
	v1 =	vmul.f32 v5, v4;
	_ =	sdelay $0x1  }
0x4b6: {  	v0 =	vadd.f32 v1, v0;
	v1 =	vmul.f32 v6, v2;
	_ =	sdelay $0x1  }
0x4b7: {  	v0 =	vadd.f32 v1, v0;
	_ =	sdelay $0x1  }
0x4b8: {  	[tilespmem:s28+$0xFFFFFFE0] =	vst v0  }
0x4b9: {  	v0 =	vld [tilespmem:s26+$0xA380]  }
0x4ba: {  	v1 =	vld [tilespmem:s26+$0xE380]  }
0x4bb: {  	v2 =	vld [tilespmem:s26+$0xE390]  }
0x4bc: {  	v3 =	vld [tilespmem:s26+$0xA390]  }
0x4bd: {  	v4 =	vld [tilespmem:s26+$0xA3A0]  }
0x4be: {  	v5 =	vld [tilespmem:s26+$0xE3A0]  }
0x4bf: {  	v0 =	vmul.f32 v1, v0;
	v1 =	vld [tilespmem:s26+$0xE3B0]  }
0x4c0: {  	v6 =	vld [tilespmem:s26+$0xA3B0]  }
0x4c1: {  	v2 =	vmul.f32 v2, v3;
	_ =	sdelay $0x1  }
0x4c2: {  	v0 =	vadd.f32 v2, v0;
	v2 =	vmul.f32 v5, v4;
	_ =	sdelay $0x1  }
0x4c3: {  	v0 =	vadd.f32 v2, v0;
	v1 =	vmul.f32 v1, v6;
	_ =	sdelay $0x1  }
0x4c4: {  	v0 =	vadd.f32 v1, v0;
	_ =	sdelay $0x1  }
0x4c5: {  	[tilespmem:s28+$0xFFFFFFF0] =	vst v0  }
0x4c6: {  	v0 =	vld [tilespmem:s26+$0xE400]  }
0x4c7: {  	v1 =	vld [tilespmem:s26+$0xE410]  }
0x4c8: {  	v2 =	vld [tilespmem:s26+$0xA400]  }
0x4c9: {  	v3 =	vld [tilespmem:s26+$0xA410]  }
0x4ca: {  	v4 =	vld [tilespmem:s26+$0xA420]  }
0x4cb: {  	v5 =	vld [tilespmem:s26+$0xE420]  }
0x4cc: {  	v6 =	vld [tilespmem:s26+$0xA430]  }
0x4cd: {  	v0 =	vmul.f32 v0, v2;
	v2 =	vld [tilespmem:s26+$0xE430]  }
0x4ce: {  	v1 =	vmul.f32 v1, v3;
	_ =	sdelay $0x1  }
0x4cf: {  	v0 =	vadd.f32 v1, v0;
	v1 =	vmul.f32 v5, v4;
	_ =	sdelay $0x1  }
0x4d0: {  	v0 =	vadd.f32 v1, v0;
	v1 =	vmul.f32 v2, v6;
	_ =	sdelay $0x1  }
0x4d1: {  	v0 =	vadd.f32 v1, v0;
	_ =	sdelay $0x1  }
0x4d2: {  	[tilespmem:s28+$0x0] =	vst v0  }
0x4d3: {  	v0 =	vld [tilespmem:s26+$0xE480]  }
0x4d4: {  	v1 =	vld [tilespmem:s26+$0xE490]  }
0x4d5: {  	v2 =	vld [tilespmem:s26+$0xA490]  }
0x4d6: {  	v3 =	vld [tilespmem:s26+$0xA480]  }
0x4d7: {  	v4 =	vld [tilespmem:s26+$0xA4A0]  }
0x4d8: {  	v5 =	vld [tilespmem:s26+$0xE4A0]  }
0x4d9: {  	v6 =	vld [tilespmem:s26+$0xA4B0]  }
0x4da: {  	v1 =	vmul.f32 v1, v2;
	v2 =	vld [tilespmem:s26+$0xE4B0]  }
0x4db: {  	v0 =	vmul.f32 v0, v3;
	_ =	sdelay $0x1  }
0x4dc: {  	v0 =	vadd.f32 v1, v0;
	v1 =	vmul.f32 v5, v4;
	_ =	sdelay $0x1  }
0x4dd: {  	v0 =	vadd.f32 v1, v0;
	v1 =	vmul.f32 v2, v6;
	_ =	sdelay $0x1  }
0x4de: {  	v0 =	vadd.f32 v1, v0;
	_ =	sdelay $0x1  }
0x4df: {  	[tilespmem:s28+$0x10] =	vst v0  }
0x4e0: {  	v0 =	vld [tilespmem:s26+$0xE510]  }
0x4e1: {  	v1 =	vld [tilespmem:s26+$0xE500]  }
0x4e2: {  	v2 =	vld [tilespmem:s26+$0xA500]  }
0x4e3: {  	v3 =	vld [tilespmem:s26+$0xA510]  }
0x4e4: {  	v4 =	vld [tilespmem:s26+$0xA520]  }
0x4e5: {  	v5 =	vld [tilespmem:s26+$0xE520]  }
0x4e6: {  	v6 =	vld [tilespmem:s26+$0xA530]  }
0x4e7: {  	v1 =	vmul.f32 v1, v2;
	v2 =	vld [tilespmem:s26+$0xE530]  }
0x4e8: {  	v0 =	vmul.f32 v0, v3;
	_ =	sdelay $0x1  }
0x4e9: {  	v0 =	vadd.f32 v0, v1;
	v1 =	vmul.f32 v5, v4;
	_ =	sdelay $0x1  }
0x4ea: {  	v0 =	vadd.f32 v1, v0;
	v1 =	vmul.f32 v2, v6;
	_ =	sdelay $0x1  }
0x4eb: {  	v0 =	vadd.f32 v1, v0;
	_ =	sdelay $0x1  }
0x4ec: {  	[tilespmem:s28+$0x20] =	vst v0  }
0x4ed: {  	v0 =	vld [tilespmem:s26+$0xE580]  }
0x4ee: {  	v1 =	vld [tilespmem:s26+$0xE590]  }
0x4ef: {  	v2 =	vld [tilespmem:s26+$0xA580]  }
0x4f0: {  	v3 =	vld [tilespmem:s26+$0xA590]  }
0x4f1: {  	v4 =	vld [tilespmem:s26+$0xA5A0]  }
0x4f2: {  	v5 =	vld [tilespmem:s26+$0xE5A0]  }
0x4f3: {  	v6 =	vld [tilespmem:s26+$0xA5B0]  }
0x4f4: {  	v0 =	vmul.f32 v0, v2;
	v2 =	vld [tilespmem:s26+$0xE5B0]  }
0x4f5: {  	v1 =	vmul.f32 v1, v3;
	_ =	sdelay $0x1  }
0x4f6: {  	v0 =	vadd.f32 v1, v0;
	v1 =	vmul.f32 v5, v4;
	_ =	sdelay $0x1  }
0x4f7: {  	v0 =	vadd.f32 v1, v0;
	v1 =	vmul.f32 v2, v6;
	_ =	sdelay $0x1  }
0x4f8: {  	v0 =	vadd.f32 v1, v0;
	_ =	sdelay $0x1  }
0x4f9: {  	[tilespmem:s28+$0x30] =	vst v0  }
0x4fa: {  	v0 =	vld [tilespmem:s26+$0xE600]  }
0x4fb: {  	v1 =	vld [tilespmem:s26+$0xE610]  }
0x4fc: {  	v2 =	vld [tilespmem:s26+$0xA600]  }
0x4fd: {  	v3 =	vld [tilespmem:s26+$0xA610]  }
0x4fe: {  	v4 =	vld [tilespmem:s26+$0xA620]  }
0x4ff: {  	v5 =	vld [tilespmem:s26+$0xE620]  }
0x500: {  	v6 =	vld [tilespmem:s26+$0xA630]  }
0x501: {  	v0 =	vmul.f32 v0, v2;
	v2 =	vld [tilespmem:s26+$0xE630]  }
0x502: {  	v1 =	vmul.f32 v1, v3;
	_ =	sdelay $0x1  }
0x503: {  	v0 =	vadd.f32 v1, v0;
	v1 =	vmul.f32 v5, v4;
	_ =	sdelay $0x1  }
0x504: {  	v0 =	vadd.f32 v1, v0;
	v1 =	vmul.f32 v2, v6;
	_ =	sdelay $0x1  }
.Ltmp3:
0x505: {  	v0 =	vadd.f32 v1, v0;
	(pc) =	sbr.rel @p0 .LBB2_8-.Ltmp3, $4  }
0x506: {  	_ = 	snop  }
0x507: {  	[tilespmem:s28+$0x40] =	vst v0  }
0x508: {  	v0 =	vld [tilespmem:s26+$0xE680]  }
0x509: {  	v1 =	vld [tilespmem:s26+$0xE690]  }
0x50a: {  	v2 =	vld [tilespmem:s26+$0xA680]  }
0x50b: {  	v3 =	vld [tilespmem:s26+$0xA690]  }
0x50c: {  	v4 =	vld [tilespmem:s26+$0xA6A0]  }
0x50d: {  	v5 =	vld [tilespmem:s26+$0xE6A0]  }
0x50e: {  	v6 =	vld [tilespmem:s26+$0xA6B0]  }
0x50f: {  	v7 =	vld [tilespmem:s26+$0xE6B0]  }
0x510: {  	v0 =	vmul.f32 v0, v2;
	v1 =	vmul.f32 v1, v3;
	_ =	sdelay $0x1  }
0x511: {  	v43 =	vmul.f32 v5, v4;
	v0 =	vadd.f32 v1, v0;
	_ =	sdelay $0x1  }
0x512: {  	v44 =	vmul.f32 v7, v6;
	v0 =	vadd.f32 v43, v0;
	_ =	sdelay $0x1  }
0x513: {  	v0 =	vadd.f32 v44, v0;
	_ =	sdelay $0x1  }
0x514: {  	[tilespmem:s0+$0x50] =	vst v0  }
0x515: {  	v0 =	vld [tilespmem:s26+$0xE700]  }
0x516: {  	v45 =	vld [tilespmem:s26+$0xA700]  }
0x517: {  	v46 =	vld [tilespmem:s26+$0xE710]  }
0x518: {  	v47 =	vld [tilespmem:s26+$0xA710]  }
0x519: {  	v48 =	vld [tilespmem:s26+$0xA720]  }
0x51a: {  	v49 =	vld [tilespmem:s26+$0xE720]  }
0x51b: {  	v50 =	vld [tilespmem:s26+$0xA730]  }
0x51c: {  	v51 =	vld [tilespmem:s26+$0xE730]  }
0x51d: {  	v0 =	vmul.f32 v0, v45;
	v52 =	vmul.f32 v46, v47;
	_ =	sdelay $0x1  }
0x51e: {  	v53 =	vmul.f32 v49, v48;
	v0 =	vadd.f32 v52, v0;
	_ =	sdelay $0x1  }
0x51f: {  	v54 =	vmul.f32 v51, v50;
	v0 =	vadd.f32 v53, v0;
	_ =	sdelay $0x1  }
0x520: {  	v0 =	vadd.f32 v54, v0;
	_ =	sdelay $0x1  }
0x521: {  	[tilespmem:s0+$0x60] =	vst v0  }
0x522: {  	v0 =	vld [tilespmem:s26+$0xA780]  }
0x523: {  	v55 =	vld [tilespmem:s26+$0xE790]  }
0x524: {  	v56 =	vld [tilespmem:s26+$0xE780]  }
0x525: {  	v57 =	vld [tilespmem:s26+$0xA790]  }
0x526: {  	v58 =	vld [tilespmem:s26+$0xA7A0]  }
0x527: {  	v59 =	vld [tilespmem:s26+$0xE7A0]  }
0x528: {  	v60 =	vld [tilespmem:s26+$0xA7B0]  }
0x529: {  	v61 =	vld [tilespmem:s26+$0xE7B0]  }
0x52a: {  	v0 =	vmul.f32 v56, v0;
	v1 =	vmul.f32 v55, v57;
	_ =	sdelay $0x1  }
0x52b: {  	v62 =	vmul.f32 v59, v58;
	v0 =	vadd.f32 v1, v0;
	_ =	sdelay $0x1  }
0x52c: {  	v63 =	vmul.f32 v61, v60;
	v0 =	vadd.f32 v62, v0;
	_ =	sdelay $0x1  }
0x52d: {  	v0 =	vadd.f32 v63, v0;
	_ =	sdelay $0x1  }
0x52e: {  	s25 =	sadd.s32 $0x1, s25;
	[tilespmem:s0+$0x70] =	vst v0  }
0x52f: {  	[hbm4b:s8+s2] =	stream.linear.scatter [tilespmem:s19], [sflag:$0x5], $0x800, $0x38;
	[tilespmem:$0x1B000] =	vst v63  }
0x530: {  	p0 =	sne.s32 s25, s9;
	_ =	swait.ge [sflag:s24], $0x800  }
.Ltmp4:
0x531: {  	[sflag:s24] =	ssyncset.done $0x0;
	(pc) =	sbr.rel @p0 .LBB2_1-.Ltmp4, $4  }
0x532: {  	[sflag:s24] =	ssyncadd.s32 $0xFFFFF800  }
0x533: {  	_ =	swait.ge [sflag:s23], $0x800  }
0x534: {  	[sflag:s23] =	ssyncset.done $0x0  }
0x535: {  	[sflag:s23] =	ssyncadd.s32 $0xFFFFF800  }
0x536: {  	_ =	sfence.sel $0x180000  }
0x537: {  	[bflag:$0x0] =	sbarrier.arrive $0xFFFF  }
0x538: {  	_ =	strace $0x90000050  }
0x539: {  	s0 =	stileid.u32;
	[bflag:$0x2] =	sbarrier.arrive $0xFFFF  }
0x53a: {  	p0 =	sne.s32 s0, $0x0;
	s0 =	rddreg [dreg:$0x1]  }
0x53b: {  	s0 =	sadd.s32 @!p0 $0x100000, s0  }
0x53c: {  	[sflag:s0] =	ssyncadd.tile.s32 @!p0 $0x1;
	_ =	shalt  }
.Lfunc_end2:
_tile_overlayer_lowered:
.L_overlay_start_2:
0x53d: {  	(tag) =	ssettag $0x2  }
0x53e: {  	s0 =	rddreg [dreg:$0x0];
	s2 =	stileid.u32  }
0x53f: {  	s1 =	rddreg [dreg:$0x1];
	p0 =	sne.s32 s2, $0x0  }
0x540: {  	s3 =	rddreg [dreg:$0x2];
	[bflag:$0x3] =	sbarrier.arrive $0xFFFF;
	s2 =	simm.s32 @!p0 $0x1C07  }
0x541: {  	[timem:s3], [sflag:s2] =	dma.local @!p0 [hbm:s0], s1  }
0x542: {  	s0 =	simm.s32 @!p0 $0x7  }
0x543: {  	_ =	swait.ge @!p0 [sflag:s0], s1  }
0x544: {  	s1 =	ssub.s32 @!p0 $0x0, s1;
	[sflag:s0] =	ssyncset.done @!p0 $0x0  }
0x545: {  	[sflag:s0] =	ssyncadd.s32 @!p0 s1  }
0x546: {  	[bflag:$0x3] =	sbarrier.arrive $0xFFFF  }
0x547: {  	_ =	shalt  }

</sc_bundles>
